<compile_context>
chip_gen: v7x
topology: tpu7x:2x2x1
jax: 0.10.2.dev20260603
libtpu: 0.0.44.dev20260713+nightly
codegen_flags: <defaults>
</compile_context>

<pallas_src>
import functools

import numpy as np
import jax
import jax.numpy as jnp
from jax import lax
from jax.experimental import pallas as pl
from jax.experimental.pallas import tpu as pltpu
from jax.experimental.pallas import tpu_sc as plsc

B = 16384
K = 50
NUM_ATOMS = 1000000

NW = 32
R = B // NW
NQ = 4
Q = R // NQ
EQ = Q * K


def _finish_body(h_ref, rns_ref, rowsum_ref, out_ref):
    s = jnp.sum(h_ref[:])
    novelty = jnp.sqrt(jnp.maximum(rns_ref[:], 0.0))
    out_ref[:] = rowsum_ref[:] * novelty / jnp.maximum(s, 1e-9)


def _tc_finish(h, rns, rowsum):
    out = pl.pallas_call(
        _finish_body,
        out_shape=jax.ShapeDtypeStruct((128, 128), jnp.float32),
    )(h.reshape(1000, 1000), rns.reshape(128, 128), rowsum.reshape(128, 128))
    return out.reshape(B)


_mesh = plsc.VectorSubcoreMesh(core_axis_name="c", subcore_axis_name="s")


@functools.partial(
    pl.kernel,
    mesh=_mesh,
    out_type=jax.ShapeDtypeStruct((B,), jnp.float32),
    compiler_params=pltpu.CompilerParams(needs_layout_passes=False),
    scratch_types=[
        pltpu.VMEM((EQ,), jnp.int32),
        pltpu.VMEM((EQ,), jnp.int32),
        pltpu.VMEM((EQ,), jnp.float32),
        pltpu.VMEM((EQ,), jnp.float32),
        pltpu.VMEM((EQ,), jnp.float32),
        pltpu.VMEM((EQ,), jnp.float32),
        pltpu.VMEM((R,), jnp.float32),
        pltpu.SemaphoreType.DMA,
        pltpu.SemaphoreType.DMA,
        pltpu.SemaphoreType.DMA,
        pltpu.SemaphoreType.DMA,
        pltpu.SemaphoreType.DMA,
        pltpu.SemaphoreType.DMA,
    ],
)
def _sc_gather_reduce(idx_hbm, vals_hbm, table_hbm, out_hbm,
                      idx_a, idx_b, vals_a, vals_b, hf_a, hf_b, out_v,
                      sem_i0, sem_i1, sem_v0, sem_v1, sem_g0, sem_g1):
    wid = lax.axis_index("s") * 2 + lax.axis_index("c")
    base_e = wid * R * K

    idx_bufs = [idx_a, idx_b]
    vals_bufs = [vals_a, vals_b]
    hf_bufs = [hf_a, hf_b]
    sem_i = [sem_i0, sem_i1]
    sem_v = [sem_v0, sem_v1]
    sem_g = [sem_g0, sem_g1]

    def copy_idx(q, p):
        return pltpu.async_copy(
            idx_hbm.at[pl.ds(base_e + q * EQ, EQ)], idx_bufs[p], sem_i[p])

    def copy_vals(q, p):
        return pltpu.async_copy(
            vals_hbm.at[pl.ds(base_e + q * EQ, EQ)], vals_bufs[p], sem_v[p])

    def fire_gather(p):
        return pltpu.async_copy(
            table_hbm.at[idx_bufs[p].at[:]], hf_bufs[p], sem_g[p])

    def compute_quarter(q, p):
        vf = vals_bufs[p]
        hf = hf_bufs[p]
        def g_body(g, _):
            acc = jnp.zeros((16,), jnp.float32)
            for k in range(K):
                off = k * Q + g * 16
                h16 = hf[pl.ds(off, 16)]
                v16 = vf[pl.ds(off, 16)]
                acc = acc + jnp.maximum(v16, 0.0) * h16
            out_v[pl.ds(q * Q + g * 16, 16)] = acc
            return 0
        lax.fori_loop(0, Q // 16, g_body, 0)

    cis = [None, None]
    cvs = [None, None]
    gathers = [None, None]
    cis[0] = copy_idx(0, 0)
    cvs[0] = copy_vals(0, 0)
    cis[0].wait()
    gathers[0] = fire_gather(0)
    cis[1] = copy_idx(1, 1)
    cvs[1] = copy_vals(1, 1)
    for q in range(NQ):
        p = q & 1
        if q + 1 < NQ:
            cis[p ^ 1].wait()
            gathers[p ^ 1] = fire_gather(p ^ 1)
        cvs[p].wait()
        gathers[p].wait()
        if q + 2 < NQ:
            cis[p] = copy_idx(q + 2, p)
        compute_quarter(q, p)
        if q + 2 < NQ:
            cvs[p] = copy_vals(q + 2, p)

    pltpu.sync_copy(out_v, out_hbm.at[pl.ds(wid * R, R)])


def _blocked_transpose(x):
    return x.reshape(NW * NQ, Q, K).transpose(0, 2, 1).reshape(B * K)


def kernel(residual_norm_sq, topk_idx, topk_vals, atom_hazard_prior):
    idx_t = _blocked_transpose(topk_idx.astype(jnp.int32))
    vals_t = _blocked_transpose(topk_vals)
    rowsum = _sc_gather_reduce(idx_t, vals_t, atom_hazard_prior)
    return _tc_finish(atom_hazard_prior, residual_norm_sq, rowsum)

# --- scband reference (transcript-rebuilt; emitter-appended) ---
"""Pipeline reference for scband-zero-shot-hazard-scorer-86732569575519 (READ-ONLY COPY).

The authoritative reference and input builder live on the scoring server;
editing this copy changes nothing except your own understanding.
"""

import jax, jax.numpy as jnp
import numpy as np

NUM_ATOMS = 1000000
B = 16384
K = 50

def setup_inputs(seed: int = 0) -> dict:
    key = jax.random.key(seed)
    k1, k2, k3 = jax.random.split(key, 3)
    residual_norm_sq = jax.random.uniform(k1, (B,), dtype=jnp.float32)
    topk_idx = jax.random.randint(k2, (B, K), 0, NUM_ATOMS, dtype=jnp.int64)
    topk_vals = jax.random.normal(k3, (B, K), dtype=jnp.float32)
    atom_hazard_prior = jnp.ones((NUM_ATOMS,), dtype=jnp.float32)
    return {
        'residual_norm_sq': residual_norm_sq,
        'topk_idx': topk_idx,
        'topk_vals': topk_vals,
        'atom_hazard_prior': atom_hazard_prior,
    }

def reference(residual_norm_sq, topk_idx, topk_vals, atom_hazard_prior):
    # novelty = sqrt(clamp_min(residual_norm_sq, 0))
    novelty = jnp.sqrt(jnp.maximum(residual_norm_sq, 0.0))
    h = atom_hazard_prior
    h_norm = h / jnp.maximum(h.sum(), 1e-09)
    # embedding-style gather from the hazard prior table
    h_topk = jnp.take(h_norm, topk_idx, axis=0)
    relu_vals = jnp.maximum(topk_vals, 0.0)
    return novelty * (relu_vals * h_topk).sum(axis=1)

if __name__ == "__main__":
    import jax
    _d = setup_inputs()
    print(jax.jit(kernel)(*tuple(_d.values())))

</pallas_src>

<mosaic_0001>
#map = affine_map<(d0, d1) -> (0)>
module attributes {stable_mosaic.version = 14 : i64} {
  func.func @_sc_gather_reduce(%arg0: i32, %arg1: i32, %arg2: memref<819200xi32, #tpu.memory_space<hbm>>, %arg3: memref<819200xf32, #tpu.memory_space<hbm>>, %arg4: memref<1000000xf32, #tpu.memory_space<hbm>>, %arg5: memref<16384xf32, #tpu.memory_space<hbm>>, %arg6: memref<6400xi32, #tpu.memory_space<vmem>>, %arg7: memref<6400xi32, #tpu.memory_space<vmem>>, %arg8: memref<6400xf32, #tpu.memory_space<vmem>>, %arg9: memref<6400xf32, #tpu.memory_space<vmem>>, %arg10: memref<6400xf32, #tpu.memory_space<vmem>>, %arg11: memref<6400xf32, #tpu.memory_space<vmem>>, %arg12: memref<512xf32, #tpu.memory_space<vmem>>, %arg13: memref<!tpu.dma_semaphore, #tpu.memory_space<semaphore_mem>>, %arg14: memref<!tpu.dma_semaphore, #tpu.memory_space<semaphore_mem>>, %arg15: memref<!tpu.dma_semaphore, #tpu.memory_space<semaphore_mem>>, %arg16: memref<!tpu.dma_semaphore, #tpu.memory_space<semaphore_mem>>, %arg17: memref<!tpu.dma_semaphore, #tpu.memory_space<semaphore_mem>>, %arg18: memref<!tpu.dma_semaphore, #tpu.memory_space<semaphore_mem>>) attributes {dimension_semantics = [#tpu.dimension_semantics<core_parallel>, #tpu.dimension_semantics<subcore_parallel>], iteration_bounds = array<i64: 2, 16>, scalar_prefetch = 0 : i64, scratch_operands = 13 : i64, tpu.core_type = #tpu.core_type<sc_vector_subcore>, window_params = [{transform_indices = #map}, {transform_indices = #map}, {transform_indices = #map}, {transform_indices = #map}]} {
    %mul3A = arith.constant 2 : i32
    %mul3A_0 = arith.muli %arg1, %mul3A : i32
    %add3A = arith.addi %mul3A_0, %arg0 : i32
    %mul3A_1 = arith.constant 512 : i32
    %mul3A_2 = arith.muli %add3A, %mul3A_1 : i32
    %mul3A_3 = arith.constant 50 : i32
    %mul3A_4 = arith.muli %mul3A_2, %mul3A_3 : i32
    %add3A_5 = arith.constant 0 : i32
    %add3A_6 = arith.addi %mul3A_4, %add3A_5 : i32
    %dma_start3A = tpu.memref_slice %arg2[%add3A_6] : memref<819200xi32, #tpu.memory_space<hbm>> -> memref<6400xi32, #tpu.memory_space<hbm>>
    %dma_start3A_7 = tpu.memref_slice %arg2[%add3A_6] : memref<819200xi32, #tpu.memory_space<hbm>> -> memref<6400xi32, #tpu.memory_space<hbm>>
    tpu.enqueue_dma source(%dma_start3A_7 : memref<6400xi32, #tpu.memory_space<hbm>>) target(%arg6 : memref<6400xi32, #tpu.memory_space<vmem>>) target_semaphore(%arg13 : memref<!tpu.dma_semaphore, #tpu.memory_space<semaphore_mem>>)
    %add3A_8 = arith.constant 0 : i32
    %add3A_9 = arith.addi %mul3A_4, %add3A_8 : i32
    %dma_start3A_10 = tpu.memref_slice %arg3[%add3A_9] : memref<819200xf32, #tpu.memory_space<hbm>> -> memref<6400xf32, #tpu.memory_space<hbm>>
    %dma_start3A_11 = tpu.memref_slice %arg3[%add3A_9] : memref<819200xf32, #tpu.memory_space<hbm>> -> memref<6400xf32, #tpu.memory_space<hbm>>
    tpu.enqueue_dma source(%dma_start3A_11 : memref<6400xf32, #tpu.memory_space<hbm>>) target(%arg8 : memref<6400xf32, #tpu.memory_space<vmem>>) target_semaphore(%arg15 : memref<!tpu.dma_semaphore, #tpu.memory_space<semaphore_mem>>)
    %dma_wait3A = tpu.memref_slice %arg2[%add3A_6] : memref<819200xi32, #tpu.memory_space<hbm>> -> memref<6400xi32, #tpu.memory_space<hbm>>
    %dma_wait3A_12 = tpu.memref_slice %arg2[%add3A_6] : memref<819200xi32, #tpu.memory_space<hbm>> -> memref<6400xi32, #tpu.memory_space<hbm>>
    tpu.wait_dma2 semaphore(%arg13 : memref<!tpu.dma_semaphore, #tpu.memory_space<semaphore_mem>>) src(%dma_wait3A_12 : memref<6400xi32, #tpu.memory_space<hbm>>) dst(%arg6 : memref<6400xi32, #tpu.memory_space<vmem>>)
    %dma_start3A_13 = arith.constant 0 : i32
    %dma_start3A_14 = tpu.memref_slice %arg6[%dma_start3A_13] : memref<6400xi32, #tpu.memory_space<vmem>> -> memref<6400xi32, #tpu.memory_space<vmem>>
    %dma_start3A_15 = arith.constant 0 : i32
    %dma_start3A_16 = tpu.memref_slice %arg4[%dma_start3A_15] : memref<1000000xf32, #tpu.memory_space<hbm>> -> memref<1000000xf32, #tpu.memory_space<hbm>>
    tpu.enqueue_indirect_dma source(%dma_start3A_16 : memref<1000000xf32, #tpu.memory_space<hbm>>) target(%arg10 : memref<6400xf32, #tpu.memory_space<vmem>>) offsets(%dma_start3A_14 : memref<6400xi32, #tpu.memory_space<vmem>>) semaphore(%arg17 : memref<!tpu.dma_semaphore, #tpu.memory_space<semaphore_mem>>)
    %add3A_17 = arith.constant 6400 : i32
    %add3A_18 = arith.addi %mul3A_4, %add3A_17 : i32
    %dma_start3A_19 = tpu.memref_slice %arg2[%add3A_18] : memref<819200xi32, #tpu.memory_space<hbm>> -> memref<6400xi32, #tpu.memory_space<hbm>>
    %dma_start3A_20 = tpu.memref_slice %arg2[%add3A_18] : memref<819200xi32, #tpu.memory_space<hbm>> -> memref<6400xi32, #tpu.memory_space<hbm>>
    tpu.enqueue_dma source(%dma_start3A_20 : memref<6400xi32, #tpu.memory_space<hbm>>) target(%arg7 : memref<6400xi32, #tpu.memory_space<vmem>>) target_semaphore(%arg14 : memref<!tpu.dma_semaphore, #tpu.memory_space<semaphore_mem>>)
    %add3A_21 = arith.constant 6400 : i32
    %add3A_22 = arith.addi %mul3A_4, %add3A_21 : i32
    %dma_start3A_23 = tpu.memref_slice %arg3[%add3A_22] : memref<819200xf32, #tpu.memory_space<hbm>> -> memref<6400xf32, #tpu.memory_space<hbm>>
    %dma_start3A_24 = tpu.memref_slice %arg3[%add3A_22] : memref<819200xf32, #tpu.memory_space<hbm>> -> memref<6400xf32, #tpu.memory_space<hbm>>
    tpu.enqueue_dma source(%dma_start3A_24 : memref<6400xf32, #tpu.memory_space<hbm>>) target(%arg9 : memref<6400xf32, #tpu.memory_space<vmem>>) target_semaphore(%arg16 : memref<!tpu.dma_semaphore, #tpu.memory_space<semaphore_mem>>)
    %dma_wait3A_25 = tpu.memref_slice %arg2[%add3A_18] : memref<819200xi32, #tpu.memory_space<hbm>> -> memref<6400xi32, #tpu.memory_space<hbm>>
    %dma_wait3A_26 = tpu.memref_slice %arg2[%add3A_18] : memref<819200xi32, #tpu.memory_space<hbm>> -> memref<6400xi32, #tpu.memory_space<hbm>>
    tpu.wait_dma2 semaphore(%arg14 : memref<!tpu.dma_semaphore, #tpu.memory_space<semaphore_mem>>) src(%dma_wait3A_26 : memref<6400xi32, #tpu.memory_space<hbm>>) dst(%arg7 : memref<6400xi32, #tpu.memory_space<vmem>>)
    %dma_start3A_27 = arith.constant 0 : i32
    %dma_start3A_28 = tpu.memref_slice %arg7[%dma_start3A_27] : memref<6400xi32, #tpu.memory_space<vmem>> -> memref<6400xi32, #tpu.memory_space<vmem>>
    %dma_start3A_29 = arith.constant 0 : i32
    %dma_start3A_30 = tpu.memref_slice %arg4[%dma_start3A_29] : memref<1000000xf32, #tpu.memory_space<hbm>> -> memref<1000000xf32, #tpu.memory_space<hbm>>
    tpu.enqueue_indirect_dma source(%dma_start3A_30 : memref<1000000xf32, #tpu.memory_space<hbm>>) target(%arg11 : memref<6400xf32, #tpu.memory_space<vmem>>) offsets(%dma_start3A_28 : memref<6400xi32, #tpu.memory_space<vmem>>) semaphore(%arg18 : memref<!tpu.dma_semaphore, #tpu.memory_space<semaphore_mem>>)
    %dma_wait3A_31 = tpu.memref_slice %arg3[%add3A_9] : memref<819200xf32, #tpu.memory_space<hbm>> -> memref<6400xf32, #tpu.memory_space<hbm>>
    %dma_wait3A_32 = tpu.memref_slice %arg3[%add3A_9] : memref<819200xf32, #tpu.memory_space<hbm>> -> memref<6400xf32, #tpu.memory_space<hbm>>
    tpu.wait_dma2 semaphore(%arg15 : memref<!tpu.dma_semaphore, #tpu.memory_space<semaphore_mem>>) src(%dma_wait3A_32 : memref<6400xf32, #tpu.memory_space<hbm>>) dst(%arg8 : memref<6400xf32, #tpu.memory_space<vmem>>)
    %dma_wait3A_33 = arith.constant 0 : i32
    %dma_wait3A_34 = tpu.memref_slice %arg6[%dma_wait3A_33] : memref<6400xi32, #tpu.memory_space<vmem>> -> memref<6400xi32, #tpu.memory_space<vmem>>
    %dma_wait3A_35 = arith.constant 0 : i32
    %dma_wait3A_36 = tpu.memref_slice %arg4[%dma_wait3A_35] : memref<1000000xf32, #tpu.memory_space<hbm>> -> memref<1000000xf32, #tpu.memory_space<hbm>>
    tpu.wait_indirect_dma semaphore(%arg17 : memref<!tpu.dma_semaphore, #tpu.memory_space<semaphore_mem>>) src(%dma_wait3A_36 : memref<1000000xf32, #tpu.memory_space<hbm>>) dst(%arg10 : memref<6400xf32, #tpu.memory_space<vmem>>)
    %add3A_37 = arith.constant 12800 : i32
    %add3A_38 = arith.addi %mul3A_4, %add3A_37 : i32
    %dma_start3A_39 = tpu.memref_slice %arg2[%add3A_38] : memref<819200xi32, #tpu.memory_space<hbm>> -> memref<6400xi32, #tpu.memory_space<hbm>>
    %dma_start3A_40 = tpu.memref_slice %arg2[%add3A_38] : memref<819200xi32, #tpu.memory_space<hbm>> -> memref<6400xi32, #tpu.memory_space<hbm>>
    tpu.enqueue_dma source(%dma_start3A_40 : memref<6400xi32, #tpu.memory_space<hbm>>) target(%arg6 : memref<6400xi32, #tpu.memory_space<vmem>>) target_semaphore(%arg13 : memref<!tpu.dma_semaphore, #tpu.memory_space<semaphore_mem>>)
    %scan3A = arith.constant 0 : i32
    %scan3A_41 = arith.constant 0 : i32
    %scan3A_42 = arith.constant 8 : i32
    %scan3A_43 = arith.addi %scan3A_41, %scan3A_42 : i32
    %scan3A_44 = arith.constant 1 : i32
    %scan3A_45 = scf.for %scan3A_112 = %scan3A_41 to %scan3A_43 step %scan3A_44 iter_args(%scan3A_113 = %scan3A) -> (i32)  : i32 {
      %broadcast_in_dim3A = arith.constant 0.000000e+00 : f32
      %broadcast_in_dim3A_114 = vector.broadcast %broadcast_in_dim3A : f32 to vector<16xf32>
      %mul3A_115 = arith.constant 16 : i32
      %mul3A_116 = arith.muli %scan3A_112, %mul3A_115 : i32
      %add3A_117 = arith.constant 0 : i32
      %add3A_118 = arith.addi %add3A_117, %mul3A_116 : i32
      %get3A = arith.index_cast %add3A_118 : i32 to index
      %get3A_119 = tpu.vector_load %arg10[%get3A] {strides = array<i32>} : memref<6400xf32, #tpu.memory_space<vmem>>, vector<16xf32>,
      %get3A_120 = arith.index_cast %add3A_118 : i32 to index
      %get3A_121 = tpu.vector_load %arg8[%get3A_120] {strides = array<i32>} : memref<6400xf32, #tpu.memory_space<vmem>>, vector<16xf32>,
      %max3A = arith.constant 0.000000e+00 : f32
      %max3A_122 = vector.broadcast %max3A : f32 to vector<16xf32>
      %max3A_123 = arith.maximumf %get3A_121, %max3A_122 : vector<16xf32>
      %mul3A_124 = arith.mulf %max3A_123, %get3A_119 : vector<16xf32>
      %add3A_125 = arith.addf %broadcast_in_dim3A_114, %mul3A_124 : vector<16xf32>
      %mul3A_126 = arith.constant 16 : i32
      %mul3A_127 = arith.muli %scan3A_112, %mul3A_126 : i32
      %add3A_128 = arith.constant 128 : i32
      %add3A_129 = arith.addi %add3A_128, %mul3A_127 : i32
      %get3A_130 = arith.index_cast %add3A_129 : i32 to index
      %get3A_131 = tpu.vector_load %arg10[%get3A_130] {strides = array<i32>} : memref<6400xf32, #tpu.memory_space<vmem>>, vector<16xf32>,
      %get3A_132 = arith.index_cast %add3A_129 : i32 to index
      %get3A_133 = tpu.vector_load %arg8[%get3A_132] {strides = array<i32>} : memref<6400xf32, #tpu.memory_space<vmem>>, vector<16xf32>,
      %max3A_134 = arith.constant 0.000000e+00 : f32
      %max3A_135 = vector.broadcast %max3A_134 : f32 to vector<16xf32>
      %max3A_136 = arith.maximumf %get3A_133, %max3A_135 : vector<16xf32>
      %mul3A_137 = arith.mulf %max3A_136, %get3A_131 : vector<16xf32>
      %add3A_138 = arith.addf %add3A_125, %mul3A_137 : vector<16xf32>
      %mul3A_139 = arith.constant 16 : i32
      %mul3A_140 = arith.muli %scan3A_112, %mul3A_139 : i32
      %add3A_141 = arith.constant 256 : i32
      %add3A_142 = arith.addi %add3A_141, %mul3A_140 : i32
      %get3A_143 = arith.index_cast %add3A_142 : i32 to index
      %get3A_144 = tpu.vector_load %arg10[%get3A_143] {strides = array<i32>} : memref<6400xf32, #tpu.memory_space<vmem>>, vector<16xf32>,
      %get3A_145 = arith.index_cast %add3A_142 : i32 to index
      %get3A_146 = tpu.vector_load %arg8[%get3A_145] {strides = array<i32>} : memref<6400xf32, #tpu.memory_space<vmem>>, vector<16xf32>,
      %max3A_147 = arith.constant 0.000000e+00 : f32
      %max3A_148 = vector.broadcast %max3A_147 : f32 to vector<16xf32>
      %max3A_149 = arith.maximumf %get3A_146, %max3A_148 : vector<16xf32>
      %mul3A_150 = arith.mulf %max3A_149, %get3A_144 : vector<16xf32>
      %add3A_151 = arith.addf %add3A_138, %mul3A_150 : vector<16xf32>
      %mul3A_152 = arith.constant 16 : i32
      %mul3A_153 = arith.muli %scan3A_112, %mul3A_152 : i32
      %add3A_154 = arith.constant 384 : i32
      %add3A_155 = arith.addi %add3A_154, %mul3A_153 : i32
      %get3A_156 = arith.index_cast %add3A_155 : i32 to index
      %get3A_157 = tpu.vector_load %arg10[%get3A_156] {strides = array<i32>} : memref<6400xf32, #tpu.memory_space<vmem>>, vector<16xf32>,
      %get3A_158 = arith.index_cast %add3A_155 : i32 to index
      %get3A_159 = tpu.vector_load %arg8[%get3A_158] {strides = array<i32>} : memref<6400xf32, #tpu.memory_space<vmem>>, vector<16xf32>,
      %max3A_160 = arith.constant 0.000000e+00 : f32
      %max3A_161 = vector.broadcast %max3A_160 : f32 to vector<16xf32>
      %max3A_162 = arith.maximumf %get3A_159, %max3A_161 : vector<16xf32>
      %mul3A_163 = arith.mulf %max3A_162, %get3A_157 : vector<16xf32>
      %add3A_164 = arith.addf %add3A_151, %mul3A_163 : vector<16xf32>
      %mul3A_165 = arith.constant 16 : i32
      %mul3A_166 = arith.muli %scan3A_112, %mul3A_165 : i32
      %add3A_167 = arith.constant 512 : i32
      %add3A_168 = arith.addi %add3A_167, %mul3A_166 : i32
      %get3A_169 = arith.index_cast %add3A_168 : i32 to index
      %get3A_170 = tpu.vector_load %arg10[%get3A_169] {strides = array<i32>} : memref<6400xf32, #tpu.memory_space<vmem>>, vector<16xf32>,
      %get3A_171 = arith.index_cast %add3A_168 : i32 to index
      %get3A_172 = tpu.vector_load %arg8[%get3A_171] {strides = array<i32>} : memref<6400xf32, #tpu.memory_space<vmem>>, vector<16xf32>,
      %max3A_173 = arith.constant 0.000000e+00 : f32
      %max3A_174 = vector.broadcast %max3A_173 : f32 to vector<16xf32>
      %max3A_175 = arith.maximumf %get3A_172, %max3A_174 : vector<16xf32>
      %mul3A_176 = arith.mulf %max3A_175, %get3A_170 : vector<16xf32>
      %add3A_177 = arith.addf %add3A_164, %mul3A_176 : vector<16xf32>
      %mul3A_178 = arith.constant 16 : i32
      %mul3A_179 = arith.muli %scan3A_112, %mul3A_178 : i32
      %add3A_180 = arith.constant 640 : i32
      %add3A_181 = arith.addi %add3A_180, %mul3A_179 : i32
      %get3A_182 = arith.index_cast %add3A_181 : i32 to index
      %get3A_183 = tpu.vector_load %arg10[%get3A_182] {strides = array<i32>} : memref<6400xf32, #tpu.memory_space<vmem>>, vector<16xf32>,
      %get3A_184 = arith.index_cast %add3A_181 : i32 to index
      %get3A_185 = tpu.vector_load %arg8[%get3A_184] {strides = array<i32>} : memref<6400xf32, #tpu.memory_space<vmem>>, vector<16xf32>,
      %max3A_186 = arith.constant 0.000000e+00 : f32
      %max3A_187 = vector.broadcast %max3A_186 : f32 to vector<16xf32>
      %max3A_188 = arith.maximumf %get3A_185, %max3A_187 : vector<16xf32>
      %mul3A_189 = arith.mulf %max3A_188, %get3A_183 : vector<16xf32>
      %add3A_190 = arith.addf %add3A_177, %mul3A_189 : vector<16xf32>
      %mul3A_191 = arith.constant 16 : i32
      %mul3A_192 = arith.muli %scan3A_112, %mul3A_191 : i32
      %add3A_193 = arith.constant 768 : i32
      %add3A_194 = arith.addi %add3A_193, %mul3A_192 : i32
      %get3A_195 = arith.index_cast %add3A_194 : i32 to index
      %get3A_196 = tpu.vector_load %arg10[%get3A_195] {strides = array<i32>} : memref<6400xf32, #tpu.memory_space<vmem>>, vector<16xf32>,
      %get3A_197 = arith.index_cast %add3A_194 : i32 to index
      %get3A_198 = tpu.vector_load %arg8[%get3A_197] {strides = array<i32>} : memref<6400xf32, #tpu.memory_space<vmem>>, vector<16xf32>,
      %max3A_199 = arith.constant 0.000000e+00 : f32
      %max3A_200 = vector.broadcast %max3A_199 : f32 to vector<16xf32>
      %max3A_201 = arith.maximumf %get3A_198, %max3A_200 : vector<16xf32>
      %mul3A_202 = arith.mulf %max3A_201, %get3A_196 : vector<16xf32>
      %add3A_203 = arith.addf %add3A_190, %mul3A_202 : vector<16xf32>
      %mul3A_204 = arith.constant 16 : i32
      %mul3A_205 = arith.muli %scan3A_112, %mul3A_204 : i32
      %add3A_206 = arith.constant 896 : i32
      %add3A_207 = arith.addi %add3A_206, %mul3A_205 : i32
      %get3A_208 = arith.index_cast %add3A_207 : i32 to index
      %get3A_209 = tpu.vector_load %arg10[%get3A_208] {strides = array<i32>} : memref<6400xf32, #tpu.memory_space<vmem>>, vector<16xf32>,
      %get3A_210 = arith.index_cast %add3A_207 : i32 to index
      %get3A_211 = tpu.vector_load %arg8[%get3A_210] {strides = array<i32>} : memref<6400xf32, #tpu.memory_space<vmem>>, vector<16xf32>,
      %max3A_212 = arith.constant 0.000000e+00 : f32
      %max3A_213 = vector.broadcast %max3A_212 : f32 to vector<16xf32>
      %max3A_214 = arith.maximumf %get3A_211, %max3A_213 : vector<16xf32>
      %mul3A_215 = arith.mulf %max3A_214, %get3A_209 : vector<16xf32>
      %add3A_216 = arith.addf %add3A_203, %mul3A_215 : vector<16xf32>
      %mul3A_217 = arith.constant 16 : i32
      %mul3A_218 = arith.muli %scan3A_112, %mul3A_217 : i32
      %add3A_219 = arith.constant 1024 : i32
      %add3A_220 = arith.addi %add3A_219, %mul3A_218 : i32
      %get3A_221 = arith.index_cast %add3A_220 : i32 to index
      %get3A_222 = tpu.vector_load %arg10[%get3A_221] {strides = array<i32>} : memref<6400xf32, #tpu.memory_space<vmem>>, vector<16xf32>,
      %get3A_223 = arith.index_cast %add3A_220 : i32 to index
      %get3A_224 = tpu.vector_load %arg8[%get3A_223] {strides = array<i32>} : memref<6400xf32, #tpu.memory_space<vmem>>, vector<16xf32>,
      %max3A_225 = arith.constant 0.000000e+00 : f32
      %max3A_226 = vector.broadcast %max3A_225 : f32 to vector<16xf32>
      %max3A_227 = arith.maximumf %get3A_224, %max3A_226 : vector<16xf32>
      %mul3A_228 = arith.mulf %max3A_227, %get3A_222 : vector<16xf32>
      %add3A_229 = arith.addf %add3A_216, %mul3A_228 : vector<16xf32>
      %mul3A_230 = arith.constant 16 : i32
      %mul3A_231 = arith.muli %scan3A_112, %mul3A_230 : i32
      %add3A_232 = arith.constant 1152 : i32
      %add3A_233 = arith.addi %add3A_232, %mul3A_231 : i32
      %get3A_234 = arith.index_cast %add3A_233 : i32 to index
      %get3A_235 = tpu.vector_load %arg10[%get3A_234] {strides = array<i32>} : memref<6400xf32, #tpu.memory_space<vmem>>, vector<16xf32>,
      %get3A_236 = arith.index_cast %add3A_233 : i32 to index
      %get3A_237 = tpu.vector_load %arg8[%get3A_236] {strides = array<i32>} : memref<6400xf32, #tpu.memory_space<vmem>>, vector<16xf32>,
      %max3A_238 = arith.constant 0.000000e+00 : f32
      %max3A_239 = vector.broadcast %max3A_238 : f32 to vector<16xf32>
      %max3A_240 = arith.maximumf %get3A_237, %max3A_239 : vector<16xf32>
      %mul3A_241 = arith.mulf %max3A_240, %get3A_235 : vector<16xf32>
      %add3A_242 = arith.addf %add3A_229, %mul3A_241 : vector<16xf32>
      %mul3A_243 = arith.constant 16 : i32
      %mul3A_244 = arith.muli %scan3A_112, %mul3A_243 : i32
      %add3A_245 = arith.constant 1280 : i32
      %add3A_246 = arith.addi %add3A_245, %mul3A_244 : i32
      %get3A_247 = arith.index_cast %add3A_246 : i32 to index
      %get3A_248 = tpu.vector_load %arg10[%get3A_247] {strides = array<i32>} : memref<6400xf32, #tpu.memory_space<vmem>>, vector<16xf32>,
      %get3A_249 = arith.index_cast %add3A_246 : i32 to index
      %get3A_250 = tpu.vector_load %arg8[%get3A_249] {strides = array<i32>} : memref<6400xf32, #tpu.memory_space<vmem>>, vector<16xf32>,
      %max3A_251 = arith.constant 0.000000e+00 : f32
      %max3A_252 = vector.broadcast %max3A_251 : f32 to vector<16xf32>
      %max3A_253 = arith.maximumf %get3A_250, %max3A_252 : vector<16xf32>
      %mul3A_254 = arith.mulf %max3A_253, %get3A_248 : vector<16xf32>
      %add3A_255 = arith.addf %add3A_242, %mul3A_254 : vector<16xf32>
      %mul3A_256 = arith.constant 16 : i32
      %mul3A_257 = arith.muli %scan3A_112, %mul3A_256 : i32
      %add3A_258 = arith.constant 1408 : i32
      %add3A_259 = arith.addi %add3A_258, %mul3A_257 : i32
      %get3A_260 = arith.index_cast %add3A_259 : i32 to index
      %get3A_261 = tpu.vector_load %arg10[%get3A_260] {strides = array<i32>} : memref<6400xf32, #tpu.memory_space<vmem>>, vector<16xf32>,
      %get3A_262 = arith.index_cast %add3A_259 : i32 to index
      %get3A_263 = tpu.vector_load %arg8[%get3A_262] {strides = array<i32>} : memref<6400xf32, #tpu.memory_space<vmem>>, vector<16xf32>,
      %max3A_264 = arith.constant 0.000000e+00 : f32
      %max3A_265 = vector.broadcast %max3A_264 : f32 to vector<16xf32>
      %max3A_266 = arith.maximumf %get3A_263, %max3A_265 : vector<16xf32>
      %mul3A_267 = arith.mulf %max3A_266, %get3A_261 : vector<16xf32>
      %add3A_268 = arith.addf %add3A_255, %mul3A_267 : vector<16xf32>
      %mul3A_269 = arith.constant 16 : i32
      %mul3A_270 = arith.muli %scan3A_112, %mul3A_269 : i32
      %add3A_271 = arith.constant 1536 : i32
      %add3A_272 = arith.addi %add3A_271, %mul3A_270 : i32
      %get3A_273 = arith.index_cast %add3A_272 : i32 to index
      %get3A_274 = tpu.vector_load %arg10[%get3A_273] {strides = array<i32>} : memref<6400xf32, #tpu.memory_space<vmem>>, vector<16xf32>,
      %get3A_275 = arith.index_cast %add3A_272 : i32 to index
      %get3A_276 = tpu.vector_load %arg8[%get3A_275] {strides = array<i32>} : memref<6400xf32, #tpu.memory_space<vmem>>, vector<16xf32>,
      %max3A_277 = arith.constant 0.000000e+00 : f32
      %max3A_278 = vector.broadcast %max3A_277 : f32 to vector<16xf32>
      %max3A_279 = arith.maximumf %get3A_276, %max3A_278 : vector<16xf32>
      %mul3A_280 = arith.mulf %max3A_279, %get3A_274 : vector<16xf32>
      %add3A_281 = arith.addf %add3A_268, %mul3A_280 : vector<16xf32>
      %mul3A_282 = arith.constant 16 : i32
      %mul3A_283 = arith.muli %scan3A_112, %mul3A_282 : i32
      %add3A_284 = arith.constant 1664 : i32
      %add3A_285 = arith.addi %add3A_284, %mul3A_283 : i32
      %get3A_286 = arith.index_cast %add3A_285 : i32 to index
      %get3A_287 = tpu.vector_load %arg10[%get3A_286] {strides = array<i32>} : memref<6400xf32, #tpu.memory_space<vmem>>, vector<16xf32>,
      %get3A_288 = arith.index_cast %add3A_285 : i32 to index
      %get3A_289 = tpu.vector_load %arg8[%get3A_288] {strides = array<i32>} : memref<6400xf32, #tpu.memory_space<vmem>>, vector<16xf32>,
      %max3A_290 = arith.constant 0.000000e+00 : f32
      %max3A_291 = vector.broadcast %max3A_290 : f32 to vector<16xf32>
      %max3A_292 = arith.maximumf %get3A_289, %max3A_291 : vector<16xf32>
      %mul3A_293 = arith.mulf %max3A_292, %get3A_287 : vector<16xf32>
      %add3A_294 = arith.addf %add3A_281, %mul3A_293 : vector<16xf32>
      %mul3A_295 = arith.constant 16 : i32
      %mul3A_296 = arith.muli %scan3A_112, %mul3A_295 : i32
      %add3A_297 = arith.constant 1792 : i32
      %add3A_298 = arith.addi %add3A_297, %mul3A_296 : i32
      %get3A_299 = arith.index_cast %add3A_298 : i32 to index
      %get3A_300 = tpu.vector_load %arg10[%get3A_299] {strides = array<i32>} : memref<6400xf32, #tpu.memory_space<vmem>>, vector<16xf32>,
      %get3A_301 = arith.index_cast %add3A_298 : i32 to index
      %get3A_302 = tpu.vector_load %arg8[%get3A_301] {strides = array<i32>} : memref<6400xf32, #tpu.memory_space<vmem>>, vector<16xf32>,
      %max3A_303 = arith.constant 0.000000e+00 : f32
      %max3A_304 = vector.broadcast %max3A_303 : f32 to vector<16xf32>
      %max3A_305 = arith.maximumf %get3A_302, %max3A_304 : vector<16xf32>
      %mul3A_306 = arith.mulf %max3A_305, %get3A_300 : vector<16xf32>
      %add3A_307 = arith.addf %add3A_294, %mul3A_306 : vector<16xf32>
      %mul3A_308 = arith.constant 16 : i32
      %mul3A_309 = arith.muli %scan3A_112, %mul3A_308 : i32
      %add3A_310 = arith.constant 1920 : i32
      %add3A_311 = arith.addi %add3A_310, %mul3A_309 : i32
      %get3A_312 = arith.index_cast %add3A_311 : i32 to index
      %get3A_313 = tpu.vector_load %arg10[%get3A_312] {strides = array<i32>} : memref<6400xf32, #tpu.memory_space<vmem>>, vector<16xf32>,
      %get3A_314 = arith.index_cast %add3A_311 : i32 to index
      %get3A_315 = tpu.vector_load %arg8[%get3A_314] {strides = array<i32>} : memref<6400xf32, #tpu.memory_space<vmem>>, vector<16xf32>,
      %max3A_316 = arith.constant 0.000000e+00 : f32
      %max3A_317 = vector.broadcast %max3A_316 : f32 to vector<16xf32>
      %max3A_318 = arith.maximumf %get3A_315, %max3A_317 : vector<16xf32>
      %mul3A_319 = arith.mulf %max3A_318, %get3A_313 : vector<16xf32>
      %add3A_320 = arith.addf %add3A_307, %mul3A_319 : vector<16xf32>
      %mul3A_321 = arith.constant 16 : i32
      %mul3A_322 = arith.muli %scan3A_112, %mul3A_321 : i32
      %add3A_323 = arith.constant 2048 : i32
      %add3A_324 = arith.addi %add3A_323, %mul3A_322 : i32
      %get3A_325 = arith.index_cast %add3A_324 : i32 to index
      %get3A_326 = tpu.vector_load %arg10[%get3A_325] {strides = array<i32>} : memref<6400xf32, #tpu.memory_space<vmem>>, vector<16xf32>,
      %get3A_327 = arith.index_cast %add3A_324 : i32 to index
      %get3A_328 = tpu.vector_load %arg8[%get3A_327] {strides = array<i32>} : memref<6400xf32, #tpu.memory_space<vmem>>, vector<16xf32>,
      %max3A_329 = arith.constant 0.000000e+00 : f32
      %max3A_330 = vector.broadcast %max3A_329 : f32 to vector<16xf32>
      %max3A_331 = arith.maximumf %get3A_328, %max3A_330 : vector<16xf32>
      %mul3A_332 = arith.mulf %max3A_331, %get3A_326 : vector<16xf32>
      %add3A_333 = arith.addf %add3A_320, %mul3A_332 : vector<16xf32>
      %mul3A_334 = arith.constant 16 : i32
      %mul3A_335 = arith.muli %scan3A_112, %mul3A_334 : i32
      %add3A_336 = arith.constant 2176 : i32
      %add3A_337 = arith.addi %add3A_336, %mul3A_335 : i32
      %get3A_338 = arith.index_cast %add3A_337 : i32 to index
      %get3A_339 = tpu.vector_load %arg10[%get3A_338] {strides = array<i32>} : memref<6400xf32, #tpu.memory_space<vmem>>, vector<16xf32>,
      %get3A_340 = arith.index_cast %add3A_337 : i32 to index
      %get3A_341 = tpu.vector_load %arg8[%get3A_340] {strides = array<i32>} : memref<6400xf32, #tpu.memory_space<vmem>>, vector<16xf32>,
      %max3A_342 = arith.constant 0.000000e+00 : f32
      %max3A_343 = vector.broadcast %max3A_342 : f32 to vector<16xf32>
      %max3A_344 = arith.maximumf %get3A_341, %max3A_343 : vector<16xf32>
      %mul3A_345 = arith.mulf %max3A_344, %get3A_339 : vector<16xf32>
      %add3A_346 = arith.addf %add3A_333, %mul3A_345 : vector<16xf32>
      %mul3A_347 = arith.constant 16 : i32
      %mul3A_348 = arith.muli %scan3A_112, %mul3A_347 : i32
      %add3A_349 = arith.constant 2304 : i32
      %add3A_350 = arith.addi %add3A_349, %mul3A_348 : i32
      %get3A_351 = arith.index_cast %add3A_350 : i32 to index
      %get3A_352 = tpu.vector_load %arg10[%get3A_351] {strides = array<i32>} : memref<6400xf32, #tpu.memory_space<vmem>>, vector<16xf32>,
      %get3A_353 = arith.index_cast %add3A_350 : i32 to index
      %get3A_354 = tpu.vector_load %arg8[%get3A_353] {strides = array<i32>} : memref<6400xf32, #tpu.memory_space<vmem>>, vector<16xf32>,
      %max3A_355 = arith.constant 0.000000e+00 : f32
      %max3A_356 = vector.broadcast %max3A_355 : f32 to vector<16xf32>
      %max3A_357 = arith.maximumf %get3A_354, %max3A_356 : vector<16xf32>
      %mul3A_358 = arith.mulf %max3A_357, %get3A_352 : vector<16xf32>
      %add3A_359 = arith.addf %add3A_346, %mul3A_358 : vector<16xf32>
      %mul3A_360 = arith.constant 16 : i32
      %mul3A_361 = arith.muli %scan3A_112, %mul3A_360 : i32
      %add3A_362 = arith.constant 2432 : i32
      %add3A_363 = arith.addi %add3A_362, %mul3A_361 : i32
      %get3A_364 = arith.index_cast %add3A_363 : i32 to index
      %get3A_365 = tpu.vector_load %arg10[%get3A_364] {strides = array<i32>} : memref<6400xf32, #tpu.memory_space<vmem>>, vector<16xf32>,
      %get3A_366 = arith.index_cast %add3A_363 : i32 to index
      %get3A_367 = tpu.vector_load %arg8[%get3A_366] {strides = array<i32>} : memref<6400xf32, #tpu.memory_space<vmem>>, vector<16xf32>,
      %max3A_368 = arith.constant 0.000000e+00 : f32
      %max3A_369 = vector.broadcast %max3A_368 : f32 to vector<16xf32>
      %max3A_370 = arith.maximumf %get3A_367, %max3A_369 : vector<16xf32>
      %mul3A_371 = arith.mulf %max3A_370, %get3A_365 : vector<16xf32>
      %add3A_372 = arith.addf %add3A_359, %mul3A_371 : vector<16xf32>
      %mul3A_373 = arith.constant 16 : i32
      %mul3A_374 = arith.muli %scan3A_112, %mul3A_373 : i32
      %add3A_375 = arith.constant 2560 : i32
      %add3A_376 = arith.addi %add3A_375, %mul3A_374 : i32
      %get3A_377 = arith.index_cast %add3A_376 : i32 to index
      %get3A_378 = tpu.vector_load %arg10[%get3A_377] {strides = array<i32>} : memref<6400xf32, #tpu.memory_space<vmem>>, vector<16xf32>,
      %get3A_379 = arith.index_cast %add3A_376 : i32 to index
      %get3A_380 = tpu.vector_load %arg8[%get3A_379] {strides = array<i32>} : memref<6400xf32, #tpu.memory_space<vmem>>, vector<16xf32>,
      %max3A_381 = arith.constant 0.000000e+00 : f32
      %max3A_382 = vector.broadcast %max3A_381 : f32 to vector<16xf32>
      %max3A_383 = arith.maximumf %get3A_380, %max3A_382 : vector<16xf32>
      %mul3A_384 = arith.mulf %max3A_383, %get3A_378 : vector<16xf32>
      %add3A_385 = arith.addf %add3A_372, %mul3A_384 : vector<16xf32>
      %mul3A_386 = arith.constant 16 : i32
      %mul3A_387 = arith.muli %scan3A_112, %mul3A_386 : i32
      %add3A_388 = arith.constant 2688 : i32
      %add3A_389 = arith.addi %add3A_388, %mul3A_387 : i32
      %get3A_390 = arith.index_cast %add3A_389 : i32 to index
      %get3A_391 = tpu.vector_load %arg10[%get3A_390] {strides = array<i32>} : memref<6400xf32, #tpu.memory_space<vmem>>, vector<16xf32>,
      %get3A_392 = arith.index_cast %add3A_389 : i32 to index
      %get3A_393 = tpu.vector_load %arg8[%get3A_392] {strides = array<i32>} : memref<6400xf32, #tpu.memory_space<vmem>>, vector<16xf32>,
      %max3A_394 = arith.constant 0.000000e+00 : f32
      %max3A_395 = vector.broadcast %max3A_394 : f32 to vector<16xf32>
      %max3A_396 = arith.maximumf %get3A_393, %max3A_395 : vector<16xf32>
      %mul3A_397 = arith.mulf %max3A_396, %get3A_391 : vector<16xf32>
      %add3A_398 = arith.addf %add3A_385, %mul3A_397 : vector<16xf32>
      %mul3A_399 = arith.constant 16 : i32
      %mul3A_400 = arith.muli %scan3A_112, %mul3A_399 : i32
      %add3A_401 = arith.constant 2816 : i32
      %add3A_402 = arith.addi %add3A_401, %mul3A_400 : i32
      %get3A_403 = arith.index_cast %add3A_402 : i32 to index
      %get3A_404 = tpu.vector_load %arg10[%get3A_403] {strides = array<i32>} : memref<6400xf32, #tpu.memory_space<vmem>>, vector<16xf32>,
      %get3A_405 = arith.index_cast %add3A_402 : i32 to index
      %get3A_406 = tpu.vector_load %arg8[%get3A_405] {strides = array<i32>} : memref<6400xf32, #tpu.memory_space<vmem>>, vector<16xf32>,
      %max3A_407 = arith.constant 0.000000e+00 : f32
      %max3A_408 = vector.broadcast %max3A_407 : f32 to vector<16xf32>
      %max3A_409 = arith.maximumf %get3A_406, %max3A_408 : vector<16xf32>
      %mul3A_410 = arith.mulf %max3A_409, %get3A_404 : vector<16xf32>
      %add3A_411 = arith.addf %add3A_398, %mul3A_410 : vector<16xf32>
      %mul3A_412 = arith.constant 16 : i32
      %mul3A_413 = arith.muli %scan3A_112, %mul3A_412 : i32
      %add3A_414 = arith.constant 2944 : i32
      %add3A_415 = arith.addi %add3A_414, %mul3A_413 : i32
      %get3A_416 = arith.index_cast %add3A_415 : i32 to index
      %get3A_417 = tpu.vector_load %arg10[%get3A_416] {strides = array<i32>} : memref<6400xf32, #tpu.memory_space<vmem>>, vector<16xf32>,
      %get3A_418 = arith.index_cast %add3A_415 : i32 to index
      %get3A_419 = tpu.vector_load %arg8[%get3A_418] {strides = array<i32>} : memref<6400xf32, #tpu.memory_space<vmem>>, vector<16xf32>,
      %max3A_420 = arith.constant 0.000000e+00 : f32
      %max3A_421 = vector.broadcast %max3A_420 : f32 to vector<16xf32>
      %max3A_422 = arith.maximumf %get3A_419, %max3A_421 : vector<16xf32>
      %mul3A_423 = arith.mulf %max3A_422, %get3A_417 : vector<16xf32>
      %add3A_424 = arith.addf %add3A_411, %mul3A_423 : vector<16xf32>
      %mul3A_425 = arith.constant 16 : i32
      %mul3A_426 = arith.muli %scan3A_112, %mul3A_425 : i32
      %add3A_427 = arith.constant 3072 : i32
      %add3A_428 = arith.addi %add3A_427, %mul3A_426 : i32
      %get3A_429 = arith.index_cast %add3A_428 : i32 to index
      %get3A_430 = tpu.vector_load %arg10[%get3A_429] {strides = array<i32>} : memref<6400xf32, #tpu.memory_space<vmem>>, vector<16xf32>,
      %get3A_431 = arith.index_cast %add3A_428 : i32 to index
      %get3A_432 = tpu.vector_load %arg8[%get3A_431] {strides = array<i32>} : memref<6400xf32, #tpu.memory_space<vmem>>, vector<16xf32>,
      %max3A_433 = arith.constant 0.000000e+00 : f32
      %max3A_434 = vector.broadcast %max3A_433 : f32 to vector<16xf32>
      %max3A_435 = arith.maximumf %get3A_432, %max3A_434 : vector<16xf32>
      %mul3A_436 = arith.mulf %max3A_435, %get3A_430 : vector<16xf32>
      %add3A_437 = arith.addf %add3A_424, %mul3A_436 : vector<16xf32>
      %mul3A_438 = arith.constant 16 : i32
      %mul3A_439 = arith.muli %scan3A_112, %mul3A_438 : i32
      %add3A_440 = arith.constant 3200 : i32
      %add3A_441 = arith.addi %add3A_440, %mul3A_439 : i32
      %get3A_442 = arith.index_cast %add3A_441 : i32 to index
      %get3A_443 = tpu.vector_load %arg10[%get3A_442] {strides = array<i32>} : memref<6400xf32, #tpu.memory_space<vmem>>, vector<16xf32>,
      %get3A_444 = arith.index_cast %add3A_441 : i32 to index
      %get3A_445 = tpu.vector_load %arg8[%get3A_444] {strides = array<i32>} : memref<6400xf32, #tpu.memory_space<vmem>>, vector<16xf32>,
      %max3A_446 = arith.constant 0.000000e+00 : f32
      %max3A_447 = vector.broadcast %max3A_446 : f32 to vector<16xf32>
      %max3A_448 = arith.maximumf %get3A_445, %max3A_447 : vector<16xf32>
      %mul3A_449 = arith.mulf %max3A_448, %get3A_443 : vector<16xf32>
      %add3A_450 = arith.addf %add3A_437, %mul3A_449 : vector<16xf32>
      %mul3A_451 = arith.constant 16 : i32
      %mul3A_452 = arith.muli %scan3A_112, %mul3A_451 : i32
      %add3A_453 = arith.constant 3328 : i32
      %add3A_454 = arith.addi %add3A_453, %mul3A_452 : i32
      %get3A_455 = arith.index_cast %add3A_454 : i32 to index
      %get3A_456 = tpu.vector_load %arg10[%get3A_455] {strides = array<i32>} : memref<6400xf32, #tpu.memory_space<vmem>>, vector<16xf32>,
      %get3A_457 = arith.index_cast %add3A_454 : i32 to index
      %get3A_458 = tpu.vector_load %arg8[%get3A_457] {strides = array<i32>} : memref<6400xf32, #tpu.memory_space<vmem>>, vector<16xf32>,
      %max3A_459 = arith.constant 0.000000e+00 : f32
      %max3A_460 = vector.broadcast %max3A_459 : f32 to vector<16xf32>
      %max3A_461 = arith.maximumf %get3A_458, %max3A_460 : vector<16xf32>
      %mul3A_462 = arith.mulf %max3A_461, %get3A_456 : vector<16xf32>
      %add3A_463 = arith.addf %add3A_450, %mul3A_462 : vector<16xf32>
      %mul3A_464 = arith.constant 16 : i32
      %mul3A_465 = arith.muli %scan3A_112, %mul3A_464 : i32
      %add3A_466 = arith.constant 3456 : i32
      %add3A_467 = arith.addi %add3A_466, %mul3A_465 : i32
      %get3A_468 = arith.index_cast %add3A_467 : i32 to index
      %get3A_469 = tpu.vector_load %arg10[%get3A_468] {strides = array<i32>} : memref<6400xf32, #tpu.memory_space<vmem>>, vector<16xf32>,
      %get3A_470 = arith.index_cast %add3A_467 : i32 to index
      %get3A_471 = tpu.vector_load %arg8[%get3A_470] {strides = array<i32>} : memref<6400xf32, #tpu.memory_space<vmem>>, vector<16xf32>,
      %max3A_472 = arith.constant 0.000000e+00 : f32
      %max3A_473 = vector.broadcast %max3A_472 : f32 to vector<16xf32>
      %max3A_474 = arith.maximumf %get3A_471, %max3A_473 : vector<16xf32>
      %mul3A_475 = arith.mulf %max3A_474, %get3A_469 : vector<16xf32>
      %add3A_476 = arith.addf %add3A_463, %mul3A_475 : vector<16xf32>
      %mul3A_477 = arith.constant 16 : i32
      %mul3A_478 = arith.muli %scan3A_112, %mul3A_477 : i32
      %add3A_479 = arith.constant 3584 : i32
      %add3A_480 = arith.addi %add3A_479, %mul3A_478 : i32
      %get3A_481 = arith.index_cast %add3A_480 : i32 to index
      %get3A_482 = tpu.vector_load %arg10[%get3A_481] {strides = array<i32>} : memref<6400xf32, #tpu.memory_space<vmem>>, vector<16xf32>,
      %get3A_483 = arith.index_cast %add3A_480 : i32 to index
      %get3A_484 = tpu.vector_load %arg8[%get3A_483] {strides = array<i32>} : memref<6400xf32, #tpu.memory_space<vmem>>, vector<16xf32>,
      %max3A_485 = arith.constant 0.000000e+00 : f32
      %max3A_486 = vector.broadcast %max3A_485 : f32 to vector<16xf32>
      %max3A_487 = arith.maximumf %get3A_484, %max3A_486 : vector<16xf32>
      %mul3A_488 = arith.mulf %max3A_487, %get3A_482 : vector<16xf32>
      %add3A_489 = arith.addf %add3A_476, %mul3A_488 : vector<16xf32>
      %mul3A_490 = arith.constant 16 : i32
      %mul3A_491 = arith.muli %scan3A_112, %mul3A_490 : i32
      %add3A_492 = arith.constant 3712 : i32
      %add3A_493 = arith.addi %add3A_492, %mul3A_491 : i32
      %get3A_494 = arith.index_cast %add3A_493 : i32 to index
      %get3A_495 = tpu.vector_load %arg10[%get3A_494] {strides = array<i32>} : memref<6400xf32, #tpu.memory_space<vmem>>, vector<16xf32>,
      %get3A_496 = arith.index_cast %add3A_493 : i32 to index
      %get3A_497 = tpu.vector_load %arg8[%get3A_496] {strides = array<i32>} : memref<6400xf32, #tpu.memory_space<vmem>>, vector<16xf32>,
      %max3A_498 = arith.constant 0.000000e+00 : f32
      %max3A_499 = vector.broadcast %max3A_498 : f32 to vector<16xf32>
      %max3A_500 = arith.maximumf %get3A_497, %max3A_499 : vector<16xf32>
      %mul3A_501 = arith.mulf %max3A_500, %get3A_495 : vector<16xf32>
      %add3A_502 = arith.addf %add3A_489, %mul3A_501 : vector<16xf32>
      %mul3A_503 = arith.constant 16 : i32
      %mul3A_504 = arith.muli %scan3A_112, %mul3A_503 : i32
      %add3A_505 = arith.constant 3840 : i32
      %add3A_506 = arith.addi %add3A_505, %mul3A_504 : i32
      %get3A_507 = arith.index_cast %add3A_506 : i32 to index
      %get3A_508 = tpu.vector_load %arg10[%get3A_507] {strides = array<i32>} : memref<6400xf32, #tpu.memory_space<vmem>>, vector<16xf32>,
      %get3A_509 = arith.index_cast %add3A_506 : i32 to index
      %get3A_510 = tpu.vector_load %arg8[%get3A_509] {strides = array<i32>} : memref<6400xf32, #tpu.memory_space<vmem>>, vector<16xf32>,
      %max3A_511 = arith.constant 0.000000e+00 : f32
      %max3A_512 = vector.broadcast %max3A_511 : f32 to vector<16xf32>
      %max3A_513 = arith.maximumf %get3A_510, %max3A_512 : vector<16xf32>
      %mul3A_514 = arith.mulf %max3A_513, %get3A_508 : vector<16xf32>
      %add3A_515 = arith.addf %add3A_502, %mul3A_514 : vector<16xf32>
      %mul3A_516 = arith.constant 16 : i32
      %mul3A_517 = arith.muli %scan3A_112, %mul3A_516 : i32
      %add3A_518 = arith.constant 3968 : i32
      %add3A_519 = arith.addi %add3A_518, %mul3A_517 : i32
      %get3A_520 = arith.index_cast %add3A_519 : i32 to index
      %get3A_521 = tpu.vector_load %arg10[%get3A_520] {strides = array<i32>} : memref<6400xf32, #tpu.memory_space<vmem>>, vector<16xf32>,
      %get3A_522 = arith.index_cast %add3A_519 : i32 to index
      %get3A_523 = tpu.vector_load %arg8[%get3A_522] {strides = array<i32>} : memref<6400xf32, #tpu.memory_space<vmem>>, vector<16xf32>,
      %max3A_524 = arith.constant 0.000000e+00 : f32
      %max3A_525 = vector.broadcast %max3A_524 : f32 to vector<16xf32>
      %max3A_526 = arith.maximumf %get3A_523, %max3A_525 : vector<16xf32>
      %mul3A_527 = arith.mulf %max3A_526, %get3A_521 : vector<16xf32>
      %add3A_528 = arith.addf %add3A_515, %mul3A_527 : vector<16xf32>
      %mul3A_529 = arith.constant 16 : i32
      %mul3A_530 = arith.muli %scan3A_112, %mul3A_529 : i32
      %add3A_531 = arith.constant 4096 : i32
      %add3A_532 = arith.addi %add3A_531, %mul3A_530 : i32
      %get3A_533 = arith.index_cast %add3A_532 : i32 to index
      %get3A_534 = tpu.vector_load %arg10[%get3A_533] {strides = array<i32>} : memref<6400xf32, #tpu.memory_space<vmem>>, vector<16xf32>,
      %get3A_535 = arith.index_cast %add3A_532 : i32 to index
      %get3A_536 = tpu.vector_load %arg8[%get3A_535] {strides = array<i32>} : memref<6400xf32, #tpu.memory_space<vmem>>, vector<16xf32>,
      %max3A_537 = arith.constant 0.000000e+00 : f32
      %max3A_538 = vector.broadcast %max3A_537 : f32 to vector<16xf32>
      %max3A_539 = arith.maximumf %get3A_536, %max3A_538 : vector<16xf32>
      %mul3A_540 = arith.mulf %max3A_539, %get3A_534 : vector<16xf32>
      %add3A_541 = arith.addf %add3A_528, %mul3A_540 : vector<16xf32>
      %mul3A_542 = arith.constant 16 : i32
      %mul3A_543 = arith.muli %scan3A_112, %mul3A_542 : i32
      %add3A_544 = arith.constant 4224 : i32
      %add3A_545 = arith.addi %add3A_544, %mul3A_543 : i32
      %get3A_546 = arith.index_cast %add3A_545 : i32 to index
      %get3A_547 = tpu.vector_load %arg10[%get3A_546] {strides = array<i32>} : memref<6400xf32, #tpu.memory_space<vmem>>, vector<16xf32>,
      %get3A_548 = arith.index_cast %add3A_545 : i32 to index
      %get3A_549 = tpu.vector_load %arg8[%get3A_548] {strides = array<i32>} : memref<6400xf32, #tpu.memory_space<vmem>>, vector<16xf32>,
      %max3A_550 = arith.constant 0.000000e+00 : f32
      %max3A_551 = vector.broadcast %max3A_550 : f32 to vector<16xf32>
      %max3A_552 = arith.maximumf %get3A_549, %max3A_551 : vector<16xf32>
      %mul3A_553 = arith.mulf %max3A_552, %get3A_547 : vector<16xf32>
      %add3A_554 = arith.addf %add3A_541, %mul3A_553 : vector<16xf32>
      %mul3A_555 = arith.constant 16 : i32
      %mul3A_556 = arith.muli %scan3A_112, %mul3A_555 : i32
      %add3A_557 = arith.constant 4352 : i32
      %add3A_558 = arith.addi %add3A_557, %mul3A_556 : i32
      %get3A_559 = arith.index_cast %add3A_558 : i32 to index
      %get3A_560 = tpu.vector_load %arg10[%get3A_559] {strides = array<i32>} : memref<6400xf32, #tpu.memory_space<vmem>>, vector<16xf32>,
      %get3A_561 = arith.index_cast %add3A_558 : i32 to index
      %get3A_562 = tpu.vector_load %arg8[%get3A_561] {strides = array<i32>} : memref<6400xf32, #tpu.memory_space<vmem>>, vector<16xf32>,
      %max3A_563 = arith.constant 0.000000e+00 : f32
      %max3A_564 = vector.broadcast %max3A_563 : f32 to vector<16xf32>
      %max3A_565 = arith.maximumf %get3A_562, %max3A_564 : vector<16xf32>
      %mul3A_566 = arith.mulf %max3A_565, %get3A_560 : vector<16xf32>
      %add3A_567 = arith.addf %add3A_554, %mul3A_566 : vector<16xf32>
      %mul3A_568 = arith.constant 16 : i32
      %mul3A_569 = arith.muli %scan3A_112, %mul3A_568 : i32
      %add3A_570 = arith.constant 4480 : i32
      %add3A_571 = arith.addi %add3A_570, %mul3A_569 : i32
      %get3A_572 = arith.index_cast %add3A_571 : i32 to index
      %get3A_573 = tpu.vector_load %arg10[%get3A_572] {strides = array<i32>} : memref<6400xf32, #tpu.memory_space<vmem>>, vector<16xf32>,
      %get3A_574 = arith.index_cast %add3A_571 : i32 to index
      %get3A_575 = tpu.vector_load %arg8[%get3A_574] {strides = array<i32>} : memref<6400xf32, #tpu.memory_space<vmem>>, vector<16xf32>,
      %max3A_576 = arith.constant 0.000000e+00 : f32
      %max3A_577 = vector.broadcast %max3A_576 : f32 to vector<16xf32>
      %max3A_578 = arith.maximumf %get3A_575, %max3A_577 : vector<16xf32>
      %mul3A_579 = arith.mulf %max3A_578, %get3A_573 : vector<16xf32>
      %add3A_580 = arith.addf %add3A_567, %mul3A_579 : vector<16xf32>
      %mul3A_581 = arith.constant 16 : i32
      %mul3A_582 = arith.muli %scan3A_112, %mul3A_581 : i32
      %add3A_583 = arith.constant 4608 : i32
      %add3A_584 = arith.addi %add3A_583, %mul3A_582 : i32
      %get3A_585 = arith.index_cast %add3A_584 : i32 to index
      %get3A_586 = tpu.vector_load %arg10[%get3A_585] {strides = array<i32>} : memref<6400xf32, #tpu.memory_space<vmem>>, vector<16xf32>,
      %get3A_587 = arith.index_cast %add3A_584 : i32 to index
      %get3A_588 = tpu.vector_load %arg8[%get3A_587] {strides = array<i32>} : memref<6400xf32, #tpu.memory_space<vmem>>, vector<16xf32>,
      %max3A_589 = arith.constant 0.000000e+00 : f32
      %max3A_590 = vector.broadcast %max3A_589 : f32 to vector<16xf32>
      %max3A_591 = arith.maximumf %get3A_588, %max3A_590 : vector<16xf32>
      %mul3A_592 = arith.mulf %max3A_591, %get3A_586 : vector<16xf32>
      %add3A_593 = arith.addf %add3A_580, %mul3A_592 : vector<16xf32>
      %mul3A_594 = arith.constant 16 : i32
      %mul3A_595 = arith.muli %scan3A_112, %mul3A_594 : i32
      %add3A_596 = arith.constant 4736 : i32
      %add3A_597 = arith.addi %add3A_596, %mul3A_595 : i32
      %get3A_598 = arith.index_cast %add3A_597 : i32 to index
      %get3A_599 = tpu.vector_load %arg10[%get3A_598] {strides = array<i32>} : memref<6400xf32, #tpu.memory_space<vmem>>, vector<16xf32>,
      %get3A_600 = arith.index_cast %add3A_597 : i32 to index
      %get3A_601 = tpu.vector_load %arg8[%get3A_600] {strides = array<i32>} : memref<6400xf32, #tpu.memory_space<vmem>>, vector<16xf32>,
      %max3A_602 = arith.constant 0.000000e+00 : f32
      %max3A_603 = vector.broadcast %max3A_602 : f32 to vector<16xf32>
      %max3A_604 = arith.maximumf %get3A_601, %max3A_603 : vector<16xf32>
      %mul3A_605 = arith.mulf %max3A_604, %get3A_599 : vector<16xf32>
      %add3A_606 = arith.addf %add3A_593, %mul3A_605 : vector<16xf32>
      %mul3A_607 = arith.constant 16 : i32
      %mul3A_608 = arith.muli %scan3A_112, %mul3A_607 : i32
      %add3A_609 = arith.constant 4864 : i32
      %add3A_610 = arith.addi %add3A_609, %mul3A_608 : i32
      %get3A_611 = arith.index_cast %add3A_610 : i32 to index
      %get3A_612 = tpu.vector_load %arg10[%get3A_611] {strides = array<i32>} : memref<6400xf32, #tpu.memory_space<vmem>>, vector<16xf32>,
      %get3A_613 = arith.index_cast %add3A_610 : i32 to index
      %get3A_614 = tpu.vector_load %arg8[%get3A_613] {strides = array<i32>} : memref<6400xf32, #tpu.memory_space<vmem>>, vector<16xf32>,
      %max3A_615 = arith.constant 0.000000e+00 : f32
      %max3A_616 = vector.broadcast %max3A_615 : f32 to vector<16xf32>
      %max3A_617 = arith.maximumf %get3A_614, %max3A_616 : vector<16xf32>
      %mul3A_618 = arith.mulf %max3A_617, %get3A_612 : vector<16xf32>
      %add3A_619 = arith.addf %add3A_606, %mul3A_618 : vector<16xf32>
      %mul3A_620 = arith.constant 16 : i32
      %mul3A_621 = arith.muli %scan3A_112, %mul3A_620 : i32
      %add3A_622 = arith.constant 4992 : i32
      %add3A_623 = arith.addi %add3A_622, %mul3A_621 : i32
      %get3A_624 = arith.index_cast %add3A_623 : i32 to index
      %get3A_625 = tpu.vector_load %arg10[%get3A_624] {strides = array<i32>} : memref<6400xf32, #tpu.memory_space<vmem>>, vector<16xf32>,
      %get3A_626 = arith.index_cast %add3A_623 : i32 to index
      %get3A_627 = tpu.vector_load %arg8[%get3A_626] {strides = array<i32>} : memref<6400xf32, #tpu.memory_space<vmem>>, vector<16xf32>,
      %max3A_628 = arith.constant 0.000000e+00 : f32
      %max3A_629 = vector.broadcast %max3A_628 : f32 to vector<16xf32>
      %max3A_630 = arith.maximumf %get3A_627, %max3A_629 : vector<16xf32>
      %mul3A_631 = arith.mulf %max3A_630, %get3A_625 : vector<16xf32>
      %add3A_632 = arith.addf %add3A_619, %mul3A_631 : vector<16xf32>
      %mul3A_633 = arith.constant 16 : i32
      %mul3A_634 = arith.muli %scan3A_112, %mul3A_633 : i32
      %add3A_635 = arith.constant 5120 : i32
      %add3A_636 = arith.addi %add3A_635, %mul3A_634 : i32
      %get3A_637 = arith.index_cast %add3A_636 : i32 to index
      %get3A_638 = tpu.vector_load %arg10[%get3A_637] {strides = array<i32>} : memref<6400xf32, #tpu.memory_space<vmem>>, vector<16xf32>,
      %get3A_639 = arith.index_cast %add3A_636 : i32 to index
      %get3A_640 = tpu.vector_load %arg8[%get3A_639] {strides = array<i32>} : memref<6400xf32, #tpu.memory_space<vmem>>, vector<16xf32>,
      %max3A_641 = arith.constant 0.000000e+00 : f32
      %max3A_642 = vector.broadcast %max3A_641 : f32 to vector<16xf32>
      %max3A_643 = arith.maximumf %get3A_640, %max3A_642 : vector<16xf32>
      %mul3A_644 = arith.mulf %max3A_643, %get3A_638 : vector<16xf32>
      %add3A_645 = arith.addf %add3A_632, %mul3A_644 : vector<16xf32>
      %mul3A_646 = arith.constant 16 : i32
      %mul3A_647 = arith.muli %scan3A_112, %mul3A_646 : i32
      %add3A_648 = arith.constant 5248 : i32
      %add3A_649 = arith.addi %add3A_648, %mul3A_647 : i32
      %get3A_650 = arith.index_cast %add3A_649 : i32 to index
      %get3A_651 = tpu.vector_load %arg10[%get3A_650] {strides = array<i32>} : memref<6400xf32, #tpu.memory_space<vmem>>, vector<16xf32>,
      %get3A_652 = arith.index_cast %add3A_649 : i32 to index
      %get3A_653 = tpu.vector_load %arg8[%get3A_652] {strides = array<i32>} : memref<6400xf32, #tpu.memory_space<vmem>>, vector<16xf32>,
      %max3A_654 = arith.constant 0.000000e+00 : f32
      %max3A_655 = vector.broadcast %max3A_654 : f32 to vector<16xf32>
      %max3A_656 = arith.maximumf %get3A_653, %max3A_655 : vector<16xf32>
      %mul3A_657 = arith.mulf %max3A_656, %get3A_651 : vector<16xf32>
      %add3A_658 = arith.addf %add3A_645, %mul3A_657 : vector<16xf32>
      %mul3A_659 = arith.constant 16 : i32
      %mul3A_660 = arith.muli %scan3A_112, %mul3A_659 : i32
      %add3A_661 = arith.constant 5376 : i32
      %add3A_662 = arith.addi %add3A_661, %mul3A_660 : i32
      %get3A_663 = arith.index_cast %add3A_662 : i32 to index
      %get3A_664 = tpu.vector_load %arg10[%get3A_663] {strides = array<i32>} : memref<6400xf32, #tpu.memory_space<vmem>>, vector<16xf32>,
      %get3A_665 = arith.index_cast %add3A_662 : i32 to index
      %get3A_666 = tpu.vector_load %arg8[%get3A_665] {strides = array<i32>} : memref<6400xf32, #tpu.memory_space<vmem>>, vector<16xf32>,
      %max3A_667 = arith.constant 0.000000e+00 : f32
      %max3A_668 = vector.broadcast %max3A_667 : f32 to vector<16xf32>
      %max3A_669 = arith.maximumf %get3A_666, %max3A_668 : vector<16xf32>
      %mul3A_670 = arith.mulf %max3A_669, %get3A_664 : vector<16xf32>
      %add3A_671 = arith.addf %add3A_658, %mul3A_670 : vector<16xf32>
      %mul3A_672 = arith.constant 16 : i32
      %mul3A_673 = arith.muli %scan3A_112, %mul3A_672 : i32
      %add3A_674 = arith.constant 5504 : i32
      %add3A_675 = arith.addi %add3A_674, %mul3A_673 : i32
      %get3A_676 = arith.index_cast %add3A_675 : i32 to index
      %get3A_677 = tpu.vector_load %arg10[%get3A_676] {strides = array<i32>} : memref<6400xf32, #tpu.memory_space<vmem>>, vector<16xf32>,
      %get3A_678 = arith.index_cast %add3A_675 : i32 to index
      %get3A_679 = tpu.vector_load %arg8[%get3A_678] {strides = array<i32>} : memref<6400xf32, #tpu.memory_space<vmem>>, vector<16xf32>,
      %max3A_680 = arith.constant 0.000000e+00 : f32
      %max3A_681 = vector.broadcast %max3A_680 : f32 to vector<16xf32>
      %max3A_682 = arith.maximumf %get3A_679, %max3A_681 : vector<16xf32>
      %mul3A_683 = arith.mulf %max3A_682, %get3A_677 : vector<16xf32>
      %add3A_684 = arith.addf %add3A_671, %mul3A_683 : vector<16xf32>
      %mul3A_685 = arith.constant 16 : i32
      %mul3A_686 = arith.muli %scan3A_112, %mul3A_685 : i32
      %add3A_687 = arith.constant 5632 : i32
      %add3A_688 = arith.addi %add3A_687, %mul3A_686 : i32
      %get3A_689 = arith.index_cast %add3A_688 : i32 to index
      %get3A_690 = tpu.vector_load %arg10[%get3A_689] {strides = array<i32>} : memref<6400xf32, #tpu.memory_space<vmem>>, vector<16xf32>,
      %get3A_691 = arith.index_cast %add3A_688 : i32 to index
      %get3A_692 = tpu.vector_load %arg8[%get3A_691] {strides = array<i32>} : memref<6400xf32, #tpu.memory_space<vmem>>, vector<16xf32>,
      %max3A_693 = arith.constant 0.000000e+00 : f32
      %max3A_694 = vector.broadcast %max3A_693 : f32 to vector<16xf32>
      %max3A_695 = arith.maximumf %get3A_692, %max3A_694 : vector<16xf32>
      %mul3A_696 = arith.mulf %max3A_695, %get3A_690 : vector<16xf32>
      %add3A_697 = arith.addf %add3A_684, %mul3A_696 : vector<16xf32>
      %mul3A_698 = arith.constant 16 : i32
      %mul3A_699 = arith.muli %scan3A_112, %mul3A_698 : i32
      %add3A_700 = arith.constant 5760 : i32
      %add3A_701 = arith.addi %add3A_700, %mul3A_699 : i32
      %get3A_702 = arith.index_cast %add3A_701 : i32 to index
      %get3A_703 = tpu.vector_load %arg10[%get3A_702] {strides = array<i32>} : memref<6400xf32, #tpu.memory_space<vmem>>, vector<16xf32>,
      %get3A_704 = arith.index_cast %add3A_701 : i32 to index
      %get3A_705 = tpu.vector_load %arg8[%get3A_704] {strides = array<i32>} : memref<6400xf32, #tpu.memory_space<vmem>>, vector<16xf32>,
      %max3A_706 = arith.constant 0.000000e+00 : f32
      %max3A_707 = vector.broadcast %max3A_706 : f32 to vector<16xf32>
      %max3A_708 = arith.maximumf %get3A_705, %max3A_707 : vector<16xf32>
      %mul3A_709 = arith.mulf %max3A_708, %get3A_703 : vector<16xf32>
      %add3A_710 = arith.addf %add3A_697, %mul3A_709 : vector<16xf32>
      %mul3A_711 = arith.constant 16 : i32
      %mul3A_712 = arith.muli %scan3A_112, %mul3A_711 : i32
      %add3A_713 = arith.constant 5888 : i32
      %add3A_714 = arith.addi %add3A_713, %mul3A_712 : i32
      %get3A_715 = arith.index_cast %add3A_714 : i32 to index
      %get3A_716 = tpu.vector_load %arg10[%get3A_715] {strides = array<i32>} : memref<6400xf32, #tpu.memory_space<vmem>>, vector<16xf32>,
      %get3A_717 = arith.index_cast %add3A_714 : i32 to index
      %get3A_718 = tpu.vector_load %arg8[%get3A_717] {strides = array<i32>} : memref<6400xf32, #tpu.memory_space<vmem>>, vector<16xf32>,
      %max3A_719 = arith.constant 0.000000e+00 : f32
      %max3A_720 = vector.broadcast %max3A_719 : f32 to vector<16xf32>
      %max3A_721 = arith.maximumf %get3A_718, %max3A_720 : vector<16xf32>
      %mul3A_722 = arith.mulf %max3A_721, %get3A_716 : vector<16xf32>
      %add3A_723 = arith.addf %add3A_710, %mul3A_722 : vector<16xf32>
      %mul3A_724 = arith.constant 16 : i32
      %mul3A_725 = arith.muli %scan3A_112, %mul3A_724 : i32
      %add3A_726 = arith.constant 6016 : i32
      %add3A_727 = arith.addi %add3A_726, %mul3A_725 : i32
      %get3A_728 = arith.index_cast %add3A_727 : i32 to index
      %get3A_729 = tpu.vector_load %arg10[%get3A_728] {strides = array<i32>} : memref<6400xf32, #tpu.memory_space<vmem>>, vector<16xf32>,
      %get3A_730 = arith.index_cast %add3A_727 : i32 to index
      %get3A_731 = tpu.vector_load %arg8[%get3A_730] {strides = array<i32>} : memref<6400xf32, #tpu.memory_space<vmem>>, vector<16xf32>,
      %max3A_732 = arith.constant 0.000000e+00 : f32
      %max3A_733 = vector.broadcast %max3A_732 : f32 to vector<16xf32>
      %max3A_734 = arith.maximumf %get3A_731, %max3A_733 : vector<16xf32>
      %mul3A_735 = arith.mulf %max3A_734, %get3A_729 : vector<16xf32>
      %add3A_736 = arith.addf %add3A_723, %mul3A_735 : vector<16xf32>
      %mul3A_737 = arith.constant 16 : i32
      %mul3A_738 = arith.muli %scan3A_112, %mul3A_737 : i32
      %add3A_739 = arith.constant 6144 : i32
      %add3A_740 = arith.addi %add3A_739, %mul3A_738 : i32
      %get3A_741 = arith.index_cast %add3A_740 : i32 to index
      %get3A_742 = tpu.vector_load %arg10[%get3A_741] {strides = array<i32>} : memref<6400xf32, #tpu.memory_space<vmem>>, vector<16xf32>,
      %get3A_743 = arith.index_cast %add3A_740 : i32 to index
      %get3A_744 = tpu.vector_load %arg8[%get3A_743] {strides = array<i32>} : memref<6400xf32, #tpu.memory_space<vmem>>, vector<16xf32>,
      %max3A_745 = arith.constant 0.000000e+00 : f32
      %max3A_746 = vector.broadcast %max3A_745 : f32 to vector<16xf32>
      %max3A_747 = arith.maximumf %get3A_744, %max3A_746 : vector<16xf32>
      %mul3A_748 = arith.mulf %max3A_747, %get3A_742 : vector<16xf32>
      %add3A_749 = arith.addf %add3A_736, %mul3A_748 : vector<16xf32>
      %mul3A_750 = arith.constant 16 : i32
      %mul3A_751 = arith.muli %scan3A_112, %mul3A_750 : i32
      %add3A_752 = arith.constant 6272 : i32
      %add3A_753 = arith.addi %add3A_752, %mul3A_751 : i32
      %get3A_754 = arith.index_cast %add3A_753 : i32 to index
      %get3A_755 = tpu.vector_load %arg10[%get3A_754] {strides = array<i32>} : memref<6400xf32, #tpu.memory_space<vmem>>, vector<16xf32>,
      %get3A_756 = arith.index_cast %add3A_753 : i32 to index
      %get3A_757 = tpu.vector_load %arg8[%get3A_756] {strides = array<i32>} : memref<6400xf32, #tpu.memory_space<vmem>>, vector<16xf32>,
      %max3A_758 = arith.constant 0.000000e+00 : f32
      %max3A_759 = vector.broadcast %max3A_758 : f32 to vector<16xf32>
      %max3A_760 = arith.maximumf %get3A_757, %max3A_759 : vector<16xf32>
      %mul3A_761 = arith.mulf %max3A_760, %get3A_755 : vector<16xf32>
      %add3A_762 = arith.addf %add3A_749, %mul3A_761 : vector<16xf32>
      %mul3A_763 = arith.constant 16 : i32
      %mul3A_764 = arith.muli %scan3A_112, %mul3A_763 : i32
      %add3A_765 = arith.constant 0 : i32
      %add3A_766 = arith.addi %add3A_765, %mul3A_764 : i32
      %swap3A = arith.index_cast %add3A_766 : i32 to index
      %swap3A_767 = tpu.vector_load %arg12[%swap3A] {strides = array<i32>} : memref<512xf32, #tpu.memory_space<vmem>>, vector<16xf32>,
      tpu.vector_store %arg12[%swap3A], %add3A_762 {strides = array<i32>} : memref<512xf32, #tpu.memory_space<vmem>>, vector<16xf32>,
      %scan3A_768 = arith.constant 0 : i32
      scf.yield %scan3A_768 : i32
    }
    %scan3A_46 = arith.constant 8 : i32
    %add3A_47 = arith.constant 12800 : i32
    %add3A_48 = arith.addi %mul3A_4, %add3A_47 : i32
    %dma_start3A_49 = tpu.memref_slice %arg3[%add3A_48] : memref<819200xf32, #tpu.memory_space<hbm>> -> memref<6400xf32, #tpu.memory_space<hbm>>
    %dma_start3A_50 = tpu.memref_slice %arg3[%add3A_48] : memref<819200xf32, #tpu.memory_space<hbm>> -> memref<6400xf32, #tpu.memory_space<hbm>>
    tpu.enqueue_dma source(%dma_start3A_50 : memref<6400xf32, #tpu.memory_space<hbm>>) target(%arg8 : memref<6400xf32, #tpu.memory_space<vmem>>) target_semaphore(%arg15 : memref<!tpu.dma_semaphore, #tpu.memory_space<semaphore_mem>>)
    %dma_wait3A_51 = tpu.memref_slice %arg2[%add3A_38] : memref<819200xi32, #tpu.memory_space<hbm>> -> memref<6400xi32, #tpu.memory_space<hbm>>
    %dma_wait3A_52 = tpu.memref_slice %arg2[%add3A_38] : memref<819200xi32, #tpu.memory_space<hbm>> -> memref<6400xi32, #tpu.memory_space<hbm>>
    tpu.wait_dma2 semaphore(%arg13 : memref<!tpu.dma_semaphore, #tpu.memory_space<semaphore_mem>>) src(%dma_wait3A_52 : memref<6400xi32, #tpu.memory_space<hbm>>) dst(%arg6 : memref<6400xi32, #tpu.memory_space<vmem>>)
    %dma_start3A_53 = arith.constant 0 : i32
    %dma_start3A_54 = tpu.memref_slice %arg6[%dma_start3A_53] : memref<6400xi32, #tpu.memory_space<vmem>> -> memref<6400xi32, #tpu.memory_space<vmem>>
    %dma_start3A_55 = arith.constant 0 : i32
    %dma_start3A_56 = tpu.memref_slice %arg4[%dma_start3A_55] : memref<1000000xf32, #tpu.memory_space<hbm>> -> memref<1000000xf32, #tpu.memory_space<hbm>>
    tpu.enqueue_indirect_dma source(%dma_start3A_56 : memref<1000000xf32, #tpu.memory_space<hbm>>) target(%arg10 : memref<6400xf32, #tpu.memory_space<vmem>>) offsets(%dma_start3A_54 : memref<6400xi32, #tpu.memory_space<vmem>>) semaphore(%arg17 : memref<!tpu.dma_semaphore, #tpu.memory_space<semaphore_mem>>)
    %dma_wait3A_57 = tpu.memref_slice %arg3[%add3A_22] : memref<819200xf32, #tpu.memory_space<hbm>> -> memref<6400xf32, #tpu.memory_space<hbm>>
    %dma_wait3A_58 = tpu.memref_slice %arg3[%add3A_22] : memref<819200xf32, #tpu.memory_space<hbm>> -> memref<6400xf32, #tpu.memory_space<hbm>>
    tpu.wait_dma2 semaphore(%arg16 : memref<!tpu.dma_semaphore, #tpu.memory_space<semaphore_mem>>) src(%dma_wait3A_58 : memref<6400xf32, #tpu.memory_space<hbm>>) dst(%arg9 : memref<6400xf32, #tpu.memory_space<vmem>>)
    %dma_wait3A_59 = arith.constant 0 : i32
    %dma_wait3A_60 = tpu.memref_slice %arg7[%dma_wait3A_59] : memref<6400xi32, #tpu.memory_space<vmem>> -> memref<6400xi32, #tpu.memory_space<vmem>>
    %dma_wait3A_61 = arith.constant 0 : i32
    %dma_wait3A_62 = tpu.memref_slice %arg4[%dma_wait3A_61] : memref<1000000xf32, #tpu.memory_space<hbm>> -> memref<1000000xf32, #tpu.memory_space<hbm>>
    tpu.wait_indirect_dma semaphore(%arg18 : memref<!tpu.dma_semaphore, #tpu.memory_space<semaphore_mem>>) src(%dma_wait3A_62 : memref<1000000xf32, #tpu.memory_space<hbm>>) dst(%arg11 : memref<6400xf32, #tpu.memory_space<vmem>>)
    %add3A_63 = arith.constant 19200 : i32
    %add3A_64 = arith.addi %mul3A_4, %add3A_63 : i32
    %dma_start3A_65 = tpu.memref_slice %arg2[%add3A_64] : memref<819200xi32, #tpu.memory_space<hbm>> -> memref<6400xi32, #tpu.memory_space<hbm>>
    %dma_start3A_66 = tpu.memref_slice %arg2[%add3A_64] : memref<819200xi32, #tpu.memory_space<hbm>> -> memref<6400xi32, #tpu.memory_space<hbm>>
    tpu.enqueue_dma source(%dma_start3A_66 : memref<6400xi32, #tpu.memory_space<hbm>>) target(%arg7 : memref<6400xi32, #tpu.memory_space<vmem>>) target_semaphore(%arg14 : memref<!tpu.dma_semaphore, #tpu.memory_space<semaphore_mem>>)
    %scan3A_67 = arith.constant 0 : i32
    %scan3A_68 = arith.constant 0 : i32
    %scan3A_69 = arith.constant 8 : i32
    %scan3A_70 = arith.addi %scan3A_68, %scan3A_69 : i32
    %scan3A_71 = arith.constant 1 : i32
    %scan3A_72 = scf.for %scan3A_112 = %scan3A_68 to %scan3A_70 step %scan3A_71 iter_args(%scan3A_113 = %scan3A_67) -> (i32)  : i32 {
      %broadcast_in_dim3A = arith.constant 0.000000e+00 : f32
      %broadcast_in_dim3A_114 = vector.broadcast %broadcast_in_dim3A : f32 to vector<16xf32>
      %mul3A_115 = arith.constant 16 : i32
      %mul3A_116 = arith.muli %scan3A_112, %mul3A_115 : i32
      %add3A_117 = arith.constant 0 : i32
      %add3A_118 = arith.addi %add3A_117, %mul3A_116 : i32
      %get3A = arith.index_cast %add3A_118 : i32 to index
      %get3A_119 = tpu.vector_load %arg11[%get3A] {strides = array<i32>} : memref<6400xf32, #tpu.memory_space<vmem>>, vector<16xf32>,
      %get3A_120 = arith.index_cast %add3A_118 : i32 to index
      %get3A_121 = tpu.vector_load %arg9[%get3A_120] {strides = array<i32>} : memref<6400xf32, #tpu.memory_space<vmem>>, vector<16xf32>,
      %max3A = arith.constant 0.000000e+00 : f32
      %max3A_122 = vector.broadcast %max3A : f32 to vector<16xf32>
      %max3A_123 = arith.maximumf %get3A_121, %max3A_122 : vector<16xf32>
      %mul3A_124 = arith.mulf %max3A_123, %get3A_119 : vector<16xf32>
      %add3A_125 = arith.addf %broadcast_in_dim3A_114, %mul3A_124 : vector<16xf32>
      %mul3A_126 = arith.constant 16 : i32
      %mul3A_127 = arith.muli %scan3A_112, %mul3A_126 : i32
      %add3A_128 = arith.constant 128 : i32
      %add3A_129 = arith.addi %add3A_128, %mul3A_127 : i32
      %get3A_130 = arith.index_cast %add3A_129 : i32 to index
      %get3A_131 = tpu.vector_load %arg11[%get3A_130] {strides = array<i32>} : memref<6400xf32, #tpu.memory_space<vmem>>, vector<16xf32>,
      %get3A_132 = arith.index_cast %add3A_129 : i32 to index
      %get3A_133 = tpu.vector_load %arg9[%get3A_132] {strides = array<i32>} : memref<6400xf32, #tpu.memory_space<vmem>>, vector<16xf32>,
      %max3A_134 = arith.constant 0.000000e+00 : f32
      %max3A_135 = vector.broadcast %max3A_134 : f32 to vector<16xf32>
      %max3A_136 = arith.maximumf %get3A_133, %max3A_135 : vector<16xf32>
      %mul3A_137 = arith.mulf %max3A_136, %get3A_131 : vector<16xf32>
      %add3A_138 = arith.addf %add3A_125, %mul3A_137 : vector<16xf32>
      %mul3A_139 = arith.constant 16 : i32
      %mul3A_140 = arith.muli %scan3A_112, %mul3A_139 : i32
      %add3A_141 = arith.constant 256 : i32
      %add3A_142 = arith.addi %add3A_141, %mul3A_140 : i32
      %get3A_143 = arith.index_cast %add3A_142 : i32 to index
      %get3A_144 = tpu.vector_load %arg11[%get3A_143] {strides = array<i32>} : memref<6400xf32, #tpu.memory_space<vmem>>, vector<16xf32>,
      %get3A_145 = arith.index_cast %add3A_142 : i32 to index
      %get3A_146 = tpu.vector_load %arg9[%get3A_145] {strides = array<i32>} : memref<6400xf32, #tpu.memory_space<vmem>>, vector<16xf32>,
      %max3A_147 = arith.constant 0.000000e+00 : f32
      %max3A_148 = vector.broadcast %max3A_147 : f32 to vector<16xf32>
      %max3A_149 = arith.maximumf %get3A_146, %max3A_148 : vector<16xf32>
      %mul3A_150 = arith.mulf %max3A_149, %get3A_144 : vector<16xf32>
      %add3A_151 = arith.addf %add3A_138, %mul3A_150 : vector<16xf32>
      %mul3A_152 = arith.constant 16 : i32
      %mul3A_153 = arith.muli %scan3A_112, %mul3A_152 : i32
      %add3A_154 = arith.constant 384 : i32
      %add3A_155 = arith.addi %add3A_154, %mul3A_153 : i32
      %get3A_156 = arith.index_cast %add3A_155 : i32 to index
      %get3A_157 = tpu.vector_load %arg11[%get3A_156] {strides = array<i32>} : memref<6400xf32, #tpu.memory_space<vmem>>, vector<16xf32>,
      %get3A_158 = arith.index_cast %add3A_155 : i32 to index
      %get3A_159 = tpu.vector_load %arg9[%get3A_158] {strides = array<i32>} : memref<6400xf32, #tpu.memory_space<vmem>>, vector<16xf32>,
      %max3A_160 = arith.constant 0.000000e+00 : f32
      %max3A_161 = vector.broadcast %max3A_160 : f32 to vector<16xf32>
      %max3A_162 = arith.maximumf %get3A_159, %max3A_161 : vector<16xf32>
      %mul3A_163 = arith.mulf %max3A_162, %get3A_157 : vector<16xf32>
      %add3A_164 = arith.addf %add3A_151, %mul3A_163 : vector<16xf32>
      %mul3A_165 = arith.constant 16 : i32
      %mul3A_166 = arith.muli %scan3A_112, %mul3A_165 : i32
      %add3A_167 = arith.constant 512 : i32
      %add3A_168 = arith.addi %add3A_167, %mul3A_166 : i32
      %get3A_169 = arith.index_cast %add3A_168 : i32 to index
      %get3A_170 = tpu.vector_load %arg11[%get3A_169] {strides = array<i32>} : memref<6400xf32, #tpu.memory_space<vmem>>, vector<16xf32>,
      %get3A_171 = arith.index_cast %add3A_168 : i32 to index
      %get3A_172 = tpu.vector_load %arg9[%get3A_171] {strides = array<i32>} : memref<6400xf32, #tpu.memory_space<vmem>>, vector<16xf32>,
      %max3A_173 = arith.constant 0.000000e+00 : f32
      %max3A_174 = vector.broadcast %max3A_173 : f32 to vector<16xf32>
      %max3A_175 = arith.maximumf %get3A_172, %max3A_174 : vector<16xf32>
      %mul3A_176 = arith.mulf %max3A_175, %get3A_170 : vector<16xf32>
      %add3A_177 = arith.addf %add3A_164, %mul3A_176 : vector<16xf32>
      %mul3A_178 = arith.constant 16 : i32
      %mul3A_179 = arith.muli %scan3A_112, %mul3A_178 : i32
      %add3A_180 = arith.constant 640 : i32
      %add3A_181 = arith.addi %add3A_180, %mul3A_179 : i32
      %get3A_182 = arith.index_cast %add3A_181 : i32 to index
      %get3A_183 = tpu.vector_load %arg11[%get3A_182] {strides = array<i32>} : memref<6400xf32, #tpu.memory_space<vmem>>, vector<16xf32>,
      %get3A_184 = arith.index_cast %add3A_181 : i32 to index
      %get3A_185 = tpu.vector_load %arg9[%get3A_184] {strides = array<i32>} : memref<6400xf32, #tpu.memory_space<vmem>>, vector<16xf32>,
      %max3A_186 = arith.constant 0.000000e+00 : f32
      %max3A_187 = vector.broadcast %max3A_186 : f32 to vector<16xf32>
      %max3A_188 = arith.maximumf %get3A_185, %max3A_187 : vector<16xf32>
      %mul3A_189 = arith.mulf %max3A_188, %get3A_183 : vector<16xf32>
      %add3A_190 = arith.addf %add3A_177, %mul3A_189 : vector<16xf32>
      %mul3A_191 = arith.constant 16 : i32
      %mul3A_192 = arith.muli %scan3A_112, %mul3A_191 : i32
      %add3A_193 = arith.constant 768 : i32
      %add3A_194 = arith.addi %add3A_193, %mul3A_192 : i32
      %get3A_195 = arith.index_cast %add3A_194 : i32 to index
      %get3A_196 = tpu.vector_load %arg11[%get3A_195] {strides = array<i32>} : memref<6400xf32, #tpu.memory_space<vmem>>, vector<16xf32>,
      %get3A_197 = arith.index_cast %add3A_194 : i32 to index
      %get3A_198 = tpu.vector_load %arg9[%get3A_197] {strides = array<i32>} : memref<6400xf32, #tpu.memory_space<vmem>>, vector<16xf32>,
      %max3A_199 = arith.constant 0.000000e+00 : f32
      %max3A_200 = vector.broadcast %max3A_199 : f32 to vector<16xf32>
      %max3A_201 = arith.maximumf %get3A_198, %max3A_200 : vector<16xf32>
      %mul3A_202 = arith.mulf %max3A_201, %get3A_196 : vector<16xf32>
      %add3A_203 = arith.addf %add3A_190, %mul3A_202 : vector<16xf32>
      %mul3A_204 = arith.constant 16 : i32
      %mul3A_205 = arith.muli %scan3A_112, %mul3A_204 : i32
      %add3A_206 = arith.constant 896 : i32
      %add3A_207 = arith.addi %add3A_206, %mul3A_205 : i32
      %get3A_208 = arith.index_cast %add3A_207 : i32 to index
      %get3A_209 = tpu.vector_load %arg11[%get3A_208] {strides = array<i32>} : memref<6400xf32, #tpu.memory_space<vmem>>, vector<16xf32>,
      %get3A_210 = arith.index_cast %add3A_207 : i32 to index
      %get3A_211 = tpu.vector_load %arg9[%get3A_210] {strides = array<i32>} : memref<6400xf32, #tpu.memory_space<vmem>>, vector<16xf32>,
      %max3A_212 = arith.constant 0.000000e+00 : f32
      %max3A_213 = vector.broadcast %max3A_212 : f32 to vector<16xf32>
      %max3A_214 = arith.maximumf %get3A_211, %max3A_213 : vector<16xf32>
      %mul3A_215 = arith.mulf %max3A_214, %get3A_209 : vector<16xf32>
      %add3A_216 = arith.addf %add3A_203, %mul3A_215 : vector<16xf32>
      %mul3A_217 = arith.constant 16 : i32
      %mul3A_218 = arith.muli %scan3A_112, %mul3A_217 : i32
      %add3A_219 = arith.constant 1024 : i32
      %add3A_220 = arith.addi %add3A_219, %mul3A_218 : i32
      %get3A_221 = arith.index_cast %add3A_220 : i32 to index
      %get3A_222 = tpu.vector_load %arg11[%get3A_221] {strides = array<i32>} : memref<6400xf32, #tpu.memory_space<vmem>>, vector<16xf32>,
      %get3A_223 = arith.index_cast %add3A_220 : i32 to index
      %get3A_224 = tpu.vector_load %arg9[%get3A_223] {strides = array<i32>} : memref<6400xf32, #tpu.memory_space<vmem>>, vector<16xf32>,
      %max3A_225 = arith.constant 0.000000e+00 : f32
      %max3A_226 = vector.broadcast %max3A_225 : f32 to vector<16xf32>
      %max3A_227 = arith.maximumf %get3A_224, %max3A_226 : vector<16xf32>
      %mul3A_228 = arith.mulf %max3A_227, %get3A_222 : vector<16xf32>
      %add3A_229 = arith.addf %add3A_216, %mul3A_228 : vector<16xf32>
      %mul3A_230 = arith.constant 16 : i32
      %mul3A_231 = arith.muli %scan3A_112, %mul3A_230 : i32
      %add3A_232 = arith.constant 1152 : i32
      %add3A_233 = arith.addi %add3A_232, %mul3A_231 : i32
      %get3A_234 = arith.index_cast %add3A_233 : i32 to index
      %get3A_235 = tpu.vector_load %arg11[%get3A_234] {strides = array<i32>} : memref<6400xf32, #tpu.memory_space<vmem>>, vector<16xf32>,
      %get3A_236 = arith.index_cast %add3A_233 : i32 to index
      %get3A_237 = tpu.vector_load %arg9[%get3A_236] {strides = array<i32>} : memref<6400xf32, #tpu.memory_space<vmem>>, vector<16xf32>,
      %max3A_238 = arith.constant 0.000000e+00 : f32
      %max3A_239 = vector.broadcast %max3A_238 : f32 to vector<16xf32>
      %max3A_240 = arith.maximumf %get3A_237, %max3A_239 : vector<16xf32>
      %mul3A_241 = arith.mulf %max3A_240, %get3A_235 : vector<16xf32>
      %add3A_242 = arith.addf %add3A_229, %mul3A_241 : vector<16xf32>
      %mul3A_243 = arith.constant 16 : i32
      %mul3A_244 = arith.muli %scan3A_112, %mul3A_243 : i32
      %add3A_245 = arith.constant 1280 : i32
      %add3A_246 = arith.addi %add3A_245, %mul3A_244 : i32
      %get3A_247 = arith.index_cast %add3A_246 : i32 to index
      %get3A_248 = tpu.vector_load %arg11[%get3A_247] {strides = array<i32>} : memref<6400xf32, #tpu.memory_space<vmem>>, vector<16xf32>,
      %get3A_249 = arith.index_cast %add3A_246 : i32 to index
      %get3A_250 = tpu.vector_load %arg9[%get3A_249] {strides = array<i32>} : memref<6400xf32, #tpu.memory_space<vmem>>, vector<16xf32>,
      %max3A_251 = arith.constant 0.000000e+00 : f32
      %max3A_252 = vector.broadcast %max3A_251 : f32 to vector<16xf32>
      %max3A_253 = arith.maximumf %get3A_250, %max3A_252 : vector<16xf32>
      %mul3A_254 = arith.mulf %max3A_253, %get3A_248 : vector<16xf32>
      %add3A_255 = arith.addf %add3A_242, %mul3A_254 : vector<16xf32>
      %mul3A_256 = arith.constant 16 : i32
      %mul3A_257 = arith.muli %scan3A_112, %mul3A_256 : i32
      %add3A_258 = arith.constant 1408 : i32
      %add3A_259 = arith.addi %add3A_258, %mul3A_257 : i32
      %get3A_260 = arith.index_cast %add3A_259 : i32 to index
      %get3A_261 = tpu.vector_load %arg11[%get3A_260] {strides = array<i32>} : memref<6400xf32, #tpu.memory_space<vmem>>, vector<16xf32>,
      %get3A_262 = arith.index_cast %add3A_259 : i32 to index
      %get3A_263 = tpu.vector_load %arg9[%get3A_262] {strides = array<i32>} : memref<6400xf32, #tpu.memory_space<vmem>>, vector<16xf32>,
      %max3A_264 = arith.constant 0.000000e+00 : f32
      %max3A_265 = vector.broadcast %max3A_264 : f32 to vector<16xf32>
      %max3A_266 = arith.maximumf %get3A_263, %max3A_265 : vector<16xf32>
      %mul3A_267 = arith.mulf %max3A_266, %get3A_261 : vector<16xf32>
      %add3A_268 = arith.addf %add3A_255, %mul3A_267 : vector<16xf32>
      %mul3A_269 = arith.constant 16 : i32
      %mul3A_270 = arith.muli %scan3A_112, %mul3A_269 : i32
      %add3A_271 = arith.constant 1536 : i32
      %add3A_272 = arith.addi %add3A_271, %mul3A_270 : i32
      %get3A_273 = arith.index_cast %add3A_272 : i32 to index
      %get3A_274 = tpu.vector_load %arg11[%get3A_273] {strides = array<i32>} : memref<6400xf32, #tpu.memory_space<vmem>>, vector<16xf32>,
      %get3A_275 = arith.index_cast %add3A_272 : i32 to index
      %get3A_276 = tpu.vector_load %arg9[%get3A_275] {strides = array<i32>} : memref<6400xf32, #tpu.memory_space<vmem>>, vector<16xf32>,
      %max3A_277 = arith.constant 0.000000e+00 : f32
      %max3A_278 = vector.broadcast %max3A_277 : f32 to vector<16xf32>
      %max3A_279 = arith.maximumf %get3A_276, %max3A_278 : vector<16xf32>
      %mul3A_280 = arith.mulf %max3A_279, %get3A_274 : vector<16xf32>
      %add3A_281 = arith.addf %add3A_268, %mul3A_280 : vector<16xf32>
      %mul3A_282 = arith.constant 16 : i32
      %mul3A_283 = arith.muli %scan3A_112, %mul3A_282 : i32
      %add3A_284 = arith.constant 1664 : i32
      %add3A_285 = arith.addi %add3A_284, %mul3A_283 : i32
      %get3A_286 = arith.index_cast %add3A_285 : i32 to index
      %get3A_287 = tpu.vector_load %arg11[%get3A_286] {strides = array<i32>} : memref<6400xf32, #tpu.memory_space<vmem>>, vector<16xf32>,
      %get3A_288 = arith.index_cast %add3A_285 : i32 to index
      %get3A_289 = tpu.vector_load %arg9[%get3A_288] {strides = array<i32>} : memref<6400xf32, #tpu.memory_space<vmem>>, vector<16xf32>,
      %max3A_290 = arith.constant 0.000000e+00 : f32
      %max3A_291 = vector.broadcast %max3A_290 : f32 to vector<16xf32>
      %max3A_292 = arith.maximumf %get3A_289, %max3A_291 : vector<16xf32>
      %mul3A_293 = arith.mulf %max3A_292, %get3A_287 : vector<16xf32>
      %add3A_294 = arith.addf %add3A_281, %mul3A_293 : vector<16xf32>
      %mul3A_295 = arith.constant 16 : i32
      %mul3A_296 = arith.muli %scan3A_112, %mul3A_295 : i32
      %add3A_297 = arith.constant 1792 : i32
      %add3A_298 = arith.addi %add3A_297, %mul3A_296 : i32
      %get3A_299 = arith.index_cast %add3A_298 : i32 to index
      %get3A_300 = tpu.vector_load %arg11[%get3A_299] {strides = array<i32>} : memref<6400xf32, #tpu.memory_space<vmem>>, vector<16xf32>,
      %get3A_301 = arith.index_cast %add3A_298 : i32 to index
      %get3A_302 = tpu.vector_load %arg9[%get3A_301] {strides = array<i32>} : memref<6400xf32, #tpu.memory_space<vmem>>, vector<16xf32>,
      %max3A_303 = arith.constant 0.000000e+00 : f32
      %max3A_304 = vector.broadcast %max3A_303 : f32 to vector<16xf32>
      %max3A_305 = arith.maximumf %get3A_302, %max3A_304 : vector<16xf32>
      %mul3A_306 = arith.mulf %max3A_305, %get3A_300 : vector<16xf32>
      %add3A_307 = arith.addf %add3A_294, %mul3A_306 : vector<16xf32>
      %mul3A_308 = arith.constant 16 : i32
      %mul3A_309 = arith.muli %scan3A_112, %mul3A_308 : i32
      %add3A_310 = arith.constant 1920 : i32
      %add3A_311 = arith.addi %add3A_310, %mul3A_309 : i32
      %get3A_312 = arith.index_cast %add3A_311 : i32 to index
      %get3A_313 = tpu.vector_load %arg11[%get3A_312] {strides = array<i32>} : memref<6400xf32, #tpu.memory_space<vmem>>, vector<16xf32>,
      %get3A_314 = arith.index_cast %add3A_311 : i32 to index
      %get3A_315 = tpu.vector_load %arg9[%get3A_314] {strides = array<i32>} : memref<6400xf32, #tpu.memory_space<vmem>>, vector<16xf32>,
      %max3A_316 = arith.constant 0.000000e+00 : f32
      %max3A_317 = vector.broadcast %max3A_316 : f32 to vector<16xf32>
      %max3A_318 = arith.maximumf %get3A_315, %max3A_317 : vector<16xf32>
      %mul3A_319 = arith.mulf %max3A_318, %get3A_313 : vector<16xf32>
      %add3A_320 = arith.addf %add3A_307, %mul3A_319 : vector<16xf32>
      %mul3A_321 = arith.constant 16 : i32
      %mul3A_322 = arith.muli %scan3A_112, %mul3A_321 : i32
      %add3A_323 = arith.constant 2048 : i32
      %add3A_324 = arith.addi %add3A_323, %mul3A_322 : i32
      %get3A_325 = arith.index_cast %add3A_324 : i32 to index
      %get3A_326 = tpu.vector_load %arg11[%get3A_325] {strides = array<i32>} : memref<6400xf32, #tpu.memory_space<vmem>>, vector<16xf32>,
      %get3A_327 = arith.index_cast %add3A_324 : i32 to index
      %get3A_328 = tpu.vector_load %arg9[%get3A_327] {strides = array<i32>} : memref<6400xf32, #tpu.memory_space<vmem>>, vector<16xf32>,
      %max3A_329 = arith.constant 0.000000e+00 : f32
      %max3A_330 = vector.broadcast %max3A_329 : f32 to vector<16xf32>
      %max3A_331 = arith.maximumf %get3A_328, %max3A_330 : vector<16xf32>
      %mul3A_332 = arith.mulf %max3A_331, %get3A_326 : vector<16xf32>
      %add3A_333 = arith.addf %add3A_320, %mul3A_332 : vector<16xf32>
      %mul3A_334 = arith.constant 16 : i32
      %mul3A_335 = arith.muli %scan3A_112, %mul3A_334 : i32
      %add3A_336 = arith.constant 2176 : i32
      %add3A_337 = arith.addi %add3A_336, %mul3A_335 : i32
      %get3A_338 = arith.index_cast %add3A_337 : i32 to index
      %get3A_339 = tpu.vector_load %arg11[%get3A_338] {strides = array<i32>} : memref<6400xf32, #tpu.memory_space<vmem>>, vector<16xf32>,
      %get3A_340 = arith.index_cast %add3A_337 : i32 to index
      %get3A_341 = tpu.vector_load %arg9[%get3A_340] {strides = array<i32>} : memref<6400xf32, #tpu.memory_space<vmem>>, vector<16xf32>,
      %max3A_342 = arith.constant 0.000000e+00 : f32
      %max3A_343 = vector.broadcast %max3A_342 : f32 to vector<16xf32>
      %max3A_344 = arith.maximumf %get3A_341, %max3A_343 : vector<16xf32>
      %mul3A_345 = arith.mulf %max3A_344, %get3A_339 : vector<16xf32>
      %add3A_346 = arith.addf %add3A_333, %mul3A_345 : vector<16xf32>
      %mul3A_347 = arith.constant 16 : i32
      %mul3A_348 = arith.muli %scan3A_112, %mul3A_347 : i32
      %add3A_349 = arith.constant 2304 : i32
      %add3A_350 = arith.addi %add3A_349, %mul3A_348 : i32
      %get3A_351 = arith.index_cast %add3A_350 : i32 to index
      %get3A_352 = tpu.vector_load %arg11[%get3A_351] {strides = array<i32>} : memref<6400xf32, #tpu.memory_space<vmem>>, vector<16xf32>,
      %get3A_353 = arith.index_cast %add3A_350 : i32 to index
      %get3A_354 = tpu.vector_load %arg9[%get3A_353] {strides = array<i32>} : memref<6400xf32, #tpu.memory_space<vmem>>, vector<16xf32>,
      %max3A_355 = arith.constant 0.000000e+00 : f32
      %max3A_356 = vector.broadcast %max3A_355 : f32 to vector<16xf32>
      %max3A_357 = arith.maximumf %get3A_354, %max3A_356 : vector<16xf32>
      %mul3A_358 = arith.mulf %max3A_357, %get3A_352 : vector<16xf32>
      %add3A_359 = arith.addf %add3A_346, %mul3A_358 : vector<16xf32>
      %mul3A_360 = arith.constant 16 : i32
      %mul3A_361 = arith.muli %scan3A_112, %mul3A_360 : i32
      %add3A_362 = arith.constant 2432 : i32
      %add3A_363 = arith.addi %add3A_362, %mul3A_361 : i32
      %get3A_364 = arith.index_cast %add3A_363 : i32 to index
      %get3A_365 = tpu.vector_load %arg11[%get3A_364] {strides = array<i32>} : memref<6400xf32, #tpu.memory_space<vmem>>, vector<16xf32>,
      %get3A_366 = arith.index_cast %add3A_363 : i32 to index
      %get3A_367 = tpu.vector_load %arg9[%get3A_366] {strides = array<i32>} : memref<6400xf32, #tpu.memory_space<vmem>>, vector<16xf32>,
      %max3A_368 = arith.constant 0.000000e+00 : f32
      %max3A_369 = vector.broadcast %max3A_368 : f32 to vector<16xf32>
      %max3A_370 = arith.maximumf %get3A_367, %max3A_369 : vector<16xf32>
      %mul3A_371 = arith.mulf %max3A_370, %get3A_365 : vector<16xf32>
      %add3A_372 = arith.addf %add3A_359, %mul3A_371 : vector<16xf32>
      %mul3A_373 = arith.constant 16 : i32
      %mul3A_374 = arith.muli %scan3A_112, %mul3A_373 : i32
      %add3A_375 = arith.constant 2560 : i32
      %add3A_376 = arith.addi %add3A_375, %mul3A_374 : i32
      %get3A_377 = arith.index_cast %add3A_376 : i32 to index
      %get3A_378 = tpu.vector_load %arg11[%get3A_377] {strides = array<i32>} : memref<6400xf32, #tpu.memory_space<vmem>>, vector<16xf32>,
      %get3A_379 = arith.index_cast %add3A_376 : i32 to index
      %get3A_380 = tpu.vector_load %arg9[%get3A_379] {strides = array<i32>} : memref<6400xf32, #tpu.memory_space<vmem>>, vector<16xf32>,
      %max3A_381 = arith.constant 0.000000e+00 : f32
      %max3A_382 = vector.broadcast %max3A_381 : f32 to vector<16xf32>
      %max3A_383 = arith.maximumf %get3A_380, %max3A_382 : vector<16xf32>
      %mul3A_384 = arith.mulf %max3A_383, %get3A_378 : vector<16xf32>
      %add3A_385 = arith.addf %add3A_372, %mul3A_384 : vector<16xf32>
      %mul3A_386 = arith.constant 16 : i32
      %mul3A_387 = arith.muli %scan3A_112, %mul3A_386 : i32
      %add3A_388 = arith.constant 2688 : i32
      %add3A_389 = arith.addi %add3A_388, %mul3A_387 : i32
      %get3A_390 = arith.index_cast %add3A_389 : i32 to index
      %get3A_391 = tpu.vector_load %arg11[%get3A_390] {strides = array<i32>} : memref<6400xf32, #tpu.memory_space<vmem>>, vector<16xf32>,
      %get3A_392 = arith.index_cast %add3A_389 : i32 to index
      %get3A_393 = tpu.vector_load %arg9[%get3A_392] {strides = array<i32>} : memref<6400xf32, #tpu.memory_space<vmem>>, vector<16xf32>,
      %max3A_394 = arith.constant 0.000000e+00 : f32
      %max3A_395 = vector.broadcast %max3A_394 : f32 to vector<16xf32>
      %max3A_396 = arith.maximumf %get3A_393, %max3A_395 : vector<16xf32>
      %mul3A_397 = arith.mulf %max3A_396, %get3A_391 : vector<16xf32>
      %add3A_398 = arith.addf %add3A_385, %mul3A_397 : vector<16xf32>
      %mul3A_399 = arith.constant 16 : i32
      %mul3A_400 = arith.muli %scan3A_112, %mul3A_399 : i32
      %add3A_401 = arith.constant 2816 : i32
      %add3A_402 = arith.addi %add3A_401, %mul3A_400 : i32
      %get3A_403 = arith.index_cast %add3A_402 : i32 to index
      %get3A_404 = tpu.vector_load %arg11[%get3A_403] {strides = array<i32>} : memref<6400xf32, #tpu.memory_space<vmem>>, vector<16xf32>,
      %get3A_405 = arith.index_cast %add3A_402 : i32 to index
      %get3A_406 = tpu.vector_load %arg9[%get3A_405] {strides = array<i32>} : memref<6400xf32, #tpu.memory_space<vmem>>, vector<16xf32>,
      %max3A_407 = arith.constant 0.000000e+00 : f32
      %max3A_408 = vector.broadcast %max3A_407 : f32 to vector<16xf32>
      %max3A_409 = arith.maximumf %get3A_406, %max3A_408 : vector<16xf32>
      %mul3A_410 = arith.mulf %max3A_409, %get3A_404 : vector<16xf32>
      %add3A_411 = arith.addf %add3A_398, %mul3A_410 : vector<16xf32>
      %mul3A_412 = arith.constant 16 : i32
      %mul3A_413 = arith.muli %scan3A_112, %mul3A_412 : i32
      %add3A_414 = arith.constant 2944 : i32
      %add3A_415 = arith.addi %add3A_414, %mul3A_413 : i32
      %get3A_416 = arith.index_cast %add3A_415 : i32 to index
      %get3A_417 = tpu.vector_load %arg11[%get3A_416] {strides = array<i32>} : memref<6400xf32, #tpu.memory_space<vmem>>, vector<16xf32>,
      %get3A_418 = arith.index_cast %add3A_415 : i32 to index
      %get3A_419 = tpu.vector_load %arg9[%get3A_418] {strides = array<i32>} : memref<6400xf32, #tpu.memory_space<vmem>>, vector<16xf32>,
      %max3A_420 = arith.constant 0.000000e+00 : f32
      %max3A_421 = vector.broadcast %max3A_420 : f32 to vector<16xf32>
      %max3A_422 = arith.maximumf %get3A_419, %max3A_421 : vector<16xf32>
      %mul3A_423 = arith.mulf %max3A_422, %get3A_417 : vector<16xf32>
      %add3A_424 = arith.addf %add3A_411, %mul3A_423 : vector<16xf32>
      %mul3A_425 = arith.constant 16 : i32
      %mul3A_426 = arith.muli %scan3A_112, %mul3A_425 : i32
      %add3A_427 = arith.constant 3072 : i32
      %add3A_428 = arith.addi %add3A_427, %mul3A_426 : i32
      %get3A_429 = arith.index_cast %add3A_428 : i32 to index
      %get3A_430 = tpu.vector_load %arg11[%get3A_429] {strides = array<i32>} : memref<6400xf32, #tpu.memory_space<vmem>>, vector<16xf32>,
      %get3A_431 = arith.index_cast %add3A_428 : i32 to index
      %get3A_432 = tpu.vector_load %arg9[%get3A_431] {strides = array<i32>} : memref<6400xf32, #tpu.memory_space<vmem>>, vector<16xf32>,
      %max3A_433 = arith.constant 0.000000e+00 : f32
      %max3A_434 = vector.broadcast %max3A_433 : f32 to vector<16xf32>
      %max3A_435 = arith.maximumf %get3A_432, %max3A_434 : vector<16xf32>
      %mul3A_436 = arith.mulf %max3A_435, %get3A_430 : vector<16xf32>
      %add3A_437 = arith.addf %add3A_424, %mul3A_436 : vector<16xf32>
      %mul3A_438 = arith.constant 16 : i32
      %mul3A_439 = arith.muli %scan3A_112, %mul3A_438 : i32
      %add3A_440 = arith.constant 3200 : i32
      %add3A_441 = arith.addi %add3A_440, %mul3A_439 : i32
      %get3A_442 = arith.index_cast %add3A_441 : i32 to index
      %get3A_443 = tpu.vector_load %arg11[%get3A_442] {strides = array<i32>} : memref<6400xf32, #tpu.memory_space<vmem>>, vector<16xf32>,
      %get3A_444 = arith.index_cast %add3A_441 : i32 to index
      %get3A_445 = tpu.vector_load %arg9[%get3A_444] {strides = array<i32>} : memref<6400xf32, #tpu.memory_space<vmem>>, vector<16xf32>,
      %max3A_446 = arith.constant 0.000000e+00 : f32
      %max3A_447 = vector.broadcast %max3A_446 : f32 to vector<16xf32>
      %max3A_448 = arith.maximumf %get3A_445, %max3A_447 : vector<16xf32>
      %mul3A_449 = arith.mulf %max3A_448, %get3A_443 : vector<16xf32>
      %add3A_450 = arith.addf %add3A_437, %mul3A_449 : vector<16xf32>
      %mul3A_451 = arith.constant 16 : i32
      %mul3A_452 = arith.muli %scan3A_112, %mul3A_451 : i32
      %add3A_453 = arith.constant 3328 : i32
      %add3A_454 = arith.addi %add3A_453, %mul3A_452 : i32
      %get3A_455 = arith.index_cast %add3A_454 : i32 to index
      %get3A_456 = tpu.vector_load %arg11[%get3A_455] {strides = array<i32>} : memref<6400xf32, #tpu.memory_space<vmem>>, vector<16xf32>,
      %get3A_457 = arith.index_cast %add3A_454 : i32 to index
      %get3A_458 = tpu.vector_load %arg9[%get3A_457] {strides = array<i32>} : memref<6400xf32, #tpu.memory_space<vmem>>, vector<16xf32>,
      %max3A_459 = arith.constant 0.000000e+00 : f32
      %max3A_460 = vector.broadcast %max3A_459 : f32 to vector<16xf32>
      %max3A_461 = arith.maximumf %get3A_458, %max3A_460 : vector<16xf32>
      %mul3A_462 = arith.mulf %max3A_461, %get3A_456 : vector<16xf32>
      %add3A_463 = arith.addf %add3A_450, %mul3A_462 : vector<16xf32>
      %mul3A_464 = arith.constant 16 : i32
      %mul3A_465 = arith.muli %scan3A_112, %mul3A_464 : i32
      %add3A_466 = arith.constant 3456 : i32
      %add3A_467 = arith.addi %add3A_466, %mul3A_465 : i32
      %get3A_468 = arith.index_cast %add3A_467 : i32 to index
      %get3A_469 = tpu.vector_load %arg11[%get3A_468] {strides = array<i32>} : memref<6400xf32, #tpu.memory_space<vmem>>, vector<16xf32>,
      %get3A_470 = arith.index_cast %add3A_467 : i32 to index
      %get3A_471 = tpu.vector_load %arg9[%get3A_470] {strides = array<i32>} : memref<6400xf32, #tpu.memory_space<vmem>>, vector<16xf32>,
      %max3A_472 = arith.constant 0.000000e+00 : f32
      %max3A_473 = vector.broadcast %max3A_472 : f32 to vector<16xf32>
      %max3A_474 = arith.maximumf %get3A_471, %max3A_473 : vector<16xf32>
      %mul3A_475 = arith.mulf %max3A_474, %get3A_469 : vector<16xf32>
      %add3A_476 = arith.addf %add3A_463, %mul3A_475 : vector<16xf32>
      %mul3A_477 = arith.constant 16 : i32
      %mul3A_478 = arith.muli %scan3A_112, %mul3A_477 : i32
      %add3A_479 = arith.constant 3584 : i32
      %add3A_480 = arith.addi %add3A_479, %mul3A_478 : i32
      %get3A_481 = arith.index_cast %add3A_480 : i32 to index
      %get3A_482 = tpu.vector_load %arg11[%get3A_481] {strides = array<i32>} : memref<6400xf32, #tpu.memory_space<vmem>>, vector<16xf32>,
      %get3A_483 = arith.index_cast %add3A_480 : i32 to index
      %get3A_484 = tpu.vector_load %arg9[%get3A_483] {strides = array<i32>} : memref<6400xf32, #tpu.memory_space<vmem>>, vector<16xf32>,
      %max3A_485 = arith.constant 0.000000e+00 : f32
      %max3A_486 = vector.broadcast %max3A_485 : f32 to vector<16xf32>
      %max3A_487 = arith.maximumf %get3A_484, %max3A_486 : vector<16xf32>
      %mul3A_488 = arith.mulf %max3A_487, %get3A_482 : vector<16xf32>
      %add3A_489 = arith.addf %add3A_476, %mul3A_488 : vector<16xf32>
      %mul3A_490 = arith.constant 16 : i32
      %mul3A_491 = arith.muli %scan3A_112, %mul3A_490 : i32
      %add3A_492 = arith.constant 3712 : i32
      %add3A_493 = arith.addi %add3A_492, %mul3A_491 : i32
      %get3A_494 = arith.index_cast %add3A_493 : i32 to index
      %get3A_495 = tpu.vector_load %arg11[%get3A_494] {strides = array<i32>} : memref<6400xf32, #tpu.memory_space<vmem>>, vector<16xf32>,
      %get3A_496 = arith.index_cast %add3A_493 : i32 to index
      %get3A_497 = tpu.vector_load %arg9[%get3A_496] {strides = array<i32>} : memref<6400xf32, #tpu.memory_space<vmem>>, vector<16xf32>,
      %max3A_498 = arith.constant 0.000000e+00 : f32
      %max3A_499 = vector.broadcast %max3A_498 : f32 to vector<16xf32>
      %max3A_500 = arith.maximumf %get3A_497, %max3A_499 : vector<16xf32>
      %mul3A_501 = arith.mulf %max3A_500, %get3A_495 : vector<16xf32>
      %add3A_502 = arith.addf %add3A_489, %mul3A_501 : vector<16xf32>
      %mul3A_503 = arith.constant 16 : i32
      %mul3A_504 = arith.muli %scan3A_112, %mul3A_503 : i32
      %add3A_505 = arith.constant 3840 : i32
      %add3A_506 = arith.addi %add3A_505, %mul3A_504 : i32
      %get3A_507 = arith.index_cast %add3A_506 : i32 to index
      %get3A_508 = tpu.vector_load %arg11[%get3A_507] {strides = array<i32>} : memref<6400xf32, #tpu.memory_space<vmem>>, vector<16xf32>,
      %get3A_509 = arith.index_cast %add3A_506 : i32 to index
      %get3A_510 = tpu.vector_load %arg9[%get3A_509] {strides = array<i32>} : memref<6400xf32, #tpu.memory_space<vmem>>, vector<16xf32>,
      %max3A_511 = arith.constant 0.000000e+00 : f32
      %max3A_512 = vector.broadcast %max3A_511 : f32 to vector<16xf32>
      %max3A_513 = arith.maximumf %get3A_510, %max3A_512 : vector<16xf32>
      %mul3A_514 = arith.mulf %max3A_513, %get3A_508 : vector<16xf32>
      %add3A_515 = arith.addf %add3A_502, %mul3A_514 : vector<16xf32>
      %mul3A_516 = arith.constant 16 : i32
      %mul3A_517 = arith.muli %scan3A_112, %mul3A_516 : i32
      %add3A_518 = arith.constant 3968 : i32
      %add3A_519 = arith.addi %add3A_518, %mul3A_517 : i32
      %get3A_520 = arith.index_cast %add3A_519 : i32 to index
      %get3A_521 = tpu.vector_load %arg11[%get3A_520] {strides = array<i32>} : memref<6400xf32, #tpu.memory_space<vmem>>, vector<16xf32>,
      %get3A_522 = arith.index_cast %add3A_519 : i32 to index
      %get3A_523 = tpu.vector_load %arg9[%get3A_522] {strides = array<i32>} : memref<6400xf32, #tpu.memory_space<vmem>>, vector<16xf32>,
      %max3A_524 = arith.constant 0.000000e+00 : f32
      %max3A_525 = vector.broadcast %max3A_524 : f32 to vector<16xf32>
      %max3A_526 = arith.maximumf %get3A_523, %max3A_525 : vector<16xf32>
      %mul3A_527 = arith.mulf %max3A_526, %get3A_521 : vector<16xf32>
      %add3A_528 = arith.addf %add3A_515, %mul3A_527 : vector<16xf32>
      %mul3A_529 = arith.constant 16 : i32
      %mul3A_530 = arith.muli %scan3A_112, %mul3A_529 : i32
      %add3A_531 = arith.constant 4096 : i32
      %add3A_532 = arith.addi %add3A_531, %mul3A_530 : i32
      %get3A_533 = arith.index_cast %add3A_532 : i32 to index
      %get3A_534 = tpu.vector_load %arg11[%get3A_533] {strides = array<i32>} : memref<6400xf32, #tpu.memory_space<vmem>>, vector<16xf32>,
      %get3A_535 = arith.index_cast %add3A_532 : i32 to index
      %get3A_536 = tpu.vector_load %arg9[%get3A_535] {strides = array<i32>} : memref<6400xf32, #tpu.memory_space<vmem>>, vector<16xf32>,
      %max3A_537 = arith.constant 0.000000e+00 : f32
      %max3A_538 = vector.broadcast %max3A_537 : f32 to vector<16xf32>
      %max3A_539 = arith.maximumf %get3A_536, %max3A_538 : vector<16xf32>
      %mul3A_540 = arith.mulf %max3A_539, %get3A_534 : vector<16xf32>
      %add3A_541 = arith.addf %add3A_528, %mul3A_540 : vector<16xf32>
      %mul3A_542 = arith.constant 16 : i32
      %mul3A_543 = arith.muli %scan3A_112, %mul3A_542 : i32
      %add3A_544 = arith.constant 4224 : i32
      %add3A_545 = arith.addi %add3A_544, %mul3A_543 : i32
      %get3A_546 = arith.index_cast %add3A_545 : i32 to index
      %get3A_547 = tpu.vector_load %arg11[%get3A_546] {strides = array<i32>} : memref<6400xf32, #tpu.memory_space<vmem>>, vector<16xf32>,
      %get3A_548 = arith.index_cast %add3A_545 : i32 to index
      %get3A_549 = tpu.vector_load %arg9[%get3A_548] {strides = array<i32>} : memref<6400xf32, #tpu.memory_space<vmem>>, vector<16xf32>,
      %max3A_550 = arith.constant 0.000000e+00 : f32
      %max3A_551 = vector.broadcast %max3A_550 : f32 to vector<16xf32>
      %max3A_552 = arith.maximumf %get3A_549, %max3A_551 : vector<16xf32>
      %mul3A_553 = arith.mulf %max3A_552, %get3A_547 : vector<16xf32>
      %add3A_554 = arith.addf %add3A_541, %mul3A_553 : vector<16xf32>
      %mul3A_555 = arith.constant 16 : i32
      %mul3A_556 = arith.muli %scan3A_112, %mul3A_555 : i32
      %add3A_557 = arith.constant 4352 : i32
      %add3A_558 = arith.addi %add3A_557, %mul3A_556 : i32
      %get3A_559 = arith.index_cast %add3A_558 : i32 to index
      %get3A_560 = tpu.vector_load %arg11[%get3A_559] {strides = array<i32>} : memref<6400xf32, #tpu.memory_space<vmem>>, vector<16xf32>,
      %get3A_561 = arith.index_cast %add3A_558 : i32 to index
      %get3A_562 = tpu.vector_load %arg9[%get3A_561] {strides = array<i32>} : memref<6400xf32, #tpu.memory_space<vmem>>, vector<16xf32>,
      %max3A_563 = arith.constant 0.000000e+00 : f32
      %max3A_564 = vector.broadcast %max3A_563 : f32 to vector<16xf32>
      %max3A_565 = arith.maximumf %get3A_562, %max3A_564 : vector<16xf32>
      %mul3A_566 = arith.mulf %max3A_565, %get3A_560 : vector<16xf32>
      %add3A_567 = arith.addf %add3A_554, %mul3A_566 : vector<16xf32>
      %mul3A_568 = arith.constant 16 : i32
      %mul3A_569 = arith.muli %scan3A_112, %mul3A_568 : i32
      %add3A_570 = arith.constant 4480 : i32
      %add3A_571 = arith.addi %add3A_570, %mul3A_569 : i32
      %get3A_572 = arith.index_cast %add3A_571 : i32 to index
      %get3A_573 = tpu.vector_load %arg11[%get3A_572] {strides = array<i32>} : memref<6400xf32, #tpu.memory_space<vmem>>, vector<16xf32>,
      %get3A_574 = arith.index_cast %add3A_571 : i32 to index
      %get3A_575 = tpu.vector_load %arg9[%get3A_574] {strides = array<i32>} : memref<6400xf32, #tpu.memory_space<vmem>>, vector<16xf32>,
      %max3A_576 = arith.constant 0.000000e+00 : f32
      %max3A_577 = vector.broadcast %max3A_576 : f32 to vector<16xf32>
      %max3A_578 = arith.maximumf %get3A_575, %max3A_577 : vector<16xf32>
      %mul3A_579 = arith.mulf %max3A_578, %get3A_573 : vector<16xf32>
      %add3A_580 = arith.addf %add3A_567, %mul3A_579 : vector<16xf32>
      %mul3A_581 = arith.constant 16 : i32
      %mul3A_582 = arith.muli %scan3A_112, %mul3A_581 : i32
      %add3A_583 = arith.constant 4608 : i32
      %add3A_584 = arith.addi %add3A_583, %mul3A_582 : i32
      %get3A_585 = arith.index_cast %add3A_584 : i32 to index
      %get3A_586 = tpu.vector_load %arg11[%get3A_585] {strides = array<i32>} : memref<6400xf32, #tpu.memory_space<vmem>>, vector<16xf32>,
      %get3A_587 = arith.index_cast %add3A_584 : i32 to index
      %get3A_588 = tpu.vector_load %arg9[%get3A_587] {strides = array<i32>} : memref<6400xf32, #tpu.memory_space<vmem>>, vector<16xf32>,
      %max3A_589 = arith.constant 0.000000e+00 : f32
      %max3A_590 = vector.broadcast %max3A_589 : f32 to vector<16xf32>
      %max3A_591 = arith.maximumf %get3A_588, %max3A_590 : vector<16xf32>
      %mul3A_592 = arith.mulf %max3A_591, %get3A_586 : vector<16xf32>
      %add3A_593 = arith.addf %add3A_580, %mul3A_592 : vector<16xf32>
      %mul3A_594 = arith.constant 16 : i32
      %mul3A_595 = arith.muli %scan3A_112, %mul3A_594 : i32
      %add3A_596 = arith.constant 4736 : i32
      %add3A_597 = arith.addi %add3A_596, %mul3A_595 : i32
      %get3A_598 = arith.index_cast %add3A_597 : i32 to index
      %get3A_599 = tpu.vector_load %arg11[%get3A_598] {strides = array<i32>} : memref<6400xf32, #tpu.memory_space<vmem>>, vector<16xf32>,
      %get3A_600 = arith.index_cast %add3A_597 : i32 to index
      %get3A_601 = tpu.vector_load %arg9[%get3A_600] {strides = array<i32>} : memref<6400xf32, #tpu.memory_space<vmem>>, vector<16xf32>,
      %max3A_602 = arith.constant 0.000000e+00 : f32
      %max3A_603 = vector.broadcast %max3A_602 : f32 to vector<16xf32>
      %max3A_604 = arith.maximumf %get3A_601, %max3A_603 : vector<16xf32>
      %mul3A_605 = arith.mulf %max3A_604, %get3A_599 : vector<16xf32>
      %add3A_606 = arith.addf %add3A_593, %mul3A_605 : vector<16xf32>
      %mul3A_607 = arith.constant 16 : i32
      %mul3A_608 = arith.muli %scan3A_112, %mul3A_607 : i32
      %add3A_609 = arith.constant 4864 : i32
      %add3A_610 = arith.addi %add3A_609, %mul3A_608 : i32
      %get3A_611 = arith.index_cast %add3A_610 : i32 to index
      %get3A_612 = tpu.vector_load %arg11[%get3A_611] {strides = array<i32>} : memref<6400xf32, #tpu.memory_space<vmem>>, vector<16xf32>,
      %get3A_613 = arith.index_cast %add3A_610 : i32 to index
      %get3A_614 = tpu.vector_load %arg9[%get3A_613] {strides = array<i32>} : memref<6400xf32, #tpu.memory_space<vmem>>, vector<16xf32>,
      %max3A_615 = arith.constant 0.000000e+00 : f32
      %max3A_616 = vector.broadcast %max3A_615 : f32 to vector<16xf32>
      %max3A_617 = arith.maximumf %get3A_614, %max3A_616 : vector<16xf32>
      %mul3A_618 = arith.mulf %max3A_617, %get3A_612 : vector<16xf32>
      %add3A_619 = arith.addf %add3A_606, %mul3A_618 : vector<16xf32>
      %mul3A_620 = arith.constant 16 : i32
      %mul3A_621 = arith.muli %scan3A_112, %mul3A_620 : i32
      %add3A_622 = arith.constant 4992 : i32
      %add3A_623 = arith.addi %add3A_622, %mul3A_621 : i32
      %get3A_624 = arith.index_cast %add3A_623 : i32 to index
      %get3A_625 = tpu.vector_load %arg11[%get3A_624] {strides = array<i32>} : memref<6400xf32, #tpu.memory_space<vmem>>, vector<16xf32>,
      %get3A_626 = arith.index_cast %add3A_623 : i32 to index
      %get3A_627 = tpu.vector_load %arg9[%get3A_626] {strides = array<i32>} : memref<6400xf32, #tpu.memory_space<vmem>>, vector<16xf32>,
      %max3A_628 = arith.constant 0.000000e+00 : f32
      %max3A_629 = vector.broadcast %max3A_628 : f32 to vector<16xf32>
      %max3A_630 = arith.maximumf %get3A_627, %max3A_629 : vector<16xf32>
      %mul3A_631 = arith.mulf %max3A_630, %get3A_625 : vector<16xf32>
      %add3A_632 = arith.addf %add3A_619, %mul3A_631 : vector<16xf32>
      %mul3A_633 = arith.constant 16 : i32
      %mul3A_634 = arith.muli %scan3A_112, %mul3A_633 : i32
      %add3A_635 = arith.constant 5120 : i32
      %add3A_636 = arith.addi %add3A_635, %mul3A_634 : i32
      %get3A_637 = arith.index_cast %add3A_636 : i32 to index
      %get3A_638 = tpu.vector_load %arg11[%get3A_637] {strides = array<i32>} : memref<6400xf32, #tpu.memory_space<vmem>>, vector<16xf32>,
      %get3A_639 = arith.index_cast %add3A_636 : i32 to index
      %get3A_640 = tpu.vector_load %arg9[%get3A_639] {strides = array<i32>} : memref<6400xf32, #tpu.memory_space<vmem>>, vector<16xf32>,
      %max3A_641 = arith.constant 0.000000e+00 : f32
      %max3A_642 = vector.broadcast %max3A_641 : f32 to vector<16xf32>
      %max3A_643 = arith.maximumf %get3A_640, %max3A_642 : vector<16xf32>
      %mul3A_644 = arith.mulf %max3A_643, %get3A_638 : vector<16xf32>
      %add3A_645 = arith.addf %add3A_632, %mul3A_644 : vector<16xf32>
      %mul3A_646 = arith.constant 16 : i32
      %mul3A_647 = arith.muli %scan3A_112, %mul3A_646 : i32
      %add3A_648 = arith.constant 5248 : i32
      %add3A_649 = arith.addi %add3A_648, %mul3A_647 : i32
      %get3A_650 = arith.index_cast %add3A_649 : i32 to index
      %get3A_651 = tpu.vector_load %arg11[%get3A_650] {strides = array<i32>} : memref<6400xf32, #tpu.memory_space<vmem>>, vector<16xf32>,
      %get3A_652 = arith.index_cast %add3A_649 : i32 to index
      %get3A_653 = tpu.vector_load %arg9[%get3A_652] {strides = array<i32>} : memref<6400xf32, #tpu.memory_space<vmem>>, vector<16xf32>,
      %max3A_654 = arith.constant 0.000000e+00 : f32
      %max3A_655 = vector.broadcast %max3A_654 : f32 to vector<16xf32>
      %max3A_656 = arith.maximumf %get3A_653, %max3A_655 : vector<16xf32>
      %mul3A_657 = arith.mulf %max3A_656, %get3A_651 : vector<16xf32>
      %add3A_658 = arith.addf %add3A_645, %mul3A_657 : vector<16xf32>
      %mul3A_659 = arith.constant 16 : i32
      %mul3A_660 = arith.muli %scan3A_112, %mul3A_659 : i32
      %add3A_661 = arith.constant 5376 : i32
      %add3A_662 = arith.addi %add3A_661, %mul3A_660 : i32
      %get3A_663 = arith.index_cast %add3A_662 : i32 to index
      %get3A_664 = tpu.vector_load %arg11[%get3A_663] {strides = array<i32>} : memref<6400xf32, #tpu.memory_space<vmem>>, vector<16xf32>,
      %get3A_665 = arith.index_cast %add3A_662 : i32 to index
      %get3A_666 = tpu.vector_load %arg9[%get3A_665] {strides = array<i32>} : memref<6400xf32, #tpu.memory_space<vmem>>, vector<16xf32>,
      %max3A_667 = arith.constant 0.000000e+00 : f32
      %max3A_668 = vector.broadcast %max3A_667 : f32 to vector<16xf32>
      %max3A_669 = arith.maximumf %get3A_666, %max3A_668 : vector<16xf32>
      %mul3A_670 = arith.mulf %max3A_669, %get3A_664 : vector<16xf32>
      %add3A_671 = arith.addf %add3A_658, %mul3A_670 : vector<16xf32>
      %mul3A_672 = arith.constant 16 : i32
      %mul3A_673 = arith.muli %scan3A_112, %mul3A_672 : i32
      %add3A_674 = arith.constant 5504 : i32
      %add3A_675 = arith.addi %add3A_674, %mul3A_673 : i32
      %get3A_676 = arith.index_cast %add3A_675 : i32 to index
      %get3A_677 = tpu.vector_load %arg11[%get3A_676] {strides = array<i32>} : memref<6400xf32, #tpu.memory_space<vmem>>, vector<16xf32>,
      %get3A_678 = arith.index_cast %add3A_675 : i32 to index
      %get3A_679 = tpu.vector_load %arg9[%get3A_678] {strides = array<i32>} : memref<6400xf32, #tpu.memory_space<vmem>>, vector<16xf32>,
      %max3A_680 = arith.constant 0.000000e+00 : f32
      %max3A_681 = vector.broadcast %max3A_680 : f32 to vector<16xf32>
      %max3A_682 = arith.maximumf %get3A_679, %max3A_681 : vector<16xf32>
      %mul3A_683 = arith.mulf %max3A_682, %get3A_677 : vector<16xf32>
      %add3A_684 = arith.addf %add3A_671, %mul3A_683 : vector<16xf32>
      %mul3A_685 = arith.constant 16 : i32
      %mul3A_686 = arith.muli %scan3A_112, %mul3A_685 : i32
      %add3A_687 = arith.constant 5632 : i32
      %add3A_688 = arith.addi %add3A_687, %mul3A_686 : i32
      %get3A_689 = arith.index_cast %add3A_688 : i32 to index
      %get3A_690 = tpu.vector_load %arg11[%get3A_689] {strides = array<i32>} : memref<6400xf32, #tpu.memory_space<vmem>>, vector<16xf32>,
      %get3A_691 = arith.index_cast %add3A_688 : i32 to index
      %get3A_692 = tpu.vector_load %arg9[%get3A_691] {strides = array<i32>} : memref<6400xf32, #tpu.memory_space<vmem>>, vector<16xf32>,
      %max3A_693 = arith.constant 0.000000e+00 : f32
      %max3A_694 = vector.broadcast %max3A_693 : f32 to vector<16xf32>
      %max3A_695 = arith.maximumf %get3A_692, %max3A_694 : vector<16xf32>
      %mul3A_696 = arith.mulf %max3A_695, %get3A_690 : vector<16xf32>
      %add3A_697 = arith.addf %add3A_684, %mul3A_696 : vector<16xf32>
      %mul3A_698 = arith.constant 16 : i32
      %mul3A_699 = arith.muli %scan3A_112, %mul3A_698 : i32
      %add3A_700 = arith.constant 5760 : i32
      %add3A_701 = arith.addi %add3A_700, %mul3A_699 : i32
      %get3A_702 = arith.index_cast %add3A_701 : i32 to index
      %get3A_703 = tpu.vector_load %arg11[%get3A_702] {strides = array<i32>} : memref<6400xf32, #tpu.memory_space<vmem>>, vector<16xf32>,
      %get3A_704 = arith.index_cast %add3A_701 : i32 to index
      %get3A_705 = tpu.vector_load %arg9[%get3A_704] {strides = array<i32>} : memref<6400xf32, #tpu.memory_space<vmem>>, vector<16xf32>,
      %max3A_706 = arith.constant 0.000000e+00 : f32
      %max3A_707 = vector.broadcast %max3A_706 : f32 to vector<16xf32>
      %max3A_708 = arith.maximumf %get3A_705, %max3A_707 : vector<16xf32>
      %mul3A_709 = arith.mulf %max3A_708, %get3A_703 : vector<16xf32>
      %add3A_710 = arith.addf %add3A_697, %mul3A_709 : vector<16xf32>
      %mul3A_711 = arith.constant 16 : i32
      %mul3A_712 = arith.muli %scan3A_112, %mul3A_711 : i32
      %add3A_713 = arith.constant 5888 : i32
      %add3A_714 = arith.addi %add3A_713, %mul3A_712 : i32
      %get3A_715 = arith.index_cast %add3A_714 : i32 to index
      %get3A_716 = tpu.vector_load %arg11[%get3A_715] {strides = array<i32>} : memref<6400xf32, #tpu.memory_space<vmem>>, vector<16xf32>,
      %get3A_717 = arith.index_cast %add3A_714 : i32 to index
      %get3A_718 = tpu.vector_load %arg9[%get3A_717] {strides = array<i32>} : memref<6400xf32, #tpu.memory_space<vmem>>, vector<16xf32>,
      %max3A_719 = arith.constant 0.000000e+00 : f32
      %max3A_720 = vector.broadcast %max3A_719 : f32 to vector<16xf32>
      %max3A_721 = arith.maximumf %get3A_718, %max3A_720 : vector<16xf32>
      %mul3A_722 = arith.mulf %max3A_721, %get3A_716 : vector<16xf32>
      %add3A_723 = arith.addf %add3A_710, %mul3A_722 : vector<16xf32>
      %mul3A_724 = arith.constant 16 : i32
      %mul3A_725 = arith.muli %scan3A_112, %mul3A_724 : i32
      %add3A_726 = arith.constant 6016 : i32
      %add3A_727 = arith.addi %add3A_726, %mul3A_725 : i32
      %get3A_728 = arith.index_cast %add3A_727 : i32 to index
      %get3A_729 = tpu.vector_load %arg11[%get3A_728] {strides = array<i32>} : memref<6400xf32, #tpu.memory_space<vmem>>, vector<16xf32>,
      %get3A_730 = arith.index_cast %add3A_727 : i32 to index
      %get3A_731 = tpu.vector_load %arg9[%get3A_730] {strides = array<i32>} : memref<6400xf32, #tpu.memory_space<vmem>>, vector<16xf32>,
      %max3A_732 = arith.constant 0.000000e+00 : f32
      %max3A_733 = vector.broadcast %max3A_732 : f32 to vector<16xf32>
      %max3A_734 = arith.maximumf %get3A_731, %max3A_733 : vector<16xf32>
      %mul3A_735 = arith.mulf %max3A_734, %get3A_729 : vector<16xf32>
      %add3A_736 = arith.addf %add3A_723, %mul3A_735 : vector<16xf32>
      %mul3A_737 = arith.constant 16 : i32
      %mul3A_738 = arith.muli %scan3A_112, %mul3A_737 : i32
      %add3A_739 = arith.constant 6144 : i32
      %add3A_740 = arith.addi %add3A_739, %mul3A_738 : i32
      %get3A_741 = arith.index_cast %add3A_740 : i32 to index
      %get3A_742 = tpu.vector_load %arg11[%get3A_741] {strides = array<i32>} : memref<6400xf32, #tpu.memory_space<vmem>>, vector<16xf32>,
      %get3A_743 = arith.index_cast %add3A_740 : i32 to index
      %get3A_744 = tpu.vector_load %arg9[%get3A_743] {strides = array<i32>} : memref<6400xf32, #tpu.memory_space<vmem>>, vector<16xf32>,
      %max3A_745 = arith.constant 0.000000e+00 : f32
      %max3A_746 = vector.broadcast %max3A_745 : f32 to vector<16xf32>
      %max3A_747 = arith.maximumf %get3A_744, %max3A_746 : vector<16xf32>
      %mul3A_748 = arith.mulf %max3A_747, %get3A_742 : vector<16xf32>
      %add3A_749 = arith.addf %add3A_736, %mul3A_748 : vector<16xf32>
      %mul3A_750 = arith.constant 16 : i32
      %mul3A_751 = arith.muli %scan3A_112, %mul3A_750 : i32
      %add3A_752 = arith.constant 6272 : i32
      %add3A_753 = arith.addi %add3A_752, %mul3A_751 : i32
      %get3A_754 = arith.index_cast %add3A_753 : i32 to index
      %get3A_755 = tpu.vector_load %arg11[%get3A_754] {strides = array<i32>} : memref<6400xf32, #tpu.memory_space<vmem>>, vector<16xf32>,
      %get3A_756 = arith.index_cast %add3A_753 : i32 to index
      %get3A_757 = tpu.vector_load %arg9[%get3A_756] {strides = array<i32>} : memref<6400xf32, #tpu.memory_space<vmem>>, vector<16xf32>,
      %max3A_758 = arith.constant 0.000000e+00 : f32
      %max3A_759 = vector.broadcast %max3A_758 : f32 to vector<16xf32>
      %max3A_760 = arith.maximumf %get3A_757, %max3A_759 : vector<16xf32>
      %mul3A_761 = arith.mulf %max3A_760, %get3A_755 : vector<16xf32>
      %add3A_762 = arith.addf %add3A_749, %mul3A_761 : vector<16xf32>
      %mul3A_763 = arith.constant 16 : i32
      %mul3A_764 = arith.muli %scan3A_112, %mul3A_763 : i32
      %add3A_765 = arith.constant 128 : i32
      %add3A_766 = arith.addi %add3A_765, %mul3A_764 : i32
      %swap3A = arith.index_cast %add3A_766 : i32 to index
      %swap3A_767 = tpu.vector_load %arg12[%swap3A] {strides = array<i32>} : memref<512xf32, #tpu.memory_space<vmem>>, vector<16xf32>,
      tpu.vector_store %arg12[%swap3A], %add3A_762 {strides = array<i32>} : memref<512xf32, #tpu.memory_space<vmem>>, vector<16xf32>,
      %scan3A_768 = arith.constant 0 : i32
      scf.yield %scan3A_768 : i32
    }
    %scan3A_73 = arith.constant 8 : i32
    %add3A_74 = arith.constant 19200 : i32
    %add3A_75 = arith.addi %mul3A_4, %add3A_74 : i32
    %dma_start3A_76 = tpu.memref_slice %arg3[%add3A_75] : memref<819200xf32, #tpu.memory_space<hbm>> -> memref<6400xf32, #tpu.memory_space<hbm>>
    %dma_start3A_77 = tpu.memref_slice %arg3[%add3A_75] : memref<819200xf32, #tpu.memory_space<hbm>> -> memref<6400xf32, #tpu.memory_space<hbm>>
    tpu.enqueue_dma source(%dma_start3A_77 : memref<6400xf32, #tpu.memory_space<hbm>>) target(%arg9 : memref<6400xf32, #tpu.memory_space<vmem>>) target_semaphore(%arg16 : memref<!tpu.dma_semaphore, #tpu.memory_space<semaphore_mem>>)
    %dma_wait3A_78 = tpu.memref_slice %arg2[%add3A_64] : memref<819200xi32, #tpu.memory_space<hbm>> -> memref<6400xi32, #tpu.memory_space<hbm>>
    %dma_wait3A_79 = tpu.memref_slice %arg2[%add3A_64] : memref<819200xi32, #tpu.memory_space<hbm>> -> memref<6400xi32, #tpu.memory_space<hbm>>
    tpu.wait_dma2 semaphore(%arg14 : memref<!tpu.dma_semaphore, #tpu.memory_space<semaphore_mem>>) src(%dma_wait3A_79 : memref<6400xi32, #tpu.memory_space<hbm>>) dst(%arg7 : memref<6400xi32, #tpu.memory_space<vmem>>)
    %dma_start3A_80 = arith.constant 0 : i32
    %dma_start3A_81 = tpu.memref_slice %arg7[%dma_start3A_80] : memref<6400xi32, #tpu.memory_space<vmem>> -> memref<6400xi32, #tpu.memory_space<vmem>>
    %dma_start3A_82 = arith.constant 0 : i32
    %dma_start3A_83 = tpu.memref_slice %arg4[%dma_start3A_82] : memref<1000000xf32, #tpu.memory_space<hbm>> -> memref<1000000xf32, #tpu.memory_space<hbm>>
    tpu.enqueue_indirect_dma source(%dma_start3A_83 : memref<1000000xf32, #tpu.memory_space<hbm>>) target(%arg11 : memref<6400xf32, #tpu.memory_space<vmem>>) offsets(%dma_start3A_81 : memref<6400xi32, #tpu.memory_space<vmem>>) semaphore(%arg18 : memref<!tpu.dma_semaphore, #tpu.memory_space<semaphore_mem>>)
    %dma_wait3A_84 = tpu.memref_slice %arg3[%add3A_48] : memref<819200xf32, #tpu.memory_space<hbm>> -> memref<6400xf32, #tpu.memory_space<hbm>>
    %dma_wait3A_85 = tpu.memref_slice %arg3[%add3A_48] : memref<819200xf32, #tpu.memory_space<hbm>> -> memref<6400xf32, #tpu.memory_space<hbm>>
    tpu.wait_dma2 semaphore(%arg15 : memref<!tpu.dma_semaphore, #tpu.memory_space<semaphore_mem>>) src(%dma_wait3A_85 : memref<6400xf32, #tpu.memory_space<hbm>>) dst(%arg8 : memref<6400xf32, #tpu.memory_space<vmem>>)
    %dma_wait3A_86 = arith.constant 0 : i32
    %dma_wait3A_87 = tpu.memref_slice %arg6[%dma_wait3A_86] : memref<6400xi32, #tpu.memory_space<vmem>> -> memref<6400xi32, #tpu.memory_space<vmem>>
    %dma_wait3A_88 = arith.constant 0 : i32
    %dma_wait3A_89 = tpu.memref_slice %arg4[%dma_wait3A_88] : memref<1000000xf32, #tpu.memory_space<hbm>> -> memref<1000000xf32, #tpu.memory_space<hbm>>
    tpu.wait_indirect_dma semaphore(%arg17 : memref<!tpu.dma_semaphore, #tpu.memory_space<semaphore_mem>>) src(%dma_wait3A_89 : memref<1000000xf32, #tpu.memory_space<hbm>>) dst(%arg10 : memref<6400xf32, #tpu.memory_space<vmem>>)
    %scan3A_90 = arith.constant 0 : i32
    %scan3A_91 = arith.constant 0 : i32
    %scan3A_92 = arith.constant 8 : i32
    %scan3A_93 = arith.addi %scan3A_91, %scan3A_92 : i32
    %scan3A_94 = arith.constant 1 : i32
    %scan3A_95 = scf.for %scan3A_112 = %scan3A_91 to %scan3A_93 step %scan3A_94 iter_args(%scan3A_113 = %scan3A_90) -> (i32)  : i32 {
      %broadcast_in_dim3A = arith.constant 0.000000e+00 : f32
      %broadcast_in_dim3A_114 = vector.broadcast %broadcast_in_dim3A : f32 to vector<16xf32>
      %mul3A_115 = arith.constant 16 : i32
      %mul3A_116 = arith.muli %scan3A_112, %mul3A_115 : i32
      %add3A_117 = arith.constant 0 : i32
      %add3A_118 = arith.addi %add3A_117, %mul3A_116 : i32
      %get3A = arith.index_cast %add3A_118 : i32 to index
      %get3A_119 = tpu.vector_load %arg10[%get3A] {strides = array<i32>} : memref<6400xf32, #tpu.memory_space<vmem>>, vector<16xf32>,
      %get3A_120 = arith.index_cast %add3A_118 : i32 to index
      %get3A_121 = tpu.vector_load %arg8[%get3A_120] {strides = array<i32>} : memref<6400xf32, #tpu.memory_space<vmem>>, vector<16xf32>,
      %max3A = arith.constant 0.000000e+00 : f32
      %max3A_122 = vector.broadcast %max3A : f32 to vector<16xf32>
      %max3A_123 = arith.maximumf %get3A_121, %max3A_122 : vector<16xf32>
      %mul3A_124 = arith.mulf %max3A_123, %get3A_119 : vector<16xf32>
      %add3A_125 = arith.addf %broadcast_in_dim3A_114, %mul3A_124 : vector<16xf32>
      %mul3A_126 = arith.constant 16 : i32
      %mul3A_127 = arith.muli %scan3A_112, %mul3A_126 : i32
      %add3A_128 = arith.constant 128 : i32
      %add3A_129 = arith.addi %add3A_128, %mul3A_127 : i32
      %get3A_130 = arith.index_cast %add3A_129 : i32 to index
      %get3A_131 = tpu.vector_load %arg10[%get3A_130] {strides = array<i32>} : memref<6400xf32, #tpu.memory_space<vmem>>, vector<16xf32>,
      %get3A_132 = arith.index_cast %add3A_129 : i32 to index
      %get3A_133 = tpu.vector_load %arg8[%get3A_132] {strides = array<i32>} : memref<6400xf32, #tpu.memory_space<vmem>>, vector<16xf32>,
      %max3A_134 = arith.constant 0.000000e+00 : f32
      %max3A_135 = vector.broadcast %max3A_134 : f32 to vector<16xf32>
      %max3A_136 = arith.maximumf %get3A_133, %max3A_135 : vector<16xf32>
      %mul3A_137 = arith.mulf %max3A_136, %get3A_131 : vector<16xf32>
      %add3A_138 = arith.addf %add3A_125, %mul3A_137 : vector<16xf32>
      %mul3A_139 = arith.constant 16 : i32
      %mul3A_140 = arith.muli %scan3A_112, %mul3A_139 : i32
      %add3A_141 = arith.constant 256 : i32
      %add3A_142 = arith.addi %add3A_141, %mul3A_140 : i32
      %get3A_143 = arith.index_cast %add3A_142 : i32 to index
      %get3A_144 = tpu.vector_load %arg10[%get3A_143] {strides = array<i32>} : memref<6400xf32, #tpu.memory_space<vmem>>, vector<16xf32>,
      %get3A_145 = arith.index_cast %add3A_142 : i32 to index
      %get3A_146 = tpu.vector_load %arg8[%get3A_145] {strides = array<i32>} : memref<6400xf32, #tpu.memory_space<vmem>>, vector<16xf32>,
      %max3A_147 = arith.constant 0.000000e+00 : f32
      %max3A_148 = vector.broadcast %max3A_147 : f32 to vector<16xf32>
      %max3A_149 = arith.maximumf %get3A_146, %max3A_148 : vector<16xf32>
      %mul3A_150 = arith.mulf %max3A_149, %get3A_144 : vector<16xf32>
      %add3A_151 = arith.addf %add3A_138, %mul3A_150 : vector<16xf32>
      %mul3A_152 = arith.constant 16 : i32
      %mul3A_153 = arith.muli %scan3A_112, %mul3A_152 : i32
      %add3A_154 = arith.constant 384 : i32
      %add3A_155 = arith.addi %add3A_154, %mul3A_153 : i32
      %get3A_156 = arith.index_cast %add3A_155 : i32 to index
      %get3A_157 = tpu.vector_load %arg10[%get3A_156] {strides = array<i32>} : memref<6400xf32, #tpu.memory_space<vmem>>, vector<16xf32>,
      %get3A_158 = arith.index_cast %add3A_155 : i32 to index
      %get3A_159 = tpu.vector_load %arg8[%get3A_158] {strides = array<i32>} : memref<6400xf32, #tpu.memory_space<vmem>>, vector<16xf32>,
      %max3A_160 = arith.constant 0.000000e+00 : f32
      %max3A_161 = vector.broadcast %max3A_160 : f32 to vector<16xf32>
      %max3A_162 = arith.maximumf %get3A_159, %max3A_161 : vector<16xf32>
      %mul3A_163 = arith.mulf %max3A_162, %get3A_157 : vector<16xf32>
      %add3A_164 = arith.addf %add3A_151, %mul3A_163 : vector<16xf32>
      %mul3A_165 = arith.constant 16 : i32
      %mul3A_166 = arith.muli %scan3A_112, %mul3A_165 : i32
      %add3A_167 = arith.constant 512 : i32
      %add3A_168 = arith.addi %add3A_167, %mul3A_166 : i32
      %get3A_169 = arith.index_cast %add3A_168 : i32 to index
      %get3A_170 = tpu.vector_load %arg10[%get3A_169] {strides = array<i32>} : memref<6400xf32, #tpu.memory_space<vmem>>, vector<16xf32>,
      %get3A_171 = arith.index_cast %add3A_168 : i32 to index
      %get3A_172 = tpu.vector_load %arg8[%get3A_171] {strides = array<i32>} : memref<6400xf32, #tpu.memory_space<vmem>>, vector<16xf32>,
      %max3A_173 = arith.constant 0.000000e+00 : f32
      %max3A_174 = vector.broadcast %max3A_173 : f32 to vector<16xf32>
      %max3A_175 = arith.maximumf %get3A_172, %max3A_174 : vector<16xf32>
      %mul3A_176 = arith.mulf %max3A_175, %get3A_170 : vector<16xf32>
      %add3A_177 = arith.addf %add3A_164, %mul3A_176 : vector<16xf32>
      %mul3A_178 = arith.constant 16 : i32
      %mul3A_179 = arith.muli %scan3A_112, %mul3A_178 : i32
      %add3A_180 = arith.constant 640 : i32
      %add3A_181 = arith.addi %add3A_180, %mul3A_179 : i32
      %get3A_182 = arith.index_cast %add3A_181 : i32 to index
      %get3A_183 = tpu.vector_load %arg10[%get3A_182] {strides = array<i32>} : memref<6400xf32, #tpu.memory_space<vmem>>, vector<16xf32>,
      %get3A_184 = arith.index_cast %add3A_181 : i32 to index
      %get3A_185 = tpu.vector_load %arg8[%get3A_184] {strides = array<i32>} : memref<6400xf32, #tpu.memory_space<vmem>>, vector<16xf32>,
      %max3A_186 = arith.constant 0.000000e+00 : f32
      %max3A_187 = vector.broadcast %max3A_186 : f32 to vector<16xf32>
      %max3A_188 = arith.maximumf %get3A_185, %max3A_187 : vector<16xf32>
      %mul3A_189 = arith.mulf %max3A_188, %get3A_183 : vector<16xf32>
      %add3A_190 = arith.addf %add3A_177, %mul3A_189 : vector<16xf32>
      %mul3A_191 = arith.constant 16 : i32
      %mul3A_192 = arith.muli %scan3A_112, %mul3A_191 : i32
      %add3A_193 = arith.constant 768 : i32
      %add3A_194 = arith.addi %add3A_193, %mul3A_192 : i32
      %get3A_195 = arith.index_cast %add3A_194 : i32 to index
      %get3A_196 = tpu.vector_load %arg10[%get3A_195] {strides = array<i32>} : memref<6400xf32, #tpu.memory_space<vmem>>, vector<16xf32>,
      %get3A_197 = arith.index_cast %add3A_194 : i32 to index
      %get3A_198 = tpu.vector_load %arg8[%get3A_197] {strides = array<i32>} : memref<6400xf32, #tpu.memory_space<vmem>>, vector<16xf32>,
      %max3A_199 = arith.constant 0.000000e+00 : f32
      %max3A_200 = vector.broadcast %max3A_199 : f32 to vector<16xf32>
      %max3A_201 = arith.maximumf %get3A_198, %max3A_200 : vector<16xf32>
      %mul3A_202 = arith.mulf %max3A_201, %get3A_196 : vector<16xf32>
      %add3A_203 = arith.addf %add3A_190, %mul3A_202 : vector<16xf32>
      %mul3A_204 = arith.constant 16 : i32
      %mul3A_205 = arith.muli %scan3A_112, %mul3A_204 : i32
      %add3A_206 = arith.constant 896 : i32
      %add3A_207 = arith.addi %add3A_206, %mul3A_205 : i32
      %get3A_208 = arith.index_cast %add3A_207 : i32 to index
      %get3A_209 = tpu.vector_load %arg10[%get3A_208] {strides = array<i32>} : memref<6400xf32, #tpu.memory_space<vmem>>, vector<16xf32>,
      %get3A_210 = arith.index_cast %add3A_207 : i32 to index
      %get3A_211 = tpu.vector_load %arg8[%get3A_210] {strides = array<i32>} : memref<6400xf32, #tpu.memory_space<vmem>>, vector<16xf32>,
      %max3A_212 = arith.constant 0.000000e+00 : f32
      %max3A_213 = vector.broadcast %max3A_212 : f32 to vector<16xf32>
      %max3A_214 = arith.maximumf %get3A_211, %max3A_213 : vector<16xf32>
      %mul3A_215 = arith.mulf %max3A_214, %get3A_209 : vector<16xf32>
      %add3A_216 = arith.addf %add3A_203, %mul3A_215 : vector<16xf32>
      %mul3A_217 = arith.constant 16 : i32
      %mul3A_218 = arith.muli %scan3A_112, %mul3A_217 : i32
      %add3A_219 = arith.constant 1024 : i32
      %add3A_220 = arith.addi %add3A_219, %mul3A_218 : i32
      %get3A_221 = arith.index_cast %add3A_220 : i32 to index
      %get3A_222 = tpu.vector_load %arg10[%get3A_221] {strides = array<i32>} : memref<6400xf32, #tpu.memory_space<vmem>>, vector<16xf32>,
      %get3A_223 = arith.index_cast %add3A_220 : i32 to index
      %get3A_224 = tpu.vector_load %arg8[%get3A_223] {strides = array<i32>} : memref<6400xf32, #tpu.memory_space<vmem>>, vector<16xf32>,
      %max3A_225 = arith.constant 0.000000e+00 : f32
      %max3A_226 = vector.broadcast %max3A_225 : f32 to vector<16xf32>
      %max3A_227 = arith.maximumf %get3A_224, %max3A_226 : vector<16xf32>
      %mul3A_228 = arith.mulf %max3A_227, %get3A_222 : vector<16xf32>
      %add3A_229 = arith.addf %add3A_216, %mul3A_228 : vector<16xf32>
      %mul3A_230 = arith.constant 16 : i32
      %mul3A_231 = arith.muli %scan3A_112, %mul3A_230 : i32
      %add3A_232 = arith.constant 1152 : i32
      %add3A_233 = arith.addi %add3A_232, %mul3A_231 : i32
      %get3A_234 = arith.index_cast %add3A_233 : i32 to index
      %get3A_235 = tpu.vector_load %arg10[%get3A_234] {strides = array<i32>} : memref<6400xf32, #tpu.memory_space<vmem>>, vector<16xf32>,
      %get3A_236 = arith.index_cast %add3A_233 : i32 to index
      %get3A_237 = tpu.vector_load %arg8[%get3A_236] {strides = array<i32>} : memref<6400xf32, #tpu.memory_space<vmem>>, vector<16xf32>,
      %max3A_238 = arith.constant 0.000000e+00 : f32
      %max3A_239 = vector.broadcast %max3A_238 : f32 to vector<16xf32>
      %max3A_240 = arith.maximumf %get3A_237, %max3A_239 : vector<16xf32>
      %mul3A_241 = arith.mulf %max3A_240, %get3A_235 : vector<16xf32>
      %add3A_242 = arith.addf %add3A_229, %mul3A_241 : vector<16xf32>
      %mul3A_243 = arith.constant 16 : i32
      %mul3A_244 = arith.muli %scan3A_112, %mul3A_243 : i32
      %add3A_245 = arith.constant 1280 : i32
      %add3A_246 = arith.addi %add3A_245, %mul3A_244 : i32
      %get3A_247 = arith.index_cast %add3A_246 : i32 to index
      %get3A_248 = tpu.vector_load %arg10[%get3A_247] {strides = array<i32>} : memref<6400xf32, #tpu.memory_space<vmem>>, vector<16xf32>,
      %get3A_249 = arith.index_cast %add3A_246 : i32 to index
      %get3A_250 = tpu.vector_load %arg8[%get3A_249] {strides = array<i32>} : memref<6400xf32, #tpu.memory_space<vmem>>, vector<16xf32>,
      %max3A_251 = arith.constant 0.000000e+00 : f32
      %max3A_252 = vector.broadcast %max3A_251 : f32 to vector<16xf32>
      %max3A_253 = arith.maximumf %get3A_250, %max3A_252 : vector<16xf32>
      %mul3A_254 = arith.mulf %max3A_253, %get3A_248 : vector<16xf32>
      %add3A_255 = arith.addf %add3A_242, %mul3A_254 : vector<16xf32>
      %mul3A_256 = arith.constant 16 : i32
      %mul3A_257 = arith.muli %scan3A_112, %mul3A_256 : i32
      %add3A_258 = arith.constant 1408 : i32
      %add3A_259 = arith.addi %add3A_258, %mul3A_257 : i32
      %get3A_260 = arith.index_cast %add3A_259 : i32 to index
      %get3A_261 = tpu.vector_load %arg10[%get3A_260] {strides = array<i32>} : memref<6400xf32, #tpu.memory_space<vmem>>, vector<16xf32>,
      %get3A_262 = arith.index_cast %add3A_259 : i32 to index
      %get3A_263 = tpu.vector_load %arg8[%get3A_262] {strides = array<i32>} : memref<6400xf32, #tpu.memory_space<vmem>>, vector<16xf32>,
      %max3A_264 = arith.constant 0.000000e+00 : f32
      %max3A_265 = vector.broadcast %max3A_264 : f32 to vector<16xf32>
      %max3A_266 = arith.maximumf %get3A_263, %max3A_265 : vector<16xf32>
      %mul3A_267 = arith.mulf %max3A_266, %get3A_261 : vector<16xf32>
      %add3A_268 = arith.addf %add3A_255, %mul3A_267 : vector<16xf32>
      %mul3A_269 = arith.constant 16 : i32
      %mul3A_270 = arith.muli %scan3A_112, %mul3A_269 : i32
      %add3A_271 = arith.constant 1536 : i32
      %add3A_272 = arith.addi %add3A_271, %mul3A_270 : i32
      %get3A_273 = arith.index_cast %add3A_272 : i32 to index
      %get3A_274 = tpu.vector_load %arg10[%get3A_273] {strides = array<i32>} : memref<6400xf32, #tpu.memory_space<vmem>>, vector<16xf32>,
      %get3A_275 = arith.index_cast %add3A_272 : i32 to index
      %get3A_276 = tpu.vector_load %arg8[%get3A_275] {strides = array<i32>} : memref<6400xf32, #tpu.memory_space<vmem>>, vector<16xf32>,
      %max3A_277 = arith.constant 0.000000e+00 : f32
      %max3A_278 = vector.broadcast %max3A_277 : f32 to vector<16xf32>
      %max3A_279 = arith.maximumf %get3A_276, %max3A_278 : vector<16xf32>
      %mul3A_280 = arith.mulf %max3A_279, %get3A_274 : vector<16xf32>
      %add3A_281 = arith.addf %add3A_268, %mul3A_280 : vector<16xf32>
      %mul3A_282 = arith.constant 16 : i32
      %mul3A_283 = arith.muli %scan3A_112, %mul3A_282 : i32
      %add3A_284 = arith.constant 1664 : i32
      %add3A_285 = arith.addi %add3A_284, %mul3A_283 : i32
      %get3A_286 = arith.index_cast %add3A_285 : i32 to index
      %get3A_287 = tpu.vector_load %arg10[%get3A_286] {strides = array<i32>} : memref<6400xf32, #tpu.memory_space<vmem>>, vector<16xf32>,
      %get3A_288 = arith.index_cast %add3A_285 : i32 to index
      %get3A_289 = tpu.vector_load %arg8[%get3A_288] {strides = array<i32>} : memref<6400xf32, #tpu.memory_space<vmem>>, vector<16xf32>,
      %max3A_290 = arith.constant 0.000000e+00 : f32
      %max3A_291 = vector.broadcast %max3A_290 : f32 to vector<16xf32>
      %max3A_292 = arith.maximumf %get3A_289, %max3A_291 : vector<16xf32>
      %mul3A_293 = arith.mulf %max3A_292, %get3A_287 : vector<16xf32>
      %add3A_294 = arith.addf %add3A_281, %mul3A_293 : vector<16xf32>
      %mul3A_295 = arith.constant 16 : i32
      %mul3A_296 = arith.muli %scan3A_112, %mul3A_295 : i32
      %add3A_297 = arith.constant 1792 : i32
      %add3A_298 = arith.addi %add3A_297, %mul3A_296 : i32
      %get3A_299 = arith.index_cast %add3A_298 : i32 to index
      %get3A_300 = tpu.vector_load %arg10[%get3A_299] {strides = array<i32>} : memref<6400xf32, #tpu.memory_space<vmem>>, vector<16xf32>,
      %get3A_301 = arith.index_cast %add3A_298 : i32 to index
      %get3A_302 = tpu.vector_load %arg8[%get3A_301] {strides = array<i32>} : memref<6400xf32, #tpu.memory_space<vmem>>, vector<16xf32>,
      %max3A_303 = arith.constant 0.000000e+00 : f32
      %max3A_304 = vector.broadcast %max3A_303 : f32 to vector<16xf32>
      %max3A_305 = arith.maximumf %get3A_302, %max3A_304 : vector<16xf32>
      %mul3A_306 = arith.mulf %max3A_305, %get3A_300 : vector<16xf32>
      %add3A_307 = arith.addf %add3A_294, %mul3A_306 : vector<16xf32>
      %mul3A_308 = arith.constant 16 : i32
      %mul3A_309 = arith.muli %scan3A_112, %mul3A_308 : i32
      %add3A_310 = arith.constant 1920 : i32
      %add3A_311 = arith.addi %add3A_310, %mul3A_309 : i32
      %get3A_312 = arith.index_cast %add3A_311 : i32 to index
      %get3A_313 = tpu.vector_load %arg10[%get3A_312] {strides = array<i32>} : memref<6400xf32, #tpu.memory_space<vmem>>, vector<16xf32>,
      %get3A_314 = arith.index_cast %add3A_311 : i32 to index
      %get3A_315 = tpu.vector_load %arg8[%get3A_314] {strides = array<i32>} : memref<6400xf32, #tpu.memory_space<vmem>>, vector<16xf32>,
      %max3A_316 = arith.constant 0.000000e+00 : f32
      %max3A_317 = vector.broadcast %max3A_316 : f32 to vector<16xf32>
      %max3A_318 = arith.maximumf %get3A_315, %max3A_317 : vector<16xf32>
      %mul3A_319 = arith.mulf %max3A_318, %get3A_313 : vector<16xf32>
      %add3A_320 = arith.addf %add3A_307, %mul3A_319 : vector<16xf32>
      %mul3A_321 = arith.constant 16 : i32
      %mul3A_322 = arith.muli %scan3A_112, %mul3A_321 : i32
      %add3A_323 = arith.constant 2048 : i32
      %add3A_324 = arith.addi %add3A_323, %mul3A_322 : i32
      %get3A_325 = arith.index_cast %add3A_324 : i32 to index
      %get3A_326 = tpu.vector_load %arg10[%get3A_325] {strides = array<i32>} : memref<6400xf32, #tpu.memory_space<vmem>>, vector<16xf32>,
      %get3A_327 = arith.index_cast %add3A_324 : i32 to index
      %get3A_328 = tpu.vector_load %arg8[%get3A_327] {strides = array<i32>} : memref<6400xf32, #tpu.memory_space<vmem>>, vector<16xf32>,
      %max3A_329 = arith.constant 0.000000e+00 : f32
      %max3A_330 = vector.broadcast %max3A_329 : f32 to vector<16xf32>
      %max3A_331 = arith.maximumf %get3A_328, %max3A_330 : vector<16xf32>
      %mul3A_332 = arith.mulf %max3A_331, %get3A_326 : vector<16xf32>
      %add3A_333 = arith.addf %add3A_320, %mul3A_332 : vector<16xf32>
      %mul3A_334 = arith.constant 16 : i32
      %mul3A_335 = arith.muli %scan3A_112, %mul3A_334 : i32
      %add3A_336 = arith.constant 2176 : i32
      %add3A_337 = arith.addi %add3A_336, %mul3A_335 : i32
      %get3A_338 = arith.index_cast %add3A_337 : i32 to index
      %get3A_339 = tpu.vector_load %arg10[%get3A_338] {strides = array<i32>} : memref<6400xf32, #tpu.memory_space<vmem>>, vector<16xf32>,
      %get3A_340 = arith.index_cast %add3A_337 : i32 to index
      %get3A_341 = tpu.vector_load %arg8[%get3A_340] {strides = array<i32>} : memref<6400xf32, #tpu.memory_space<vmem>>, vector<16xf32>,
      %max3A_342 = arith.constant 0.000000e+00 : f32
      %max3A_343 = vector.broadcast %max3A_342 : f32 to vector<16xf32>
      %max3A_344 = arith.maximumf %get3A_341, %max3A_343 : vector<16xf32>
      %mul3A_345 = arith.mulf %max3A_344, %get3A_339 : vector<16xf32>
      %add3A_346 = arith.addf %add3A_333, %mul3A_345 : vector<16xf32>
      %mul3A_347 = arith.constant 16 : i32
      %mul3A_348 = arith.muli %scan3A_112, %mul3A_347 : i32
      %add3A_349 = arith.constant 2304 : i32
      %add3A_350 = arith.addi %add3A_349, %mul3A_348 : i32
      %get3A_351 = arith.index_cast %add3A_350 : i32 to index
      %get3A_352 = tpu.vector_load %arg10[%get3A_351] {strides = array<i32>} : memref<6400xf32, #tpu.memory_space<vmem>>, vector<16xf32>,
      %get3A_353 = arith.index_cast %add3A_350 : i32 to index
      %get3A_354 = tpu.vector_load %arg8[%get3A_353] {strides = array<i32>} : memref<6400xf32, #tpu.memory_space<vmem>>, vector<16xf32>,
      %max3A_355 = arith.constant 0.000000e+00 : f32
      %max3A_356 = vector.broadcast %max3A_355 : f32 to vector<16xf32>
      %max3A_357 = arith.maximumf %get3A_354, %max3A_356 : vector<16xf32>
      %mul3A_358 = arith.mulf %max3A_357, %get3A_352 : vector<16xf32>
      %add3A_359 = arith.addf %add3A_346, %mul3A_358 : vector<16xf32>
      %mul3A_360 = arith.constant 16 : i32
      %mul3A_361 = arith.muli %scan3A_112, %mul3A_360 : i32
      %add3A_362 = arith.constant 2432 : i32
      %add3A_363 = arith.addi %add3A_362, %mul3A_361 : i32
      %get3A_364 = arith.index_cast %add3A_363 : i32 to index
      %get3A_365 = tpu.vector_load %arg10[%get3A_364] {strides = array<i32>} : memref<6400xf32, #tpu.memory_space<vmem>>, vector<16xf32>,
      %get3A_366 = arith.index_cast %add3A_363 : i32 to index
      %get3A_367 = tpu.vector_load %arg8[%get3A_366] {strides = array<i32>} : memref<6400xf32, #tpu.memory_space<vmem>>, vector<16xf32>,
      %max3A_368 = arith.constant 0.000000e+00 : f32
      %max3A_369 = vector.broadcast %max3A_368 : f32 to vector<16xf32>
      %max3A_370 = arith.maximumf %get3A_367, %max3A_369 : vector<16xf32>
      %mul3A_371 = arith.mulf %max3A_370, %get3A_365 : vector<16xf32>
      %add3A_372 = arith.addf %add3A_359, %mul3A_371 : vector<16xf32>
      %mul3A_373 = arith.constant 16 : i32
      %mul3A_374 = arith.muli %scan3A_112, %mul3A_373 : i32
      %add3A_375 = arith.constant 2560 : i32
      %add3A_376 = arith.addi %add3A_375, %mul3A_374 : i32
      %get3A_377 = arith.index_cast %add3A_376 : i32 to index
      %get3A_378 = tpu.vector_load %arg10[%get3A_377] {strides = array<i32>} : memref<6400xf32, #tpu.memory_space<vmem>>, vector<16xf32>,
      %get3A_379 = arith.index_cast %add3A_376 : i32 to index
      %get3A_380 = tpu.vector_load %arg8[%get3A_379] {strides = array<i32>} : memref<6400xf32, #tpu.memory_space<vmem>>, vector<16xf32>,
      %max3A_381 = arith.constant 0.000000e+00 : f32
      %max3A_382 = vector.broadcast %max3A_381 : f32 to vector<16xf32>
      %max3A_383 = arith.maximumf %get3A_380, %max3A_382 : vector<16xf32>
      %mul3A_384 = arith.mulf %max3A_383, %get3A_378 : vector<16xf32>
      %add3A_385 = arith.addf %add3A_372, %mul3A_384 : vector<16xf32>
      %mul3A_386 = arith.constant 16 : i32
      %mul3A_387 = arith.muli %scan3A_112, %mul3A_386 : i32
      %add3A_388 = arith.constant 2688 : i32
      %add3A_389 = arith.addi %add3A_388, %mul3A_387 : i32
      %get3A_390 = arith.index_cast %add3A_389 : i32 to index
      %get3A_391 = tpu.vector_load %arg10[%get3A_390] {strides = array<i32>} : memref<6400xf32, #tpu.memory_space<vmem>>, vector<16xf32>,
      %get3A_392 = arith.index_cast %add3A_389 : i32 to index
      %get3A_393 = tpu.vector_load %arg8[%get3A_392] {strides = array<i32>} : memref<6400xf32, #tpu.memory_space<vmem>>, vector<16xf32>,
      %max3A_394 = arith.constant 0.000000e+00 : f32
      %max3A_395 = vector.broadcast %max3A_394 : f32 to vector<16xf32>
      %max3A_396 = arith.maximumf %get3A_393, %max3A_395 : vector<16xf32>
      %mul3A_397 = arith.mulf %max3A_396, %get3A_391 : vector<16xf32>
      %add3A_398 = arith.addf %add3A_385, %mul3A_397 : vector<16xf32>
      %mul3A_399 = arith.constant 16 : i32
      %mul3A_400 = arith.muli %scan3A_112, %mul3A_399 : i32
      %add3A_401 = arith.constant 2816 : i32
      %add3A_402 = arith.addi %add3A_401, %mul3A_400 : i32
      %get3A_403 = arith.index_cast %add3A_402 : i32 to index
      %get3A_404 = tpu.vector_load %arg10[%get3A_403] {strides = array<i32>} : memref<6400xf32, #tpu.memory_space<vmem>>, vector<16xf32>,
      %get3A_405 = arith.index_cast %add3A_402 : i32 to index
      %get3A_406 = tpu.vector_load %arg8[%get3A_405] {strides = array<i32>} : memref<6400xf32, #tpu.memory_space<vmem>>, vector<16xf32>,
      %max3A_407 = arith.constant 0.000000e+00 : f32
      %max3A_408 = vector.broadcast %max3A_407 : f32 to vector<16xf32>
      %max3A_409 = arith.maximumf %get3A_406, %max3A_408 : vector<16xf32>
      %mul3A_410 = arith.mulf %max3A_409, %get3A_404 : vector<16xf32>
      %add3A_411 = arith.addf %add3A_398, %mul3A_410 : vector<16xf32>
      %mul3A_412 = arith.constant 16 : i32
      %mul3A_413 = arith.muli %scan3A_112, %mul3A_412 : i32
      %add3A_414 = arith.constant 2944 : i32
      %add3A_415 = arith.addi %add3A_414, %mul3A_413 : i32
      %get3A_416 = arith.index_cast %add3A_415 : i32 to index
      %get3A_417 = tpu.vector_load %arg10[%get3A_416] {strides = array<i32>} : memref<6400xf32, #tpu.memory_space<vmem>>, vector<16xf32>,
      %get3A_418 = arith.index_cast %add3A_415 : i32 to index
      %get3A_419 = tpu.vector_load %arg8[%get3A_418] {strides = array<i32>} : memref<6400xf32, #tpu.memory_space<vmem>>, vector<16xf32>,
      %max3A_420 = arith.constant 0.000000e+00 : f32
      %max3A_421 = vector.broadcast %max3A_420 : f32 to vector<16xf32>
      %max3A_422 = arith.maximumf %get3A_419, %max3A_421 : vector<16xf32>
      %mul3A_423 = arith.mulf %max3A_422, %get3A_417 : vector<16xf32>
      %add3A_424 = arith.addf %add3A_411, %mul3A_423 : vector<16xf32>
      %mul3A_425 = arith.constant 16 : i32
      %mul3A_426 = arith.muli %scan3A_112, %mul3A_425 : i32
      %add3A_427 = arith.constant 3072 : i32
      %add3A_428 = arith.addi %add3A_427, %mul3A_426 : i32
      %get3A_429 = arith.index_cast %add3A_428 : i32 to index
      %get3A_430 = tpu.vector_load %arg10[%get3A_429] {strides = array<i32>} : memref<6400xf32, #tpu.memory_space<vmem>>, vector<16xf32>,
      %get3A_431 = arith.index_cast %add3A_428 : i32 to index
      %get3A_432 = tpu.vector_load %arg8[%get3A_431] {strides = array<i32>} : memref<6400xf32, #tpu.memory_space<vmem>>, vector<16xf32>,
      %max3A_433 = arith.constant 0.000000e+00 : f32
      %max3A_434 = vector.broadcast %max3A_433 : f32 to vector<16xf32>
      %max3A_435 = arith.maximumf %get3A_432, %max3A_434 : vector<16xf32>
      %mul3A_436 = arith.mulf %max3A_435, %get3A_430 : vector<16xf32>
      %add3A_437 = arith.addf %add3A_424, %mul3A_436 : vector<16xf32>
      %mul3A_438 = arith.constant 16 : i32
      %mul3A_439 = arith.muli %scan3A_112, %mul3A_438 : i32
      %add3A_440 = arith.constant 3200 : i32
      %add3A_441 = arith.addi %add3A_440, %mul3A_439 : i32
      %get3A_442 = arith.index_cast %add3A_441 : i32 to index
      %get3A_443 = tpu.vector_load %arg10[%get3A_442] {strides = array<i32>} : memref<6400xf32, #tpu.memory_space<vmem>>, vector<16xf32>,
      %get3A_444 = arith.index_cast %add3A_441 : i32 to index
      %get3A_445 = tpu.vector_load %arg8[%get3A_444] {strides = array<i32>} : memref<6400xf32, #tpu.memory_space<vmem>>, vector<16xf32>,
      %max3A_446 = arith.constant 0.000000e+00 : f32
      %max3A_447 = vector.broadcast %max3A_446 : f32 to vector<16xf32>
      %max3A_448 = arith.maximumf %get3A_445, %max3A_447 : vector<16xf32>
      %mul3A_449 = arith.mulf %max3A_448, %get3A_443 : vector<16xf32>
      %add3A_450 = arith.addf %add3A_437, %mul3A_449 : vector<16xf32>
      %mul3A_451 = arith.constant 16 : i32
      %mul3A_452 = arith.muli %scan3A_112, %mul3A_451 : i32
      %add3A_453 = arith.constant 3328 : i32
      %add3A_454 = arith.addi %add3A_453, %mul3A_452 : i32
      %get3A_455 = arith.index_cast %add3A_454 : i32 to index
      %get3A_456 = tpu.vector_load %arg10[%get3A_455] {strides = array<i32>} : memref<6400xf32, #tpu.memory_space<vmem>>, vector<16xf32>,
      %get3A_457 = arith.index_cast %add3A_454 : i32 to index
      %get3A_458 = tpu.vector_load %arg8[%get3A_457] {strides = array<i32>} : memref<6400xf32, #tpu.memory_space<vmem>>, vector<16xf32>,
      %max3A_459 = arith.constant 0.000000e+00 : f32
      %max3A_460 = vector.broadcast %max3A_459 : f32 to vector<16xf32>
      %max3A_461 = arith.maximumf %get3A_458, %max3A_460 : vector<16xf32>
      %mul3A_462 = arith.mulf %max3A_461, %get3A_456 : vector<16xf32>
      %add3A_463 = arith.addf %add3A_450, %mul3A_462 : vector<16xf32>
      %mul3A_464 = arith.constant 16 : i32
      %mul3A_465 = arith.muli %scan3A_112, %mul3A_464 : i32
      %add3A_466 = arith.constant 3456 : i32
      %add3A_467 = arith.addi %add3A_466, %mul3A_465 : i32
      %get3A_468 = arith.index_cast %add3A_467 : i32 to index
      %get3A_469 = tpu.vector_load %arg10[%get3A_468] {strides = array<i32>} : memref<6400xf32, #tpu.memory_space<vmem>>, vector<16xf32>,
      %get3A_470 = arith.index_cast %add3A_467 : i32 to index
      %get3A_471 = tpu.vector_load %arg8[%get3A_470] {strides = array<i32>} : memref<6400xf32, #tpu.memory_space<vmem>>, vector<16xf32>,
      %max3A_472 = arith.constant 0.000000e+00 : f32
      %max3A_473 = vector.broadcast %max3A_472 : f32 to vector<16xf32>
      %max3A_474 = arith.maximumf %get3A_471, %max3A_473 : vector<16xf32>
      %mul3A_475 = arith.mulf %max3A_474, %get3A_469 : vector<16xf32>
      %add3A_476 = arith.addf %add3A_463, %mul3A_475 : vector<16xf32>
      %mul3A_477 = arith.constant 16 : i32
      %mul3A_478 = arith.muli %scan3A_112, %mul3A_477 : i32
      %add3A_479 = arith.constant 3584 : i32
      %add3A_480 = arith.addi %add3A_479, %mul3A_478 : i32
      %get3A_481 = arith.index_cast %add3A_480 : i32 to index
      %get3A_482 = tpu.vector_load %arg10[%get3A_481] {strides = array<i32>} : memref<6400xf32, #tpu.memory_space<vmem>>, vector<16xf32>,
      %get3A_483 = arith.index_cast %add3A_480 : i32 to index
      %get3A_484 = tpu.vector_load %arg8[%get3A_483] {strides = array<i32>} : memref<6400xf32, #tpu.memory_space<vmem>>, vector<16xf32>,
      %max3A_485 = arith.constant 0.000000e+00 : f32
      %max3A_486 = vector.broadcast %max3A_485 : f32 to vector<16xf32>
      %max3A_487 = arith.maximumf %get3A_484, %max3A_486 : vector<16xf32>
      %mul3A_488 = arith.mulf %max3A_487, %get3A_482 : vector<16xf32>
      %add3A_489 = arith.addf %add3A_476, %mul3A_488 : vector<16xf32>
      %mul3A_490 = arith.constant 16 : i32
      %mul3A_491 = arith.muli %scan3A_112, %mul3A_490 : i32
      %add3A_492 = arith.constant 3712 : i32
      %add3A_493 = arith.addi %add3A_492, %mul3A_491 : i32
      %get3A_494 = arith.index_cast %add3A_493 : i32 to index
      %get3A_495 = tpu.vector_load %arg10[%get3A_494] {strides = array<i32>} : memref<6400xf32, #tpu.memory_space<vmem>>, vector<16xf32>,
      %get3A_496 = arith.index_cast %add3A_493 : i32 to index
      %get3A_497 = tpu.vector_load %arg8[%get3A_496] {strides = array<i32>} : memref<6400xf32, #tpu.memory_space<vmem>>, vector<16xf32>,
      %max3A_498 = arith.constant 0.000000e+00 : f32
      %max3A_499 = vector.broadcast %max3A_498 : f32 to vector<16xf32>
      %max3A_500 = arith.maximumf %get3A_497, %max3A_499 : vector<16xf32>
      %mul3A_501 = arith.mulf %max3A_500, %get3A_495 : vector<16xf32>
      %add3A_502 = arith.addf %add3A_489, %mul3A_501 : vector<16xf32>
      %mul3A_503 = arith.constant 16 : i32
      %mul3A_504 = arith.muli %scan3A_112, %mul3A_503 : i32
      %add3A_505 = arith.constant 3840 : i32
      %add3A_506 = arith.addi %add3A_505, %mul3A_504 : i32
      %get3A_507 = arith.index_cast %add3A_506 : i32 to index
      %get3A_508 = tpu.vector_load %arg10[%get3A_507] {strides = array<i32>} : memref<6400xf32, #tpu.memory_space<vmem>>, vector<16xf32>,
      %get3A_509 = arith.index_cast %add3A_506 : i32 to index
      %get3A_510 = tpu.vector_load %arg8[%get3A_509] {strides = array<i32>} : memref<6400xf32, #tpu.memory_space<vmem>>, vector<16xf32>,
      %max3A_511 = arith.constant 0.000000e+00 : f32
      %max3A_512 = vector.broadcast %max3A_511 : f32 to vector<16xf32>
      %max3A_513 = arith.maximumf %get3A_510, %max3A_512 : vector<16xf32>
      %mul3A_514 = arith.mulf %max3A_513, %get3A_508 : vector<16xf32>
      %add3A_515 = arith.addf %add3A_502, %mul3A_514 : vector<16xf32>
      %mul3A_516 = arith.constant 16 : i32
      %mul3A_517 = arith.muli %scan3A_112, %mul3A_516 : i32
      %add3A_518 = arith.constant 3968 : i32
      %add3A_519 = arith.addi %add3A_518, %mul3A_517 : i32
      %get3A_520 = arith.index_cast %add3A_519 : i32 to index
      %get3A_521 = tpu.vector_load %arg10[%get3A_520] {strides = array<i32>} : memref<6400xf32, #tpu.memory_space<vmem>>, vector<16xf32>,
      %get3A_522 = arith.index_cast %add3A_519 : i32 to index
      %get3A_523 = tpu.vector_load %arg8[%get3A_522] {strides = array<i32>} : memref<6400xf32, #tpu.memory_space<vmem>>, vector<16xf32>,
      %max3A_524 = arith.constant 0.000000e+00 : f32
      %max3A_525 = vector.broadcast %max3A_524 : f32 to vector<16xf32>
      %max3A_526 = arith.maximumf %get3A_523, %max3A_525 : vector<16xf32>
      %mul3A_527 = arith.mulf %max3A_526, %get3A_521 : vector<16xf32>
      %add3A_528 = arith.addf %add3A_515, %mul3A_527 : vector<16xf32>
      %mul3A_529 = arith.constant 16 : i32
      %mul3A_530 = arith.muli %scan3A_112, %mul3A_529 : i32
      %add3A_531 = arith.constant 4096 : i32
      %add3A_532 = arith.addi %add3A_531, %mul3A_530 : i32
      %get3A_533 = arith.index_cast %add3A_532 : i32 to index
      %get3A_534 = tpu.vector_load %arg10[%get3A_533] {strides = array<i32>} : memref<6400xf32, #tpu.memory_space<vmem>>, vector<16xf32>,
      %get3A_535 = arith.index_cast %add3A_532 : i32 to index
      %get3A_536 = tpu.vector_load %arg8[%get3A_535] {strides = array<i32>} : memref<6400xf32, #tpu.memory_space<vmem>>, vector<16xf32>,
      %max3A_537 = arith.constant 0.000000e+00 : f32
      %max3A_538 = vector.broadcast %max3A_537 : f32 to vector<16xf32>
      %max3A_539 = arith.maximumf %get3A_536, %max3A_538 : vector<16xf32>
      %mul3A_540 = arith.mulf %max3A_539, %get3A_534 : vector<16xf32>
      %add3A_541 = arith.addf %add3A_528, %mul3A_540 : vector<16xf32>
      %mul3A_542 = arith.constant 16 : i32
      %mul3A_543 = arith.muli %scan3A_112, %mul3A_542 : i32
      %add3A_544 = arith.constant 4224 : i32
      %add3A_545 = arith.addi %add3A_544, %mul3A_543 : i32
      %get3A_546 = arith.index_cast %add3A_545 : i32 to index
      %get3A_547 = tpu.vector_load %arg10[%get3A_546] {strides = array<i32>} : memref<6400xf32, #tpu.memory_space<vmem>>, vector<16xf32>,
      %get3A_548 = arith.index_cast %add3A_545 : i32 to index
      %get3A_549 = tpu.vector_load %arg8[%get3A_548] {strides = array<i32>} : memref<6400xf32, #tpu.memory_space<vmem>>, vector<16xf32>,
      %max3A_550 = arith.constant 0.000000e+00 : f32
      %max3A_551 = vector.broadcast %max3A_550 : f32 to vector<16xf32>
      %max3A_552 = arith.maximumf %get3A_549, %max3A_551 : vector<16xf32>
      %mul3A_553 = arith.mulf %max3A_552, %get3A_547 : vector<16xf32>
      %add3A_554 = arith.addf %add3A_541, %mul3A_553 : vector<16xf32>
      %mul3A_555 = arith.constant 16 : i32
      %mul3A_556 = arith.muli %scan3A_112, %mul3A_555 : i32
      %add3A_557 = arith.constant 4352 : i32
      %add3A_558 = arith.addi %add3A_557, %mul3A_556 : i32
      %get3A_559 = arith.index_cast %add3A_558 : i32 to index
      %get3A_560 = tpu.vector_load %arg10[%get3A_559] {strides = array<i32>} : memref<6400xf32, #tpu.memory_space<vmem>>, vector<16xf32>,
      %get3A_561 = arith.index_cast %add3A_558 : i32 to index
      %get3A_562 = tpu.vector_load %arg8[%get3A_561] {strides = array<i32>} : memref<6400xf32, #tpu.memory_space<vmem>>, vector<16xf32>,
      %max3A_563 = arith.constant 0.000000e+00 : f32
      %max3A_564 = vector.broadcast %max3A_563 : f32 to vector<16xf32>
      %max3A_565 = arith.maximumf %get3A_562, %max3A_564 : vector<16xf32>
      %mul3A_566 = arith.mulf %max3A_565, %get3A_560 : vector<16xf32>
      %add3A_567 = arith.addf %add3A_554, %mul3A_566 : vector<16xf32>
      %mul3A_568 = arith.constant 16 : i32
      %mul3A_569 = arith.muli %scan3A_112, %mul3A_568 : i32
      %add3A_570 = arith.constant 4480 : i32
      %add3A_571 = arith.addi %add3A_570, %mul3A_569 : i32
      %get3A_572 = arith.index_cast %add3A_571 : i32 to index
      %get3A_573 = tpu.vector_load %arg10[%get3A_572] {strides = array<i32>} : memref<6400xf32, #tpu.memory_space<vmem>>, vector<16xf32>,
      %get3A_574 = arith.index_cast %add3A_571 : i32 to index
      %get3A_575 = tpu.vector_load %arg8[%get3A_574] {strides = array<i32>} : memref<6400xf32, #tpu.memory_space<vmem>>, vector<16xf32>,
      %max3A_576 = arith.constant 0.000000e+00 : f32
      %max3A_577 = vector.broadcast %max3A_576 : f32 to vector<16xf32>
      %max3A_578 = arith.maximumf %get3A_575, %max3A_577 : vector<16xf32>
      %mul3A_579 = arith.mulf %max3A_578, %get3A_573 : vector<16xf32>
      %add3A_580 = arith.addf %add3A_567, %mul3A_579 : vector<16xf32>
      %mul3A_581 = arith.constant 16 : i32
      %mul3A_582 = arith.muli %scan3A_112, %mul3A_581 : i32
      %add3A_583 = arith.constant 4608 : i32
      %add3A_584 = arith.addi %add3A_583, %mul3A_582 : i32
      %get3A_585 = arith.index_cast %add3A_584 : i32 to index
      %get3A_586 = tpu.vector_load %arg10[%get3A_585] {strides = array<i32>} : memref<6400xf32, #tpu.memory_space<vmem>>, vector<16xf32>,
      %get3A_587 = arith.index_cast %add3A_584 : i32 to index
      %get3A_588 = tpu.vector_load %arg8[%get3A_587] {strides = array<i32>} : memref<6400xf32, #tpu.memory_space<vmem>>, vector<16xf32>,
      %max3A_589 = arith.constant 0.000000e+00 : f32
      %max3A_590 = vector.broadcast %max3A_589 : f32 to vector<16xf32>
      %max3A_591 = arith.maximumf %get3A_588, %max3A_590 : vector<16xf32>
      %mul3A_592 = arith.mulf %max3A_591, %get3A_586 : vector<16xf32>
      %add3A_593 = arith.addf %add3A_580, %mul3A_592 : vector<16xf32>
      %mul3A_594 = arith.constant 16 : i32
      %mul3A_595 = arith.muli %scan3A_112, %mul3A_594 : i32
      %add3A_596 = arith.constant 4736 : i32
      %add3A_597 = arith.addi %add3A_596, %mul3A_595 : i32
      %get3A_598 = arith.index_cast %add3A_597 : i32 to index
      %get3A_599 = tpu.vector_load %arg10[%get3A_598] {strides = array<i32>} : memref<6400xf32, #tpu.memory_space<vmem>>, vector<16xf32>,
      %get3A_600 = arith.index_cast %add3A_597 : i32 to index
      %get3A_601 = tpu.vector_load %arg8[%get3A_600] {strides = array<i32>} : memref<6400xf32, #tpu.memory_space<vmem>>, vector<16xf32>,
      %max3A_602 = arith.constant 0.000000e+00 : f32
      %max3A_603 = vector.broadcast %max3A_602 : f32 to vector<16xf32>
      %max3A_604 = arith.maximumf %get3A_601, %max3A_603 : vector<16xf32>
      %mul3A_605 = arith.mulf %max3A_604, %get3A_599 : vector<16xf32>
      %add3A_606 = arith.addf %add3A_593, %mul3A_605 : vector<16xf32>
      %mul3A_607 = arith.constant 16 : i32
      %mul3A_608 = arith.muli %scan3A_112, %mul3A_607 : i32
      %add3A_609 = arith.constant 4864 : i32
      %add3A_610 = arith.addi %add3A_609, %mul3A_608 : i32
      %get3A_611 = arith.index_cast %add3A_610 : i32 to index
      %get3A_612 = tpu.vector_load %arg10[%get3A_611] {strides = array<i32>} : memref<6400xf32, #tpu.memory_space<vmem>>, vector<16xf32>,
      %get3A_613 = arith.index_cast %add3A_610 : i32 to index
      %get3A_614 = tpu.vector_load %arg8[%get3A_613] {strides = array<i32>} : memref<6400xf32, #tpu.memory_space<vmem>>, vector<16xf32>,
      %max3A_615 = arith.constant 0.000000e+00 : f32
      %max3A_616 = vector.broadcast %max3A_615 : f32 to vector<16xf32>
      %max3A_617 = arith.maximumf %get3A_614, %max3A_616 : vector<16xf32>
      %mul3A_618 = arith.mulf %max3A_617, %get3A_612 : vector<16xf32>
      %add3A_619 = arith.addf %add3A_606, %mul3A_618 : vector<16xf32>
      %mul3A_620 = arith.constant 16 : i32
      %mul3A_621 = arith.muli %scan3A_112, %mul3A_620 : i32
      %add3A_622 = arith.constant 4992 : i32
      %add3A_623 = arith.addi %add3A_622, %mul3A_621 : i32
      %get3A_624 = arith.index_cast %add3A_623 : i32 to index
      %get3A_625 = tpu.vector_load %arg10[%get3A_624] {strides = array<i32>} : memref<6400xf32, #tpu.memory_space<vmem>>, vector<16xf32>,
      %get3A_626 = arith.index_cast %add3A_623 : i32 to index
      %get3A_627 = tpu.vector_load %arg8[%get3A_626] {strides = array<i32>} : memref<6400xf32, #tpu.memory_space<vmem>>, vector<16xf32>,
      %max3A_628 = arith.constant 0.000000e+00 : f32
      %max3A_629 = vector.broadcast %max3A_628 : f32 to vector<16xf32>
      %max3A_630 = arith.maximumf %get3A_627, %max3A_629 : vector<16xf32>
      %mul3A_631 = arith.mulf %max3A_630, %get3A_625 : vector<16xf32>
      %add3A_632 = arith.addf %add3A_619, %mul3A_631 : vector<16xf32>
      %mul3A_633 = arith.constant 16 : i32
      %mul3A_634 = arith.muli %scan3A_112, %mul3A_633 : i32
      %add3A_635 = arith.constant 5120 : i32
      %add3A_636 = arith.addi %add3A_635, %mul3A_634 : i32
      %get3A_637 = arith.index_cast %add3A_636 : i32 to index
      %get3A_638 = tpu.vector_load %arg10[%get3A_637] {strides = array<i32>} : memref<6400xf32, #tpu.memory_space<vmem>>, vector<16xf32>,
      %get3A_639 = arith.index_cast %add3A_636 : i32 to index
      %get3A_640 = tpu.vector_load %arg8[%get3A_639] {strides = array<i32>} : memref<6400xf32, #tpu.memory_space<vmem>>, vector<16xf32>,
      %max3A_641 = arith.constant 0.000000e+00 : f32
      %max3A_642 = vector.broadcast %max3A_641 : f32 to vector<16xf32>
      %max3A_643 = arith.maximumf %get3A_640, %max3A_642 : vector<16xf32>
      %mul3A_644 = arith.mulf %max3A_643, %get3A_638 : vector<16xf32>
      %add3A_645 = arith.addf %add3A_632, %mul3A_644 : vector<16xf32>
      %mul3A_646 = arith.constant 16 : i32
      %mul3A_647 = arith.muli %scan3A_112, %mul3A_646 : i32
      %add3A_648 = arith.constant 5248 : i32
      %add3A_649 = arith.addi %add3A_648, %mul3A_647 : i32
      %get3A_650 = arith.index_cast %add3A_649 : i32 to index
      %get3A_651 = tpu.vector_load %arg10[%get3A_650] {strides = array<i32>} : memref<6400xf32, #tpu.memory_space<vmem>>, vector<16xf32>,
      %get3A_652 = arith.index_cast %add3A_649 : i32 to index
      %get3A_653 = tpu.vector_load %arg8[%get3A_652] {strides = array<i32>} : memref<6400xf32, #tpu.memory_space<vmem>>, vector<16xf32>,
      %max3A_654 = arith.constant 0.000000e+00 : f32
      %max3A_655 = vector.broadcast %max3A_654 : f32 to vector<16xf32>
      %max3A_656 = arith.maximumf %get3A_653, %max3A_655 : vector<16xf32>
      %mul3A_657 = arith.mulf %max3A_656, %get3A_651 : vector<16xf32>
      %add3A_658 = arith.addf %add3A_645, %mul3A_657 : vector<16xf32>
      %mul3A_659 = arith.constant 16 : i32
      %mul3A_660 = arith.muli %scan3A_112, %mul3A_659 : i32
      %add3A_661 = arith.constant 5376 : i32
      %add3A_662 = arith.addi %add3A_661, %mul3A_660 : i32
      %get3A_663 = arith.index_cast %add3A_662 : i32 to index
      %get3A_664 = tpu.vector_load %arg10[%get3A_663] {strides = array<i32>} : memref<6400xf32, #tpu.memory_space<vmem>>, vector<16xf32>,
      %get3A_665 = arith.index_cast %add3A_662 : i32 to index
      %get3A_666 = tpu.vector_load %arg8[%get3A_665] {strides = array<i32>} : memref<6400xf32, #tpu.memory_space<vmem>>, vector<16xf32>,
      %max3A_667 = arith.constant 0.000000e+00 : f32
      %max3A_668 = vector.broadcast %max3A_667 : f32 to vector<16xf32>
      %max3A_669 = arith.maximumf %get3A_666, %max3A_668 : vector<16xf32>
      %mul3A_670 = arith.mulf %max3A_669, %get3A_664 : vector<16xf32>
      %add3A_671 = arith.addf %add3A_658, %mul3A_670 : vector<16xf32>
      %mul3A_672 = arith.constant 16 : i32
      %mul3A_673 = arith.muli %scan3A_112, %mul3A_672 : i32
      %add3A_674 = arith.constant 5504 : i32
      %add3A_675 = arith.addi %add3A_674, %mul3A_673 : i32
      %get3A_676 = arith.index_cast %add3A_675 : i32 to index
      %get3A_677 = tpu.vector_load %arg10[%get3A_676] {strides = array<i32>} : memref<6400xf32, #tpu.memory_space<vmem>>, vector<16xf32>,
      %get3A_678 = arith.index_cast %add3A_675 : i32 to index
      %get3A_679 = tpu.vector_load %arg8[%get3A_678] {strides = array<i32>} : memref<6400xf32, #tpu.memory_space<vmem>>, vector<16xf32>,
      %max3A_680 = arith.constant 0.000000e+00 : f32
      %max3A_681 = vector.broadcast %max3A_680 : f32 to vector<16xf32>
      %max3A_682 = arith.maximumf %get3A_679, %max3A_681 : vector<16xf32>
      %mul3A_683 = arith.mulf %max3A_682, %get3A_677 : vector<16xf32>
      %add3A_684 = arith.addf %add3A_671, %mul3A_683 : vector<16xf32>
      %mul3A_685 = arith.constant 16 : i32
      %mul3A_686 = arith.muli %scan3A_112, %mul3A_685 : i32
      %add3A_687 = arith.constant 5632 : i32
      %add3A_688 = arith.addi %add3A_687, %mul3A_686 : i32
      %get3A_689 = arith.index_cast %add3A_688 : i32 to index
      %get3A_690 = tpu.vector_load %arg10[%get3A_689] {strides = array<i32>} : memref<6400xf32, #tpu.memory_space<vmem>>, vector<16xf32>,
      %get3A_691 = arith.index_cast %add3A_688 : i32 to index
      %get3A_692 = tpu.vector_load %arg8[%get3A_691] {strides = array<i32>} : memref<6400xf32, #tpu.memory_space<vmem>>, vector<16xf32>,
      %max3A_693 = arith.constant 0.000000e+00 : f32
      %max3A_694 = vector.broadcast %max3A_693 : f32 to vector<16xf32>
      %max3A_695 = arith.maximumf %get3A_692, %max3A_694 : vector<16xf32>
      %mul3A_696 = arith.mulf %max3A_695, %get3A_690 : vector<16xf32>
      %add3A_697 = arith.addf %add3A_684, %mul3A_696 : vector<16xf32>
      %mul3A_698 = arith.constant 16 : i32
      %mul3A_699 = arith.muli %scan3A_112, %mul3A_698 : i32
      %add3A_700 = arith.constant 5760 : i32
      %add3A_701 = arith.addi %add3A_700, %mul3A_699 : i32
      %get3A_702 = arith.index_cast %add3A_701 : i32 to index
      %get3A_703 = tpu.vector_load %arg10[%get3A_702] {strides = array<i32>} : memref<6400xf32, #tpu.memory_space<vmem>>, vector<16xf32>,
      %get3A_704 = arith.index_cast %add3A_701 : i32 to index
      %get3A_705 = tpu.vector_load %arg8[%get3A_704] {strides = array<i32>} : memref<6400xf32, #tpu.memory_space<vmem>>, vector<16xf32>,
      %max3A_706 = arith.constant 0.000000e+00 : f32
      %max3A_707 = vector.broadcast %max3A_706 : f32 to vector<16xf32>
      %max3A_708 = arith.maximumf %get3A_705, %max3A_707 : vector<16xf32>
      %mul3A_709 = arith.mulf %max3A_708, %get3A_703 : vector<16xf32>
      %add3A_710 = arith.addf %add3A_697, %mul3A_709 : vector<16xf32>
      %mul3A_711 = arith.constant 16 : i32
      %mul3A_712 = arith.muli %scan3A_112, %mul3A_711 : i32
      %add3A_713 = arith.constant 5888 : i32
      %add3A_714 = arith.addi %add3A_713, %mul3A_712 : i32
      %get3A_715 = arith.index_cast %add3A_714 : i32 to index
      %get3A_716 = tpu.vector_load %arg10[%get3A_715] {strides = array<i32>} : memref<6400xf32, #tpu.memory_space<vmem>>, vector<16xf32>,
      %get3A_717 = arith.index_cast %add3A_714 : i32 to index
      %get3A_718 = tpu.vector_load %arg8[%get3A_717] {strides = array<i32>} : memref<6400xf32, #tpu.memory_space<vmem>>, vector<16xf32>,
      %max3A_719 = arith.constant 0.000000e+00 : f32
      %max3A_720 = vector.broadcast %max3A_719 : f32 to vector<16xf32>
      %max3A_721 = arith.maximumf %get3A_718, %max3A_720 : vector<16xf32>
      %mul3A_722 = arith.mulf %max3A_721, %get3A_716 : vector<16xf32>
      %add3A_723 = arith.addf %add3A_710, %mul3A_722 : vector<16xf32>
      %mul3A_724 = arith.constant 16 : i32
      %mul3A_725 = arith.muli %scan3A_112, %mul3A_724 : i32
      %add3A_726 = arith.constant 6016 : i32
      %add3A_727 = arith.addi %add3A_726, %mul3A_725 : i32
      %get3A_728 = arith.index_cast %add3A_727 : i32 to index
      %get3A_729 = tpu.vector_load %arg10[%get3A_728] {strides = array<i32>} : memref<6400xf32, #tpu.memory_space<vmem>>, vector<16xf32>,
      %get3A_730 = arith.index_cast %add3A_727 : i32 to index
      %get3A_731 = tpu.vector_load %arg8[%get3A_730] {strides = array<i32>} : memref<6400xf32, #tpu.memory_space<vmem>>, vector<16xf32>,
      %max3A_732 = arith.constant 0.000000e+00 : f32
      %max3A_733 = vector.broadcast %max3A_732 : f32 to vector<16xf32>
      %max3A_734 = arith.maximumf %get3A_731, %max3A_733 : vector<16xf32>
      %mul3A_735 = arith.mulf %max3A_734, %get3A_729 : vector<16xf32>
      %add3A_736 = arith.addf %add3A_723, %mul3A_735 : vector<16xf32>
      %mul3A_737 = arith.constant 16 : i32
      %mul3A_738 = arith.muli %scan3A_112, %mul3A_737 : i32
      %add3A_739 = arith.constant 6144 : i32
      %add3A_740 = arith.addi %add3A_739, %mul3A_738 : i32
      %get3A_741 = arith.index_cast %add3A_740 : i32 to index
      %get3A_742 = tpu.vector_load %arg10[%get3A_741] {strides = array<i32>} : memref<6400xf32, #tpu.memory_space<vmem>>, vector<16xf32>,
      %get3A_743 = arith.index_cast %add3A_740 : i32 to index
      %get3A_744 = tpu.vector_load %arg8[%get3A_743] {strides = array<i32>} : memref<6400xf32, #tpu.memory_space<vmem>>, vector<16xf32>,
      %max3A_745 = arith.constant 0.000000e+00 : f32
      %max3A_746 = vector.broadcast %max3A_745 : f32 to vector<16xf32>
      %max3A_747 = arith.maximumf %get3A_744, %max3A_746 : vector<16xf32>
      %mul3A_748 = arith.mulf %max3A_747, %get3A_742 : vector<16xf32>
      %add3A_749 = arith.addf %add3A_736, %mul3A_748 : vector<16xf32>
      %mul3A_750 = arith.constant 16 : i32
      %mul3A_751 = arith.muli %scan3A_112, %mul3A_750 : i32
      %add3A_752 = arith.constant 6272 : i32
      %add3A_753 = arith.addi %add3A_752, %mul3A_751 : i32
      %get3A_754 = arith.index_cast %add3A_753 : i32 to index
      %get3A_755 = tpu.vector_load %arg10[%get3A_754] {strides = array<i32>} : memref<6400xf32, #tpu.memory_space<vmem>>, vector<16xf32>,
      %get3A_756 = arith.index_cast %add3A_753 : i32 to index
      %get3A_757 = tpu.vector_load %arg8[%get3A_756] {strides = array<i32>} : memref<6400xf32, #tpu.memory_space<vmem>>, vector<16xf32>,
      %max3A_758 = arith.constant 0.000000e+00 : f32
      %max3A_759 = vector.broadcast %max3A_758 : f32 to vector<16xf32>
      %max3A_760 = arith.maximumf %get3A_757, %max3A_759 : vector<16xf32>
      %mul3A_761 = arith.mulf %max3A_760, %get3A_755 : vector<16xf32>
      %add3A_762 = arith.addf %add3A_749, %mul3A_761 : vector<16xf32>
      %mul3A_763 = arith.constant 16 : i32
      %mul3A_764 = arith.muli %scan3A_112, %mul3A_763 : i32
      %add3A_765 = arith.constant 256 : i32
      %add3A_766 = arith.addi %add3A_765, %mul3A_764 : i32
      %swap3A = arith.index_cast %add3A_766 : i32 to index
      %swap3A_767 = tpu.vector_load %arg12[%swap3A] {strides = array<i32>} : memref<512xf32, #tpu.memory_space<vmem>>, vector<16xf32>,
      tpu.vector_store %arg12[%swap3A], %add3A_762 {strides = array<i32>} : memref<512xf32, #tpu.memory_space<vmem>>, vector<16xf32>,
      %scan3A_768 = arith.constant 0 : i32
      scf.yield %scan3A_768 : i32
    }
    %scan3A_96 = arith.constant 8 : i32
    %dma_wait3A_97 = tpu.memref_slice %arg3[%add3A_75] : memref<819200xf32, #tpu.memory_space<hbm>> -> memref<6400xf32, #tpu.memory_space<hbm>>
    %dma_wait3A_98 = tpu.memref_slice %arg3[%add3A_75] : memref<819200xf32, #tpu.memory_space<hbm>> -> memref<6400xf32, #tpu.memory_space<hbm>>
    tpu.wait_dma2 semaphore(%arg16 : memref<!tpu.dma_semaphore, #tpu.memory_space<semaphore_mem>>) src(%dma_wait3A_98 : memref<6400xf32, #tpu.memory_space<hbm>>) dst(%arg9 : memref<6400xf32, #tpu.memory_space<vmem>>)
    %dma_wait3A_99 = arith.constant 0 : i32
    %dma_wait3A_100 = tpu.memref_slice %arg7[%dma_wait3A_99] : memref<6400xi32, #tpu.memory_space<vmem>> -> memref<6400xi32, #tpu.memory_space<vmem>>
    %dma_wait3A_101 = arith.constant 0 : i32
    %dma_wait3A_102 = tpu.memref_slice %arg4[%dma_wait3A_101] : memref<1000000xf32, #tpu.memory_space<hbm>> -> memref<1000000xf32, #tpu.memory_space<hbm>>
    tpu.wait_indirect_dma semaphore(%arg18 : memref<!tpu.dma_semaphore, #tpu.memory_space<semaphore_mem>>) src(%dma_wait3A_102 : memref<1000000xf32, #tpu.memory_space<hbm>>) dst(%arg11 : memref<6400xf32, #tpu.memory_space<vmem>>)
    %scan3A_103 = arith.constant 0 : i32
    %scan3A_104 = arith.constant 0 : i32
    %scan3A_105 = arith.constant 8 : i32
    %scan3A_106 = arith.addi %scan3A_104, %scan3A_105 : i32
    %scan3A_107 = arith.constant 1 : i32
    %scan3A_108 = scf.for %scan3A_112 = %scan3A_104 to %scan3A_106 step %scan3A_107 iter_args(%scan3A_113 = %scan3A_103) -> (i32)  : i32 {
      %broadcast_in_dim3A = arith.constant 0.000000e+00 : f32
      %broadcast_in_dim3A_114 = vector.broadcast %broadcast_in_dim3A : f32 to vector<16xf32>
      %mul3A_115 = arith.constant 16 : i32
      %mul3A_116 = arith.muli %scan3A_112, %mul3A_115 : i32
      %add3A_117 = arith.constant 0 : i32
      %add3A_118 = arith.addi %add3A_117, %mul3A_116 : i32
      %get3A = arith.index_cast %add3A_118 : i32 to index
      %get3A_119 = tpu.vector_load %arg11[%get3A] {strides = array<i32>} : memref<6400xf32, #tpu.memory_space<vmem>>, vector<16xf32>,
      %get3A_120 = arith.index_cast %add3A_118 : i32 to index
      %get3A_121 = tpu.vector_load %arg9[%get3A_120] {strides = array<i32>} : memref<6400xf32, #tpu.memory_space<vmem>>, vector<16xf32>,
      %max3A = arith.constant 0.000000e+00 : f32
      %max3A_122 = vector.broadcast %max3A : f32 to vector<16xf32>
      %max3A_123 = arith.maximumf %get3A_121, %max3A_122 : vector<16xf32>
      %mul3A_124 = arith.mulf %max3A_123, %get3A_119 : vector<16xf32>
      %add3A_125 = arith.addf %broadcast_in_dim3A_114, %mul3A_124 : vector<16xf32>
      %mul3A_126 = arith.constant 16 : i32
      %mul3A_127 = arith.muli %scan3A_112, %mul3A_126 : i32
      %add3A_128 = arith.constant 128 : i32
      %add3A_129 = arith.addi %add3A_128, %mul3A_127 : i32
      %get3A_130 = arith.index_cast %add3A_129 : i32 to index
      %get3A_131 = tpu.vector_load %arg11[%get3A_130] {strides = array<i32>} : memref<6400xf32, #tpu.memory_space<vmem>>, vector<16xf32>,
      %get3A_132 = arith.index_cast %add3A_129 : i32 to index
      %get3A_133 = tpu.vector_load %arg9[%get3A_132] {strides = array<i32>} : memref<6400xf32, #tpu.memory_space<vmem>>, vector<16xf32>,
      %max3A_134 = arith.constant 0.000000e+00 : f32
      %max3A_135 = vector.broadcast %max3A_134 : f32 to vector<16xf32>
      %max3A_136 = arith.maximumf %get3A_133, %max3A_135 : vector<16xf32>
      %mul3A_137 = arith.mulf %max3A_136, %get3A_131 : vector<16xf32>
      %add3A_138 = arith.addf %add3A_125, %mul3A_137 : vector<16xf32>
      %mul3A_139 = arith.constant 16 : i32
      %mul3A_140 = arith.muli %scan3A_112, %mul3A_139 : i32
      %add3A_141 = arith.constant 256 : i32
      %add3A_142 = arith.addi %add3A_141, %mul3A_140 : i32
      %get3A_143 = arith.index_cast %add3A_142 : i32 to index
      %get3A_144 = tpu.vector_load %arg11[%get3A_143] {strides = array<i32>} : memref<6400xf32, #tpu.memory_space<vmem>>, vector<16xf32>,
      %get3A_145 = arith.index_cast %add3A_142 : i32 to index
      %get3A_146 = tpu.vector_load %arg9[%get3A_145] {strides = array<i32>} : memref<6400xf32, #tpu.memory_space<vmem>>, vector<16xf32>,
      %max3A_147 = arith.constant 0.000000e+00 : f32
      %max3A_148 = vector.broadcast %max3A_147 : f32 to vector<16xf32>
      %max3A_149 = arith.maximumf %get3A_146, %max3A_148 : vector<16xf32>
      %mul3A_150 = arith.mulf %max3A_149, %get3A_144 : vector<16xf32>
      %add3A_151 = arith.addf %add3A_138, %mul3A_150 : vector<16xf32>
      %mul3A_152 = arith.constant 16 : i32
      %mul3A_153 = arith.muli %scan3A_112, %mul3A_152 : i32
      %add3A_154 = arith.constant 384 : i32
      %add3A_155 = arith.addi %add3A_154, %mul3A_153 : i32
      %get3A_156 = arith.index_cast %add3A_155 : i32 to index
      %get3A_157 = tpu.vector_load %arg11[%get3A_156] {strides = array<i32>} : memref<6400xf32, #tpu.memory_space<vmem>>, vector<16xf32>,
      %get3A_158 = arith.index_cast %add3A_155 : i32 to index
      %get3A_159 = tpu.vector_load %arg9[%get3A_158] {strides = array<i32>} : memref<6400xf32, #tpu.memory_space<vmem>>, vector<16xf32>,
      %max3A_160 = arith.constant 0.000000e+00 : f32
      %max3A_161 = vector.broadcast %max3A_160 : f32 to vector<16xf32>
      %max3A_162 = arith.maximumf %get3A_159, %max3A_161 : vector<16xf32>
      %mul3A_163 = arith.mulf %max3A_162, %get3A_157 : vector<16xf32>
      %add3A_164 = arith.addf %add3A_151, %mul3A_163 : vector<16xf32>
      %mul3A_165 = arith.constant 16 : i32
      %mul3A_166 = arith.muli %scan3A_112, %mul3A_165 : i32
      %add3A_167 = arith.constant 512 : i32
      %add3A_168 = arith.addi %add3A_167, %mul3A_166 : i32
      %get3A_169 = arith.index_cast %add3A_168 : i32 to index
      %get3A_170 = tpu.vector_load %arg11[%get3A_169] {strides = array<i32>} : memref<6400xf32, #tpu.memory_space<vmem>>, vector<16xf32>,
      %get3A_171 = arith.index_cast %add3A_168 : i32 to index
      %get3A_172 = tpu.vector_load %arg9[%get3A_171] {strides = array<i32>} : memref<6400xf32, #tpu.memory_space<vmem>>, vector<16xf32>,
      %max3A_173 = arith.constant 0.000000e+00 : f32
      %max3A_174 = vector.broadcast %max3A_173 : f32 to vector<16xf32>
      %max3A_175 = arith.maximumf %get3A_172, %max3A_174 : vector<16xf32>
      %mul3A_176 = arith.mulf %max3A_175, %get3A_170 : vector<16xf32>
      %add3A_177 = arith.addf %add3A_164, %mul3A_176 : vector<16xf32>
      %mul3A_178 = arith.constant 16 : i32
      %mul3A_179 = arith.muli %scan3A_112, %mul3A_178 : i32
      %add3A_180 = arith.constant 640 : i32
      %add3A_181 = arith.addi %add3A_180, %mul3A_179 : i32
      %get3A_182 = arith.index_cast %add3A_181 : i32 to index
      %get3A_183 = tpu.vector_load %arg11[%get3A_182] {strides = array<i32>} : memref<6400xf32, #tpu.memory_space<vmem>>, vector<16xf32>,
      %get3A_184 = arith.index_cast %add3A_181 : i32 to index
      %get3A_185 = tpu.vector_load %arg9[%get3A_184] {strides = array<i32>} : memref<6400xf32, #tpu.memory_space<vmem>>, vector<16xf32>,
      %max3A_186 = arith.constant 0.000000e+00 : f32
      %max3A_187 = vector.broadcast %max3A_186 : f32 to vector<16xf32>
      %max3A_188 = arith.maximumf %get3A_185, %max3A_187 : vector<16xf32>
      %mul3A_189 = arith.mulf %max3A_188, %get3A_183 : vector<16xf32>
      %add3A_190 = arith.addf %add3A_177, %mul3A_189 : vector<16xf32>
      %mul3A_191 = arith.constant 16 : i32
      %mul3A_192 = arith.muli %scan3A_112, %mul3A_191 : i32
      %add3A_193 = arith.constant 768 : i32
      %add3A_194 = arith.addi %add3A_193, %mul3A_192 : i32
      %get3A_195 = arith.index_cast %add3A_194 : i32 to index
      %get3A_196 = tpu.vector_load %arg11[%get3A_195] {strides = array<i32>} : memref<6400xf32, #tpu.memory_space<vmem>>, vector<16xf32>,
      %get3A_197 = arith.index_cast %add3A_194 : i32 to index
      %get3A_198 = tpu.vector_load %arg9[%get3A_197] {strides = array<i32>} : memref<6400xf32, #tpu.memory_space<vmem>>, vector<16xf32>,
      %max3A_199 = arith.constant 0.000000e+00 : f32
      %max3A_200 = vector.broadcast %max3A_199 : f32 to vector<16xf32>
      %max3A_201 = arith.maximumf %get3A_198, %max3A_200 : vector<16xf32>
      %mul3A_202 = arith.mulf %max3A_201, %get3A_196 : vector<16xf32>
      %add3A_203 = arith.addf %add3A_190, %mul3A_202 : vector<16xf32>
      %mul3A_204 = arith.constant 16 : i32
      %mul3A_205 = arith.muli %scan3A_112, %mul3A_204 : i32
      %add3A_206 = arith.constant 896 : i32
      %add3A_207 = arith.addi %add3A_206, %mul3A_205 : i32
      %get3A_208 = arith.index_cast %add3A_207 : i32 to index
      %get3A_209 = tpu.vector_load %arg11[%get3A_208] {strides = array<i32>} : memref<6400xf32, #tpu.memory_space<vmem>>, vector<16xf32>,
      %get3A_210 = arith.index_cast %add3A_207 : i32 to index
      %get3A_211 = tpu.vector_load %arg9[%get3A_210] {strides = array<i32>} : memref<6400xf32, #tpu.memory_space<vmem>>, vector<16xf32>,
      %max3A_212 = arith.constant 0.000000e+00 : f32
      %max3A_213 = vector.broadcast %max3A_212 : f32 to vector<16xf32>
      %max3A_214 = arith.maximumf %get3A_211, %max3A_213 : vector<16xf32>
      %mul3A_215 = arith.mulf %max3A_214, %get3A_209 : vector<16xf32>
      %add3A_216 = arith.addf %add3A_203, %mul3A_215 : vector<16xf32>
      %mul3A_217 = arith.constant 16 : i32
      %mul3A_218 = arith.muli %scan3A_112, %mul3A_217 : i32
      %add3A_219 = arith.constant 1024 : i32
      %add3A_220 = arith.addi %add3A_219, %mul3A_218 : i32
      %get3A_221 = arith.index_cast %add3A_220 : i32 to index
      %get3A_222 = tpu.vector_load %arg11[%get3A_221] {strides = array<i32>} : memref<6400xf32, #tpu.memory_space<vmem>>, vector<16xf32>,
      %get3A_223 = arith.index_cast %add3A_220 : i32 to index
      %get3A_224 = tpu.vector_load %arg9[%get3A_223] {strides = array<i32>} : memref<6400xf32, #tpu.memory_space<vmem>>, vector<16xf32>,
      %max3A_225 = arith.constant 0.000000e+00 : f32
      %max3A_226 = vector.broadcast %max3A_225 : f32 to vector<16xf32>
      %max3A_227 = arith.maximumf %get3A_224, %max3A_226 : vector<16xf32>
      %mul3A_228 = arith.mulf %max3A_227, %get3A_222 : vector<16xf32>
      %add3A_229 = arith.addf %add3A_216, %mul3A_228 : vector<16xf32>
      %mul3A_230 = arith.constant 16 : i32
      %mul3A_231 = arith.muli %scan3A_112, %mul3A_230 : i32
      %add3A_232 = arith.constant 1152 : i32
      %add3A_233 = arith.addi %add3A_232, %mul3A_231 : i32
      %get3A_234 = arith.index_cast %add3A_233 : i32 to index
      %get3A_235 = tpu.vector_load %arg11[%get3A_234] {strides = array<i32>} : memref<6400xf32, #tpu.memory_space<vmem>>, vector<16xf32>,
      %get3A_236 = arith.index_cast %add3A_233 : i32 to index
      %get3A_237 = tpu.vector_load %arg9[%get3A_236] {strides = array<i32>} : memref<6400xf32, #tpu.memory_space<vmem>>, vector<16xf32>,
      %max3A_238 = arith.constant 0.000000e+00 : f32
      %max3A_239 = vector.broadcast %max3A_238 : f32 to vector<16xf32>
      %max3A_240 = arith.maximumf %get3A_237, %max3A_239 : vector<16xf32>
      %mul3A_241 = arith.mulf %max3A_240, %get3A_235 : vector<16xf32>
      %add3A_242 = arith.addf %add3A_229, %mul3A_241 : vector<16xf32>
      %mul3A_243 = arith.constant 16 : i32
      %mul3A_244 = arith.muli %scan3A_112, %mul3A_243 : i32
      %add3A_245 = arith.constant 1280 : i32
      %add3A_246 = arith.addi %add3A_245, %mul3A_244 : i32
      %get3A_247 = arith.index_cast %add3A_246 : i32 to index
      %get3A_248 = tpu.vector_load %arg11[%get3A_247] {strides = array<i32>} : memref<6400xf32, #tpu.memory_space<vmem>>, vector<16xf32>,
      %get3A_249 = arith.index_cast %add3A_246 : i32 to index
      %get3A_250 = tpu.vector_load %arg9[%get3A_249] {strides = array<i32>} : memref<6400xf32, #tpu.memory_space<vmem>>, vector<16xf32>,
      %max3A_251 = arith.constant 0.000000e+00 : f32
      %max3A_252 = vector.broadcast %max3A_251 : f32 to vector<16xf32>
      %max3A_253 = arith.maximumf %get3A_250, %max3A_252 : vector<16xf32>
      %mul3A_254 = arith.mulf %max3A_253, %get3A_248 : vector<16xf32>
      %add3A_255 = arith.addf %add3A_242, %mul3A_254 : vector<16xf32>
      %mul3A_256 = arith.constant 16 : i32
      %mul3A_257 = arith.muli %scan3A_112, %mul3A_256 : i32
      %add3A_258 = arith.constant 1408 : i32
      %add3A_259 = arith.addi %add3A_258, %mul3A_257 : i32
      %get3A_260 = arith.index_cast %add3A_259 : i32 to index
      %get3A_261 = tpu.vector_load %arg11[%get3A_260] {strides = array<i32>} : memref<6400xf32, #tpu.memory_space<vmem>>, vector<16xf32>,
      %get3A_262 = arith.index_cast %add3A_259 : i32 to index
      %get3A_263 = tpu.vector_load %arg9[%get3A_262] {strides = array<i32>} : memref<6400xf32, #tpu.memory_space<vmem>>, vector<16xf32>,
      %max3A_264 = arith.constant 0.000000e+00 : f32
      %max3A_265 = vector.broadcast %max3A_264 : f32 to vector<16xf32>
      %max3A_266 = arith.maximumf %get3A_263, %max3A_265 : vector<16xf32>
      %mul3A_267 = arith.mulf %max3A_266, %get3A_261 : vector<16xf32>
      %add3A_268 = arith.addf %add3A_255, %mul3A_267 : vector<16xf32>
      %mul3A_269 = arith.constant 16 : i32
      %mul3A_270 = arith.muli %scan3A_112, %mul3A_269 : i32
      %add3A_271 = arith.constant 1536 : i32
      %add3A_272 = arith.addi %add3A_271, %mul3A_270 : i32
      %get3A_273 = arith.index_cast %add3A_272 : i32 to index
      %get3A_274 = tpu.vector_load %arg11[%get3A_273] {strides = array<i32>} : memref<6400xf32, #tpu.memory_space<vmem>>, vector<16xf32>,
      %get3A_275 = arith.index_cast %add3A_272 : i32 to index
      %get3A_276 = tpu.vector_load %arg9[%get3A_275] {strides = array<i32>} : memref<6400xf32, #tpu.memory_space<vmem>>, vector<16xf32>,
      %max3A_277 = arith.constant 0.000000e+00 : f32
      %max3A_278 = vector.broadcast %max3A_277 : f32 to vector<16xf32>
      %max3A_279 = arith.maximumf %get3A_276, %max3A_278 : vector<16xf32>
      %mul3A_280 = arith.mulf %max3A_279, %get3A_274 : vector<16xf32>
      %add3A_281 = arith.addf %add3A_268, %mul3A_280 : vector<16xf32>
      %mul3A_282 = arith.constant 16 : i32
      %mul3A_283 = arith.muli %scan3A_112, %mul3A_282 : i32
      %add3A_284 = arith.constant 1664 : i32
      %add3A_285 = arith.addi %add3A_284, %mul3A_283 : i32
      %get3A_286 = arith.index_cast %add3A_285 : i32 to index
      %get3A_287 = tpu.vector_load %arg11[%get3A_286] {strides = array<i32>} : memref<6400xf32, #tpu.memory_space<vmem>>, vector<16xf32>,
      %get3A_288 = arith.index_cast %add3A_285 : i32 to index
      %get3A_289 = tpu.vector_load %arg9[%get3A_288] {strides = array<i32>} : memref<6400xf32, #tpu.memory_space<vmem>>, vector<16xf32>,
      %max3A_290 = arith.constant 0.000000e+00 : f32
      %max3A_291 = vector.broadcast %max3A_290 : f32 to vector<16xf32>
      %max3A_292 = arith.maximumf %get3A_289, %max3A_291 : vector<16xf32>
      %mul3A_293 = arith.mulf %max3A_292, %get3A_287 : vector<16xf32>
      %add3A_294 = arith.addf %add3A_281, %mul3A_293 : vector<16xf32>
      %mul3A_295 = arith.constant 16 : i32
      %mul3A_296 = arith.muli %scan3A_112, %mul3A_295 : i32
      %add3A_297 = arith.constant 1792 : i32
      %add3A_298 = arith.addi %add3A_297, %mul3A_296 : i32
      %get3A_299 = arith.index_cast %add3A_298 : i32 to index
      %get3A_300 = tpu.vector_load %arg11[%get3A_299] {strides = array<i32>} : memref<6400xf32, #tpu.memory_space<vmem>>, vector<16xf32>,
      %get3A_301 = arith.index_cast %add3A_298 : i32 to index
      %get3A_302 = tpu.vector_load %arg9[%get3A_301] {strides = array<i32>} : memref<6400xf32, #tpu.memory_space<vmem>>, vector<16xf32>,
      %max3A_303 = arith.constant 0.000000e+00 : f32
      %max3A_304 = vector.broadcast %max3A_303 : f32 to vector<16xf32>
      %max3A_305 = arith.maximumf %get3A_302, %max3A_304 : vector<16xf32>
      %mul3A_306 = arith.mulf %max3A_305, %get3A_300 : vector<16xf32>
      %add3A_307 = arith.addf %add3A_294, %mul3A_306 : vector<16xf32>
      %mul3A_308 = arith.constant 16 : i32
      %mul3A_309 = arith.muli %scan3A_112, %mul3A_308 : i32
      %add3A_310 = arith.constant 1920 : i32
      %add3A_311 = arith.addi %add3A_310, %mul3A_309 : i32
      %get3A_312 = arith.index_cast %add3A_311 : i32 to index
      %get3A_313 = tpu.vector_load %arg11[%get3A_312] {strides = array<i32>} : memref<6400xf32, #tpu.memory_space<vmem>>, vector<16xf32>,
      %get3A_314 = arith.index_cast %add3A_311 : i32 to index
      %get3A_315 = tpu.vector_load %arg9[%get3A_314] {strides = array<i32>} : memref<6400xf32, #tpu.memory_space<vmem>>, vector<16xf32>,
      %max3A_316 = arith.constant 0.000000e+00 : f32
      %max3A_317 = vector.broadcast %max3A_316 : f32 to vector<16xf32>
      %max3A_318 = arith.maximumf %get3A_315, %max3A_317 : vector<16xf32>
      %mul3A_319 = arith.mulf %max3A_318, %get3A_313 : vector<16xf32>
      %add3A_320 = arith.addf %add3A_307, %mul3A_319 : vector<16xf32>
      %mul3A_321 = arith.constant 16 : i32
      %mul3A_322 = arith.muli %scan3A_112, %mul3A_321 : i32
      %add3A_323 = arith.constant 2048 : i32
      %add3A_324 = arith.addi %add3A_323, %mul3A_322 : i32
      %get3A_325 = arith.index_cast %add3A_324 : i32 to index
      %get3A_326 = tpu.vector_load %arg11[%get3A_325] {strides = array<i32>} : memref<6400xf32, #tpu.memory_space<vmem>>, vector<16xf32>,
      %get3A_327 = arith.index_cast %add3A_324 : i32 to index
      %get3A_328 = tpu.vector_load %arg9[%get3A_327] {strides = array<i32>} : memref<6400xf32, #tpu.memory_space<vmem>>, vector<16xf32>,
      %max3A_329 = arith.constant 0.000000e+00 : f32
      %max3A_330 = vector.broadcast %max3A_329 : f32 to vector<16xf32>
      %max3A_331 = arith.maximumf %get3A_328, %max3A_330 : vector<16xf32>
      %mul3A_332 = arith.mulf %max3A_331, %get3A_326 : vector<16xf32>
      %add3A_333 = arith.addf %add3A_320, %mul3A_332 : vector<16xf32>
      %mul3A_334 = arith.constant 16 : i32
      %mul3A_335 = arith.muli %scan3A_112, %mul3A_334 : i32
      %add3A_336 = arith.constant 2176 : i32
      %add3A_337 = arith.addi %add3A_336, %mul3A_335 : i32
      %get3A_338 = arith.index_cast %add3A_337 : i32 to index
      %get3A_339 = tpu.vector_load %arg11[%get3A_338] {strides = array<i32>} : memref<6400xf32, #tpu.memory_space<vmem>>, vector<16xf32>,
      %get3A_340 = arith.index_cast %add3A_337 : i32 to index
      %get3A_341 = tpu.vector_load %arg9[%get3A_340] {strides = array<i32>} : memref<6400xf32, #tpu.memory_space<vmem>>, vector<16xf32>,
      %max3A_342 = arith.constant 0.000000e+00 : f32
      %max3A_343 = vector.broadcast %max3A_342 : f32 to vector<16xf32>
      %max3A_344 = arith.maximumf %get3A_341, %max3A_343 : vector<16xf32>
      %mul3A_345 = arith.mulf %max3A_344, %get3A_339 : vector<16xf32>
      %add3A_346 = arith.addf %add3A_333, %mul3A_345 : vector<16xf32>
      %mul3A_347 = arith.constant 16 : i32
      %mul3A_348 = arith.muli %scan3A_112, %mul3A_347 : i32
      %add3A_349 = arith.constant 2304 : i32
      %add3A_350 = arith.addi %add3A_349, %mul3A_348 : i32
      %get3A_351 = arith.index_cast %add3A_350 : i32 to index
      %get3A_352 = tpu.vector_load %arg11[%get3A_351] {strides = array<i32>} : memref<6400xf32, #tpu.memory_space<vmem>>, vector<16xf32>,
      %get3A_353 = arith.index_cast %add3A_350 : i32 to index
      %get3A_354 = tpu.vector_load %arg9[%get3A_353] {strides = array<i32>} : memref<6400xf32, #tpu.memory_space<vmem>>, vector<16xf32>,
      %max3A_355 = arith.constant 0.000000e+00 : f32
      %max3A_356 = vector.broadcast %max3A_355 : f32 to vector<16xf32>
      %max3A_357 = arith.maximumf %get3A_354, %max3A_356 : vector<16xf32>
      %mul3A_358 = arith.mulf %max3A_357, %get3A_352 : vector<16xf32>
      %add3A_359 = arith.addf %add3A_346, %mul3A_358 : vector<16xf32>
      %mul3A_360 = arith.constant 16 : i32
      %mul3A_361 = arith.muli %scan3A_112, %mul3A_360 : i32
      %add3A_362 = arith.constant 2432 : i32
      %add3A_363 = arith.addi %add3A_362, %mul3A_361 : i32
      %get3A_364 = arith.index_cast %add3A_363 : i32 to index
      %get3A_365 = tpu.vector_load %arg11[%get3A_364] {strides = array<i32>} : memref<6400xf32, #tpu.memory_space<vmem>>, vector<16xf32>,
      %get3A_366 = arith.index_cast %add3A_363 : i32 to index
      %get3A_367 = tpu.vector_load %arg9[%get3A_366] {strides = array<i32>} : memref<6400xf32, #tpu.memory_space<vmem>>, vector<16xf32>,
      %max3A_368 = arith.constant 0.000000e+00 : f32
      %max3A_369 = vector.broadcast %max3A_368 : f32 to vector<16xf32>
      %max3A_370 = arith.maximumf %get3A_367, %max3A_369 : vector<16xf32>
      %mul3A_371 = arith.mulf %max3A_370, %get3A_365 : vector<16xf32>
      %add3A_372 = arith.addf %add3A_359, %mul3A_371 : vector<16xf32>
      %mul3A_373 = arith.constant 16 : i32
      %mul3A_374 = arith.muli %scan3A_112, %mul3A_373 : i32
      %add3A_375 = arith.constant 2560 : i32
      %add3A_376 = arith.addi %add3A_375, %mul3A_374 : i32
      %get3A_377 = arith.index_cast %add3A_376 : i32 to index
      %get3A_378 = tpu.vector_load %arg11[%get3A_377] {strides = array<i32>} : memref<6400xf32, #tpu.memory_space<vmem>>, vector<16xf32>,
      %get3A_379 = arith.index_cast %add3A_376 : i32 to index
      %get3A_380 = tpu.vector_load %arg9[%get3A_379] {strides = array<i32>} : memref<6400xf32, #tpu.memory_space<vmem>>, vector<16xf32>,
      %max3A_381 = arith.constant 0.000000e+00 : f32
      %max3A_382 = vector.broadcast %max3A_381 : f32 to vector<16xf32>
      %max3A_383 = arith.maximumf %get3A_380, %max3A_382 : vector<16xf32>
      %mul3A_384 = arith.mulf %max3A_383, %get3A_378 : vector<16xf32>
      %add3A_385 = arith.addf %add3A_372, %mul3A_384 : vector<16xf32>
      %mul3A_386 = arith.constant 16 : i32
      %mul3A_387 = arith.muli %scan3A_112, %mul3A_386 : i32
      %add3A_388 = arith.constant 2688 : i32
      %add3A_389 = arith.addi %add3A_388, %mul3A_387 : i32
      %get3A_390 = arith.index_cast %add3A_389 : i32 to index
      %get3A_391 = tpu.vector_load %arg11[%get3A_390] {strides = array<i32>} : memref<6400xf32, #tpu.memory_space<vmem>>, vector<16xf32>,
      %get3A_392 = arith.index_cast %add3A_389 : i32 to index
      %get3A_393 = tpu.vector_load %arg9[%get3A_392] {strides = array<i32>} : memref<6400xf32, #tpu.memory_space<vmem>>, vector<16xf32>,
      %max3A_394 = arith.constant 0.000000e+00 : f32
      %max3A_395 = vector.broadcast %max3A_394 : f32 to vector<16xf32>
      %max3A_396 = arith.maximumf %get3A_393, %max3A_395 : vector<16xf32>
      %mul3A_397 = arith.mulf %max3A_396, %get3A_391 : vector<16xf32>
      %add3A_398 = arith.addf %add3A_385, %mul3A_397 : vector<16xf32>
      %mul3A_399 = arith.constant 16 : i32
      %mul3A_400 = arith.muli %scan3A_112, %mul3A_399 : i32
      %add3A_401 = arith.constant 2816 : i32
      %add3A_402 = arith.addi %add3A_401, %mul3A_400 : i32
      %get3A_403 = arith.index_cast %add3A_402 : i32 to index
      %get3A_404 = tpu.vector_load %arg11[%get3A_403] {strides = array<i32>} : memref<6400xf32, #tpu.memory_space<vmem>>, vector<16xf32>,
      %get3A_405 = arith.index_cast %add3A_402 : i32 to index
      %get3A_406 = tpu.vector_load %arg9[%get3A_405] {strides = array<i32>} : memref<6400xf32, #tpu.memory_space<vmem>>, vector<16xf32>,
      %max3A_407 = arith.constant 0.000000e+00 : f32
      %max3A_408 = vector.broadcast %max3A_407 : f32 to vector<16xf32>
      %max3A_409 = arith.maximumf %get3A_406, %max3A_408 : vector<16xf32>
      %mul3A_410 = arith.mulf %max3A_409, %get3A_404 : vector<16xf32>
      %add3A_411 = arith.addf %add3A_398, %mul3A_410 : vector<16xf32>
      %mul3A_412 = arith.constant 16 : i32
      %mul3A_413 = arith.muli %scan3A_112, %mul3A_412 : i32
      %add3A_414 = arith.constant 2944 : i32
      %add3A_415 = arith.addi %add3A_414, %mul3A_413 : i32
      %get3A_416 = arith.index_cast %add3A_415 : i32 to index
      %get3A_417 = tpu.vector_load %arg11[%get3A_416] {strides = array<i32>} : memref<6400xf32, #tpu.memory_space<vmem>>, vector<16xf32>,
      %get3A_418 = arith.index_cast %add3A_415 : i32 to index
      %get3A_419 = tpu.vector_load %arg9[%get3A_418] {strides = array<i32>} : memref<6400xf32, #tpu.memory_space<vmem>>, vector<16xf32>,
      %max3A_420 = arith.constant 0.000000e+00 : f32
      %max3A_421 = vector.broadcast %max3A_420 : f32 to vector<16xf32>
      %max3A_422 = arith.maximumf %get3A_419, %max3A_421 : vector<16xf32>
      %mul3A_423 = arith.mulf %max3A_422, %get3A_417 : vector<16xf32>
      %add3A_424 = arith.addf %add3A_411, %mul3A_423 : vector<16xf32>
      %mul3A_425 = arith.constant 16 : i32
      %mul3A_426 = arith.muli %scan3A_112, %mul3A_425 : i32
      %add3A_427 = arith.constant 3072 : i32
      %add3A_428 = arith.addi %add3A_427, %mul3A_426 : i32
      %get3A_429 = arith.index_cast %add3A_428 : i32 to index
      %get3A_430 = tpu.vector_load %arg11[%get3A_429] {strides = array<i32>} : memref<6400xf32, #tpu.memory_space<vmem>>, vector<16xf32>,
      %get3A_431 = arith.index_cast %add3A_428 : i32 to index
      %get3A_432 = tpu.vector_load %arg9[%get3A_431] {strides = array<i32>} : memref<6400xf32, #tpu.memory_space<vmem>>, vector<16xf32>,
      %max3A_433 = arith.constant 0.000000e+00 : f32
      %max3A_434 = vector.broadcast %max3A_433 : f32 to vector<16xf32>
      %max3A_435 = arith.maximumf %get3A_432, %max3A_434 : vector<16xf32>
      %mul3A_436 = arith.mulf %max3A_435, %get3A_430 : vector<16xf32>
      %add3A_437 = arith.addf %add3A_424, %mul3A_436 : vector<16xf32>
      %mul3A_438 = arith.constant 16 : i32
      %mul3A_439 = arith.muli %scan3A_112, %mul3A_438 : i32
      %add3A_440 = arith.constant 3200 : i32
      %add3A_441 = arith.addi %add3A_440, %mul3A_439 : i32
      %get3A_442 = arith.index_cast %add3A_441 : i32 to index
      %get3A_443 = tpu.vector_load %arg11[%get3A_442] {strides = array<i32>} : memref<6400xf32, #tpu.memory_space<vmem>>, vector<16xf32>,
      %get3A_444 = arith.index_cast %add3A_441 : i32 to index
      %get3A_445 = tpu.vector_load %arg9[%get3A_444] {strides = array<i32>} : memref<6400xf32, #tpu.memory_space<vmem>>, vector<16xf32>,
      %max3A_446 = arith.constant 0.000000e+00 : f32
      %max3A_447 = vector.broadcast %max3A_446 : f32 to vector<16xf32>
      %max3A_448 = arith.maximumf %get3A_445, %max3A_447 : vector<16xf32>
      %mul3A_449 = arith.mulf %max3A_448, %get3A_443 : vector<16xf32>
      %add3A_450 = arith.addf %add3A_437, %mul3A_449 : vector<16xf32>
      %mul3A_451 = arith.constant 16 : i32
      %mul3A_452 = arith.muli %scan3A_112, %mul3A_451 : i32
      %add3A_453 = arith.constant 3328 : i32
      %add3A_454 = arith.addi %add3A_453, %mul3A_452 : i32
      %get3A_455 = arith.index_cast %add3A_454 : i32 to index
      %get3A_456 = tpu.vector_load %arg11[%get3A_455] {strides = array<i32>} : memref<6400xf32, #tpu.memory_space<vmem>>, vector<16xf32>,
      %get3A_457 = arith.index_cast %add3A_454 : i32 to index
      %get3A_458 = tpu.vector_load %arg9[%get3A_457] {strides = array<i32>} : memref<6400xf32, #tpu.memory_space<vmem>>, vector<16xf32>,
      %max3A_459 = arith.constant 0.000000e+00 : f32
      %max3A_460 = vector.broadcast %max3A_459 : f32 to vector<16xf32>
      %max3A_461 = arith.maximumf %get3A_458, %max3A_460 : vector<16xf32>
      %mul3A_462 = arith.mulf %max3A_461, %get3A_456 : vector<16xf32>
      %add3A_463 = arith.addf %add3A_450, %mul3A_462 : vector<16xf32>
      %mul3A_464 = arith.constant 16 : i32
      %mul3A_465 = arith.muli %scan3A_112, %mul3A_464 : i32
      %add3A_466 = arith.constant 3456 : i32
      %add3A_467 = arith.addi %add3A_466, %mul3A_465 : i32
      %get3A_468 = arith.index_cast %add3A_467 : i32 to index
      %get3A_469 = tpu.vector_load %arg11[%get3A_468] {strides = array<i32>} : memref<6400xf32, #tpu.memory_space<vmem>>, vector<16xf32>,
      %get3A_470 = arith.index_cast %add3A_467 : i32 to index
      %get3A_471 = tpu.vector_load %arg9[%get3A_470] {strides = array<i32>} : memref<6400xf32, #tpu.memory_space<vmem>>, vector<16xf32>,
      %max3A_472 = arith.constant 0.000000e+00 : f32
      %max3A_473 = vector.broadcast %max3A_472 : f32 to vector<16xf32>
      %max3A_474 = arith.maximumf %get3A_471, %max3A_473 : vector<16xf32>
      %mul3A_475 = arith.mulf %max3A_474, %get3A_469 : vector<16xf32>
      %add3A_476 = arith.addf %add3A_463, %mul3A_475 : vector<16xf32>
      %mul3A_477 = arith.constant 16 : i32
      %mul3A_478 = arith.muli %scan3A_112, %mul3A_477 : i32
      %add3A_479 = arith.constant 3584 : i32
      %add3A_480 = arith.addi %add3A_479, %mul3A_478 : i32
      %get3A_481 = arith.index_cast %add3A_480 : i32 to index
      %get3A_482 = tpu.vector_load %arg11[%get3A_481] {strides = array<i32>} : memref<6400xf32, #tpu.memory_space<vmem>>, vector<16xf32>,
      %get3A_483 = arith.index_cast %add3A_480 : i32 to index
      %get3A_484 = tpu.vector_load %arg9[%get3A_483] {strides = array<i32>} : memref<6400xf32, #tpu.memory_space<vmem>>, vector<16xf32>,
      %max3A_485 = arith.constant 0.000000e+00 : f32
      %max3A_486 = vector.broadcast %max3A_485 : f32 to vector<16xf32>
      %max3A_487 = arith.maximumf %get3A_484, %max3A_486 : vector<16xf32>
      %mul3A_488 = arith.mulf %max3A_487, %get3A_482 : vector<16xf32>
      %add3A_489 = arith.addf %add3A_476, %mul3A_488 : vector<16xf32>
      %mul3A_490 = arith.constant 16 : i32
      %mul3A_491 = arith.muli %scan3A_112, %mul3A_490 : i32
      %add3A_492 = arith.constant 3712 : i32
      %add3A_493 = arith.addi %add3A_492, %mul3A_491 : i32
      %get3A_494 = arith.index_cast %add3A_493 : i32 to index
      %get3A_495 = tpu.vector_load %arg11[%get3A_494] {strides = array<i32>} : memref<6400xf32, #tpu.memory_space<vmem>>, vector<16xf32>,
      %get3A_496 = arith.index_cast %add3A_493 : i32 to index
      %get3A_497 = tpu.vector_load %arg9[%get3A_496] {strides = array<i32>} : memref<6400xf32, #tpu.memory_space<vmem>>, vector<16xf32>,
      %max3A_498 = arith.constant 0.000000e+00 : f32
      %max3A_499 = vector.broadcast %max3A_498 : f32 to vector<16xf32>
      %max3A_500 = arith.maximumf %get3A_497, %max3A_499 : vector<16xf32>
      %mul3A_501 = arith.mulf %max3A_500, %get3A_495 : vector<16xf32>
      %add3A_502 = arith.addf %add3A_489, %mul3A_501 : vector<16xf32>
      %mul3A_503 = arith.constant 16 : i32
      %mul3A_504 = arith.muli %scan3A_112, %mul3A_503 : i32
      %add3A_505 = arith.constant 3840 : i32
      %add3A_506 = arith.addi %add3A_505, %mul3A_504 : i32
      %get3A_507 = arith.index_cast %add3A_506 : i32 to index
      %get3A_508 = tpu.vector_load %arg11[%get3A_507] {strides = array<i32>} : memref<6400xf32, #tpu.memory_space<vmem>>, vector<16xf32>,
      %get3A_509 = arith.index_cast %add3A_506 : i32 to index
      %get3A_510 = tpu.vector_load %arg9[%get3A_509] {strides = array<i32>} : memref<6400xf32, #tpu.memory_space<vmem>>, vector<16xf32>,
      %max3A_511 = arith.constant 0.000000e+00 : f32
      %max3A_512 = vector.broadcast %max3A_511 : f32 to vector<16xf32>
      %max3A_513 = arith.maximumf %get3A_510, %max3A_512 : vector<16xf32>
      %mul3A_514 = arith.mulf %max3A_513, %get3A_508 : vector<16xf32>
      %add3A_515 = arith.addf %add3A_502, %mul3A_514 : vector<16xf32>
      %mul3A_516 = arith.constant 16 : i32
      %mul3A_517 = arith.muli %scan3A_112, %mul3A_516 : i32
      %add3A_518 = arith.constant 3968 : i32
      %add3A_519 = arith.addi %add3A_518, %mul3A_517 : i32
      %get3A_520 = arith.index_cast %add3A_519 : i32 to index
      %get3A_521 = tpu.vector_load %arg11[%get3A_520] {strides = array<i32>} : memref<6400xf32, #tpu.memory_space<vmem>>, vector<16xf32>,
      %get3A_522 = arith.index_cast %add3A_519 : i32 to index
      %get3A_523 = tpu.vector_load %arg9[%get3A_522] {strides = array<i32>} : memref<6400xf32, #tpu.memory_space<vmem>>, vector<16xf32>,
      %max3A_524 = arith.constant 0.000000e+00 : f32
      %max3A_525 = vector.broadcast %max3A_524 : f32 to vector<16xf32>
      %max3A_526 = arith.maximumf %get3A_523, %max3A_525 : vector<16xf32>
      %mul3A_527 = arith.mulf %max3A_526, %get3A_521 : vector<16xf32>
      %add3A_528 = arith.addf %add3A_515, %mul3A_527 : vector<16xf32>
      %mul3A_529 = arith.constant 16 : i32
      %mul3A_530 = arith.muli %scan3A_112, %mul3A_529 : i32
      %add3A_531 = arith.constant 4096 : i32
      %add3A_532 = arith.addi %add3A_531, %mul3A_530 : i32
      %get3A_533 = arith.index_cast %add3A_532 : i32 to index
      %get3A_534 = tpu.vector_load %arg11[%get3A_533] {strides = array<i32>} : memref<6400xf32, #tpu.memory_space<vmem>>, vector<16xf32>,
      %get3A_535 = arith.index_cast %add3A_532 : i32 to index
      %get3A_536 = tpu.vector_load %arg9[%get3A_535] {strides = array<i32>} : memref<6400xf32, #tpu.memory_space<vmem>>, vector<16xf32>,
      %max3A_537 = arith.constant 0.000000e+00 : f32
      %max3A_538 = vector.broadcast %max3A_537 : f32 to vector<16xf32>
      %max3A_539 = arith.maximumf %get3A_536, %max3A_538 : vector<16xf32>
      %mul3A_540 = arith.mulf %max3A_539, %get3A_534 : vector<16xf32>
      %add3A_541 = arith.addf %add3A_528, %mul3A_540 : vector<16xf32>
      %mul3A_542 = arith.constant 16 : i32
      %mul3A_543 = arith.muli %scan3A_112, %mul3A_542 : i32
      %add3A_544 = arith.constant 4224 : i32
      %add3A_545 = arith.addi %add3A_544, %mul3A_543 : i32
      %get3A_546 = arith.index_cast %add3A_545 : i32 to index
      %get3A_547 = tpu.vector_load %arg11[%get3A_546] {strides = array<i32>} : memref<6400xf32, #tpu.memory_space<vmem>>, vector<16xf32>,
      %get3A_548 = arith.index_cast %add3A_545 : i32 to index
      %get3A_549 = tpu.vector_load %arg9[%get3A_548] {strides = array<i32>} : memref<6400xf32, #tpu.memory_space<vmem>>, vector<16xf32>,
      %max3A_550 = arith.constant 0.000000e+00 : f32
      %max3A_551 = vector.broadcast %max3A_550 : f32 to vector<16xf32>
      %max3A_552 = arith.maximumf %get3A_549, %max3A_551 : vector<16xf32>
      %mul3A_553 = arith.mulf %max3A_552, %get3A_547 : vector<16xf32>
      %add3A_554 = arith.addf %add3A_541, %mul3A_553 : vector<16xf32>
      %mul3A_555 = arith.constant 16 : i32
      %mul3A_556 = arith.muli %scan3A_112, %mul3A_555 : i32
      %add3A_557 = arith.constant 4352 : i32
      %add3A_558 = arith.addi %add3A_557, %mul3A_556 : i32
      %get3A_559 = arith.index_cast %add3A_558 : i32 to index
      %get3A_560 = tpu.vector_load %arg11[%get3A_559] {strides = array<i32>} : memref<6400xf32, #tpu.memory_space<vmem>>, vector<16xf32>,
      %get3A_561 = arith.index_cast %add3A_558 : i32 to index
      %get3A_562 = tpu.vector_load %arg9[%get3A_561] {strides = array<i32>} : memref<6400xf32, #tpu.memory_space<vmem>>, vector<16xf32>,
      %max3A_563 = arith.constant 0.000000e+00 : f32
      %max3A_564 = vector.broadcast %max3A_563 : f32 to vector<16xf32>
      %max3A_565 = arith.maximumf %get3A_562, %max3A_564 : vector<16xf32>
      %mul3A_566 = arith.mulf %max3A_565, %get3A_560 : vector<16xf32>
      %add3A_567 = arith.addf %add3A_554, %mul3A_566 : vector<16xf32>
      %mul3A_568 = arith.constant 16 : i32
      %mul3A_569 = arith.muli %scan3A_112, %mul3A_568 : i32
      %add3A_570 = arith.constant 4480 : i32
      %add3A_571 = arith.addi %add3A_570, %mul3A_569 : i32
      %get3A_572 = arith.index_cast %add3A_571 : i32 to index
      %get3A_573 = tpu.vector_load %arg11[%get3A_572] {strides = array<i32>} : memref<6400xf32, #tpu.memory_space<vmem>>, vector<16xf32>,
      %get3A_574 = arith.index_cast %add3A_571 : i32 to index
      %get3A_575 = tpu.vector_load %arg9[%get3A_574] {strides = array<i32>} : memref<6400xf32, #tpu.memory_space<vmem>>, vector<16xf32>,
      %max3A_576 = arith.constant 0.000000e+00 : f32
      %max3A_577 = vector.broadcast %max3A_576 : f32 to vector<16xf32>
      %max3A_578 = arith.maximumf %get3A_575, %max3A_577 : vector<16xf32>
      %mul3A_579 = arith.mulf %max3A_578, %get3A_573 : vector<16xf32>
      %add3A_580 = arith.addf %add3A_567, %mul3A_579 : vector<16xf32>
      %mul3A_581 = arith.constant 16 : i32
      %mul3A_582 = arith.muli %scan3A_112, %mul3A_581 : i32
      %add3A_583 = arith.constant 4608 : i32
      %add3A_584 = arith.addi %add3A_583, %mul3A_582 : i32
      %get3A_585 = arith.index_cast %add3A_584 : i32 to index
      %get3A_586 = tpu.vector_load %arg11[%get3A_585] {strides = array<i32>} : memref<6400xf32, #tpu.memory_space<vmem>>, vector<16xf32>,
      %get3A_587 = arith.index_cast %add3A_584 : i32 to index
      %get3A_588 = tpu.vector_load %arg9[%get3A_587] {strides = array<i32>} : memref<6400xf32, #tpu.memory_space<vmem>>, vector<16xf32>,
      %max3A_589 = arith.constant 0.000000e+00 : f32
      %max3A_590 = vector.broadcast %max3A_589 : f32 to vector<16xf32>
      %max3A_591 = arith.maximumf %get3A_588, %max3A_590 : vector<16xf32>
      %mul3A_592 = arith.mulf %max3A_591, %get3A_586 : vector<16xf32>
      %add3A_593 = arith.addf %add3A_580, %mul3A_592 : vector<16xf32>
      %mul3A_594 = arith.constant 16 : i32
      %mul3A_595 = arith.muli %scan3A_112, %mul3A_594 : i32
      %add3A_596 = arith.constant 4736 : i32
      %add3A_597 = arith.addi %add3A_596, %mul3A_595 : i32
      %get3A_598 = arith.index_cast %add3A_597 : i32 to index
      %get3A_599 = tpu.vector_load %arg11[%get3A_598] {strides = array<i32>} : memref<6400xf32, #tpu.memory_space<vmem>>, vector<16xf32>,
      %get3A_600 = arith.index_cast %add3A_597 : i32 to index
      %get3A_601 = tpu.vector_load %arg9[%get3A_600] {strides = array<i32>} : memref<6400xf32, #tpu.memory_space<vmem>>, vector<16xf32>,
      %max3A_602 = arith.constant 0.000000e+00 : f32
      %max3A_603 = vector.broadcast %max3A_602 : f32 to vector<16xf32>
      %max3A_604 = arith.maximumf %get3A_601, %max3A_603 : vector<16xf32>
      %mul3A_605 = arith.mulf %max3A_604, %get3A_599 : vector<16xf32>
      %add3A_606 = arith.addf %add3A_593, %mul3A_605 : vector<16xf32>
      %mul3A_607 = arith.constant 16 : i32
      %mul3A_608 = arith.muli %scan3A_112, %mul3A_607 : i32
      %add3A_609 = arith.constant 4864 : i32
      %add3A_610 = arith.addi %add3A_609, %mul3A_608 : i32
      %get3A_611 = arith.index_cast %add3A_610 : i32 to index
      %get3A_612 = tpu.vector_load %arg11[%get3A_611] {strides = array<i32>} : memref<6400xf32, #tpu.memory_space<vmem>>, vector<16xf32>,
      %get3A_613 = arith.index_cast %add3A_610 : i32 to index
      %get3A_614 = tpu.vector_load %arg9[%get3A_613] {strides = array<i32>} : memref<6400xf32, #tpu.memory_space<vmem>>, vector<16xf32>,
      %max3A_615 = arith.constant 0.000000e+00 : f32
      %max3A_616 = vector.broadcast %max3A_615 : f32 to vector<16xf32>
      %max3A_617 = arith.maximumf %get3A_614, %max3A_616 : vector<16xf32>
      %mul3A_618 = arith.mulf %max3A_617, %get3A_612 : vector<16xf32>
      %add3A_619 = arith.addf %add3A_606, %mul3A_618 : vector<16xf32>
      %mul3A_620 = arith.constant 16 : i32
      %mul3A_621 = arith.muli %scan3A_112, %mul3A_620 : i32
      %add3A_622 = arith.constant 4992 : i32
      %add3A_623 = arith.addi %add3A_622, %mul3A_621 : i32
      %get3A_624 = arith.index_cast %add3A_623 : i32 to index
      %get3A_625 = tpu.vector_load %arg11[%get3A_624] {strides = array<i32>} : memref<6400xf32, #tpu.memory_space<vmem>>, vector<16xf32>,
      %get3A_626 = arith.index_cast %add3A_623 : i32 to index
      %get3A_627 = tpu.vector_load %arg9[%get3A_626] {strides = array<i32>} : memref<6400xf32, #tpu.memory_space<vmem>>, vector<16xf32>,
      %max3A_628 = arith.constant 0.000000e+00 : f32
      %max3A_629 = vector.broadcast %max3A_628 : f32 to vector<16xf32>
      %max3A_630 = arith.maximumf %get3A_627, %max3A_629 : vector<16xf32>
      %mul3A_631 = arith.mulf %max3A_630, %get3A_625 : vector<16xf32>
      %add3A_632 = arith.addf %add3A_619, %mul3A_631 : vector<16xf32>
      %mul3A_633 = arith.constant 16 : i32
      %mul3A_634 = arith.muli %scan3A_112, %mul3A_633 : i32
      %add3A_635 = arith.constant 5120 : i32
      %add3A_636 = arith.addi %add3A_635, %mul3A_634 : i32
      %get3A_637 = arith.index_cast %add3A_636 : i32 to index
      %get3A_638 = tpu.vector_load %arg11[%get3A_637] {strides = array<i32>} : memref<6400xf32, #tpu.memory_space<vmem>>, vector<16xf32>,
      %get3A_639 = arith.index_cast %add3A_636 : i32 to index
      %get3A_640 = tpu.vector_load %arg9[%get3A_639] {strides = array<i32>} : memref<6400xf32, #tpu.memory_space<vmem>>, vector<16xf32>,
      %max3A_641 = arith.constant 0.000000e+00 : f32
      %max3A_642 = vector.broadcast %max3A_641 : f32 to vector<16xf32>
      %max3A_643 = arith.maximumf %get3A_640, %max3A_642 : vector<16xf32>
      %mul3A_644 = arith.mulf %max3A_643, %get3A_638 : vector<16xf32>
      %add3A_645 = arith.addf %add3A_632, %mul3A_644 : vector<16xf32>
      %mul3A_646 = arith.constant 16 : i32
      %mul3A_647 = arith.muli %scan3A_112, %mul3A_646 : i32
      %add3A_648 = arith.constant 5248 : i32
      %add3A_649 = arith.addi %add3A_648, %mul3A_647 : i32
      %get3A_650 = arith.index_cast %add3A_649 : i32 to index
      %get3A_651 = tpu.vector_load %arg11[%get3A_650] {strides = array<i32>} : memref<6400xf32, #tpu.memory_space<vmem>>, vector<16xf32>,
      %get3A_652 = arith.index_cast %add3A_649 : i32 to index
      %get3A_653 = tpu.vector_load %arg9[%get3A_652] {strides = array<i32>} : memref<6400xf32, #tpu.memory_space<vmem>>, vector<16xf32>,
      %max3A_654 = arith.constant 0.000000e+00 : f32
      %max3A_655 = vector.broadcast %max3A_654 : f32 to vector<16xf32>
      %max3A_656 = arith.maximumf %get3A_653, %max3A_655 : vector<16xf32>
      %mul3A_657 = arith.mulf %max3A_656, %get3A_651 : vector<16xf32>
      %add3A_658 = arith.addf %add3A_645, %mul3A_657 : vector<16xf32>
      %mul3A_659 = arith.constant 16 : i32
      %mul3A_660 = arith.muli %scan3A_112, %mul3A_659 : i32
      %add3A_661 = arith.constant 5376 : i32
      %add3A_662 = arith.addi %add3A_661, %mul3A_660 : i32
      %get3A_663 = arith.index_cast %add3A_662 : i32 to index
      %get3A_664 = tpu.vector_load %arg11[%get3A_663] {strides = array<i32>} : memref<6400xf32, #tpu.memory_space<vmem>>, vector<16xf32>,
      %get3A_665 = arith.index_cast %add3A_662 : i32 to index
      %get3A_666 = tpu.vector_load %arg9[%get3A_665] {strides = array<i32>} : memref<6400xf32, #tpu.memory_space<vmem>>, vector<16xf32>,
      %max3A_667 = arith.constant 0.000000e+00 : f32
      %max3A_668 = vector.broadcast %max3A_667 : f32 to vector<16xf32>
      %max3A_669 = arith.maximumf %get3A_666, %max3A_668 : vector<16xf32>
      %mul3A_670 = arith.mulf %max3A_669, %get3A_664 : vector<16xf32>
      %add3A_671 = arith.addf %add3A_658, %mul3A_670 : vector<16xf32>
      %mul3A_672 = arith.constant 16 : i32
      %mul3A_673 = arith.muli %scan3A_112, %mul3A_672 : i32
      %add3A_674 = arith.constant 5504 : i32
      %add3A_675 = arith.addi %add3A_674, %mul3A_673 : i32
      %get3A_676 = arith.index_cast %add3A_675 : i32 to index
      %get3A_677 = tpu.vector_load %arg11[%get3A_676] {strides = array<i32>} : memref<6400xf32, #tpu.memory_space<vmem>>, vector<16xf32>,
      %get3A_678 = arith.index_cast %add3A_675 : i32 to index
      %get3A_679 = tpu.vector_load %arg9[%get3A_678] {strides = array<i32>} : memref<6400xf32, #tpu.memory_space<vmem>>, vector<16xf32>,
      %max3A_680 = arith.constant 0.000000e+00 : f32
      %max3A_681 = vector.broadcast %max3A_680 : f32 to vector<16xf32>
      %max3A_682 = arith.maximumf %get3A_679, %max3A_681 : vector<16xf32>
      %mul3A_683 = arith.mulf %max3A_682, %get3A_677 : vector<16xf32>
      %add3A_684 = arith.addf %add3A_671, %mul3A_683 : vector<16xf32>
      %mul3A_685 = arith.constant 16 : i32
      %mul3A_686 = arith.muli %scan3A_112, %mul3A_685 : i32
      %add3A_687 = arith.constant 5632 : i32
      %add3A_688 = arith.addi %add3A_687, %mul3A_686 : i32
      %get3A_689 = arith.index_cast %add3A_688 : i32 to index
      %get3A_690 = tpu.vector_load %arg11[%get3A_689] {strides = array<i32>} : memref<6400xf32, #tpu.memory_space<vmem>>, vector<16xf32>,
      %get3A_691 = arith.index_cast %add3A_688 : i32 to index
      %get3A_692 = tpu.vector_load %arg9[%get3A_691] {strides = array<i32>} : memref<6400xf32, #tpu.memory_space<vmem>>, vector<16xf32>,
      %max3A_693 = arith.constant 0.000000e+00 : f32
      %max3A_694 = vector.broadcast %max3A_693 : f32 to vector<16xf32>
      %max3A_695 = arith.maximumf %get3A_692, %max3A_694 : vector<16xf32>
      %mul3A_696 = arith.mulf %max3A_695, %get3A_690 : vector<16xf32>
      %add3A_697 = arith.addf %add3A_684, %mul3A_696 : vector<16xf32>
      %mul3A_698 = arith.constant 16 : i32
      %mul3A_699 = arith.muli %scan3A_112, %mul3A_698 : i32
      %add3A_700 = arith.constant 5760 : i32
      %add3A_701 = arith.addi %add3A_700, %mul3A_699 : i32
      %get3A_702 = arith.index_cast %add3A_701 : i32 to index
      %get3A_703 = tpu.vector_load %arg11[%get3A_702] {strides = array<i32>} : memref<6400xf32, #tpu.memory_space<vmem>>, vector<16xf32>,
      %get3A_704 = arith.index_cast %add3A_701 : i32 to index
      %get3A_705 = tpu.vector_load %arg9[%get3A_704] {strides = array<i32>} : memref<6400xf32, #tpu.memory_space<vmem>>, vector<16xf32>,
      %max3A_706 = arith.constant 0.000000e+00 : f32
      %max3A_707 = vector.broadcast %max3A_706 : f32 to vector<16xf32>
      %max3A_708 = arith.maximumf %get3A_705, %max3A_707 : vector<16xf32>
      %mul3A_709 = arith.mulf %max3A_708, %get3A_703 : vector<16xf32>
      %add3A_710 = arith.addf %add3A_697, %mul3A_709 : vector<16xf32>
      %mul3A_711 = arith.constant 16 : i32
      %mul3A_712 = arith.muli %scan3A_112, %mul3A_711 : i32
      %add3A_713 = arith.constant 5888 : i32
      %add3A_714 = arith.addi %add3A_713, %mul3A_712 : i32
      %get3A_715 = arith.index_cast %add3A_714 : i32 to index
      %get3A_716 = tpu.vector_load %arg11[%get3A_715] {strides = array<i32>} : memref<6400xf32, #tpu.memory_space<vmem>>, vector<16xf32>,
      %get3A_717 = arith.index_cast %add3A_714 : i32 to index
      %get3A_718 = tpu.vector_load %arg9[%get3A_717] {strides = array<i32>} : memref<6400xf32, #tpu.memory_space<vmem>>, vector<16xf32>,
      %max3A_719 = arith.constant 0.000000e+00 : f32
      %max3A_720 = vector.broadcast %max3A_719 : f32 to vector<16xf32>
      %max3A_721 = arith.maximumf %get3A_718, %max3A_720 : vector<16xf32>
      %mul3A_722 = arith.mulf %max3A_721, %get3A_716 : vector<16xf32>
      %add3A_723 = arith.addf %add3A_710, %mul3A_722 : vector<16xf32>
      %mul3A_724 = arith.constant 16 : i32
      %mul3A_725 = arith.muli %scan3A_112, %mul3A_724 : i32
      %add3A_726 = arith.constant 6016 : i32
      %add3A_727 = arith.addi %add3A_726, %mul3A_725 : i32
      %get3A_728 = arith.index_cast %add3A_727 : i32 to index
      %get3A_729 = tpu.vector_load %arg11[%get3A_728] {strides = array<i32>} : memref<6400xf32, #tpu.memory_space<vmem>>, vector<16xf32>,
      %get3A_730 = arith.index_cast %add3A_727 : i32 to index
      %get3A_731 = tpu.vector_load %arg9[%get3A_730] {strides = array<i32>} : memref<6400xf32, #tpu.memory_space<vmem>>, vector<16xf32>,
      %max3A_732 = arith.constant 0.000000e+00 : f32
      %max3A_733 = vector.broadcast %max3A_732 : f32 to vector<16xf32>
      %max3A_734 = arith.maximumf %get3A_731, %max3A_733 : vector<16xf32>
      %mul3A_735 = arith.mulf %max3A_734, %get3A_729 : vector<16xf32>
      %add3A_736 = arith.addf %add3A_723, %mul3A_735 : vector<16xf32>
      %mul3A_737 = arith.constant 16 : i32
      %mul3A_738 = arith.muli %scan3A_112, %mul3A_737 : i32
      %add3A_739 = arith.constant 6144 : i32
      %add3A_740 = arith.addi %add3A_739, %mul3A_738 : i32
      %get3A_741 = arith.index_cast %add3A_740 : i32 to index
      %get3A_742 = tpu.vector_load %arg11[%get3A_741] {strides = array<i32>} : memref<6400xf32, #tpu.memory_space<vmem>>, vector<16xf32>,
      %get3A_743 = arith.index_cast %add3A_740 : i32 to index
      %get3A_744 = tpu.vector_load %arg9[%get3A_743] {strides = array<i32>} : memref<6400xf32, #tpu.memory_space<vmem>>, vector<16xf32>,
      %max3A_745 = arith.constant 0.000000e+00 : f32
      %max3A_746 = vector.broadcast %max3A_745 : f32 to vector<16xf32>
      %max3A_747 = arith.maximumf %get3A_744, %max3A_746 : vector<16xf32>
      %mul3A_748 = arith.mulf %max3A_747, %get3A_742 : vector<16xf32>
      %add3A_749 = arith.addf %add3A_736, %mul3A_748 : vector<16xf32>
      %mul3A_750 = arith.constant 16 : i32
      %mul3A_751 = arith.muli %scan3A_112, %mul3A_750 : i32
      %add3A_752 = arith.constant 6272 : i32
      %add3A_753 = arith.addi %add3A_752, %mul3A_751 : i32
      %get3A_754 = arith.index_cast %add3A_753 : i32 to index
      %get3A_755 = tpu.vector_load %arg11[%get3A_754] {strides = array<i32>} : memref<6400xf32, #tpu.memory_space<vmem>>, vector<16xf32>,
      %get3A_756 = arith.index_cast %add3A_753 : i32 to index
      %get3A_757 = tpu.vector_load %arg9[%get3A_756] {strides = array<i32>} : memref<6400xf32, #tpu.memory_space<vmem>>, vector<16xf32>,
      %max3A_758 = arith.constant 0.000000e+00 : f32
      %max3A_759 = vector.broadcast %max3A_758 : f32 to vector<16xf32>
      %max3A_760 = arith.maximumf %get3A_757, %max3A_759 : vector<16xf32>
      %mul3A_761 = arith.mulf %max3A_760, %get3A_755 : vector<16xf32>
      %add3A_762 = arith.addf %add3A_749, %mul3A_761 : vector<16xf32>
      %mul3A_763 = arith.constant 16 : i32
      %mul3A_764 = arith.muli %scan3A_112, %mul3A_763 : i32
      %add3A_765 = arith.constant 384 : i32
      %add3A_766 = arith.addi %add3A_765, %mul3A_764 : i32
      %swap3A = arith.index_cast %add3A_766 : i32 to index
      %swap3A_767 = tpu.vector_load %arg12[%swap3A] {strides = array<i32>} : memref<512xf32, #tpu.memory_space<vmem>>, vector<16xf32>,
      tpu.vector_store %arg12[%swap3A], %add3A_762 {strides = array<i32>} : memref<512xf32, #tpu.memory_space<vmem>>, vector<16xf32>,
      %scan3A_768 = arith.constant 0 : i32
      scf.yield %scan3A_768 : i32
    }
    %scan3A_109 = arith.constant 8 : i32
    %mul3A_110 = arith.constant 512 : i32
    %mul3A_111 = arith.muli %add3A, %mul3A_110 : i32
    "tpu.region"() ({
      %run_scoped3A = tpu.sem_alloc : memref<!tpu.dma_semaphore, #tpu.memory_space<semaphore_mem>>
      %dma_start3A_112 = tpu.memref_slice %arg5[%mul3A_111] : memref<16384xf32, #tpu.memory_space<hbm>> -> memref<512xf32, #tpu.memory_space<hbm>>
      %dma_start3A_113 = tpu.memref_slice %arg5[%mul3A_111] : memref<16384xf32, #tpu.memory_space<hbm>> -> memref<512xf32, #tpu.memory_space<hbm>>
      tpu.enqueue_dma source(%arg12 : memref<512xf32, #tpu.memory_space<vmem>>) target(%dma_start3A_113 : memref<512xf32, #tpu.memory_space<hbm>>) target_semaphore(%run_scoped3A : memref<!tpu.dma_semaphore, #tpu.memory_space<semaphore_mem>>)
      %dma_wait3A_114 = tpu.memref_slice %arg5[%mul3A_111] : memref<16384xf32, #tpu.memory_space<hbm>> -> memref<512xf32, #tpu.memory_space<hbm>>
      %dma_wait3A_115 = tpu.memref_slice %arg5[%mul3A_111] : memref<16384xf32, #tpu.memory_space<hbm>> -> memref<512xf32, #tpu.memory_space<hbm>>
      tpu.wait_dma2 semaphore(%run_scoped3A : memref<!tpu.dma_semaphore, #tpu.memory_space<semaphore_mem>>) src(%arg12 : memref<512xf32, #tpu.memory_space<vmem>>) dst(%dma_wait3A_115 : memref<512xf32, #tpu.memory_space<hbm>>)
      tpu.yield
    }) : () -> ()
    return
  }
}

module attributes {stable_mosaic.version = 14 : i64} {
  func.func @_finish_body(%arg0: memref<1000x1000xf32, #tpu.memory_space<vmem>>, %arg1: memref<128x128xf32, #tpu.memory_space<vmem>>, %arg2: memref<128x128xf32, #tpu.memory_space<vmem>>, %arg3: memref<128x128xf32, #tpu.memory_space<vmem>>) attributes {dimension_semantics = [], scalar_prefetch = 0 : i64, scratch_operands = 0 : i64, tpu.core_type = #tpu.core_type<tc>} {
    %get3A = arith.constant 0 : index
    %get3A_0 = arith.constant 0 : index
    %get3A_1 = vector.load %arg0[%get3A, %get3A_0] : memref<1000x1000xf32, #tpu.memory_space<vmem>>, vector<1000x1000xf32>
    %reduce_sum3A = vector.shape_cast %get3A_1 : vector<1000x1000xf32> to vector<1x1000x1000xf32>
    %reduce_sum3A_2 = arith.constant dense<0.000000e+00> : vector<1xf32>
    %reduce_sum3A_3 = vector.multi_reduction <add>, %reduce_sum3A, %reduce_sum3A_2 [1, 2] : vector<1x1000x1000xf32> to vector<1xf32>
    %reduce_sum3A_4 = vector.shape_cast %reduce_sum3A_3 : vector<1xf32> to vector<1x1x1xf32>
    %reduce_sum3A_5 = vector.extract %reduce_sum3A_4[0, 0, 0] : f32 from vector<1x1x1xf32>
    %get3A_6 = arith.constant 0 : index
    %get3A_7 = arith.constant 0 : index
    %get3A_8 = vector.load %arg1[%get3A_6, %get3A_7] : memref<128x128xf32, #tpu.memory_space<vmem>>, vector<128x128xf32>
    %max3A = arith.constant 0.000000e+00 : f32
    %max3A_9 = vector.broadcast %max3A : f32 to vector<128x128xf32>
    %max3A_10 = arith.maximumf %get3A_8, %max3A_9 : vector<128x128xf32>
    %sqrt3A = math.sqrt %max3A_10 : vector<128x128xf32>
    %get3A_11 = arith.constant 0 : index
    %get3A_12 = arith.constant 0 : index
    %get3A_13 = vector.load %arg2[%get3A_11, %get3A_12] : memref<128x128xf32, #tpu.memory_space<vmem>>, vector<128x128xf32>
    %mul3A = arith.mulf %get3A_13, %sqrt3A : vector<128x128xf32>
    %max3A_14 = arith.constant 9.99999971E-10 : f32
    %max3A_15 = arith.maximumf %reduce_sum3A_5, %max3A_14 : f32
    %div3A = vector.broadcast %max3A_15 : f32 to vector<128x128xf32>
    %div3A_16 = arith.divf %mul3A, %div3A : vector<128x128xf32>
    %swap3A = arith.constant 0 : index
    %swap3A_17 = arith.constant 0 : index
    %swap3A_18 = vector.load %arg3[%swap3A, %swap3A_17] : memref<128x128xf32, #tpu.memory_space<vmem>>, vector<128x128xf32>
    tpu.vector_store %arg3[%swap3A, %swap3A_17], %div3A_16 {strides = array<i32>} : memref<128x128xf32, #tpu.memory_space<vmem>>, vector<128x128xf32>,
    return
  }
}

</mosaic_0001>

<sc_bundles>
// kernel: kernel.4.cloned.1.call-start
scs
__scs_entry_jumppad:
0x0: {  	(pc) =	sbr.rel $0x88, $3  }
0x1: {  	(tag) =	ssettag $0x0;
	lr =	simm.s32 $0x1  }
0x2: {  	[smem:$0x3F9D] =	sst lr;
	_ =	strace $0xD0000000  }
0x3: {  	_ = 	snop  }
0x4: {  	_ = 	snop  }
0x5: {  	_ = 	snop  }
0x6: {  	_ = 	snop  }
0x7: {  	_ = 	snop  }
__scs_overlays_trampoline_lowered:
0x8: {  	[smem:$0x3FAC] =	sst s0  }
0x9: {  	[smem:$0x3FAD] =	sst s1  }
0xa: {  	[smem:$0x3FAE] =	sst s2  }
0xb: {  	[smem:$0x3FAF] =	sst s3  }
0xc: {  	[smem:$0x3FB0] =	sst s4  }
0xd: {  	[smem:$0x3FB1] =	sst s5  }
0xe: {  	[smem:$0x3FB2] =	sst s6  }
0xf: {  	[smem:$0x3FB3] =	sst s7  }
0x10: {  	[smem:$0x3FB4] =	sst s8  }
0x11: {  	[smem:$0x3FB5] =	sst s9;
	s0 =	simm.s32 @!p0 $0x0  }
0x12: {  	s1 =	sld [smem:$0x3F9B];
	s0 =	simm.s32 @p0 $0x1  }
0x13: {  	[smem:$0x3FB6] =	sst s0;
	s0 =	simm.s32 @!p1 $0x0  }
0x14: {  	s2 =	sld [smem:$0x3F9A];
	s0 =	simm.s32 @p1 $0x1  }
0x15: {  	[smem:$0x3FB7] =	sst s0;
	s0 =	simm.s32 @!p2 $0x0  }
0x16: {  	s3 =	sld [smem:$0x3FDB];
	s0 =	simm.s32 @p2 $0x1  }
0x17: {  	s4 =	simm.s32 $0x1BF5;
	[smem:$0x3FB9] =	sst s0  }
0x18: {  	s0 =	sld [smem:$0x3F9C];
	_ =	swait.ge [sflag:s4], $0x0  }
0x19: {  	s7 =	sld [smem:$0x3F9D]  }
0x1a: {  	s8 =	sadd.s32 $0xFFFFE003, lr  }
0x1b: {  	s9 =	sadd.s32 $0xFFFFFEF7, lr;
	s5 =	simm.s32 $0xFFFFFFFF;
	p2 =	slt.u32 s8, $0xFFFFF086  }
0x1c: {  	p1 =	slt.u32 s9, $0xF7A;
	s5 =	simm.s32 @!p2 $0x0  }
0x1d: {  	s5 =	simm.s32 @p1 $0x1;
	p0 =	seq.s32 s7, s2  }
0x1e: {  	s7 =	smul.u32 @!p0 $0xF7A, s2;
	p2 =	seq.s32 @!p0 s5, $0x0  }
0x1f: {  	s9 =	smul.u32 $0xF7A, s1;
	s8 =	simm.s32 @!p0 $0x1BF5;
	p2 =	por !p2, p0  }
0x20: {  	[sflag:s8] =	ssyncset.s32 @!p0 $0xFFFFF086;
	s6 =	sadd.s32 @!p0 s3, s7;
	s7 =	simm.s32 @!p0 $0x108  }
0x21: {  	s3 =	sadd.s32 s3, s9;
	s6 =	sadd.s32 @!p0 $0x88, s6;
	s7 =	simm.s32 @p2 $0x1082  }
0x22: {  	[simem:s7], [sflag:s8] =	dma.local @!p0 [hbm:s6], $0xF7A  }
0x23: {  	s9 =	sor.u32 $0xD0000000, s2;
	s6 =	simm.s32 $0x108;
	_ =	swait.ge @!p0 [sflag:s8], $0x0  }
0x24: {  	s3 =	sadd.s32 $0x88, s3;
	s6 =	simm.s32 @!p1 $0x1082;
	[sflag:s4] =	ssyncset.s32 $0xFFFFF086  }
0x25: {  	[simem:s6], [sflag:s4] =	dma.local [hbm:s3], $0xF7A  }
0x26: {  	[smem:$0x3F9D] =	sst s1;
	(tag) =	ssettag s2;
	_ =	strace s9  }
0x27: {  	s1 =	sld [smem:$0x3FAD]  }
0x28: {  	s2 =	sld [smem:$0x3FAE]  }
0x29: {  	s4 =	sld [smem:$0x3FB0]  }
0x2a: {  	p0 =	seq.s32 s5, $0x0;
	s5 =	sld [smem:$0x3FB1]  }
0x2b: {  	s6 =	sld [smem:$0x3FB2]  }
0x2c: {  	s7 =	sld [smem:$0x3FB3]  }
0x2d: {  	s3 =	simm.s32 $0x108;
	s8 =	sld [smem:$0x3FB4]  }
0x2e: {  	s3 =	simm.s32 @!p0 $0x1082;
	s9 =	sld [smem:$0x3FB5]  }
0x2f: {  	lr =	sadd.s32 s0, s3;
	s0 =	sld [smem:$0x3FAC]  }
0x30: {  	s3 =	sld [smem:$0x3FAF]  }
0x31: {  	[smem:$0x3FB8] =	sst s10  }
0x32: {  	s10 =	sld [smem:$0x3FB6];
	_ =	sdelay $0x3  }
0x33: {  	p0 =	seq.s32 s10, $0x1;
	s10 =	sld [smem:$0x3FB8];
	_ =	sdelay $0x3  }
0x34: {  	[smem:$0x3FB8] =	sst s10  }
0x35: {  	s10 =	sld [smem:$0x3FB7];
	_ =	sdelay $0x3  }
0x36: {  	p1 =	seq.s32 s10, $0x1;
	s10 =	sld [smem:$0x3FB8];
	_ =	sdelay $0x3  }
0x37: {  	[smem:$0x3FB8] =	sst s10  }
0x38: {  	s10 =	sld [smem:$0x3FB9]  }
0x39: {  	_ = 	snop;
	(pc) =	sbr.ind lr, $3  }
0x3a: {  	_ = 	snop  }
0x3b: {  	_ = 	snop  }
0x3c: {  	p2 =	seq.s32 s10, $0x1;
	s10 =	sld [smem:$0x3FB8]  }
0x3d: {  	_ =	shalt  }
0x3e: {  	_ =	shalt  }
0x3f: {  	_ =	shalt  }
0x40: {  	_ =	shalt  }
0x41: {  	_ =	shalt  }
0x42: {  	_ =	shalt  }
0x43: {  	_ =	shalt  }
0x44: {  	_ =	shalt  }
0x45: {  	_ =	shalt  }
0x46: {  	_ =	shalt  }
0x47: {  	_ =	shalt  }
0x48: {  	_ =	shalt  }
0x49: {  	_ =	shalt  }
0x4a: {  	_ =	shalt  }
0x4b: {  	_ =	shalt  }
0x4c: {  	_ =	shalt  }
0x4d: {  	_ =	shalt  }
0x4e: {  	_ =	shalt  }
0x4f: {  	_ =	shalt  }
0x50: {  	_ =	shalt  }
0x51: {  	_ =	shalt  }
0x52: {  	_ =	shalt  }
0x53: {  	_ =	shalt  }
0x54: {  	_ =	shalt  }
0x55: {  	_ =	shalt  }
0x56: {  	_ =	shalt  }
0x57: {  	_ =	shalt  }
0x58: {  	_ =	shalt  }
0x59: {  	_ =	shalt  }
0x5a: {  	_ =	shalt  }
0x5b: {  	_ =	shalt  }
0x5c: {  	_ =	shalt  }
0x5d: {  	_ =	shalt  }
0x5e: {  	_ =	shalt  }
0x5f: {  	_ =	shalt  }
0x60: {  	_ =	shalt  }
0x61: {  	_ =	shalt  }
0x62: {  	_ =	shalt  }
0x63: {  	_ =	shalt  }
0x64: {  	_ =	shalt  }
0x65: {  	_ =	shalt  }
0x66: {  	_ =	shalt  }
0x67: {  	_ =	shalt  }
0x68: {  	_ =	shalt  }
0x69: {  	_ =	shalt  }
0x6a: {  	_ =	shalt  }
0x6b: {  	_ =	shalt  }
0x6c: {  	_ =	shalt  }
0x6d: {  	_ =	shalt  }
0x6e: {  	_ =	shalt  }
0x6f: {  	_ =	shalt  }
0x70: {  	_ =	shalt  }
0x71: {  	_ =	shalt  }
0x72: {  	_ =	shalt  }
0x73: {  	_ =	shalt  }
0x74: {  	_ =	shalt  }
0x75: {  	_ =	shalt  }
0x76: {  	_ =	shalt  }
0x77: {  	_ =	shalt  }
0x78: {  	_ =	shalt  }
0x79: {  	_ =	shalt  }
0x7a: {  	_ =	shalt  }
0x7b: {  	_ =	shalt  }
0x7c: {  	_ =	shalt  }
0x7d: {  	_ =	shalt  }
0x7e: {  	_ =	shalt  }
0x7f: {  	_ =	shalt  }
0x80: {  	_ =	shalt  }
0x81: {  	_ =	shalt  }
0x82: {  	_ =	shalt  }
0x83: {  	_ =	shalt  }
0x84: {  	_ =	shalt  }
0x85: {  	_ =	shalt  }
0x86: {  	_ =	shalt  }
0x87: {  	_ =	shalt  }
.Lfunc_end0:
.L_simem_size_0:
called_computation_lowered:
.L_overlay_start_0:
0x88: {  	s2 =	sld [smem:$0x3FD9]  }
0x89: {  	s3 =	sld [smem:$0x3FFE];
	_ =	sdelay $0x1  }
0x8a: {  	s1 =	srdreg.scid  }
0x8b: {  	s0 =	sand.u32 $0x1, s1  }
0x8c: {  	s17 =	sshll.u32 s0, $0xA;
	s2 =	sadd.s32 s3, s2  }
0x8d: {  	s2 =	sadd.s32 s2, s17  }
0x8e: {  	[smem:$0x3FC4] =	sst s2  }
0x8f: {  	_ = 	snop  }
0x90: {  	s2 =	sld [smem:$0x3FC6]  }
0x91: {  	s18 =	sld [smem:$0x3FD0];
	(tm) =	ssettm $0x1  }
0x92: {  	s4 =	sld [smem:$0x3FFB];
	_ =	sdelay $0x3  }
0x93: {  	_ =	strace s4  }
0x94: {  	s4 =	sld [smem:$0x3FFC];
	_ =	sdelay $0x3  }
0x95: {  	_ =	strace s4  }
0x96: {  	s4 =	sld [smem:$0x3FFD];
	_ =	sdelay $0x3  }
0x97: {  	_ =	strace s4  }
0x98: {  	_ =	strace $0x8FFFFFFF  }
0x99: {  	s19 =	sld [smem:$0x3FDB];
	_ =	sdelay $0x1  }
0x9a: {  	s5 =	simm.s32 $_scs_section_size  }
0x9b: {  	s6 =	simm.s32 $_size__tile_overlayer_lowered;
	s7 =	simm.s32 $_tile_overlayer_lowered  }
0x9c: {  	s22 =	simm.s32 $0x1BFF;
	s21 =	sshll.u32 s7, $0x1;
	s4 =	sadd.s32 s5, s19  }
0x9d: {  	s8 =	simm.s32 $0x0;
	s20 =	sshll.u32 s6, $0x1;
	s6 =	sadd.s32 s21, s4  }
0x9e: {  	[timem:s8], [sflag:s22] =	dma.local [hbm:s6], s20  }
0x9f: {  	_ =	swait.ge [sflag:s22], s20  }
0xa0: {  	s5 =	ssub.s32 $0x0, s20;
	[sflag:s22] =	ssyncset.done $0x0  }
0xa1: {  	[sflag:s22] =	ssyncadd.s32 s5;
	_ =	sdelay $0x1  }
0xa2: {  	s23 =	simm.s32 $0x1B8B  }
0xa3: {  	_ =	swait.ge [sflag:s23], $0x1  }
0xa4: {  	[sflag:s23] =	ssyncset.done $0x0  }
0xa5: {  	s25 =	simm.s32 $0x1B8E;
	s24 =	sld [smem:$0x3FFE];
	[sflag:s23] =	ssyncadd.s32 $0xFFFFFFFF  }
0xa6: {  	s26 =	simm.s32 $execute0_lowered;
	[smem:$0x3FD2] =	sst s25  }
0xa7: {  	s6 =	sshll.u32 s26, $0x1;
	_ =	strace $0x80000046;
	[dreg:$0x1] =	wrdreg $0xFFFFFFFF  }
0xa8: {  	s28 =	simm.s32 $_size_execute0_lowered;
	s4 =	sadd.s32 s4, s6;
	[dreg:$0x0] =	wrdreg $0x0  }
0xa9: {  	s6 =	sshll.u32 s28, $0x1;
	[dreg:$0x2] =	wrdreg s4  }
0xaa: {  	[dreg:$0x3] =	wrdreg s6  }
0xab: {  	[dreg:$0x4] =	wrdreg $0xC0  }
0xac: {  	_ =	task [dreg:s8], $0x5FFFF  }
0xad: {  	[dreg:$0x1] =	wrdreg $0xFFFFFFFF  }
0xae: {  	[dreg:$0x0] =	wrdreg $0x60  }
0xaf: {  	[dreg:$0x2] =	wrdreg s24  }
0xb0: {  	[dreg:$0x3] =	wrdreg s2  }
0xb1: {  	[dreg:$0x4] =	wrdreg s18  }
0xb2: {  	[dreg:$0x5] =	wrdreg $0x9  }
0xb3: {  	_ =	task.clear_ibuf [dreg:s8], $0x6FFFF;
	_ =	strace $0x90000046  }
0xb4: {  	s29 =	simm.s32 $0x9;
	_ =	strace $0x80000048  }
0xb5: {  	_ =	swait.ge [sflag:s29], $0x1  }
0xb6: {  	[sflag:s29] =	ssyncadd.s32 $0xFFFFFFFF  }
0xb7: {  	_ =	strace $0x90000048  }
0xb8: {  	_ =	sfence  }
0xb9: {  	s30 =	sld [smem:$0x0];
	_ =	sdelay $0x2  }
0xba: {  	s31 =	sshll.u32 s1, $0xD;
	s1 =	sshrl.u32 s1, $0x2  }
0xbb: {  	s3 =	sand.u32 $0x4000, s31;
	s1 =	sadd.s32 s1, s30  }
0xbc: {  	s0 =	sor.u32 s3, s0;
	s1 =	sshll.u32 s1, $0x11  }
0xbd: {  	s0 =	sor.u32 s1, s0  }
0xbe: {  	s0 =	sadd.s32 $0x8F2B, s0  }
0xbf: {  	[sflag:s0] =	ssyncadd.remote.s32 $0x1  }
0xc0: {  	_ =	sfence.sel $0xFFFF  }
0xc1: {  	[dreg:$0x0] =	wrdreg $0xFFFFFFFF;
	(pc) =	sbr.abs _section_cstart, $3  }
0xc2: {  	[dreg:$0x1] =	wrdreg $0xFFFFFFFF  }
0xc3: {  	_ =	task.clear_ibuf [dreg:s8], $0x2FFFF;
	_ =	strace $0x9FFFFFFF  }
0xc4: {  	(tm) =	ssettm $0x7FFFFFFF  }
0xc5: {  	_ =	shalt  }
tec
execute0_lowered:
.L_overlay_start_1:
0x0: {  	(tag) =	ssettag $0x1  }
0x1: {  	s4 =	rddreg [dreg:$0x0]  }
0x2: {  	s2 =	rddreg [dreg:$0x1];
	s1 =	srdreg.scid  }
0x3: {  	s0 =	stileid.u32;
	s12 =	rddreg [dreg:$0x2]  }
0x4: {  	s3 =	simm.s32 $0x0;
	s17 =	simm.s32 $0x6400;
	s18 =	simm.s32 $0x4B00  }
0x5: {  	s19 =	simm.s32 $0x2;
	s20 =	simm.s32 $0x7D00;
	s21 =	simm.s32 $0x3  }
0x6: {  	s22 =	simm.s32 $0x5;
	s23 =	simm.s32 $0x4;
	s24 =	simm.s32 $0x6  }
0x7: {  	s25 =	simm.s32 $0x9600;
	s26 =	simm.s32 $0x7;
	s28 =	simm.s32 $0x0  }
0x8: {  	s5 =	sand.u32 $0x1, s1;
	s6 =	sshll.u32 s0, $0x1;
	s1 =	rddreg [dreg:$0x3]  }
0x9: {  	[smem:$0x7FF] =	sst s3;
	s11 =	sadd.s32 $0xC00, s4;
	s10 =	sor.u32 s5, s6  }
0xa: {  	s14 =	sadd.s32 $0x19C00, s4;
	s5 =	ssub.s32 $0x2, s5;
	s6 =	smul.u32 $0x6400, s10  }
0xb: {  	_ =	strace $0x80000047;
	s7 =	sshrl.u32 s5, $0x1;
	s16 =	sshll.u32 s10, $0x6  }
0xc: {  	s15 =	ssub.s32 s5, s7;
	s12 =	sadd.s32 s12, s16;
	s13 =	sshrl.u32 s6, $0x3  }
0xd: {  	s16 =	simm.s32 $0x1900;
	s4 =	sadd.s32 s11, s13;
	s5 =	sadd.s32 s14, s13  }
0xe: {  	s31 =	sadd.s32 $0x320, s13;
	s9 =	sadd.s32 $0x640, s13;
	s13 =	sadd.s32 $0x960, s13  }
0xf: {  	s6 =	sadd.s32 s11, s31;
	s7 =	sadd.s32 s14, s31;
	s8 =	sadd.s32 s11, s9  }
0x10: {  	s9 =	sadd.s32 s14, s9;
	s10 =	sadd.s32 s11, s13;
	s11 =	sadd.s32 s14, s13  }
0x11: {  	s13 =	smax.u32 s15, $0x1;
	s14 =	simm.s32 $0x3200;
	s15 =	simm.s32 $0x1  }
.LBB2_1:
0x12: {  	[tilespmem:s3], [sflag:$0x1] =	stream.linear.gather [hbm4b:s4+s3], $0x1900, $0x38;
	[tilespmem:$0x9800] =	vst v63  }
0x13: {  	_ = 	snop  }
0x14: {  	[tilespmem:s14], [sflag:$0x3] =	stream.linear.gather [hbm4b:s5+s3], $0x1900, $0x38;
	[tilespmem:$0x9800] =	vst v63  }
0x15: {  	_ =	swait.ge [sflag:s15], $0x1900  }
0x16: {  	[sflag:s15] =	ssyncset.done $0x0  }
0x17: {  	[sflag:s15] =	ssyncadd.s32 $0xFFFFE700  }
0x18: {  	[tilespmem:s17], [sflag:$0x5] =	stream.indirect.gather [hbm4b:s2+s16], $0x1, s3, s16, $0xb8;
	[tilespmem:$0x9800] =	vst v63  }
0x19: {  	_ = 	snop  }
0x1a: {  	[tilespmem:s16], [sflag:$0x2] =	stream.linear.gather [hbm4b:s6+s3], $0x1900, $0x38;
	[tilespmem:$0x9800] =	vst v63  }
0x1b: {  	_ = 	snop  }
0x1c: {  	[tilespmem:s18], [sflag:$0x4] =	stream.linear.gather [hbm4b:s7+s3], $0x1900, $0x38;
	[tilespmem:$0x9800] =	vst v63  }
0x1d: {  	_ =	swait.ge [sflag:s19], $0x1900  }
0x1e: {  	[sflag:s19] =	ssyncset.done $0x0  }
0x1f: {  	[sflag:s19] =	ssyncadd.s32 $0xFFFFE700  }
0x20: {  	[tilespmem:s20], [sflag:$0x6] =	stream.indirect.gather [hbm4b:s2+s16], $0x1, s16, s16, $0xb8;
	[tilespmem:$0x9800] =	vst v63  }
0x21: {  	_ =	swait.ge [sflag:s21], $0x1900  }
0x22: {  	[sflag:s21] =	ssyncset.done $0x0  }
0x23: {  	[sflag:s21] =	ssyncadd.s32 $0xFFFFE700  }
0x24: {  	_ =	swait.ge [sflag:s22], $0x1900  }
0x25: {  	[sflag:s22] =	ssyncset.done $0x0  }
0x26: {  	s29 =	simm.s32 $0x0;
	[sflag:s22] =	ssyncadd.s32 $0xFFFFE700  }
0x27: {  	[tilespmem:s3], [sflag:$0x1] =	stream.linear.gather [hbm4b:s8+s3], $0x1900, $0x38;
	[tilespmem:$0x9800] =	vst v63  }
0x28: {  	v0 =	vld [tilespmem:s29+$0x3200]  }
0x29: {  	v1 =	vld [tilespmem:s29+$0x6400]  }
0x2a: {  	v2 =	vld [tilespmem:s29+$0x3280]  }
0x2b: {  	v3 =	vld [tilespmem:s29+$0x6480]  }
0x2c: {  	v4 =	vld [tilespmem:s29+$0x3300]  }
0x2d: {  	v5 =	vld [tilespmem:s29+$0x6500];
	v0 =	vmax.f32 v0, $0.0e+00  }
0x2e: {  	v6 =	vld [tilespmem:s29+$0x3380];
	v0 =	vmul.f32 v0, v1  }
0x2f: {  	v2 =	vmax.f32 v2, $0.0e+00;
	v1 =	vld [tilespmem:s29+$0x6580]  }
0x30: {  	v7 =	vld [tilespmem:s29+$0x3400];
	v2 =	vmul.f32 v2, v3;
	v0 =	vadd.f32 $0.0e+00, v0  }
0x31: {  	v4 =	vmax.f32 v4, $0.0e+00;
	v3 =	vld [tilespmem:s29+$0x6600]  }
0x32: {  	v8 =	vld [tilespmem:s29+$0x3480];
	v0 =	vadd.f32 v2, v0;
	v2 =	vmul.f32 v4, v5  }
0x33: {  	v4 =	vld [tilespmem:s29+$0x6680];
	v5 =	vmax.f32 v6, $0.0e+00  }
0x34: {  	v6 =	vld [tilespmem:s29+$0x3500];
	v1 =	vmul.f32 v5, v1;
	v0 =	vadd.f32 v2, v0  }
0x35: {  	v5 =	vmax.f32 v7, $0.0e+00;
	v2 =	vld [tilespmem:s29+$0x6700]  }
0x36: {  	v7 =	vld [tilespmem:s29+$0x3580];
	v0 =	vadd.f32 v1, v0;
	v1 =	vmul.f32 v5, v3  }
0x37: {  	v3 =	vld [tilespmem:s29+$0x6780];
	v5 =	vmax.f32 v8, $0.0e+00  }
0x38: {  	v8 =	vld [tilespmem:s29+$0x3600];
	v0 =	vadd.f32 v1, v0;
	v1 =	vmul.f32 v5, v4  }
0x39: {  	v4 =	vld [tilespmem:s29+$0x6800];
	v5 =	vmax.f32 v6, $0.0e+00  }
0x3a: {  	v6 =	vld [tilespmem:s29+$0x3680];
	v0 =	vadd.f32 v1, v0;
	v1 =	vmul.f32 v5, v2  }
0x3b: {  	v2 =	vld [tilespmem:s29+$0x6880];
	v5 =	vmax.f32 v7, $0.0e+00  }
0x3c: {  	v7 =	vld [tilespmem:s29+$0x3700];
	v0 =	vadd.f32 v1, v0;
	v1 =	vmul.f32 v5, v3  }
0x3d: {  	v3 =	vld [tilespmem:s29+$0x6900];
	v5 =	vmax.f32 v8, $0.0e+00  }
0x3e: {  	v8 =	vld [tilespmem:s29+$0x3780];
	v0 =	vadd.f32 v1, v0;
	v1 =	vmul.f32 v5, v4  }
0x3f: {  	v4 =	vld [tilespmem:s29+$0x6980];
	v5 =	vmax.f32 v6, $0.0e+00  }
0x40: {  	v6 =	vld [tilespmem:s29+$0x3800];
	v0 =	vadd.f32 v1, v0;
	v1 =	vmul.f32 v5, v2  }
0x41: {  	v2 =	vld [tilespmem:s29+$0x6A00];
	v5 =	vmax.f32 v7, $0.0e+00  }
0x42: {  	v7 =	vld [tilespmem:s29+$0x3880];
	v0 =	vadd.f32 v1, v0;
	v1 =	vmul.f32 v5, v3  }
0x43: {  	v3 =	vld [tilespmem:s29+$0x6A80];
	v5 =	vmax.f32 v8, $0.0e+00  }
0x44: {  	v8 =	vld [tilespmem:s29+$0x3900];
	v0 =	vadd.f32 v1, v0;
	v1 =	vmul.f32 v5, v4  }
0x45: {  	v4 =	vld [tilespmem:s29+$0x6B00];
	v5 =	vmax.f32 v6, $0.0e+00  }
0x46: {  	v6 =	vld [tilespmem:s29+$0x3980];
	v0 =	vadd.f32 v1, v0;
	v1 =	vmul.f32 v5, v2  }
0x47: {  	v2 =	vld [tilespmem:s29+$0x6B80];
	v5 =	vmax.f32 v7, $0.0e+00  }
0x48: {  	v7 =	vld [tilespmem:s29+$0x3A00];
	v0 =	vadd.f32 v1, v0;
	v1 =	vmul.f32 v5, v3  }
0x49: {  	v3 =	vld [tilespmem:s29+$0x6C00];
	v5 =	vmax.f32 v8, $0.0e+00  }
0x4a: {  	v8 =	vld [tilespmem:s29+$0x3A80];
	v0 =	vadd.f32 v1, v0;
	v1 =	vmul.f32 v5, v4  }
0x4b: {  	v4 =	vld [tilespmem:s29+$0x6C80];
	v5 =	vmax.f32 v6, $0.0e+00  }
0x4c: {  	v6 =	vld [tilespmem:s29+$0x3B00];
	v0 =	vadd.f32 v1, v0;
	v1 =	vmul.f32 v5, v2  }
0x4d: {  	v2 =	vld [tilespmem:s29+$0x6D00];
	v5 =	vmax.f32 v7, $0.0e+00  }
0x4e: {  	v7 =	vld [tilespmem:s29+$0x3B80];
	v0 =	vadd.f32 v1, v0;
	v1 =	vmul.f32 v5, v3  }
0x4f: {  	v3 =	vld [tilespmem:s29+$0x6D80];
	v5 =	vmax.f32 v8, $0.0e+00  }
0x50: {  	v8 =	vld [tilespmem:s29+$0x3C00];
	v0 =	vadd.f32 v1, v0;
	v1 =	vmul.f32 v5, v4  }
0x51: {  	v4 =	vld [tilespmem:s29+$0x6E00];
	v5 =	vmax.f32 v6, $0.0e+00  }
0x52: {  	v6 =	vld [tilespmem:s29+$0x3C80];
	v0 =	vadd.f32 v1, v0;
	v1 =	vmul.f32 v5, v2  }
0x53: {  	v2 =	vld [tilespmem:s29+$0x6E80];
	v5 =	vmax.f32 v7, $0.0e+00  }
0x54: {  	v7 =	vld [tilespmem:s29+$0x3D00];
	v0 =	vadd.f32 v1, v0;
	v1 =	vmul.f32 v5, v3  }
0x55: {  	v3 =	vld [tilespmem:s29+$0x6F00];
	v5 =	vmax.f32 v8, $0.0e+00  }
0x56: {  	v8 =	vld [tilespmem:s29+$0x3D80];
	v0 =	vadd.f32 v1, v0;
	v1 =	vmul.f32 v5, v4  }
0x57: {  	v4 =	vld [tilespmem:s29+$0x6F80];
	v5 =	vmax.f32 v6, $0.0e+00  }
0x58: {  	v6 =	vld [tilespmem:s29+$0x3E00];
	v0 =	vadd.f32 v1, v0;
	v1 =	vmul.f32 v5, v2  }
0x59: {  	v2 =	vld [tilespmem:s29+$0x7000];
	v5 =	vmax.f32 v7, $0.0e+00  }
0x5a: {  	v7 =	vld [tilespmem:s29+$0x3E80];
	v0 =	vadd.f32 v1, v0;
	v1 =	vmul.f32 v5, v3  }
0x5b: {  	v3 =	vld [tilespmem:s29+$0x7080];
	v5 =	vmax.f32 v8, $0.0e+00  }
0x5c: {  	v8 =	vld [tilespmem:s29+$0x3F00];
	v0 =	vadd.f32 v1, v0;
	v1 =	vmul.f32 v5, v4  }
0x5d: {  	v4 =	vld [tilespmem:s29+$0x7100];
	v5 =	vmax.f32 v6, $0.0e+00  }
0x5e: {  	v6 =	vld [tilespmem:s29+$0x3F80];
	v0 =	vadd.f32 v1, v0;
	v1 =	vmul.f32 v5, v2  }
0x5f: {  	v2 =	vld [tilespmem:s29+$0x7180];
	v5 =	vmax.f32 v7, $0.0e+00  }
0x60: {  	v7 =	vld [tilespmem:s29+$0x4000];
	v0 =	vadd.f32 v1, v0;
	v1 =	vmul.f32 v5, v3  }
0x61: {  	v3 =	vld [tilespmem:s29+$0x7200];
	v5 =	vmax.f32 v8, $0.0e+00  }
0x62: {  	v8 =	vld [tilespmem:s29+$0x4080];
	v0 =	vadd.f32 v1, v0;
	v1 =	vmul.f32 v5, v4  }
0x63: {  	v4 =	vld [tilespmem:s29+$0x7280];
	v5 =	vmax.f32 v6, $0.0e+00  }
0x64: {  	v6 =	vld [tilespmem:s29+$0x4100];
	v0 =	vadd.f32 v1, v0;
	v1 =	vmul.f32 v5, v2  }
0x65: {  	v2 =	vld [tilespmem:s29+$0x7300];
	v5 =	vmax.f32 v7, $0.0e+00  }
0x66: {  	v7 =	vld [tilespmem:s29+$0x4180];
	v0 =	vadd.f32 v1, v0;
	v1 =	vmul.f32 v5, v3  }
0x67: {  	v3 =	vld [tilespmem:s29+$0x7380];
	v5 =	vmax.f32 v8, $0.0e+00  }
0x68: {  	v8 =	vld [tilespmem:s29+$0x4200];
	v0 =	vadd.f32 v1, v0;
	v1 =	vmul.f32 v5, v4  }
0x69: {  	v4 =	vld [tilespmem:s29+$0x7400];
	v5 =	vmax.f32 v6, $0.0e+00  }
0x6a: {  	v6 =	vld [tilespmem:s29+$0x4280];
	v0 =	vadd.f32 v1, v0;
	v1 =	vmul.f32 v5, v2  }
0x6b: {  	v2 =	vld [tilespmem:s29+$0x7480];
	v5 =	vmax.f32 v7, $0.0e+00  }
0x6c: {  	v7 =	vld [tilespmem:s29+$0x4300];
	v0 =	vadd.f32 v1, v0;
	v1 =	vmul.f32 v5, v3  }
0x6d: {  	v3 =	vld [tilespmem:s29+$0x7500];
	v5 =	vmax.f32 v8, $0.0e+00  }
0x6e: {  	v8 =	vld [tilespmem:s29+$0x4380];
	v0 =	vadd.f32 v1, v0;
	v1 =	vmul.f32 v5, v4  }
0x6f: {  	v4 =	vld [tilespmem:s29+$0x7580];
	v5 =	vmax.f32 v6, $0.0e+00  }
0x70: {  	v6 =	vld [tilespmem:s29+$0x4400];
	v0 =	vadd.f32 v1, v0;
	v1 =	vmul.f32 v5, v2  }
0x71: {  	v2 =	vld [tilespmem:s29+$0x7600];
	v5 =	vmax.f32 v7, $0.0e+00  }
0x72: {  	v7 =	vld [tilespmem:s29+$0x4480];
	v0 =	vadd.f32 v1, v0;
	v1 =	vmul.f32 v5, v3  }
0x73: {  	v3 =	vld [tilespmem:s29+$0x7680];
	v5 =	vmax.f32 v8, $0.0e+00  }
0x74: {  	v8 =	vld [tilespmem:s29+$0x4500];
	v0 =	vadd.f32 v1, v0;
	v1 =	vmul.f32 v5, v4  }
0x75: {  	v4 =	vld [tilespmem:s29+$0x7700];
	v5 =	vmax.f32 v6, $0.0e+00  }
0x76: {  	v6 =	vld [tilespmem:s29+$0x4580];
	v0 =	vadd.f32 v1, v0;
	v1 =	vmul.f32 v5, v2  }
0x77: {  	v2 =	vld [tilespmem:s29+$0x7780];
	v5 =	vmax.f32 v7, $0.0e+00  }
0x78: {  	v7 =	vld [tilespmem:s29+$0x4600];
	v0 =	vadd.f32 v1, v0;
	v1 =	vmul.f32 v5, v3  }
0x79: {  	v3 =	vld [tilespmem:s29+$0x7800];
	v5 =	vmax.f32 v8, $0.0e+00  }
0x7a: {  	v8 =	vld [tilespmem:s29+$0x4680];
	v0 =	vadd.f32 v1, v0;
	v1 =	vmul.f32 v5, v4  }
0x7b: {  	v4 =	vld [tilespmem:s29+$0x7880];
	v5 =	vmax.f32 v6, $0.0e+00  }
0x7c: {  	v6 =	vld [tilespmem:s29+$0x4700];
	v0 =	vadd.f32 v1, v0;
	v1 =	vmul.f32 v5, v2  }
0x7d: {  	v2 =	vld [tilespmem:s29+$0x7900];
	v5 =	vmax.f32 v7, $0.0e+00  }
0x7e: {  	v7 =	vld [tilespmem:s29+$0x4780];
	v0 =	vadd.f32 v1, v0;
	v1 =	vmul.f32 v5, v3  }
0x7f: {  	v3 =	vld [tilespmem:s29+$0x7980];
	v5 =	vmax.f32 v8, $0.0e+00  }
0x80: {  	v8 =	vld [tilespmem:s29+$0x4800];
	v0 =	vadd.f32 v1, v0;
	v1 =	vmul.f32 v5, v4  }
0x81: {  	v4 =	vld [tilespmem:s29+$0x7A00];
	v5 =	vmax.f32 v6, $0.0e+00  }
0x82: {  	v6 =	vld [tilespmem:s29+$0x4880];
	v0 =	vadd.f32 v1, v0;
	v1 =	vmul.f32 v5, v2  }
0x83: {  	v5 =	vld [tilespmem:s29+$0x7A80];
	v2 =	vmax.f32 v7, $0.0e+00  }
0x84: {  	v7 =	vld [tilespmem:s29+$0x4900];
	v0 =	vadd.f32 v1, v0;
	v1 =	vmul.f32 v2, v3  }
0x85: {  	v9 =	vld [tilespmem:s29+$0x7B00];
	v2 =	vmax.f32 v8, $0.0e+00  }
0x86: {  	v8 =	vld [tilespmem:s29+$0x4980];
	v3 =	vmul.f32 v2, v4;
	v1 =	vadd.f32 v1, v0  }
0x87: {  	v4 =	vmax.f32 v6, $0.0e+00;
	v0 =	vld [tilespmem:s29+$0x7B80]  }
0x88: {  	v2 =	vld [tilespmem:s29+$0x4A00];
	v4 =	vmul.f32 v4, v5;
	v6 =	vadd.f32 v3, v1  }
0x89: {  	v7 =	vmax.f32 v7, $0.0e+00;
	v1 =	vld [tilespmem:s29+$0x7C00]  }
0x8a: {  	v3 =	vld [tilespmem:s29+$0x4A80];
	v5 =	vadd.f32 v4, v6;
	v6 =	vmul.f32 v7, v9  }
0x8b: {  	s31 =	simm.s32 $0x10;
	s30 =	simm.s32 $0x80;
	v7 =	vmax.f32 v8, $0.0e+00;
	v4 =	vld [tilespmem:s29+$0x7C80]  }
.LBB2_2:
0x8c: {  	p0 =	sne.s32 s30, $0x1C0;
	v8 =	vld [tilespmem:s31+$0x3200];
	v5 =	vadd.f32 v6, v5;
	v0 =	vmul.f32 v7, v0  }
0x8d: {  	v6 =	vld [tilespmem:s31+$0x6400];
	v2 =	vmax.f32 v2, $0.0e+00  }
0x8e: {  	v7 =	vld [tilespmem:s31+$0x3280];
	v0 =	vadd.f32 v0, v5;
	v1 =	vmul.f32 v2, v1  }
0x8f: {  	v2 =	vld [tilespmem:s31+$0x6480];
	v3 =	vmax.f32 v3, $0.0e+00  }
0x90: {  	v5 =	vld [tilespmem:s31+$0x3300];
	v0 =	vadd.f32 v1, v0;
	v1 =	vmul.f32 v3, v4  }
0x91: {  	v3 =	vmax.f32 v8, $0.0e+00;
	v4 =	vld [tilespmem:s31+$0x6500]  }
0x92: {  	v3 =	vmul.f32 v3, v6;
	v6 =	vld [tilespmem:s31+$0x3380];
	v0 =	vadd.f32 v1, v0  }
0x93: {  	v1 =	vmax.f32 v7, $0.0e+00;
	v7 =	vld [tilespmem:s31+$0x6580]  }
0x94: {  	v3 =	vadd.f32 $0.0e+00, v3;
	v1 =	vmul.f32 v1, v2;
	v2 =	vld [tilespmem:s31+$0x3400];
	[tilespmem:s29+$0x9600] =	vst v0;
	s29 =	smov.u32 s31  }
0x95: {  	v0 =	vmax.f32 v5, $0.0e+00;
	v5 =	vld [tilespmem:s29+$0x6600]  }
0x96: {  	v1 =	vadd.f32 v1, v3;
	v0 =	vmul.f32 v0, v4;
	v3 =	vld [tilespmem:s29+$0x3480]  }
0x97: {  	v4 =	vmax.f32 v6, $0.0e+00;
	v6 =	vld [tilespmem:s29+$0x6680]  }
0x98: {  	v0 =	vadd.f32 v0, v1;
	v1 =	vmul.f32 v4, v7;
	v4 =	vld [tilespmem:s29+$0x3500]  }
0x99: {  	v2 =	vmax.f32 v2, $0.0e+00;
	v7 =	vld [tilespmem:s29+$0x6700]  }
0x9a: {  	v0 =	vadd.f32 v1, v0;
	v1 =	vmul.f32 v2, v5;
	v2 =	vld [tilespmem:s29+$0x3580]  }
0x9b: {  	v3 =	vmax.f32 v3, $0.0e+00;
	v5 =	vld [tilespmem:s29+$0x6780]  }
0x9c: {  	v0 =	vadd.f32 v1, v0;
	v1 =	vmul.f32 v3, v6;
	v3 =	vld [tilespmem:s29+$0x3600]  }
0x9d: {  	v4 =	vmax.f32 v4, $0.0e+00;
	v6 =	vld [tilespmem:s29+$0x6800]  }
0x9e: {  	v0 =	vadd.f32 v1, v0;
	v1 =	vmul.f32 v4, v7;
	v4 =	vld [tilespmem:s29+$0x3680]  }
0x9f: {  	v2 =	vmax.f32 v2, $0.0e+00;
	v7 =	vld [tilespmem:s29+$0x6880]  }
0xa0: {  	v0 =	vadd.f32 v1, v0;
	v1 =	vmul.f32 v2, v5;
	v2 =	vld [tilespmem:s29+$0x3700]  }
0xa1: {  	v3 =	vmax.f32 v3, $0.0e+00;
	v5 =	vld [tilespmem:s29+$0x6900]  }
0xa2: {  	v0 =	vadd.f32 v1, v0;
	v1 =	vmul.f32 v3, v6;
	v3 =	vld [tilespmem:s29+$0x3780]  }
0xa3: {  	v4 =	vmax.f32 v4, $0.0e+00;
	v6 =	vld [tilespmem:s29+$0x6980]  }
0xa4: {  	v0 =	vadd.f32 v1, v0;
	v1 =	vmul.f32 v4, v7;
	v4 =	vld [tilespmem:s29+$0x3800]  }
0xa5: {  	v2 =	vmax.f32 v2, $0.0e+00;
	v7 =	vld [tilespmem:s29+$0x6A00]  }
0xa6: {  	v0 =	vadd.f32 v1, v0;
	v1 =	vmul.f32 v2, v5;
	v2 =	vld [tilespmem:s29+$0x3880]  }
0xa7: {  	v3 =	vmax.f32 v3, $0.0e+00;
	v5 =	vld [tilespmem:s29+$0x6A80]  }
0xa8: {  	v0 =	vadd.f32 v1, v0;
	v1 =	vmul.f32 v3, v6;
	v3 =	vld [tilespmem:s29+$0x3900]  }
0xa9: {  	v4 =	vmax.f32 v4, $0.0e+00;
	v6 =	vld [tilespmem:s29+$0x6B00]  }
0xaa: {  	v0 =	vadd.f32 v1, v0;
	v1 =	vmul.f32 v4, v7;
	v4 =	vld [tilespmem:s29+$0x3980]  }
0xab: {  	v2 =	vmax.f32 v2, $0.0e+00;
	v7 =	vld [tilespmem:s29+$0x6B80]  }
0xac: {  	v0 =	vadd.f32 v1, v0;
	v1 =	vmul.f32 v2, v5;
	v2 =	vld [tilespmem:s29+$0x3A00]  }
0xad: {  	v3 =	vmax.f32 v3, $0.0e+00;
	v5 =	vld [tilespmem:s29+$0x6C00]  }
0xae: {  	v0 =	vadd.f32 v1, v0;
	v1 =	vmul.f32 v3, v6;
	v3 =	vld [tilespmem:s29+$0x3A80]  }
0xaf: {  	v4 =	vmax.f32 v4, $0.0e+00;
	v6 =	vld [tilespmem:s29+$0x6C80]  }
0xb0: {  	v0 =	vadd.f32 v1, v0;
	v1 =	vmul.f32 v4, v7;
	v4 =	vld [tilespmem:s29+$0x3B00]  }
0xb1: {  	v2 =	vmax.f32 v2, $0.0e+00;
	v7 =	vld [tilespmem:s29+$0x6D00]  }
0xb2: {  	v0 =	vadd.f32 v1, v0;
	v1 =	vmul.f32 v2, v5;
	v2 =	vld [tilespmem:s29+$0x3B80]  }
0xb3: {  	v3 =	vmax.f32 v3, $0.0e+00;
	v5 =	vld [tilespmem:s29+$0x6D80]  }
0xb4: {  	v0 =	vadd.f32 v1, v0;
	v1 =	vmul.f32 v3, v6;
	v3 =	vld [tilespmem:s29+$0x3C00]  }
0xb5: {  	v4 =	vmax.f32 v4, $0.0e+00;
	v6 =	vld [tilespmem:s29+$0x6E00]  }
0xb6: {  	v0 =	vadd.f32 v1, v0;
	v1 =	vmul.f32 v4, v7;
	v4 =	vld [tilespmem:s29+$0x3C80]  }
0xb7: {  	v2 =	vmax.f32 v2, $0.0e+00;
	v7 =	vld [tilespmem:s29+$0x6E80]  }
0xb8: {  	v0 =	vadd.f32 v1, v0;
	v1 =	vmul.f32 v2, v5;
	v2 =	vld [tilespmem:s29+$0x3D00]  }
0xb9: {  	v3 =	vmax.f32 v3, $0.0e+00;
	v5 =	vld [tilespmem:s29+$0x6F00]  }
0xba: {  	v0 =	vadd.f32 v1, v0;
	v1 =	vmul.f32 v3, v6;
	v3 =	vld [tilespmem:s29+$0x3D80]  }
0xbb: {  	v4 =	vmax.f32 v4, $0.0e+00;
	v6 =	vld [tilespmem:s29+$0x6F80]  }
0xbc: {  	v0 =	vadd.f32 v1, v0;
	v1 =	vmul.f32 v4, v7;
	v4 =	vld [tilespmem:s29+$0x3E00]  }
0xbd: {  	v2 =	vmax.f32 v2, $0.0e+00;
	v7 =	vld [tilespmem:s29+$0x7000]  }
0xbe: {  	v0 =	vadd.f32 v1, v0;
	v1 =	vmul.f32 v2, v5;
	v2 =	vld [tilespmem:s29+$0x3E80]  }
0xbf: {  	v3 =	vmax.f32 v3, $0.0e+00;
	v5 =	vld [tilespmem:s29+$0x7080]  }
0xc0: {  	v0 =	vadd.f32 v1, v0;
	v1 =	vmul.f32 v3, v6;
	v3 =	vld [tilespmem:s29+$0x3F00]  }
0xc1: {  	v4 =	vmax.f32 v4, $0.0e+00;
	v6 =	vld [tilespmem:s29+$0x7100]  }
0xc2: {  	v0 =	vadd.f32 v1, v0;
	v1 =	vmul.f32 v4, v7;
	v4 =	vld [tilespmem:s29+$0x3F80]  }
0xc3: {  	v2 =	vmax.f32 v2, $0.0e+00;
	v7 =	vld [tilespmem:s29+$0x7180]  }
0xc4: {  	v0 =	vadd.f32 v1, v0;
	v1 =	vmul.f32 v2, v5;
	v2 =	vld [tilespmem:s29+$0x4000]  }
0xc5: {  	v3 =	vmax.f32 v3, $0.0e+00;
	v5 =	vld [tilespmem:s29+$0x7200]  }
0xc6: {  	v0 =	vadd.f32 v1, v0;
	v1 =	vmul.f32 v3, v6;
	v3 =	vld [tilespmem:s29+$0x4080]  }
0xc7: {  	v4 =	vmax.f32 v4, $0.0e+00;
	v6 =	vld [tilespmem:s29+$0x7280]  }
0xc8: {  	v0 =	vadd.f32 v1, v0;
	v1 =	vmul.f32 v4, v7;
	v4 =	vld [tilespmem:s29+$0x4100]  }
0xc9: {  	v2 =	vmax.f32 v2, $0.0e+00;
	v7 =	vld [tilespmem:s29+$0x7300]  }
0xca: {  	v0 =	vadd.f32 v1, v0;
	v1 =	vmul.f32 v2, v5;
	v2 =	vld [tilespmem:s29+$0x4180]  }
0xcb: {  	v3 =	vmax.f32 v3, $0.0e+00;
	v5 =	vld [tilespmem:s29+$0x7380]  }
0xcc: {  	v0 =	vadd.f32 v1, v0;
	v1 =	vmul.f32 v3, v6;
	v3 =	vld [tilespmem:s29+$0x4200]  }
0xcd: {  	v4 =	vmax.f32 v4, $0.0e+00;
	v6 =	vld [tilespmem:s29+$0x7400]  }
0xce: {  	v0 =	vadd.f32 v1, v0;
	v1 =	vmul.f32 v4, v7;
	v4 =	vld [tilespmem:s29+$0x4280]  }
0xcf: {  	v2 =	vmax.f32 v2, $0.0e+00;
	v7 =	vld [tilespmem:s29+$0x7480]  }
0xd0: {  	v0 =	vadd.f32 v1, v0;
	v1 =	vmul.f32 v2, v5;
	v2 =	vld [tilespmem:s29+$0x4300]  }
0xd1: {  	v3 =	vmax.f32 v3, $0.0e+00;
	v5 =	vld [tilespmem:s29+$0x7500]  }
0xd2: {  	v0 =	vadd.f32 v1, v0;
	v1 =	vmul.f32 v3, v6;
	v3 =	vld [tilespmem:s29+$0x4380]  }
0xd3: {  	v4 =	vmax.f32 v4, $0.0e+00;
	v6 =	vld [tilespmem:s29+$0x7580]  }
0xd4: {  	v0 =	vadd.f32 v1, v0;
	v1 =	vmul.f32 v4, v7;
	v4 =	vld [tilespmem:s29+$0x4400]  }
0xd5: {  	v2 =	vmax.f32 v2, $0.0e+00;
	v7 =	vld [tilespmem:s29+$0x7600]  }
0xd6: {  	v0 =	vadd.f32 v1, v0;
	v1 =	vmul.f32 v2, v5;
	v2 =	vld [tilespmem:s29+$0x4480]  }
0xd7: {  	v3 =	vmax.f32 v3, $0.0e+00;
	v5 =	vld [tilespmem:s29+$0x7680]  }
0xd8: {  	v0 =	vadd.f32 v1, v0;
	v1 =	vmul.f32 v3, v6;
	v3 =	vld [tilespmem:s29+$0x4500]  }
0xd9: {  	v4 =	vmax.f32 v4, $0.0e+00;
	v6 =	vld [tilespmem:s29+$0x7700]  }
0xda: {  	v0 =	vadd.f32 v1, v0;
	v1 =	vmul.f32 v4, v7;
	v4 =	vld [tilespmem:s29+$0x4580]  }
0xdb: {  	v2 =	vmax.f32 v2, $0.0e+00;
	v7 =	vld [tilespmem:s29+$0x7780]  }
0xdc: {  	v0 =	vadd.f32 v1, v0;
	v1 =	vmul.f32 v2, v5;
	v2 =	vld [tilespmem:s29+$0x4600]  }
0xdd: {  	v3 =	vmax.f32 v3, $0.0e+00;
	v5 =	vld [tilespmem:s29+$0x7800]  }
0xde: {  	v0 =	vadd.f32 v1, v0;
	v1 =	vmul.f32 v3, v6;
	v3 =	vld [tilespmem:s29+$0x4680]  }
0xdf: {  	v4 =	vmax.f32 v4, $0.0e+00;
	v6 =	vld [tilespmem:s29+$0x7880]  }
0xe0: {  	v0 =	vadd.f32 v1, v0;
	v1 =	vmul.f32 v4, v7;
	v4 =	vld [tilespmem:s29+$0x4700]  }
0xe1: {  	v2 =	vmax.f32 v2, $0.0e+00;
	v7 =	vld [tilespmem:s29+$0x7900]  }
0xe2: {  	v0 =	vadd.f32 v1, v0;
	v1 =	vmul.f32 v2, v5;
	v2 =	vld [tilespmem:s29+$0x4780]  }
0xe3: {  	v3 =	vmax.f32 v3, $0.0e+00;
	v5 =	vld [tilespmem:s29+$0x7980]  }
0xe4: {  	v0 =	vadd.f32 v1, v0;
	v1 =	vmul.f32 v3, v6;
	v3 =	vld [tilespmem:s29+$0x4800]  }
0xe5: {  	v4 =	vmax.f32 v4, $0.0e+00;
	v6 =	vld [tilespmem:s29+$0x7A00]  }
0xe6: {  	v0 =	vadd.f32 v1, v0;
	v1 =	vmul.f32 v4, v7;
	v4 =	vld [tilespmem:s29+$0x4880]  }
0xe7: {  	v2 =	vmax.f32 v2, $0.0e+00;
	v7 =	vld [tilespmem:s29+$0x7A80]  }
0xe8: {  	v0 =	vadd.f32 v1, v0;
	v1 =	vmul.f32 v2, v5;
	v5 =	vld [tilespmem:s29+$0x4900]  }
0xe9: {  	v2 =	vmax.f32 v3, $0.0e+00;
	v3 =	vld [tilespmem:s29+$0x7B00]  }
0xea: {  	v1 =	vadd.f32 v1, v0;
	v2 =	vmul.f32 v2, v6;
	v8 =	vld [tilespmem:s29+$0x4980]  }
.Ltmp0:
0xeb: {  	v4 =	vmax.f32 v4, $0.0e+00;
	v0 =	vld [tilespmem:s29+$0x7B80];
	(pc) =	sbr.rel @p0 .LBB2_2-.Ltmp0, $4  }
0xec: {  	v6 =	vadd.f32 v2, v1;
	v4 =	vmul.f32 v4, v7;
	v2 =	vld [tilespmem:s29+$0x4A00]  }
0xed: {  	v7 =	vmax.f32 v5, $0.0e+00;
	v1 =	vld [tilespmem:s29+$0x7C00]  }
0xee: {  	v5 =	vadd.f32 v4, v6;
	v6 =	vmul.f32 v7, v3;
	v3 =	vld [tilespmem:s29+$0x4A80]  }
0xef: {  	s31 =	sshra.s32 s30, $0x2;
	s30 =	sadd.s32 $0x40, s30;
	v7 =	vmax.f32 v8, $0.0e+00;
	v4 =	vld [tilespmem:s29+$0x7C80]  }
0xf0: {  	v8 =	vld [tilespmem:s31+$0x3200];
	v5 =	vadd.f32 v6, v5;
	v0 =	vmul.f32 v7, v0  }
0xf1: {  	v6 =	vld [tilespmem:s31+$0x6400];
	v2 =	vmax.f32 v2, $0.0e+00  }
0xf2: {  	v7 =	vld [tilespmem:s31+$0x3280];
	v0 =	vadd.f32 v0, v5;
	v1 =	vmul.f32 v2, v1  }
0xf3: {  	v2 =	vld [tilespmem:s31+$0x6480];
	v3 =	vmax.f32 v3, $0.0e+00  }
0xf4: {  	v5 =	vld [tilespmem:s31+$0x3300];
	v0 =	vadd.f32 v1, v0;
	v1 =	vmul.f32 v3, v4  }
0xf5: {  	v3 =	vld [tilespmem:s31+$0x6500];
	v4 =	vmax.f32 v8, $0.0e+00  }
0xf6: {  	v8 =	vld [tilespmem:s31+$0x3380];
	v4 =	vmul.f32 v4, v6;
	v0 =	vadd.f32 v1, v0  }
0xf7: {  	v1 =	vld [tilespmem:s31+$0x6580];
	v6 =	vmax.f32 v7, $0.0e+00  }
0xf8: {  	v7 =	vld [tilespmem:s31+$0x3400];
	v2 =	vmul.f32 v6, v2;
	v4 =	vadd.f32 $0.0e+00, v4;
	[tilespmem:s29+$0x9600] =	vst v0  }
0xf9: {  	v0 =	vmax.f32 v5, $0.0e+00;
	v5 =	vld [tilespmem:s31+$0x6600]  }
0xfa: {  	v0 =	vmul.f32 v0, v3;
	v3 =	vld [tilespmem:s31+$0x3480];
	v2 =	vadd.f32 v2, v4  }
0xfb: {  	v6 =	vld [tilespmem:s31+$0x6680];
	v4 =	vmax.f32 v8, $0.0e+00  }
0xfc: {  	v1 =	vmul.f32 v4, v1;
	v0 =	vadd.f32 v0, v2;
	v2 =	vld [tilespmem:s31+$0x3500]  }
0xfd: {  	v4 =	vmax.f32 v7, $0.0e+00;
	v7 =	vld [tilespmem:s31+$0x6700]  }
0xfe: {  	v0 =	vadd.f32 v1, v0;
	v1 =	vmul.f32 v4, v5;
	v4 =	vld [tilespmem:s31+$0x3580]  }
0xff: {  	v3 =	vmax.f32 v3, $0.0e+00;
	v5 =	vld [tilespmem:s31+$0x6780]  }
0x100: {  	v0 =	vadd.f32 v1, v0;
	v1 =	vmul.f32 v3, v6;
	v3 =	vld [tilespmem:s31+$0x3600]  }
0x101: {  	v6 =	vld [tilespmem:s31+$0x6800];
	v2 =	vmax.f32 v2, $0.0e+00  }
0x102: {  	v0 =	vadd.f32 v1, v0;
	v1 =	vmul.f32 v2, v7;
	v2 =	vld [tilespmem:s31+$0x3680]  }
0x103: {  	v7 =	vld [tilespmem:s31+$0x6880];
	v4 =	vmax.f32 v4, $0.0e+00  }
0x104: {  	v0 =	vadd.f32 v1, v0;
	v1 =	vmul.f32 v4, v5;
	v4 =	vld [tilespmem:s31+$0x3700]  }
0x105: {  	v5 =	vld [tilespmem:s31+$0x6900];
	v3 =	vmax.f32 v3, $0.0e+00  }
0x106: {  	v0 =	vadd.f32 v1, v0;
	v1 =	vmul.f32 v3, v6;
	v3 =	vld [tilespmem:s31+$0x3780]  }
0x107: {  	v6 =	vld [tilespmem:s31+$0x6980];
	v2 =	vmax.f32 v2, $0.0e+00  }
0x108: {  	v0 =	vadd.f32 v1, v0;
	v1 =	vmul.f32 v2, v7;
	v2 =	vld [tilespmem:s31+$0x3800]  }
0x109: {  	v7 =	vld [tilespmem:s31+$0x6A00];
	v4 =	vmax.f32 v4, $0.0e+00  }
0x10a: {  	v0 =	vadd.f32 v1, v0;
	v1 =	vmul.f32 v4, v5;
	v4 =	vld [tilespmem:s31+$0x3880]  }
0x10b: {  	v5 =	vld [tilespmem:s31+$0x6A80];
	v3 =	vmax.f32 v3, $0.0e+00  }
0x10c: {  	v0 =	vadd.f32 v1, v0;
	v1 =	vmul.f32 v3, v6;
	v3 =	vld [tilespmem:s31+$0x3900]  }
0x10d: {  	v6 =	vld [tilespmem:s31+$0x6B00];
	v2 =	vmax.f32 v2, $0.0e+00  }
0x10e: {  	v0 =	vadd.f32 v1, v0;
	v1 =	vmul.f32 v2, v7;
	v2 =	vld [tilespmem:s31+$0x3980]  }
0x10f: {  	v7 =	vld [tilespmem:s31+$0x6B80];
	v4 =	vmax.f32 v4, $0.0e+00  }
0x110: {  	v0 =	vadd.f32 v1, v0;
	v1 =	vmul.f32 v4, v5;
	v4 =	vld [tilespmem:s31+$0x3A00]  }
0x111: {  	v5 =	vld [tilespmem:s31+$0x6C00];
	v3 =	vmax.f32 v3, $0.0e+00  }
0x112: {  	v0 =	vadd.f32 v1, v0;
	v1 =	vmul.f32 v3, v6;
	v3 =	vld [tilespmem:s31+$0x3A80]  }
0x113: {  	v6 =	vld [tilespmem:s31+$0x6C80];
	v2 =	vmax.f32 v2, $0.0e+00  }
0x114: {  	v0 =	vadd.f32 v1, v0;
	v1 =	vmul.f32 v2, v7;
	v2 =	vld [tilespmem:s31+$0x3B00]  }
0x115: {  	v7 =	vld [tilespmem:s31+$0x6D00];
	v4 =	vmax.f32 v4, $0.0e+00  }
0x116: {  	v0 =	vadd.f32 v1, v0;
	v1 =	vmul.f32 v4, v5;
	v4 =	vld [tilespmem:s31+$0x3B80]  }
0x117: {  	v5 =	vld [tilespmem:s31+$0x6D80];
	v3 =	vmax.f32 v3, $0.0e+00  }
0x118: {  	v0 =	vadd.f32 v1, v0;
	v1 =	vmul.f32 v3, v6;
	v3 =	vld [tilespmem:s31+$0x3C00]  }
0x119: {  	v6 =	vld [tilespmem:s31+$0x6E00];
	v2 =	vmax.f32 v2, $0.0e+00  }
0x11a: {  	v0 =	vadd.f32 v1, v0;
	v1 =	vmul.f32 v2, v7;
	v2 =	vld [tilespmem:s31+$0x3C80]  }
0x11b: {  	v7 =	vld [tilespmem:s31+$0x6E80];
	v4 =	vmax.f32 v4, $0.0e+00  }
0x11c: {  	v0 =	vadd.f32 v1, v0;
	v1 =	vmul.f32 v4, v5;
	v4 =	vld [tilespmem:s31+$0x3D00]  }
0x11d: {  	v5 =	vld [tilespmem:s31+$0x6F00];
	v3 =	vmax.f32 v3, $0.0e+00  }
0x11e: {  	v0 =	vadd.f32 v1, v0;
	v1 =	vmul.f32 v3, v6;
	v3 =	vld [tilespmem:s31+$0x3D80]  }
0x11f: {  	v6 =	vld [tilespmem:s31+$0x6F80];
	v2 =	vmax.f32 v2, $0.0e+00  }
0x120: {  	v0 =	vadd.f32 v1, v0;
	v1 =	vmul.f32 v2, v7;
	v2 =	vld [tilespmem:s31+$0x3E00]  }
0x121: {  	v7 =	vld [tilespmem:s31+$0x7000];
	v4 =	vmax.f32 v4, $0.0e+00  }
0x122: {  	v0 =	vadd.f32 v1, v0;
	v1 =	vmul.f32 v4, v5;
	v4 =	vld [tilespmem:s31+$0x3E80]  }
0x123: {  	v5 =	vld [tilespmem:s31+$0x7080];
	v3 =	vmax.f32 v3, $0.0e+00  }
0x124: {  	v0 =	vadd.f32 v1, v0;
	v1 =	vmul.f32 v3, v6;
	v3 =	vld [tilespmem:s31+$0x3F00]  }
0x125: {  	v6 =	vld [tilespmem:s31+$0x7100];
	v2 =	vmax.f32 v2, $0.0e+00  }
0x126: {  	v0 =	vadd.f32 v1, v0;
	v1 =	vmul.f32 v2, v7;
	v2 =	vld [tilespmem:s31+$0x3F80]  }
0x127: {  	v7 =	vld [tilespmem:s31+$0x7180];
	v4 =	vmax.f32 v4, $0.0e+00  }
0x128: {  	v0 =	vadd.f32 v1, v0;
	v1 =	vmul.f32 v4, v5;
	v4 =	vld [tilespmem:s31+$0x4000]  }
0x129: {  	v5 =	vld [tilespmem:s31+$0x7200];
	v3 =	vmax.f32 v3, $0.0e+00  }
0x12a: {  	v0 =	vadd.f32 v1, v0;
	v1 =	vmul.f32 v3, v6;
	v3 =	vld [tilespmem:s31+$0x4080]  }
0x12b: {  	v6 =	vld [tilespmem:s31+$0x7280];
	v2 =	vmax.f32 v2, $0.0e+00  }
0x12c: {  	v0 =	vadd.f32 v1, v0;
	v1 =	vmul.f32 v2, v7;
	v2 =	vld [tilespmem:s31+$0x4100]  }
0x12d: {  	v7 =	vld [tilespmem:s31+$0x7300];
	v4 =	vmax.f32 v4, $0.0e+00  }
0x12e: {  	v0 =	vadd.f32 v1, v0;
	v1 =	vmul.f32 v4, v5;
	v4 =	vld [tilespmem:s31+$0x4180]  }
0x12f: {  	v5 =	vld [tilespmem:s31+$0x7380];
	v3 =	vmax.f32 v3, $0.0e+00  }
0x130: {  	v0 =	vadd.f32 v1, v0;
	v1 =	vmul.f32 v3, v6;
	v3 =	vld [tilespmem:s31+$0x4200]  }
0x131: {  	v6 =	vld [tilespmem:s31+$0x7400];
	v2 =	vmax.f32 v2, $0.0e+00  }
0x132: {  	v0 =	vadd.f32 v1, v0;
	v1 =	vmul.f32 v2, v7;
	v2 =	vld [tilespmem:s31+$0x4280]  }
0x133: {  	v7 =	vld [tilespmem:s31+$0x7480];
	v4 =	vmax.f32 v4, $0.0e+00  }
0x134: {  	v0 =	vadd.f32 v1, v0;
	v1 =	vmul.f32 v4, v5;
	v4 =	vld [tilespmem:s31+$0x4300]  }
0x135: {  	v5 =	vld [tilespmem:s31+$0x7500];
	v3 =	vmax.f32 v3, $0.0e+00  }
0x136: {  	v0 =	vadd.f32 v1, v0;
	v1 =	vmul.f32 v3, v6;
	v3 =	vld [tilespmem:s31+$0x4380]  }
0x137: {  	v6 =	vld [tilespmem:s31+$0x7580];
	v2 =	vmax.f32 v2, $0.0e+00  }
0x138: {  	v0 =	vadd.f32 v1, v0;
	v1 =	vmul.f32 v2, v7;
	v2 =	vld [tilespmem:s31+$0x4400]  }
0x139: {  	v7 =	vld [tilespmem:s31+$0x7600];
	v4 =	vmax.f32 v4, $0.0e+00  }
0x13a: {  	v0 =	vadd.f32 v1, v0;
	v1 =	vmul.f32 v4, v5;
	v4 =	vld [tilespmem:s31+$0x4480]  }
0x13b: {  	v5 =	vld [tilespmem:s31+$0x7680];
	v3 =	vmax.f32 v3, $0.0e+00  }
0x13c: {  	v0 =	vadd.f32 v1, v0;
	v1 =	vmul.f32 v3, v6;
	v3 =	vld [tilespmem:s31+$0x4500]  }
0x13d: {  	v6 =	vld [tilespmem:s31+$0x7700];
	v2 =	vmax.f32 v2, $0.0e+00  }
0x13e: {  	v0 =	vadd.f32 v1, v0;
	v1 =	vmul.f32 v2, v7;
	v2 =	vld [tilespmem:s31+$0x4580]  }
0x13f: {  	v7 =	vld [tilespmem:s31+$0x7780];
	v4 =	vmax.f32 v4, $0.0e+00  }
0x140: {  	v0 =	vadd.f32 v1, v0;
	v1 =	vmul.f32 v4, v5;
	v4 =	vld [tilespmem:s31+$0x4600]  }
0x141: {  	v5 =	vld [tilespmem:s31+$0x7800];
	v3 =	vmax.f32 v3, $0.0e+00  }
0x142: {  	v0 =	vadd.f32 v1, v0;
	v1 =	vmul.f32 v3, v6;
	v3 =	vld [tilespmem:s31+$0x4680]  }
0x143: {  	v6 =	vld [tilespmem:s31+$0x7880];
	v2 =	vmax.f32 v2, $0.0e+00  }
0x144: {  	v0 =	vadd.f32 v1, v0;
	v1 =	vmul.f32 v2, v7;
	v2 =	vld [tilespmem:s31+$0x4700]  }
0x145: {  	v7 =	vld [tilespmem:s31+$0x7900];
	v4 =	vmax.f32 v4, $0.0e+00  }
0x146: {  	v0 =	vadd.f32 v1, v0;
	v1 =	vmul.f32 v4, v5;
	v4 =	vld [tilespmem:s31+$0x4780]  }
0x147: {  	v5 =	vld [tilespmem:s31+$0x7980];
	v3 =	vmax.f32 v3, $0.0e+00  }
0x148: {  	v0 =	vadd.f32 v1, v0;
	v1 =	vmul.f32 v3, v6;
	v3 =	vld [tilespmem:s31+$0x4800]  }
0x149: {  	v6 =	vld [tilespmem:s31+$0x7A00];
	v2 =	vmax.f32 v2, $0.0e+00  }
0x14a: {  	v0 =	vadd.f32 v1, v0;
	v1 =	vmul.f32 v2, v7;
	v2 =	vld [tilespmem:s31+$0x4880]  }
0x14b: {  	v7 =	vld [tilespmem:s31+$0x7A80];
	v4 =	vmax.f32 v4, $0.0e+00  }
0x14c: {  	v0 =	vadd.f32 v1, v0;
	v1 =	vmul.f32 v4, v5;
	v4 =	vld [tilespmem:s31+$0x4900]  }
0x14d: {  	v5 =	vld [tilespmem:s31+$0x7B00];
	v3 =	vmax.f32 v3, $0.0e+00  }
0x14e: {  	v0 =	vadd.f32 v1, v0;
	v1 =	vmul.f32 v3, v6;
	v3 =	vld [tilespmem:s31+$0x4980]  }
0x14f: {  	v6 =	vld [tilespmem:s31+$0x7B80];
	v2 =	vmax.f32 v2, $0.0e+00  }
0x150: {  	v0 =	vadd.f32 v1, v0;
	v1 =	vmul.f32 v2, v7;
	v2 =	vld [tilespmem:s31+$0x4A00]  }
0x151: {  	v7 =	vld [tilespmem:s31+$0x7C00];
	v4 =	vmax.f32 v4, $0.0e+00  }
0x152: {  	v0 =	vadd.f32 v1, v0;
	v1 =	vmul.f32 v4, v5;
	v4 =	vld [tilespmem:s31+$0x4A80]  }
0x153: {  	v5 =	vld [tilespmem:s31+$0x7C80];
	v3 =	vmax.f32 v3, $0.0e+00  }
0x154: {  	v0 =	vadd.f32 v1, v0;
	v1 =	vmul.f32 v3, v6  }
0x155: {  	v2 =	vmax.f32 v2, $0.0e+00  }
0x156: {  	v0 =	vadd.f32 v1, v0;
	v1 =	vmul.f32 v2, v7  }
0x157: {  	v2 =	vmax.f32 v4, $0.0e+00  }
0x158: {  	v0 =	vadd.f32 v1, v0;
	v1 =	vmul.f32 v2, v5;
	_ =	sdelay $0x1  }
0x159: {  	v0 =	vadd.f32 v1, v0;
	_ =	sdelay $0x1  }
0x15a: {  	s29 =	simm.s32 $0x0;
	[tilespmem:s31+$0x9600] =	vst v0  }
0x15b: {  	[tilespmem:s14], [sflag:$0x3] =	stream.linear.gather [hbm4b:s9+s29], $0x1900, $0x38;
	[tilespmem:$0x9800] =	vst v63  }
0x15c: {  	_ =	swait.ge [sflag:s15], $0x1900  }
0x15d: {  	[sflag:s15] =	ssyncset.done $0x0  }
0x15e: {  	[sflag:s15] =	ssyncadd.s32 $0xFFFFE700  }
0x15f: {  	[tilespmem:s17], [sflag:$0x5] =	stream.indirect.gather [hbm4b:s2+s16], $0x1, s29, s16, $0xb8;
	[tilespmem:$0x9800] =	vst v63  }
0x160: {  	_ =	swait.ge [sflag:s23], $0x1900  }
0x161: {  	[sflag:s23] =	ssyncset.done $0x0  }
0x162: {  	[sflag:s23] =	ssyncadd.s32 $0xFFFFE700  }
0x163: {  	_ =	swait.ge [sflag:s24], $0x1900  }
0x164: {  	[sflag:s24] =	ssyncset.done $0x0  }
0x165: {  	[sflag:s24] =	ssyncadd.s32 $0xFFFFE700  }
0x166: {  	[tilespmem:s16], [sflag:$0x2] =	stream.linear.gather [hbm4b:s10+s29], $0x1900, $0x38;
	[tilespmem:$0x9800] =	vst v63  }
0x167: {  	s29 =	simm.s32 $0x0  }
0x168: {  	v0 =	vld [tilespmem:s29+$0x4B00]  }
0x169: {  	v1 =	vld [tilespmem:s29+$0x7D00]  }
0x16a: {  	v2 =	vld [tilespmem:s29+$0x4B80]  }
0x16b: {  	v3 =	vld [tilespmem:s29+$0x7D80]  }
0x16c: {  	v4 =	vld [tilespmem:s29+$0x4C00]  }
0x16d: {  	v5 =	vld [tilespmem:s29+$0x7E00];
	v0 =	vmax.f32 v0, $0.0e+00  }
0x16e: {  	v6 =	vld [tilespmem:s29+$0x4C80];
	v0 =	vmul.f32 v0, v1  }
0x16f: {  	v2 =	vmax.f32 v2, $0.0e+00;
	v1 =	vld [tilespmem:s29+$0x7E80]  }
0x170: {  	v7 =	vld [tilespmem:s29+$0x4D00];
	v2 =	vmul.f32 v2, v3;
	v0 =	vadd.f32 $0.0e+00, v0  }
0x171: {  	v4 =	vmax.f32 v4, $0.0e+00;
	v3 =	vld [tilespmem:s29+$0x7F00]  }
0x172: {  	v8 =	vld [tilespmem:s29+$0x4D80];
	v0 =	vadd.f32 v2, v0;
	v2 =	vmul.f32 v4, v5  }
0x173: {  	v4 =	vld [tilespmem:s29+$0x7F80];
	v5 =	vmax.f32 v6, $0.0e+00  }
0x174: {  	v6 =	vld [tilespmem:s29+$0x4E00];
	v1 =	vmul.f32 v5, v1;
	v0 =	vadd.f32 v2, v0  }
0x175: {  	v5 =	vmax.f32 v7, $0.0e+00;
	v2 =	vld [tilespmem:s29+$0x8000]  }
0x176: {  	v7 =	vld [tilespmem:s29+$0x4E80];
	v0 =	vadd.f32 v1, v0;
	v1 =	vmul.f32 v5, v3  }
0x177: {  	v3 =	vld [tilespmem:s29+$0x8080];
	v5 =	vmax.f32 v8, $0.0e+00  }
0x178: {  	v8 =	vld [tilespmem:s29+$0x4F00];
	v0 =	vadd.f32 v1, v0;
	v1 =	vmul.f32 v5, v4  }
0x179: {  	v4 =	vld [tilespmem:s29+$0x8100];
	v5 =	vmax.f32 v6, $0.0e+00  }
0x17a: {  	v6 =	vld [tilespmem:s29+$0x4F80];
	v0 =	vadd.f32 v1, v0;
	v1 =	vmul.f32 v5, v2  }
0x17b: {  	v2 =	vld [tilespmem:s29+$0x8180];
	v5 =	vmax.f32 v7, $0.0e+00  }
0x17c: {  	v7 =	vld [tilespmem:s29+$0x5000];
	v0 =	vadd.f32 v1, v0;
	v1 =	vmul.f32 v5, v3  }
0x17d: {  	v3 =	vld [tilespmem:s29+$0x8200];
	v5 =	vmax.f32 v8, $0.0e+00  }
0x17e: {  	v8 =	vld [tilespmem:s29+$0x5080];
	v0 =	vadd.f32 v1, v0;
	v1 =	vmul.f32 v5, v4  }
0x17f: {  	v4 =	vld [tilespmem:s29+$0x8280];
	v5 =	vmax.f32 v6, $0.0e+00  }
0x180: {  	v6 =	vld [tilespmem:s29+$0x5100];
	v0 =	vadd.f32 v1, v0;
	v1 =	vmul.f32 v5, v2  }
0x181: {  	v2 =	vld [tilespmem:s29+$0x8300];
	v5 =	vmax.f32 v7, $0.0e+00  }
0x182: {  	v7 =	vld [tilespmem:s29+$0x5180];
	v0 =	vadd.f32 v1, v0;
	v1 =	vmul.f32 v5, v3  }
0x183: {  	v3 =	vld [tilespmem:s29+$0x8380];
	v5 =	vmax.f32 v8, $0.0e+00  }
0x184: {  	v8 =	vld [tilespmem:s29+$0x5200];
	v0 =	vadd.f32 v1, v0;
	v1 =	vmul.f32 v5, v4  }
0x185: {  	v4 =	vld [tilespmem:s29+$0x8400];
	v5 =	vmax.f32 v6, $0.0e+00  }
0x186: {  	v6 =	vld [tilespmem:s29+$0x5280];
	v0 =	vadd.f32 v1, v0;
	v1 =	vmul.f32 v5, v2  }
0x187: {  	v2 =	vld [tilespmem:s29+$0x8480];
	v5 =	vmax.f32 v7, $0.0e+00  }
0x188: {  	v7 =	vld [tilespmem:s29+$0x5300];
	v0 =	vadd.f32 v1, v0;
	v1 =	vmul.f32 v5, v3  }
0x189: {  	v3 =	vld [tilespmem:s29+$0x8500];
	v5 =	vmax.f32 v8, $0.0e+00  }
0x18a: {  	v8 =	vld [tilespmem:s29+$0x5380];
	v0 =	vadd.f32 v1, v0;
	v1 =	vmul.f32 v5, v4  }
0x18b: {  	v4 =	vld [tilespmem:s29+$0x8580];
	v5 =	vmax.f32 v6, $0.0e+00  }
0x18c: {  	v6 =	vld [tilespmem:s29+$0x5400];
	v0 =	vadd.f32 v1, v0;
	v1 =	vmul.f32 v5, v2  }
0x18d: {  	v2 =	vld [tilespmem:s29+$0x8600];
	v5 =	vmax.f32 v7, $0.0e+00  }
0x18e: {  	v7 =	vld [tilespmem:s29+$0x5480];
	v0 =	vadd.f32 v1, v0;
	v1 =	vmul.f32 v5, v3  }
0x18f: {  	v3 =	vld [tilespmem:s29+$0x8680];
	v5 =	vmax.f32 v8, $0.0e+00  }
0x190: {  	v8 =	vld [tilespmem:s29+$0x5500];
	v0 =	vadd.f32 v1, v0;
	v1 =	vmul.f32 v5, v4  }
0x191: {  	v4 =	vld [tilespmem:s29+$0x8700];
	v5 =	vmax.f32 v6, $0.0e+00  }
0x192: {  	v6 =	vld [tilespmem:s29+$0x5580];
	v0 =	vadd.f32 v1, v0;
	v1 =	vmul.f32 v5, v2  }
0x193: {  	v2 =	vld [tilespmem:s29+$0x8780];
	v5 =	vmax.f32 v7, $0.0e+00  }
0x194: {  	v7 =	vld [tilespmem:s29+$0x5600];
	v0 =	vadd.f32 v1, v0;
	v1 =	vmul.f32 v5, v3  }
0x195: {  	v3 =	vld [tilespmem:s29+$0x8800];
	v5 =	vmax.f32 v8, $0.0e+00  }
0x196: {  	v8 =	vld [tilespmem:s29+$0x5680];
	v0 =	vadd.f32 v1, v0;
	v1 =	vmul.f32 v5, v4  }
0x197: {  	v4 =	vld [tilespmem:s29+$0x8880];
	v5 =	vmax.f32 v6, $0.0e+00  }
0x198: {  	v6 =	vld [tilespmem:s29+$0x5700];
	v0 =	vadd.f32 v1, v0;
	v1 =	vmul.f32 v5, v2  }
0x199: {  	v2 =	vld [tilespmem:s29+$0x8900];
	v5 =	vmax.f32 v7, $0.0e+00  }
0x19a: {  	v7 =	vld [tilespmem:s29+$0x5780];
	v0 =	vadd.f32 v1, v0;
	v1 =	vmul.f32 v5, v3  }
0x19b: {  	v3 =	vld [tilespmem:s29+$0x8980];
	v5 =	vmax.f32 v8, $0.0e+00  }
0x19c: {  	v8 =	vld [tilespmem:s29+$0x5800];
	v0 =	vadd.f32 v1, v0;
	v1 =	vmul.f32 v5, v4  }
0x19d: {  	v4 =	vld [tilespmem:s29+$0x8A00];
	v5 =	vmax.f32 v6, $0.0e+00  }
0x19e: {  	v6 =	vld [tilespmem:s29+$0x5880];
	v0 =	vadd.f32 v1, v0;
	v1 =	vmul.f32 v5, v2  }
0x19f: {  	v2 =	vld [tilespmem:s29+$0x8A80];
	v5 =	vmax.f32 v7, $0.0e+00  }
0x1a0: {  	v7 =	vld [tilespmem:s29+$0x5900];
	v0 =	vadd.f32 v1, v0;
	v1 =	vmul.f32 v5, v3  }
0x1a1: {  	v3 =	vld [tilespmem:s29+$0x8B00];
	v5 =	vmax.f32 v8, $0.0e+00  }
0x1a2: {  	v8 =	vld [tilespmem:s29+$0x5980];
	v0 =	vadd.f32 v1, v0;
	v1 =	vmul.f32 v5, v4  }
0x1a3: {  	v4 =	vld [tilespmem:s29+$0x8B80];
	v5 =	vmax.f32 v6, $0.0e+00  }
0x1a4: {  	v6 =	vld [tilespmem:s29+$0x5A00];
	v0 =	vadd.f32 v1, v0;
	v1 =	vmul.f32 v5, v2  }
0x1a5: {  	v2 =	vld [tilespmem:s29+$0x8C00];
	v5 =	vmax.f32 v7, $0.0e+00  }
0x1a6: {  	v7 =	vld [tilespmem:s29+$0x5A80];
	v0 =	vadd.f32 v1, v0;
	v1 =	vmul.f32 v5, v3  }
0x1a7: {  	v3 =	vld [tilespmem:s29+$0x8C80];
	v5 =	vmax.f32 v8, $0.0e+00  }
0x1a8: {  	v8 =	vld [tilespmem:s29+$0x5B00];
	v0 =	vadd.f32 v1, v0;
	v1 =	vmul.f32 v5, v4  }
0x1a9: {  	v4 =	vld [tilespmem:s29+$0x8D00];
	v5 =	vmax.f32 v6, $0.0e+00  }
0x1aa: {  	v6 =	vld [tilespmem:s29+$0x5B80];
	v0 =	vadd.f32 v1, v0;
	v1 =	vmul.f32 v5, v2  }
0x1ab: {  	v2 =	vld [tilespmem:s29+$0x8D80];
	v5 =	vmax.f32 v7, $0.0e+00  }
0x1ac: {  	v7 =	vld [tilespmem:s29+$0x5C00];
	v0 =	vadd.f32 v1, v0;
	v1 =	vmul.f32 v5, v3  }
0x1ad: {  	v3 =	vld [tilespmem:s29+$0x8E00];
	v5 =	vmax.f32 v8, $0.0e+00  }
0x1ae: {  	v8 =	vld [tilespmem:s29+$0x5C80];
	v0 =	vadd.f32 v1, v0;
	v1 =	vmul.f32 v5, v4  }
0x1af: {  	v4 =	vld [tilespmem:s29+$0x8E80];
	v5 =	vmax.f32 v6, $0.0e+00  }
0x1b0: {  	v6 =	vld [tilespmem:s29+$0x5D00];
	v0 =	vadd.f32 v1, v0;
	v1 =	vmul.f32 v5, v2  }
0x1b1: {  	v2 =	vld [tilespmem:s29+$0x8F00];
	v5 =	vmax.f32 v7, $0.0e+00  }
0x1b2: {  	v7 =	vld [tilespmem:s29+$0x5D80];
	v0 =	vadd.f32 v1, v0;
	v1 =	vmul.f32 v5, v3  }
0x1b3: {  	v3 =	vld [tilespmem:s29+$0x8F80];
	v5 =	vmax.f32 v8, $0.0e+00  }
0x1b4: {  	v8 =	vld [tilespmem:s29+$0x5E00];
	v0 =	vadd.f32 v1, v0;
	v1 =	vmul.f32 v5, v4  }
0x1b5: {  	v4 =	vld [tilespmem:s29+$0x9000];
	v5 =	vmax.f32 v6, $0.0e+00  }
0x1b6: {  	v6 =	vld [tilespmem:s29+$0x5E80];
	v0 =	vadd.f32 v1, v0;
	v1 =	vmul.f32 v5, v2  }
0x1b7: {  	v2 =	vld [tilespmem:s29+$0x9080];
	v5 =	vmax.f32 v7, $0.0e+00  }
0x1b8: {  	v7 =	vld [tilespmem:s29+$0x5F00];
	v0 =	vadd.f32 v1, v0;
	v1 =	vmul.f32 v5, v3  }
0x1b9: {  	v3 =	vld [tilespmem:s29+$0x9100];
	v5 =	vmax.f32 v8, $0.0e+00  }
0x1ba: {  	v8 =	vld [tilespmem:s29+$0x5F80];
	v0 =	vadd.f32 v1, v0;
	v1 =	vmul.f32 v5, v4  }
0x1bb: {  	v4 =	vld [tilespmem:s29+$0x9180];
	v5 =	vmax.f32 v6, $0.0e+00  }
0x1bc: {  	v6 =	vld [tilespmem:s29+$0x6000];
	v0 =	vadd.f32 v1, v0;
	v1 =	vmul.f32 v5, v2  }
0x1bd: {  	v2 =	vld [tilespmem:s29+$0x9200];
	v5 =	vmax.f32 v7, $0.0e+00  }
0x1be: {  	v7 =	vld [tilespmem:s29+$0x6080];
	v0 =	vadd.f32 v1, v0;
	v1 =	vmul.f32 v5, v3  }
0x1bf: {  	v3 =	vld [tilespmem:s29+$0x9280];
	v5 =	vmax.f32 v8, $0.0e+00  }
0x1c0: {  	v8 =	vld [tilespmem:s29+$0x6100];
	v0 =	vadd.f32 v1, v0;
	v1 =	vmul.f32 v5, v4  }
0x1c1: {  	v4 =	vld [tilespmem:s29+$0x9300];
	v5 =	vmax.f32 v6, $0.0e+00  }
0x1c2: {  	v6 =	vld [tilespmem:s29+$0x6180];
	v0 =	vadd.f32 v1, v0;
	v1 =	vmul.f32 v5, v2  }
0x1c3: {  	v5 =	vld [tilespmem:s29+$0x9380];
	v2 =	vmax.f32 v7, $0.0e+00  }
0x1c4: {  	v7 =	vld [tilespmem:s29+$0x6200];
	v0 =	vadd.f32 v1, v0;
	v1 =	vmul.f32 v2, v3  }
0x1c5: {  	v9 =	vld [tilespmem:s29+$0x9400];
	v2 =	vmax.f32 v8, $0.0e+00  }
0x1c6: {  	v8 =	vld [tilespmem:s29+$0x6280];
	v3 =	vmul.f32 v2, v4;
	v1 =	vadd.f32 v1, v0  }
0x1c7: {  	v4 =	vmax.f32 v6, $0.0e+00;
	v0 =	vld [tilespmem:s29+$0x9480]  }
0x1c8: {  	v2 =	vld [tilespmem:s29+$0x6300];
	v4 =	vmul.f32 v4, v5;
	v6 =	vadd.f32 v3, v1  }
0x1c9: {  	v7 =	vmax.f32 v7, $0.0e+00;
	v1 =	vld [tilespmem:s29+$0x9500]  }
0x1ca: {  	v3 =	vld [tilespmem:s29+$0x6380];
	v5 =	vadd.f32 v4, v6;
	v6 =	vmul.f32 v7, v9  }
0x1cb: {  	s30 =	simm.s32 $0x80;
	s31 =	simm.s32 $0x10;
	v7 =	vmax.f32 v8, $0.0e+00;
	v4 =	vld [tilespmem:s29+$0x9580]  }
.LBB2_4:
0x1cc: {  	p0 =	sne.s32 s30, $0x1C0;
	v8 =	vld [tilespmem:s31+$0x4B00];
	v5 =	vadd.f32 v6, v5;
	v0 =	vmul.f32 v7, v0  }
0x1cd: {  	v6 =	vld [tilespmem:s31+$0x7D00];
	v2 =	vmax.f32 v2, $0.0e+00  }
0x1ce: {  	v7 =	vld [tilespmem:s31+$0x4B80];
	v0 =	vadd.f32 v0, v5;
	v1 =	vmul.f32 v2, v1  }
0x1cf: {  	v2 =	vld [tilespmem:s31+$0x7D80];
	v3 =	vmax.f32 v3, $0.0e+00  }
0x1d0: {  	v5 =	vld [tilespmem:s31+$0x4C00];
	v0 =	vadd.f32 v1, v0;
	v1 =	vmul.f32 v3, v4  }
0x1d1: {  	v3 =	vmax.f32 v8, $0.0e+00;
	v4 =	vld [tilespmem:s31+$0x7E00]  }
0x1d2: {  	v3 =	vmul.f32 v3, v6;
	v6 =	vld [tilespmem:s31+$0x4C80];
	v0 =	vadd.f32 v1, v0  }
0x1d3: {  	v1 =	vmax.f32 v7, $0.0e+00;
	v7 =	vld [tilespmem:s31+$0x7E80]  }
0x1d4: {  	v3 =	vadd.f32 $0.0e+00, v3;
	v1 =	vmul.f32 v1, v2;
	v2 =	vld [tilespmem:s31+$0x4D00];
	[tilespmem:s29+$0x9680] =	vst v0;
	s29 =	smov.u32 s31  }
0x1d5: {  	v0 =	vmax.f32 v5, $0.0e+00;
	v5 =	vld [tilespmem:s29+$0x7F00]  }
0x1d6: {  	v1 =	vadd.f32 v1, v3;
	v0 =	vmul.f32 v0, v4;
	v3 =	vld [tilespmem:s29+$0x4D80]  }
0x1d7: {  	v4 =	vmax.f32 v6, $0.0e+00;
	v6 =	vld [tilespmem:s29+$0x7F80]  }
0x1d8: {  	v0 =	vadd.f32 v0, v1;
	v1 =	vmul.f32 v4, v7;
	v4 =	vld [tilespmem:s29+$0x4E00]  }
0x1d9: {  	v2 =	vmax.f32 v2, $0.0e+00;
	v7 =	vld [tilespmem:s29+$0x8000]  }
0x1da: {  	v0 =	vadd.f32 v1, v0;
	v1 =	vmul.f32 v2, v5;
	v2 =	vld [tilespmem:s29+$0x4E80]  }
0x1db: {  	v3 =	vmax.f32 v3, $0.0e+00;
	v5 =	vld [tilespmem:s29+$0x8080]  }
0x1dc: {  	v0 =	vadd.f32 v1, v0;
	v1 =	vmul.f32 v3, v6;
	v3 =	vld [tilespmem:s29+$0x4F00]  }
0x1dd: {  	v4 =	vmax.f32 v4, $0.0e+00;
	v6 =	vld [tilespmem:s29+$0x8100]  }
0x1de: {  	v0 =	vadd.f32 v1, v0;
	v1 =	vmul.f32 v4, v7;
	v4 =	vld [tilespmem:s29+$0x4F80]  }
0x1df: {  	v2 =	vmax.f32 v2, $0.0e+00;
	v7 =	vld [tilespmem:s29+$0x8180]  }
0x1e0: {  	v0 =	vadd.f32 v1, v0;
	v1 =	vmul.f32 v2, v5;
	v2 =	vld [tilespmem:s29+$0x5000]  }
0x1e1: {  	v3 =	vmax.f32 v3, $0.0e+00;
	v5 =	vld [tilespmem:s29+$0x8200]  }
0x1e2: {  	v0 =	vadd.f32 v1, v0;
	v1 =	vmul.f32 v3, v6;
	v3 =	vld [tilespmem:s29+$0x5080]  }
0x1e3: {  	v4 =	vmax.f32 v4, $0.0e+00;
	v6 =	vld [tilespmem:s29+$0x8280]  }
0x1e4: {  	v0 =	vadd.f32 v1, v0;
	v1 =	vmul.f32 v4, v7;
	v4 =	vld [tilespmem:s29+$0x5100]  }
0x1e5: {  	v2 =	vmax.f32 v2, $0.0e+00;
	v7 =	vld [tilespmem:s29+$0x8300]  }
0x1e6: {  	v0 =	vadd.f32 v1, v0;
	v1 =	vmul.f32 v2, v5;
	v2 =	vld [tilespmem:s29+$0x5180]  }
0x1e7: {  	v3 =	vmax.f32 v3, $0.0e+00;
	v5 =	vld [tilespmem:s29+$0x8380]  }
0x1e8: {  	v0 =	vadd.f32 v1, v0;
	v1 =	vmul.f32 v3, v6;
	v3 =	vld [tilespmem:s29+$0x5200]  }
0x1e9: {  	v4 =	vmax.f32 v4, $0.0e+00;
	v6 =	vld [tilespmem:s29+$0x8400]  }
0x1ea: {  	v0 =	vadd.f32 v1, v0;
	v1 =	vmul.f32 v4, v7;
	v4 =	vld [tilespmem:s29+$0x5280]  }
0x1eb: {  	v2 =	vmax.f32 v2, $0.0e+00;
	v7 =	vld [tilespmem:s29+$0x8480]  }
0x1ec: {  	v0 =	vadd.f32 v1, v0;
	v1 =	vmul.f32 v2, v5;
	v2 =	vld [tilespmem:s29+$0x5300]  }
0x1ed: {  	v3 =	vmax.f32 v3, $0.0e+00;
	v5 =	vld [tilespmem:s29+$0x8500]  }
0x1ee: {  	v0 =	vadd.f32 v1, v0;
	v1 =	vmul.f32 v3, v6;
	v3 =	vld [tilespmem:s29+$0x5380]  }
0x1ef: {  	v4 =	vmax.f32 v4, $0.0e+00;
	v6 =	vld [tilespmem:s29+$0x8580]  }
0x1f0: {  	v0 =	vadd.f32 v1, v0;
	v1 =	vmul.f32 v4, v7;
	v4 =	vld [tilespmem:s29+$0x5400]  }
0x1f1: {  	v2 =	vmax.f32 v2, $0.0e+00;
	v7 =	vld [tilespmem:s29+$0x8600]  }
0x1f2: {  	v0 =	vadd.f32 v1, v0;
	v1 =	vmul.f32 v2, v5;
	v2 =	vld [tilespmem:s29+$0x5480]  }
0x1f3: {  	v3 =	vmax.f32 v3, $0.0e+00;
	v5 =	vld [tilespmem:s29+$0x8680]  }
0x1f4: {  	v0 =	vadd.f32 v1, v0;
	v1 =	vmul.f32 v3, v6;
	v3 =	vld [tilespmem:s29+$0x5500]  }
0x1f5: {  	v4 =	vmax.f32 v4, $0.0e+00;
	v6 =	vld [tilespmem:s29+$0x8700]  }
0x1f6: {  	v0 =	vadd.f32 v1, v0;
	v1 =	vmul.f32 v4, v7;
	v4 =	vld [tilespmem:s29+$0x5580]  }
0x1f7: {  	v2 =	vmax.f32 v2, $0.0e+00;
	v7 =	vld [tilespmem:s29+$0x8780]  }
0x1f8: {  	v0 =	vadd.f32 v1, v0;
	v1 =	vmul.f32 v2, v5;
	v2 =	vld [tilespmem:s29+$0x5600]  }
0x1f9: {  	v3 =	vmax.f32 v3, $0.0e+00;
	v5 =	vld [tilespmem:s29+$0x8800]  }
0x1fa: {  	v0 =	vadd.f32 v1, v0;
	v1 =	vmul.f32 v3, v6;
	v3 =	vld [tilespmem:s29+$0x5680]  }
0x1fb: {  	v4 =	vmax.f32 v4, $0.0e+00;
	v6 =	vld [tilespmem:s29+$0x8880]  }
0x1fc: {  	v0 =	vadd.f32 v1, v0;
	v1 =	vmul.f32 v4, v7;
	v4 =	vld [tilespmem:s29+$0x5700]  }
0x1fd: {  	v2 =	vmax.f32 v2, $0.0e+00;
	v7 =	vld [tilespmem:s29+$0x8900]  }
0x1fe: {  	v0 =	vadd.f32 v1, v0;
	v1 =	vmul.f32 v2, v5;
	v2 =	vld [tilespmem:s29+$0x5780]  }
0x1ff: {  	v3 =	vmax.f32 v3, $0.0e+00;
	v5 =	vld [tilespmem:s29+$0x8980]  }
0x200: {  	v0 =	vadd.f32 v1, v0;
	v1 =	vmul.f32 v3, v6;
	v3 =	vld [tilespmem:s29+$0x5800]  }
0x201: {  	v4 =	vmax.f32 v4, $0.0e+00;
	v6 =	vld [tilespmem:s29+$0x8A00]  }
0x202: {  	v0 =	vadd.f32 v1, v0;
	v1 =	vmul.f32 v4, v7;
	v4 =	vld [tilespmem:s29+$0x5880]  }
0x203: {  	v2 =	vmax.f32 v2, $0.0e+00;
	v7 =	vld [tilespmem:s29+$0x8A80]  }
0x204: {  	v0 =	vadd.f32 v1, v0;
	v1 =	vmul.f32 v2, v5;
	v2 =	vld [tilespmem:s29+$0x5900]  }
0x205: {  	v3 =	vmax.f32 v3, $0.0e+00;
	v5 =	vld [tilespmem:s29+$0x8B00]  }
0x206: {  	v0 =	vadd.f32 v1, v0;
	v1 =	vmul.f32 v3, v6;
	v3 =	vld [tilespmem:s29+$0x5980]  }
0x207: {  	v4 =	vmax.f32 v4, $0.0e+00;
	v6 =	vld [tilespmem:s29+$0x8B80]  }
0x208: {  	v0 =	vadd.f32 v1, v0;
	v1 =	vmul.f32 v4, v7;
	v4 =	vld [tilespmem:s29+$0x5A00]  }
0x209: {  	v2 =	vmax.f32 v2, $0.0e+00;
	v7 =	vld [tilespmem:s29+$0x8C00]  }
0x20a: {  	v0 =	vadd.f32 v1, v0;
	v1 =	vmul.f32 v2, v5;
	v2 =	vld [tilespmem:s29+$0x5A80]  }
0x20b: {  	v3 =	vmax.f32 v3, $0.0e+00;
	v5 =	vld [tilespmem:s29+$0x8C80]  }
0x20c: {  	v0 =	vadd.f32 v1, v0;
	v1 =	vmul.f32 v3, v6;
	v3 =	vld [tilespmem:s29+$0x5B00]  }
0x20d: {  	v4 =	vmax.f32 v4, $0.0e+00;
	v6 =	vld [tilespmem:s29+$0x8D00]  }
0x20e: {  	v0 =	vadd.f32 v1, v0;
	v1 =	vmul.f32 v4, v7;
	v4 =	vld [tilespmem:s29+$0x5B80]  }
0x20f: {  	v2 =	vmax.f32 v2, $0.0e+00;
	v7 =	vld [tilespmem:s29+$0x8D80]  }
0x210: {  	v0 =	vadd.f32 v1, v0;
	v1 =	vmul.f32 v2, v5;
	v2 =	vld [tilespmem:s29+$0x5C00]  }
0x211: {  	v3 =	vmax.f32 v3, $0.0e+00;
	v5 =	vld [tilespmem:s29+$0x8E00]  }
0x212: {  	v0 =	vadd.f32 v1, v0;
	v1 =	vmul.f32 v3, v6;
	v3 =	vld [tilespmem:s29+$0x5C80]  }
0x213: {  	v4 =	vmax.f32 v4, $0.0e+00;
	v6 =	vld [tilespmem:s29+$0x8E80]  }
0x214: {  	v0 =	vadd.f32 v1, v0;
	v1 =	vmul.f32 v4, v7;
	v4 =	vld [tilespmem:s29+$0x5D00]  }
0x215: {  	v2 =	vmax.f32 v2, $0.0e+00;
	v7 =	vld [tilespmem:s29+$0x8F00]  }
0x216: {  	v0 =	vadd.f32 v1, v0;
	v1 =	vmul.f32 v2, v5;
	v2 =	vld [tilespmem:s29+$0x5D80]  }
0x217: {  	v3 =	vmax.f32 v3, $0.0e+00;
	v5 =	vld [tilespmem:s29+$0x8F80]  }
0x218: {  	v0 =	vadd.f32 v1, v0;
	v1 =	vmul.f32 v3, v6;
	v3 =	vld [tilespmem:s29+$0x5E00]  }
0x219: {  	v4 =	vmax.f32 v4, $0.0e+00;
	v6 =	vld [tilespmem:s29+$0x9000]  }
0x21a: {  	v0 =	vadd.f32 v1, v0;
	v1 =	vmul.f32 v4, v7;
	v4 =	vld [tilespmem:s29+$0x5E80]  }
0x21b: {  	v2 =	vmax.f32 v2, $0.0e+00;
	v7 =	vld [tilespmem:s29+$0x9080]  }
0x21c: {  	v0 =	vadd.f32 v1, v0;
	v1 =	vmul.f32 v2, v5;
	v2 =	vld [tilespmem:s29+$0x5F00]  }
0x21d: {  	v3 =	vmax.f32 v3, $0.0e+00;
	v5 =	vld [tilespmem:s29+$0x9100]  }
0x21e: {  	v0 =	vadd.f32 v1, v0;
	v1 =	vmul.f32 v3, v6;
	v3 =	vld [tilespmem:s29+$0x5F80]  }
0x21f: {  	v4 =	vmax.f32 v4, $0.0e+00;
	v6 =	vld [tilespmem:s29+$0x9180]  }
0x220: {  	v0 =	vadd.f32 v1, v0;
	v1 =	vmul.f32 v4, v7;
	v4 =	vld [tilespmem:s29+$0x6000]  }
0x221: {  	v2 =	vmax.f32 v2, $0.0e+00;
	v7 =	vld [tilespmem:s29+$0x9200]  }
0x222: {  	v0 =	vadd.f32 v1, v0;
	v1 =	vmul.f32 v2, v5;
	v2 =	vld [tilespmem:s29+$0x6080]  }
0x223: {  	v3 =	vmax.f32 v3, $0.0e+00;
	v5 =	vld [tilespmem:s29+$0x9280]  }
0x224: {  	v0 =	vadd.f32 v1, v0;
	v1 =	vmul.f32 v3, v6;
	v3 =	vld [tilespmem:s29+$0x6100]  }
0x225: {  	v4 =	vmax.f32 v4, $0.0e+00;
	v6 =	vld [tilespmem:s29+$0x9300]  }
0x226: {  	v0 =	vadd.f32 v1, v0;
	v1 =	vmul.f32 v4, v7;
	v4 =	vld [tilespmem:s29+$0x6180]  }
0x227: {  	v2 =	vmax.f32 v2, $0.0e+00;
	v7 =	vld [tilespmem:s29+$0x9380]  }
0x228: {  	v0 =	vadd.f32 v1, v0;
	v1 =	vmul.f32 v2, v5;
	v5 =	vld [tilespmem:s29+$0x6200]  }
0x229: {  	v2 =	vmax.f32 v3, $0.0e+00;
	v3 =	vld [tilespmem:s29+$0x9400]  }
0x22a: {  	v1 =	vadd.f32 v1, v0;
	v2 =	vmul.f32 v2, v6;
	v8 =	vld [tilespmem:s29+$0x6280]  }
.Ltmp1:
0x22b: {  	v4 =	vmax.f32 v4, $0.0e+00;
	v0 =	vld [tilespmem:s29+$0x9480];
	(pc) =	sbr.rel @p0 .LBB2_4-.Ltmp1, $4  }
0x22c: {  	v6 =	vadd.f32 v2, v1;
	v4 =	vmul.f32 v4, v7;
	v2 =	vld [tilespmem:s29+$0x6300]  }
0x22d: {  	v7 =	vmax.f32 v5, $0.0e+00;
	v1 =	vld [tilespmem:s29+$0x9500]  }
0x22e: {  	v5 =	vadd.f32 v4, v6;
	v6 =	vmul.f32 v7, v3;
	v3 =	vld [tilespmem:s29+$0x6380]  }
0x22f: {  	s31 =	sshra.s32 s30, $0x2;
	s30 =	sadd.s32 $0x40, s30;
	v7 =	vmax.f32 v8, $0.0e+00;
	v4 =	vld [tilespmem:s29+$0x9580]  }
0x230: {  	v8 =	vld [tilespmem:s31+$0x4B00];
	v5 =	vadd.f32 v6, v5;
	v0 =	vmul.f32 v7, v0  }
0x231: {  	v6 =	vld [tilespmem:s31+$0x7D00];
	v2 =	vmax.f32 v2, $0.0e+00  }
0x232: {  	v7 =	vld [tilespmem:s31+$0x4B80];
	v0 =	vadd.f32 v0, v5;
	v1 =	vmul.f32 v2, v1  }
0x233: {  	v2 =	vld [tilespmem:s31+$0x7D80];
	v3 =	vmax.f32 v3, $0.0e+00  }
0x234: {  	v5 =	vld [tilespmem:s31+$0x4C00];
	v0 =	vadd.f32 v1, v0;
	v1 =	vmul.f32 v3, v4  }
0x235: {  	v3 =	vld [tilespmem:s31+$0x7E00];
	v4 =	vmax.f32 v8, $0.0e+00  }
0x236: {  	v8 =	vld [tilespmem:s31+$0x4C80];
	v4 =	vmul.f32 v4, v6;
	v0 =	vadd.f32 v1, v0  }
0x237: {  	v1 =	vld [tilespmem:s31+$0x7E80];
	v6 =	vmax.f32 v7, $0.0e+00  }
0x238: {  	v7 =	vld [tilespmem:s31+$0x4D00];
	v2 =	vmul.f32 v6, v2;
	v4 =	vadd.f32 $0.0e+00, v4;
	[tilespmem:s29+$0x9680] =	vst v0  }
0x239: {  	v0 =	vmax.f32 v5, $0.0e+00;
	v5 =	vld [tilespmem:s31+$0x7F00]  }
0x23a: {  	v0 =	vmul.f32 v0, v3;
	v3 =	vld [tilespmem:s31+$0x4D80];
	v2 =	vadd.f32 v2, v4  }
0x23b: {  	v6 =	vld [tilespmem:s31+$0x7F80];
	v4 =	vmax.f32 v8, $0.0e+00  }
0x23c: {  	v1 =	vmul.f32 v4, v1;
	v0 =	vadd.f32 v0, v2;
	v2 =	vld [tilespmem:s31+$0x4E00]  }
0x23d: {  	v4 =	vmax.f32 v7, $0.0e+00;
	v7 =	vld [tilespmem:s31+$0x8000]  }
0x23e: {  	v0 =	vadd.f32 v1, v0;
	v1 =	vmul.f32 v4, v5;
	v4 =	vld [tilespmem:s31+$0x4E80]  }
0x23f: {  	v3 =	vmax.f32 v3, $0.0e+00;
	v5 =	vld [tilespmem:s31+$0x8080]  }
0x240: {  	v0 =	vadd.f32 v1, v0;
	v1 =	vmul.f32 v3, v6;
	v3 =	vld [tilespmem:s31+$0x4F00]  }
0x241: {  	v6 =	vld [tilespmem:s31+$0x8100];
	v2 =	vmax.f32 v2, $0.0e+00  }
0x242: {  	v0 =	vadd.f32 v1, v0;
	v1 =	vmul.f32 v2, v7;
	v2 =	vld [tilespmem:s31+$0x4F80]  }
0x243: {  	v7 =	vld [tilespmem:s31+$0x8180];
	v4 =	vmax.f32 v4, $0.0e+00  }
0x244: {  	v0 =	vadd.f32 v1, v0;
	v1 =	vmul.f32 v4, v5;
	v4 =	vld [tilespmem:s31+$0x5000]  }
0x245: {  	v5 =	vld [tilespmem:s31+$0x8200];
	v3 =	vmax.f32 v3, $0.0e+00  }
0x246: {  	v0 =	vadd.f32 v1, v0;
	v1 =	vmul.f32 v3, v6;
	v3 =	vld [tilespmem:s31+$0x5080]  }
0x247: {  	v6 =	vld [tilespmem:s31+$0x8280];
	v2 =	vmax.f32 v2, $0.0e+00  }
0x248: {  	v0 =	vadd.f32 v1, v0;
	v1 =	vmul.f32 v2, v7;
	v2 =	vld [tilespmem:s31+$0x5100]  }
0x249: {  	v7 =	vld [tilespmem:s31+$0x8300];
	v4 =	vmax.f32 v4, $0.0e+00  }
0x24a: {  	v0 =	vadd.f32 v1, v0;
	v1 =	vmul.f32 v4, v5;
	v4 =	vld [tilespmem:s31+$0x5180]  }
0x24b: {  	v5 =	vld [tilespmem:s31+$0x8380];
	v3 =	vmax.f32 v3, $0.0e+00  }
0x24c: {  	v0 =	vadd.f32 v1, v0;
	v1 =	vmul.f32 v3, v6;
	v3 =	vld [tilespmem:s31+$0x5200]  }
0x24d: {  	v6 =	vld [tilespmem:s31+$0x8400];
	v2 =	vmax.f32 v2, $0.0e+00  }
0x24e: {  	v0 =	vadd.f32 v1, v0;
	v1 =	vmul.f32 v2, v7;
	v2 =	vld [tilespmem:s31+$0x5280]  }
0x24f: {  	v7 =	vld [tilespmem:s31+$0x8480];
	v4 =	vmax.f32 v4, $0.0e+00  }
0x250: {  	v0 =	vadd.f32 v1, v0;
	v1 =	vmul.f32 v4, v5;
	v4 =	vld [tilespmem:s31+$0x5300]  }
0x251: {  	v5 =	vld [tilespmem:s31+$0x8500];
	v3 =	vmax.f32 v3, $0.0e+00  }
0x252: {  	v0 =	vadd.f32 v1, v0;
	v1 =	vmul.f32 v3, v6;
	v3 =	vld [tilespmem:s31+$0x5380]  }
0x253: {  	v6 =	vld [tilespmem:s31+$0x8580];
	v2 =	vmax.f32 v2, $0.0e+00  }
0x254: {  	v0 =	vadd.f32 v1, v0;
	v1 =	vmul.f32 v2, v7;
	v2 =	vld [tilespmem:s31+$0x5400]  }
0x255: {  	v7 =	vld [tilespmem:s31+$0x8600];
	v4 =	vmax.f32 v4, $0.0e+00  }
0x256: {  	v0 =	vadd.f32 v1, v0;
	v1 =	vmul.f32 v4, v5;
	v4 =	vld [tilespmem:s31+$0x5480]  }
0x257: {  	v5 =	vld [tilespmem:s31+$0x8680];
	v3 =	vmax.f32 v3, $0.0e+00  }
0x258: {  	v0 =	vadd.f32 v1, v0;
	v1 =	vmul.f32 v3, v6;
	v3 =	vld [tilespmem:s31+$0x5500]  }
0x259: {  	v6 =	vld [tilespmem:s31+$0x8700];
	v2 =	vmax.f32 v2, $0.0e+00  }
0x25a: {  	v0 =	vadd.f32 v1, v0;
	v1 =	vmul.f32 v2, v7;
	v2 =	vld [tilespmem:s31+$0x5580]  }
0x25b: {  	v7 =	vld [tilespmem:s31+$0x8780];
	v4 =	vmax.f32 v4, $0.0e+00  }
0x25c: {  	v0 =	vadd.f32 v1, v0;
	v1 =	vmul.f32 v4, v5;
	v4 =	vld [tilespmem:s31+$0x5600]  }
0x25d: {  	v5 =	vld [tilespmem:s31+$0x8800];
	v3 =	vmax.f32 v3, $0.0e+00  }
0x25e: {  	v0 =	vadd.f32 v1, v0;
	v1 =	vmul.f32 v3, v6;
	v3 =	vld [tilespmem:s31+$0x5680]  }
0x25f: {  	v6 =	vld [tilespmem:s31+$0x8880];
	v2 =	vmax.f32 v2, $0.0e+00  }
0x260: {  	v0 =	vadd.f32 v1, v0;
	v1 =	vmul.f32 v2, v7;
	v2 =	vld [tilespmem:s31+$0x5700]  }
0x261: {  	v7 =	vld [tilespmem:s31+$0x8900];
	v4 =	vmax.f32 v4, $0.0e+00  }
0x262: {  	v0 =	vadd.f32 v1, v0;
	v1 =	vmul.f32 v4, v5;
	v4 =	vld [tilespmem:s31+$0x5780]  }
0x263: {  	v5 =	vld [tilespmem:s31+$0x8980];
	v3 =	vmax.f32 v3, $0.0e+00  }
0x264: {  	v0 =	vadd.f32 v1, v0;
	v1 =	vmul.f32 v3, v6;
	v3 =	vld [tilespmem:s31+$0x5800]  }
0x265: {  	v6 =	vld [tilespmem:s31+$0x8A00];
	v2 =	vmax.f32 v2, $0.0e+00  }
0x266: {  	v0 =	vadd.f32 v1, v0;
	v1 =	vmul.f32 v2, v7;
	v2 =	vld [tilespmem:s31+$0x5880]  }
0x267: {  	v7 =	vld [tilespmem:s31+$0x8A80];
	v4 =	vmax.f32 v4, $0.0e+00  }
0x268: {  	v0 =	vadd.f32 v1, v0;
	v1 =	vmul.f32 v4, v5;
	v4 =	vld [tilespmem:s31+$0x5900]  }
0x269: {  	v5 =	vld [tilespmem:s31+$0x8B00];
	v3 =	vmax.f32 v3, $0.0e+00  }
0x26a: {  	v0 =	vadd.f32 v1, v0;
	v1 =	vmul.f32 v3, v6;
	v3 =	vld [tilespmem:s31+$0x5980]  }
0x26b: {  	v6 =	vld [tilespmem:s31+$0x8B80];
	v2 =	vmax.f32 v2, $0.0e+00  }
0x26c: {  	v0 =	vadd.f32 v1, v0;
	v1 =	vmul.f32 v2, v7;
	v2 =	vld [tilespmem:s31+$0x5A00]  }
0x26d: {  	v7 =	vld [tilespmem:s31+$0x8C00];
	v4 =	vmax.f32 v4, $0.0e+00  }
0x26e: {  	v0 =	vadd.f32 v1, v0;
	v1 =	vmul.f32 v4, v5;
	v4 =	vld [tilespmem:s31+$0x5A80]  }
0x26f: {  	v5 =	vld [tilespmem:s31+$0x8C80];
	v3 =	vmax.f32 v3, $0.0e+00  }
0x270: {  	v0 =	vadd.f32 v1, v0;
	v1 =	vmul.f32 v3, v6;
	v3 =	vld [tilespmem:s31+$0x5B00]  }
0x271: {  	v6 =	vld [tilespmem:s31+$0x8D00];
	v2 =	vmax.f32 v2, $0.0e+00  }
0x272: {  	v0 =	vadd.f32 v1, v0;
	v1 =	vmul.f32 v2, v7;
	v2 =	vld [tilespmem:s31+$0x5B80]  }
0x273: {  	v7 =	vld [tilespmem:s31+$0x8D80];
	v4 =	vmax.f32 v4, $0.0e+00  }
0x274: {  	v0 =	vadd.f32 v1, v0;
	v1 =	vmul.f32 v4, v5;
	v4 =	vld [tilespmem:s31+$0x5C00]  }
0x275: {  	v5 =	vld [tilespmem:s31+$0x8E00];
	v3 =	vmax.f32 v3, $0.0e+00  }
0x276: {  	v0 =	vadd.f32 v1, v0;
	v1 =	vmul.f32 v3, v6;
	v3 =	vld [tilespmem:s31+$0x5C80]  }
0x277: {  	v6 =	vld [tilespmem:s31+$0x8E80];
	v2 =	vmax.f32 v2, $0.0e+00  }
0x278: {  	v0 =	vadd.f32 v1, v0;
	v1 =	vmul.f32 v2, v7;
	v2 =	vld [tilespmem:s31+$0x5D00]  }
0x279: {  	v7 =	vld [tilespmem:s31+$0x8F00];
	v4 =	vmax.f32 v4, $0.0e+00  }
0x27a: {  	v0 =	vadd.f32 v1, v0;
	v1 =	vmul.f32 v4, v5;
	v4 =	vld [tilespmem:s31+$0x5D80]  }
0x27b: {  	v5 =	vld [tilespmem:s31+$0x8F80];
	v3 =	vmax.f32 v3, $0.0e+00  }
0x27c: {  	v0 =	vadd.f32 v1, v0;
	v1 =	vmul.f32 v3, v6;
	v3 =	vld [tilespmem:s31+$0x5E00]  }
0x27d: {  	v6 =	vld [tilespmem:s31+$0x9000];
	v2 =	vmax.f32 v2, $0.0e+00  }
0x27e: {  	v0 =	vadd.f32 v1, v0;
	v1 =	vmul.f32 v2, v7;
	v2 =	vld [tilespmem:s31+$0x5E80]  }
0x27f: {  	v7 =	vld [tilespmem:s31+$0x9080];
	v4 =	vmax.f32 v4, $0.0e+00  }
0x280: {  	v0 =	vadd.f32 v1, v0;
	v1 =	vmul.f32 v4, v5;
	v4 =	vld [tilespmem:s31+$0x5F00]  }
0x281: {  	v5 =	vld [tilespmem:s31+$0x9100];
	v3 =	vmax.f32 v3, $0.0e+00  }
0x282: {  	v0 =	vadd.f32 v1, v0;
	v1 =	vmul.f32 v3, v6;
	v3 =	vld [tilespmem:s31+$0x5F80]  }
0x283: {  	v6 =	vld [tilespmem:s31+$0x9180];
	v2 =	vmax.f32 v2, $0.0e+00  }
0x284: {  	v0 =	vadd.f32 v1, v0;
	v1 =	vmul.f32 v2, v7;
	v2 =	vld [tilespmem:s31+$0x6000]  }
0x285: {  	v7 =	vld [tilespmem:s31+$0x9200];
	v4 =	vmax.f32 v4, $0.0e+00  }
0x286: {  	v0 =	vadd.f32 v1, v0;
	v1 =	vmul.f32 v4, v5;
	v4 =	vld [tilespmem:s31+$0x6080]  }
0x287: {  	v5 =	vld [tilespmem:s31+$0x9280];
	v3 =	vmax.f32 v3, $0.0e+00  }
0x288: {  	v0 =	vadd.f32 v1, v0;
	v1 =	vmul.f32 v3, v6;
	v3 =	vld [tilespmem:s31+$0x6100]  }
0x289: {  	v6 =	vld [tilespmem:s31+$0x9300];
	v2 =	vmax.f32 v2, $0.0e+00  }
0x28a: {  	v0 =	vadd.f32 v1, v0;
	v1 =	vmul.f32 v2, v7;
	v2 =	vld [tilespmem:s31+$0x6180]  }
0x28b: {  	v7 =	vld [tilespmem:s31+$0x9380];
	v4 =	vmax.f32 v4, $0.0e+00  }
0x28c: {  	v0 =	vadd.f32 v1, v0;
	v1 =	vmul.f32 v4, v5;
	v4 =	vld [tilespmem:s31+$0x6200]  }
0x28d: {  	v5 =	vld [tilespmem:s31+$0x9400];
	v3 =	vmax.f32 v3, $0.0e+00  }
0x28e: {  	v0 =	vadd.f32 v1, v0;
	v1 =	vmul.f32 v3, v6;
	v3 =	vld [tilespmem:s31+$0x6280]  }
0x28f: {  	v6 =	vld [tilespmem:s31+$0x9480];
	v2 =	vmax.f32 v2, $0.0e+00  }
0x290: {  	v0 =	vadd.f32 v1, v0;
	v1 =	vmul.f32 v2, v7;
	v2 =	vld [tilespmem:s31+$0x6300]  }
0x291: {  	v7 =	vld [tilespmem:s31+$0x9500];
	v4 =	vmax.f32 v4, $0.0e+00  }
0x292: {  	v0 =	vadd.f32 v1, v0;
	v1 =	vmul.f32 v4, v5;
	v4 =	vld [tilespmem:s31+$0x6380]  }
0x293: {  	v5 =	vld [tilespmem:s31+$0x9580];
	v3 =	vmax.f32 v3, $0.0e+00  }
0x294: {  	v0 =	vadd.f32 v1, v0;
	v1 =	vmul.f32 v3, v6  }
0x295: {  	v2 =	vmax.f32 v2, $0.0e+00  }
0x296: {  	v0 =	vadd.f32 v1, v0;
	v1 =	vmul.f32 v2, v7  }
0x297: {  	v2 =	vmax.f32 v4, $0.0e+00  }
0x298: {  	v0 =	vadd.f32 v1, v0;
	v1 =	vmul.f32 v2, v5;
	_ =	sdelay $0x1  }
0x299: {  	v0 =	vadd.f32 v1, v0;
	_ =	sdelay $0x1  }
0x29a: {  	s29 =	simm.s32 $0x0;
	[tilespmem:s31+$0x9680] =	vst v0  }
0x29b: {  	[tilespmem:s18], [sflag:$0x4] =	stream.linear.gather [hbm4b:s11+s29], $0x1900, $0x38;
	[tilespmem:$0x9800] =	vst v63  }
0x29c: {  	_ =	swait.ge [sflag:s19], $0x1900  }
0x29d: {  	[sflag:s19] =	ssyncset.done $0x0  }
0x29e: {  	[sflag:s19] =	ssyncadd.s32 $0xFFFFE700  }
0x29f: {  	[tilespmem:s20], [sflag:$0x6] =	stream.indirect.gather [hbm4b:s2+s16], $0x1, s16, s16, $0xb8;
	[tilespmem:$0x9800] =	vst v63  }
0x2a0: {  	_ =	swait.ge [sflag:s21], $0x1900  }
0x2a1: {  	[sflag:s21] =	ssyncset.done $0x0  }
0x2a2: {  	[sflag:s21] =	ssyncadd.s32 $0xFFFFE700  }
0x2a3: {  	_ =	swait.ge [sflag:s22], $0x1900  }
0x2a4: {  	[sflag:s22] =	ssyncset.done $0x0  }
0x2a5: {  	s29 =	simm.s32 $0x0;
	[sflag:s22] =	ssyncadd.s32 $0xFFFFE700  }
0x2a6: {  	v0 =	vld [tilespmem:s29+$0x3200]  }
0x2a7: {  	v1 =	vld [tilespmem:s29+$0x6400]  }
0x2a8: {  	v2 =	vld [tilespmem:s29+$0x3280]  }
0x2a9: {  	v3 =	vld [tilespmem:s29+$0x6480]  }
0x2aa: {  	v4 =	vld [tilespmem:s29+$0x3300]  }
0x2ab: {  	v5 =	vld [tilespmem:s29+$0x6500];
	v0 =	vmax.f32 v0, $0.0e+00  }
0x2ac: {  	v6 =	vld [tilespmem:s29+$0x3380];
	v0 =	vmul.f32 v0, v1  }
0x2ad: {  	v2 =	vmax.f32 v2, $0.0e+00;
	v1 =	vld [tilespmem:s29+$0x6580]  }
0x2ae: {  	v7 =	vld [tilespmem:s29+$0x3400];
	v2 =	vmul.f32 v2, v3;
	v0 =	vadd.f32 $0.0e+00, v0  }
0x2af: {  	v4 =	vmax.f32 v4, $0.0e+00;
	v3 =	vld [tilespmem:s29+$0x6600]  }
0x2b0: {  	v8 =	vld [tilespmem:s29+$0x3480];
	v0 =	vadd.f32 v2, v0;
	v2 =	vmul.f32 v4, v5  }
0x2b1: {  	v4 =	vld [tilespmem:s29+$0x6680];
	v5 =	vmax.f32 v6, $0.0e+00  }
0x2b2: {  	v6 =	vld [tilespmem:s29+$0x3500];
	v1 =	vmul.f32 v5, v1;
	v0 =	vadd.f32 v2, v0  }
0x2b3: {  	v5 =	vmax.f32 v7, $0.0e+00;
	v2 =	vld [tilespmem:s29+$0x6700]  }
0x2b4: {  	v7 =	vld [tilespmem:s29+$0x3580];
	v0 =	vadd.f32 v1, v0;
	v1 =	vmul.f32 v5, v3  }
0x2b5: {  	v3 =	vld [tilespmem:s29+$0x6780];
	v5 =	vmax.f32 v8, $0.0e+00  }
0x2b6: {  	v8 =	vld [tilespmem:s29+$0x3600];
	v0 =	vadd.f32 v1, v0;
	v1 =	vmul.f32 v5, v4  }
0x2b7: {  	v4 =	vld [tilespmem:s29+$0x6800];
	v5 =	vmax.f32 v6, $0.0e+00  }
0x2b8: {  	v6 =	vld [tilespmem:s29+$0x3680];
	v0 =	vadd.f32 v1, v0;
	v1 =	vmul.f32 v5, v2  }
0x2b9: {  	v2 =	vld [tilespmem:s29+$0x6880];
	v5 =	vmax.f32 v7, $0.0e+00  }
0x2ba: {  	v7 =	vld [tilespmem:s29+$0x3700];
	v0 =	vadd.f32 v1, v0;
	v1 =	vmul.f32 v5, v3  }
0x2bb: {  	v3 =	vld [tilespmem:s29+$0x6900];
	v5 =	vmax.f32 v8, $0.0e+00  }
0x2bc: {  	v8 =	vld [tilespmem:s29+$0x3780];
	v0 =	vadd.f32 v1, v0;
	v1 =	vmul.f32 v5, v4  }
0x2bd: {  	v4 =	vld [tilespmem:s29+$0x6980];
	v5 =	vmax.f32 v6, $0.0e+00  }
0x2be: {  	v6 =	vld [tilespmem:s29+$0x3800];
	v0 =	vadd.f32 v1, v0;
	v1 =	vmul.f32 v5, v2  }
0x2bf: {  	v2 =	vld [tilespmem:s29+$0x6A00];
	v5 =	vmax.f32 v7, $0.0e+00  }
0x2c0: {  	v7 =	vld [tilespmem:s29+$0x3880];
	v0 =	vadd.f32 v1, v0;
	v1 =	vmul.f32 v5, v3  }
0x2c1: {  	v3 =	vld [tilespmem:s29+$0x6A80];
	v5 =	vmax.f32 v8, $0.0e+00  }
0x2c2: {  	v8 =	vld [tilespmem:s29+$0x3900];
	v0 =	vadd.f32 v1, v0;
	v1 =	vmul.f32 v5, v4  }
0x2c3: {  	v4 =	vld [tilespmem:s29+$0x6B00];
	v5 =	vmax.f32 v6, $0.0e+00  }
0x2c4: {  	v6 =	vld [tilespmem:s29+$0x3980];
	v0 =	vadd.f32 v1, v0;
	v1 =	vmul.f32 v5, v2  }
0x2c5: {  	v2 =	vld [tilespmem:s29+$0x6B80];
	v5 =	vmax.f32 v7, $0.0e+00  }
0x2c6: {  	v7 =	vld [tilespmem:s29+$0x3A00];
	v0 =	vadd.f32 v1, v0;
	v1 =	vmul.f32 v5, v3  }
0x2c7: {  	v3 =	vld [tilespmem:s29+$0x6C00];
	v5 =	vmax.f32 v8, $0.0e+00  }
0x2c8: {  	v8 =	vld [tilespmem:s29+$0x3A80];
	v0 =	vadd.f32 v1, v0;
	v1 =	vmul.f32 v5, v4  }
0x2c9: {  	v4 =	vld [tilespmem:s29+$0x6C80];
	v5 =	vmax.f32 v6, $0.0e+00  }
0x2ca: {  	v6 =	vld [tilespmem:s29+$0x3B00];
	v0 =	vadd.f32 v1, v0;
	v1 =	vmul.f32 v5, v2  }
0x2cb: {  	v2 =	vld [tilespmem:s29+$0x6D00];
	v5 =	vmax.f32 v7, $0.0e+00  }
0x2cc: {  	v7 =	vld [tilespmem:s29+$0x3B80];
	v0 =	vadd.f32 v1, v0;
	v1 =	vmul.f32 v5, v3  }
0x2cd: {  	v3 =	vld [tilespmem:s29+$0x6D80];
	v5 =	vmax.f32 v8, $0.0e+00  }
0x2ce: {  	v8 =	vld [tilespmem:s29+$0x3C00];
	v0 =	vadd.f32 v1, v0;
	v1 =	vmul.f32 v5, v4  }
0x2cf: {  	v4 =	vld [tilespmem:s29+$0x6E00];
	v5 =	vmax.f32 v6, $0.0e+00  }
0x2d0: {  	v6 =	vld [tilespmem:s29+$0x3C80];
	v0 =	vadd.f32 v1, v0;
	v1 =	vmul.f32 v5, v2  }
0x2d1: {  	v2 =	vld [tilespmem:s29+$0x6E80];
	v5 =	vmax.f32 v7, $0.0e+00  }
0x2d2: {  	v7 =	vld [tilespmem:s29+$0x3D00];
	v0 =	vadd.f32 v1, v0;
	v1 =	vmul.f32 v5, v3  }
0x2d3: {  	v3 =	vld [tilespmem:s29+$0x6F00];
	v5 =	vmax.f32 v8, $0.0e+00  }
0x2d4: {  	v8 =	vld [tilespmem:s29+$0x3D80];
	v0 =	vadd.f32 v1, v0;
	v1 =	vmul.f32 v5, v4  }
0x2d5: {  	v4 =	vld [tilespmem:s29+$0x6F80];
	v5 =	vmax.f32 v6, $0.0e+00  }
0x2d6: {  	v6 =	vld [tilespmem:s29+$0x3E00];
	v0 =	vadd.f32 v1, v0;
	v1 =	vmul.f32 v5, v2  }
0x2d7: {  	v2 =	vld [tilespmem:s29+$0x7000];
	v5 =	vmax.f32 v7, $0.0e+00  }
0x2d8: {  	v7 =	vld [tilespmem:s29+$0x3E80];
	v0 =	vadd.f32 v1, v0;
	v1 =	vmul.f32 v5, v3  }
0x2d9: {  	v3 =	vld [tilespmem:s29+$0x7080];
	v5 =	vmax.f32 v8, $0.0e+00  }
0x2da: {  	v8 =	vld [tilespmem:s29+$0x3F00];
	v0 =	vadd.f32 v1, v0;
	v1 =	vmul.f32 v5, v4  }
0x2db: {  	v4 =	vld [tilespmem:s29+$0x7100];
	v5 =	vmax.f32 v6, $0.0e+00  }
0x2dc: {  	v6 =	vld [tilespmem:s29+$0x3F80];
	v0 =	vadd.f32 v1, v0;
	v1 =	vmul.f32 v5, v2  }
0x2dd: {  	v2 =	vld [tilespmem:s29+$0x7180];
	v5 =	vmax.f32 v7, $0.0e+00  }
0x2de: {  	v7 =	vld [tilespmem:s29+$0x4000];
	v0 =	vadd.f32 v1, v0;
	v1 =	vmul.f32 v5, v3  }
0x2df: {  	v3 =	vld [tilespmem:s29+$0x7200];
	v5 =	vmax.f32 v8, $0.0e+00  }
0x2e0: {  	v8 =	vld [tilespmem:s29+$0x4080];
	v0 =	vadd.f32 v1, v0;
	v1 =	vmul.f32 v5, v4  }
0x2e1: {  	v4 =	vld [tilespmem:s29+$0x7280];
	v5 =	vmax.f32 v6, $0.0e+00  }
0x2e2: {  	v6 =	vld [tilespmem:s29+$0x4100];
	v0 =	vadd.f32 v1, v0;
	v1 =	vmul.f32 v5, v2  }
0x2e3: {  	v2 =	vld [tilespmem:s29+$0x7300];
	v5 =	vmax.f32 v7, $0.0e+00  }
0x2e4: {  	v7 =	vld [tilespmem:s29+$0x4180];
	v0 =	vadd.f32 v1, v0;
	v1 =	vmul.f32 v5, v3  }
0x2e5: {  	v3 =	vld [tilespmem:s29+$0x7380];
	v5 =	vmax.f32 v8, $0.0e+00  }
0x2e6: {  	v8 =	vld [tilespmem:s29+$0x4200];
	v0 =	vadd.f32 v1, v0;
	v1 =	vmul.f32 v5, v4  }
0x2e7: {  	v4 =	vld [tilespmem:s29+$0x7400];
	v5 =	vmax.f32 v6, $0.0e+00  }
0x2e8: {  	v6 =	vld [tilespmem:s29+$0x4280];
	v0 =	vadd.f32 v1, v0;
	v1 =	vmul.f32 v5, v2  }
0x2e9: {  	v2 =	vld [tilespmem:s29+$0x7480];
	v5 =	vmax.f32 v7, $0.0e+00  }
0x2ea: {  	v7 =	vld [tilespmem:s29+$0x4300];
	v0 =	vadd.f32 v1, v0;
	v1 =	vmul.f32 v5, v3  }
0x2eb: {  	v3 =	vld [tilespmem:s29+$0x7500];
	v5 =	vmax.f32 v8, $0.0e+00  }
0x2ec: {  	v8 =	vld [tilespmem:s29+$0x4380];
	v0 =	vadd.f32 v1, v0;
	v1 =	vmul.f32 v5, v4  }
0x2ed: {  	v4 =	vld [tilespmem:s29+$0x7580];
	v5 =	vmax.f32 v6, $0.0e+00  }
0x2ee: {  	v6 =	vld [tilespmem:s29+$0x4400];
	v0 =	vadd.f32 v1, v0;
	v1 =	vmul.f32 v5, v2  }
0x2ef: {  	v2 =	vld [tilespmem:s29+$0x7600];
	v5 =	vmax.f32 v7, $0.0e+00  }
0x2f0: {  	v7 =	vld [tilespmem:s29+$0x4480];
	v0 =	vadd.f32 v1, v0;
	v1 =	vmul.f32 v5, v3  }
0x2f1: {  	v3 =	vld [tilespmem:s29+$0x7680];
	v5 =	vmax.f32 v8, $0.0e+00  }
0x2f2: {  	v8 =	vld [tilespmem:s29+$0x4500];
	v0 =	vadd.f32 v1, v0;
	v1 =	vmul.f32 v5, v4  }
0x2f3: {  	v4 =	vld [tilespmem:s29+$0x7700];
	v5 =	vmax.f32 v6, $0.0e+00  }
0x2f4: {  	v6 =	vld [tilespmem:s29+$0x4580];
	v0 =	vadd.f32 v1, v0;
	v1 =	vmul.f32 v5, v2  }
0x2f5: {  	v2 =	vld [tilespmem:s29+$0x7780];
	v5 =	vmax.f32 v7, $0.0e+00  }
0x2f6: {  	v7 =	vld [tilespmem:s29+$0x4600];
	v0 =	vadd.f32 v1, v0;
	v1 =	vmul.f32 v5, v3  }
0x2f7: {  	v3 =	vld [tilespmem:s29+$0x7800];
	v5 =	vmax.f32 v8, $0.0e+00  }
0x2f8: {  	v8 =	vld [tilespmem:s29+$0x4680];
	v0 =	vadd.f32 v1, v0;
	v1 =	vmul.f32 v5, v4  }
0x2f9: {  	v4 =	vld [tilespmem:s29+$0x7880];
	v5 =	vmax.f32 v6, $0.0e+00  }
0x2fa: {  	v6 =	vld [tilespmem:s29+$0x4700];
	v0 =	vadd.f32 v1, v0;
	v1 =	vmul.f32 v5, v2  }
0x2fb: {  	v2 =	vld [tilespmem:s29+$0x7900];
	v5 =	vmax.f32 v7, $0.0e+00  }
0x2fc: {  	v7 =	vld [tilespmem:s29+$0x4780];
	v0 =	vadd.f32 v1, v0;
	v1 =	vmul.f32 v5, v3  }
0x2fd: {  	v3 =	vld [tilespmem:s29+$0x7980];
	v5 =	vmax.f32 v8, $0.0e+00  }
0x2fe: {  	v8 =	vld [tilespmem:s29+$0x4800];
	v0 =	vadd.f32 v1, v0;
	v1 =	vmul.f32 v5, v4  }
0x2ff: {  	v4 =	vld [tilespmem:s29+$0x7A00];
	v5 =	vmax.f32 v6, $0.0e+00  }
0x300: {  	v6 =	vld [tilespmem:s29+$0x4880];
	v0 =	vadd.f32 v1, v0;
	v1 =	vmul.f32 v5, v2  }
0x301: {  	v5 =	vld [tilespmem:s29+$0x7A80];
	v2 =	vmax.f32 v7, $0.0e+00  }
0x302: {  	v7 =	vld [tilespmem:s29+$0x4900];
	v0 =	vadd.f32 v1, v0;
	v1 =	vmul.f32 v2, v3  }
0x303: {  	v9 =	vld [tilespmem:s29+$0x7B00];
	v2 =	vmax.f32 v8, $0.0e+00  }
0x304: {  	v8 =	vld [tilespmem:s29+$0x4980];
	v3 =	vmul.f32 v2, v4;
	v1 =	vadd.f32 v1, v0  }
0x305: {  	v4 =	vmax.f32 v6, $0.0e+00;
	v0 =	vld [tilespmem:s29+$0x7B80]  }
0x306: {  	v2 =	vld [tilespmem:s29+$0x4A00];
	v4 =	vmul.f32 v4, v5;
	v6 =	vadd.f32 v3, v1  }
0x307: {  	v7 =	vmax.f32 v7, $0.0e+00;
	v1 =	vld [tilespmem:s29+$0x7C00]  }
0x308: {  	v3 =	vld [tilespmem:s29+$0x4A80];
	v5 =	vadd.f32 v4, v6;
	v6 =	vmul.f32 v7, v9  }
0x309: {  	s30 =	simm.s32 $0x80;
	s31 =	simm.s32 $0x10;
	v7 =	vmax.f32 v8, $0.0e+00;
	v4 =	vld [tilespmem:s29+$0x7C80]  }
.LBB2_6:
0x30a: {  	p0 =	sne.s32 s30, $0x1C0;
	v8 =	vld [tilespmem:s31+$0x3200];
	v5 =	vadd.f32 v6, v5;
	v0 =	vmul.f32 v7, v0  }
0x30b: {  	v6 =	vld [tilespmem:s31+$0x6400];
	v2 =	vmax.f32 v2, $0.0e+00  }
0x30c: {  	v7 =	vld [tilespmem:s31+$0x3280];
	v0 =	vadd.f32 v0, v5;
	v1 =	vmul.f32 v2, v1  }
0x30d: {  	v2 =	vld [tilespmem:s31+$0x6480];
	v3 =	vmax.f32 v3, $0.0e+00  }
0x30e: {  	v5 =	vld [tilespmem:s31+$0x3300];
	v0 =	vadd.f32 v1, v0;
	v1 =	vmul.f32 v3, v4  }
0x30f: {  	v3 =	vmax.f32 v8, $0.0e+00;
	v4 =	vld [tilespmem:s31+$0x6500]  }
0x310: {  	v3 =	vmul.f32 v3, v6;
	v6 =	vld [tilespmem:s31+$0x3380];
	v0 =	vadd.f32 v1, v0  }
0x311: {  	v1 =	vmax.f32 v7, $0.0e+00;
	v7 =	vld [tilespmem:s31+$0x6580]  }
0x312: {  	v3 =	vadd.f32 $0.0e+00, v3;
	v1 =	vmul.f32 v1, v2;
	v2 =	vld [tilespmem:s31+$0x3400];
	[tilespmem:s29+$0x9700] =	vst v0;
	s29 =	smov.u32 s31  }
0x313: {  	v0 =	vmax.f32 v5, $0.0e+00;
	v5 =	vld [tilespmem:s29+$0x6600]  }
0x314: {  	v1 =	vadd.f32 v1, v3;
	v0 =	vmul.f32 v0, v4;
	v3 =	vld [tilespmem:s29+$0x3480]  }
0x315: {  	v4 =	vmax.f32 v6, $0.0e+00;
	v6 =	vld [tilespmem:s29+$0x6680]  }
0x316: {  	v0 =	vadd.f32 v0, v1;
	v1 =	vmul.f32 v4, v7;
	v4 =	vld [tilespmem:s29+$0x3500]  }
0x317: {  	v2 =	vmax.f32 v2, $0.0e+00;
	v7 =	vld [tilespmem:s29+$0x6700]  }
0x318: {  	v0 =	vadd.f32 v1, v0;
	v1 =	vmul.f32 v2, v5;
	v2 =	vld [tilespmem:s29+$0x3580]  }
0x319: {  	v3 =	vmax.f32 v3, $0.0e+00;
	v5 =	vld [tilespmem:s29+$0x6780]  }
0x31a: {  	v0 =	vadd.f32 v1, v0;
	v1 =	vmul.f32 v3, v6;
	v3 =	vld [tilespmem:s29+$0x3600]  }
0x31b: {  	v4 =	vmax.f32 v4, $0.0e+00;
	v6 =	vld [tilespmem:s29+$0x6800]  }
0x31c: {  	v0 =	vadd.f32 v1, v0;
	v1 =	vmul.f32 v4, v7;
	v4 =	vld [tilespmem:s29+$0x3680]  }
0x31d: {  	v2 =	vmax.f32 v2, $0.0e+00;
	v7 =	vld [tilespmem:s29+$0x6880]  }
0x31e: {  	v0 =	vadd.f32 v1, v0;
	v1 =	vmul.f32 v2, v5;
	v2 =	vld [tilespmem:s29+$0x3700]  }
0x31f: {  	v3 =	vmax.f32 v3, $0.0e+00;
	v5 =	vld [tilespmem:s29+$0x6900]  }
0x320: {  	v0 =	vadd.f32 v1, v0;
	v1 =	vmul.f32 v3, v6;
	v3 =	vld [tilespmem:s29+$0x3780]  }
0x321: {  	v4 =	vmax.f32 v4, $0.0e+00;
	v6 =	vld [tilespmem:s29+$0x6980]  }
0x322: {  	v0 =	vadd.f32 v1, v0;
	v1 =	vmul.f32 v4, v7;
	v4 =	vld [tilespmem:s29+$0x3800]  }
0x323: {  	v2 =	vmax.f32 v2, $0.0e+00;
	v7 =	vld [tilespmem:s29+$0x6A00]  }
0x324: {  	v0 =	vadd.f32 v1, v0;
	v1 =	vmul.f32 v2, v5;
	v2 =	vld [tilespmem:s29+$0x3880]  }
0x325: {  	v3 =	vmax.f32 v3, $0.0e+00;
	v5 =	vld [tilespmem:s29+$0x6A80]  }
0x326: {  	v0 =	vadd.f32 v1, v0;
	v1 =	vmul.f32 v3, v6;
	v3 =	vld [tilespmem:s29+$0x3900]  }
0x327: {  	v4 =	vmax.f32 v4, $0.0e+00;
	v6 =	vld [tilespmem:s29+$0x6B00]  }
0x328: {  	v0 =	vadd.f32 v1, v0;
	v1 =	vmul.f32 v4, v7;
	v4 =	vld [tilespmem:s29+$0x3980]  }
0x329: {  	v2 =	vmax.f32 v2, $0.0e+00;
	v7 =	vld [tilespmem:s29+$0x6B80]  }
0x32a: {  	v0 =	vadd.f32 v1, v0;
	v1 =	vmul.f32 v2, v5;
	v2 =	vld [tilespmem:s29+$0x3A00]  }
0x32b: {  	v3 =	vmax.f32 v3, $0.0e+00;
	v5 =	vld [tilespmem:s29+$0x6C00]  }
0x32c: {  	v0 =	vadd.f32 v1, v0;
	v1 =	vmul.f32 v3, v6;
	v3 =	vld [tilespmem:s29+$0x3A80]  }
0x32d: {  	v4 =	vmax.f32 v4, $0.0e+00;
	v6 =	vld [tilespmem:s29+$0x6C80]  }
0x32e: {  	v0 =	vadd.f32 v1, v0;
	v1 =	vmul.f32 v4, v7;
	v4 =	vld [tilespmem:s29+$0x3B00]  }
0x32f: {  	v2 =	vmax.f32 v2, $0.0e+00;
	v7 =	vld [tilespmem:s29+$0x6D00]  }
0x330: {  	v0 =	vadd.f32 v1, v0;
	v1 =	vmul.f32 v2, v5;
	v2 =	vld [tilespmem:s29+$0x3B80]  }
0x331: {  	v3 =	vmax.f32 v3, $0.0e+00;
	v5 =	vld [tilespmem:s29+$0x6D80]  }
0x332: {  	v0 =	vadd.f32 v1, v0;
	v1 =	vmul.f32 v3, v6;
	v3 =	vld [tilespmem:s29+$0x3C00]  }
0x333: {  	v4 =	vmax.f32 v4, $0.0e+00;
	v6 =	vld [tilespmem:s29+$0x6E00]  }
0x334: {  	v0 =	vadd.f32 v1, v0;
	v1 =	vmul.f32 v4, v7;
	v4 =	vld [tilespmem:s29+$0x3C80]  }
0x335: {  	v2 =	vmax.f32 v2, $0.0e+00;
	v7 =	vld [tilespmem:s29+$0x6E80]  }
0x336: {  	v0 =	vadd.f32 v1, v0;
	v1 =	vmul.f32 v2, v5;
	v2 =	vld [tilespmem:s29+$0x3D00]  }
0x337: {  	v3 =	vmax.f32 v3, $0.0e+00;
	v5 =	vld [tilespmem:s29+$0x6F00]  }
0x338: {  	v0 =	vadd.f32 v1, v0;
	v1 =	vmul.f32 v3, v6;
	v3 =	vld [tilespmem:s29+$0x3D80]  }
0x339: {  	v4 =	vmax.f32 v4, $0.0e+00;
	v6 =	vld [tilespmem:s29+$0x6F80]  }
0x33a: {  	v0 =	vadd.f32 v1, v0;
	v1 =	vmul.f32 v4, v7;
	v4 =	vld [tilespmem:s29+$0x3E00]  }
0x33b: {  	v2 =	vmax.f32 v2, $0.0e+00;
	v7 =	vld [tilespmem:s29+$0x7000]  }
0x33c: {  	v0 =	vadd.f32 v1, v0;
	v1 =	vmul.f32 v2, v5;
	v2 =	vld [tilespmem:s29+$0x3E80]  }
0x33d: {  	v3 =	vmax.f32 v3, $0.0e+00;
	v5 =	vld [tilespmem:s29+$0x7080]  }
0x33e: {  	v0 =	vadd.f32 v1, v0;
	v1 =	vmul.f32 v3, v6;
	v3 =	vld [tilespmem:s29+$0x3F00]  }
0x33f: {  	v4 =	vmax.f32 v4, $0.0e+00;
	v6 =	vld [tilespmem:s29+$0x7100]  }
0x340: {  	v0 =	vadd.f32 v1, v0;
	v1 =	vmul.f32 v4, v7;
	v4 =	vld [tilespmem:s29+$0x3F80]  }
0x341: {  	v2 =	vmax.f32 v2, $0.0e+00;
	v7 =	vld [tilespmem:s29+$0x7180]  }
0x342: {  	v0 =	vadd.f32 v1, v0;
	v1 =	vmul.f32 v2, v5;
	v2 =	vld [tilespmem:s29+$0x4000]  }
0x343: {  	v3 =	vmax.f32 v3, $0.0e+00;
	v5 =	vld [tilespmem:s29+$0x7200]  }
0x344: {  	v0 =	vadd.f32 v1, v0;
	v1 =	vmul.f32 v3, v6;
	v3 =	vld [tilespmem:s29+$0x4080]  }
0x345: {  	v4 =	vmax.f32 v4, $0.0e+00;
	v6 =	vld [tilespmem:s29+$0x7280]  }
0x346: {  	v0 =	vadd.f32 v1, v0;
	v1 =	vmul.f32 v4, v7;
	v4 =	vld [tilespmem:s29+$0x4100]  }
0x347: {  	v2 =	vmax.f32 v2, $0.0e+00;
	v7 =	vld [tilespmem:s29+$0x7300]  }
0x348: {  	v0 =	vadd.f32 v1, v0;
	v1 =	vmul.f32 v2, v5;
	v2 =	vld [tilespmem:s29+$0x4180]  }
0x349: {  	v3 =	vmax.f32 v3, $0.0e+00;
	v5 =	vld [tilespmem:s29+$0x7380]  }
0x34a: {  	v0 =	vadd.f32 v1, v0;
	v1 =	vmul.f32 v3, v6;
	v3 =	vld [tilespmem:s29+$0x4200]  }
0x34b: {  	v4 =	vmax.f32 v4, $0.0e+00;
	v6 =	vld [tilespmem:s29+$0x7400]  }
0x34c: {  	v0 =	vadd.f32 v1, v0;
	v1 =	vmul.f32 v4, v7;
	v4 =	vld [tilespmem:s29+$0x4280]  }
0x34d: {  	v2 =	vmax.f32 v2, $0.0e+00;
	v7 =	vld [tilespmem:s29+$0x7480]  }
0x34e: {  	v0 =	vadd.f32 v1, v0;
	v1 =	vmul.f32 v2, v5;
	v2 =	vld [tilespmem:s29+$0x4300]  }
0x34f: {  	v3 =	vmax.f32 v3, $0.0e+00;
	v5 =	vld [tilespmem:s29+$0x7500]  }
0x350: {  	v0 =	vadd.f32 v1, v0;
	v1 =	vmul.f32 v3, v6;
	v3 =	vld [tilespmem:s29+$0x4380]  }
0x351: {  	v4 =	vmax.f32 v4, $0.0e+00;
	v6 =	vld [tilespmem:s29+$0x7580]  }
0x352: {  	v0 =	vadd.f32 v1, v0;
	v1 =	vmul.f32 v4, v7;
	v4 =	vld [tilespmem:s29+$0x4400]  }
0x353: {  	v2 =	vmax.f32 v2, $0.0e+00;
	v7 =	vld [tilespmem:s29+$0x7600]  }
0x354: {  	v0 =	vadd.f32 v1, v0;
	v1 =	vmul.f32 v2, v5;
	v2 =	vld [tilespmem:s29+$0x4480]  }
0x355: {  	v3 =	vmax.f32 v3, $0.0e+00;
	v5 =	vld [tilespmem:s29+$0x7680]  }
0x356: {  	v0 =	vadd.f32 v1, v0;
	v1 =	vmul.f32 v3, v6;
	v3 =	vld [tilespmem:s29+$0x4500]  }
0x357: {  	v4 =	vmax.f32 v4, $0.0e+00;
	v6 =	vld [tilespmem:s29+$0x7700]  }
0x358: {  	v0 =	vadd.f32 v1, v0;
	v1 =	vmul.f32 v4, v7;
	v4 =	vld [tilespmem:s29+$0x4580]  }
0x359: {  	v2 =	vmax.f32 v2, $0.0e+00;
	v7 =	vld [tilespmem:s29+$0x7780]  }
0x35a: {  	v0 =	vadd.f32 v1, v0;
	v1 =	vmul.f32 v2, v5;
	v2 =	vld [tilespmem:s29+$0x4600]  }
0x35b: {  	v3 =	vmax.f32 v3, $0.0e+00;
	v5 =	vld [tilespmem:s29+$0x7800]  }
0x35c: {  	v0 =	vadd.f32 v1, v0;
	v1 =	vmul.f32 v3, v6;
	v3 =	vld [tilespmem:s29+$0x4680]  }
0x35d: {  	v4 =	vmax.f32 v4, $0.0e+00;
	v6 =	vld [tilespmem:s29+$0x7880]  }
0x35e: {  	v0 =	vadd.f32 v1, v0;
	v1 =	vmul.f32 v4, v7;
	v4 =	vld [tilespmem:s29+$0x4700]  }
0x35f: {  	v2 =	vmax.f32 v2, $0.0e+00;
	v7 =	vld [tilespmem:s29+$0x7900]  }
0x360: {  	v0 =	vadd.f32 v1, v0;
	v1 =	vmul.f32 v2, v5;
	v2 =	vld [tilespmem:s29+$0x4780]  }
0x361: {  	v3 =	vmax.f32 v3, $0.0e+00;
	v5 =	vld [tilespmem:s29+$0x7980]  }
0x362: {  	v0 =	vadd.f32 v1, v0;
	v1 =	vmul.f32 v3, v6;
	v3 =	vld [tilespmem:s29+$0x4800]  }
0x363: {  	v4 =	vmax.f32 v4, $0.0e+00;
	v6 =	vld [tilespmem:s29+$0x7A00]  }
0x364: {  	v0 =	vadd.f32 v1, v0;
	v1 =	vmul.f32 v4, v7;
	v4 =	vld [tilespmem:s29+$0x4880]  }
0x365: {  	v2 =	vmax.f32 v2, $0.0e+00;
	v7 =	vld [tilespmem:s29+$0x7A80]  }
0x366: {  	v0 =	vadd.f32 v1, v0;
	v1 =	vmul.f32 v2, v5;
	v5 =	vld [tilespmem:s29+$0x4900]  }
0x367: {  	v2 =	vmax.f32 v3, $0.0e+00;
	v3 =	vld [tilespmem:s29+$0x7B00]  }
0x368: {  	v1 =	vadd.f32 v1, v0;
	v2 =	vmul.f32 v2, v6;
	v8 =	vld [tilespmem:s29+$0x4980]  }
.Ltmp2:
0x369: {  	v4 =	vmax.f32 v4, $0.0e+00;
	v0 =	vld [tilespmem:s29+$0x7B80];
	(pc) =	sbr.rel @p0 .LBB2_6-.Ltmp2, $4  }
0x36a: {  	v6 =	vadd.f32 v2, v1;
	v4 =	vmul.f32 v4, v7;
	v2 =	vld [tilespmem:s29+$0x4A00]  }
0x36b: {  	v7 =	vmax.f32 v5, $0.0e+00;
	v1 =	vld [tilespmem:s29+$0x7C00]  }
0x36c: {  	v5 =	vadd.f32 v4, v6;
	v6 =	vmul.f32 v7, v3;
	v3 =	vld [tilespmem:s29+$0x4A80]  }
0x36d: {  	s31 =	sshra.s32 s30, $0x2;
	s30 =	sadd.s32 $0x40, s30;
	v7 =	vmax.f32 v8, $0.0e+00;
	v4 =	vld [tilespmem:s29+$0x7C80]  }
0x36e: {  	v8 =	vld [tilespmem:s31+$0x3200];
	v5 =	vadd.f32 v6, v5;
	v0 =	vmul.f32 v7, v0  }
0x36f: {  	v6 =	vld [tilespmem:s31+$0x6400];
	v2 =	vmax.f32 v2, $0.0e+00  }
0x370: {  	v7 =	vld [tilespmem:s31+$0x3280];
	v0 =	vadd.f32 v0, v5;
	v1 =	vmul.f32 v2, v1  }
0x371: {  	v2 =	vld [tilespmem:s31+$0x6480];
	v3 =	vmax.f32 v3, $0.0e+00  }
0x372: {  	v5 =	vld [tilespmem:s31+$0x3300];
	v0 =	vadd.f32 v1, v0;
	v1 =	vmul.f32 v3, v4  }
0x373: {  	v3 =	vld [tilespmem:s31+$0x6500];
	v4 =	vmax.f32 v8, $0.0e+00  }
0x374: {  	v8 =	vld [tilespmem:s31+$0x3380];
	v4 =	vmul.f32 v4, v6;
	v0 =	vadd.f32 v1, v0  }
0x375: {  	v1 =	vld [tilespmem:s31+$0x6580];
	v6 =	vmax.f32 v7, $0.0e+00  }
0x376: {  	v7 =	vld [tilespmem:s31+$0x3400];
	v2 =	vmul.f32 v6, v2;
	v4 =	vadd.f32 $0.0e+00, v4;
	[tilespmem:s29+$0x9700] =	vst v0  }
0x377: {  	v0 =	vmax.f32 v5, $0.0e+00;
	v5 =	vld [tilespmem:s31+$0x6600]  }
0x378: {  	v0 =	vmul.f32 v0, v3;
	v3 =	vld [tilespmem:s31+$0x3480];
	v2 =	vadd.f32 v2, v4  }
0x379: {  	v6 =	vld [tilespmem:s31+$0x6680];
	v4 =	vmax.f32 v8, $0.0e+00  }
0x37a: {  	v1 =	vmul.f32 v4, v1;
	v0 =	vadd.f32 v0, v2;
	v2 =	vld [tilespmem:s31+$0x3500]  }
0x37b: {  	v4 =	vmax.f32 v7, $0.0e+00;
	v7 =	vld [tilespmem:s31+$0x6700]  }
0x37c: {  	v0 =	vadd.f32 v1, v0;
	v1 =	vmul.f32 v4, v5;
	v4 =	vld [tilespmem:s31+$0x3580]  }
0x37d: {  	v3 =	vmax.f32 v3, $0.0e+00;
	v5 =	vld [tilespmem:s31+$0x6780]  }
0x37e: {  	v0 =	vadd.f32 v1, v0;
	v1 =	vmul.f32 v3, v6;
	v3 =	vld [tilespmem:s31+$0x3600]  }
0x37f: {  	v6 =	vld [tilespmem:s31+$0x6800];
	v2 =	vmax.f32 v2, $0.0e+00  }
0x380: {  	v0 =	vadd.f32 v1, v0;
	v1 =	vmul.f32 v2, v7;
	v2 =	vld [tilespmem:s31+$0x3680]  }
0x381: {  	v7 =	vld [tilespmem:s31+$0x6880];
	v4 =	vmax.f32 v4, $0.0e+00  }
0x382: {  	v0 =	vadd.f32 v1, v0;
	v1 =	vmul.f32 v4, v5;
	v4 =	vld [tilespmem:s31+$0x3700]  }
0x383: {  	v5 =	vld [tilespmem:s31+$0x6900];
	v3 =	vmax.f32 v3, $0.0e+00  }
0x384: {  	v0 =	vadd.f32 v1, v0;
	v1 =	vmul.f32 v3, v6;
	v3 =	vld [tilespmem:s31+$0x3780]  }
0x385: {  	v6 =	vld [tilespmem:s31+$0x6980];
	v2 =	vmax.f32 v2, $0.0e+00  }
0x386: {  	v0 =	vadd.f32 v1, v0;
	v1 =	vmul.f32 v2, v7;
	v2 =	vld [tilespmem:s31+$0x3800]  }
0x387: {  	v7 =	vld [tilespmem:s31+$0x6A00];
	v4 =	vmax.f32 v4, $0.0e+00  }
0x388: {  	v0 =	vadd.f32 v1, v0;
	v1 =	vmul.f32 v4, v5;
	v4 =	vld [tilespmem:s31+$0x3880]  }
0x389: {  	v5 =	vld [tilespmem:s31+$0x6A80];
	v3 =	vmax.f32 v3, $0.0e+00  }
0x38a: {  	v0 =	vadd.f32 v1, v0;
	v1 =	vmul.f32 v3, v6;
	v3 =	vld [tilespmem:s31+$0x3900]  }
0x38b: {  	v6 =	vld [tilespmem:s31+$0x6B00];
	v2 =	vmax.f32 v2, $0.0e+00  }
0x38c: {  	v0 =	vadd.f32 v1, v0;
	v1 =	vmul.f32 v2, v7;
	v2 =	vld [tilespmem:s31+$0x3980]  }
0x38d: {  	v7 =	vld [tilespmem:s31+$0x6B80];
	v4 =	vmax.f32 v4, $0.0e+00  }
0x38e: {  	v0 =	vadd.f32 v1, v0;
	v1 =	vmul.f32 v4, v5;
	v4 =	vld [tilespmem:s31+$0x3A00]  }
0x38f: {  	v5 =	vld [tilespmem:s31+$0x6C00];
	v3 =	vmax.f32 v3, $0.0e+00  }
0x390: {  	v0 =	vadd.f32 v1, v0;
	v1 =	vmul.f32 v3, v6;
	v3 =	vld [tilespmem:s31+$0x3A80]  }
0x391: {  	v6 =	vld [tilespmem:s31+$0x6C80];
	v2 =	vmax.f32 v2, $0.0e+00  }
0x392: {  	v0 =	vadd.f32 v1, v0;
	v1 =	vmul.f32 v2, v7;
	v2 =	vld [tilespmem:s31+$0x3B00]  }
0x393: {  	v7 =	vld [tilespmem:s31+$0x6D00];
	v4 =	vmax.f32 v4, $0.0e+00  }
0x394: {  	v0 =	vadd.f32 v1, v0;
	v1 =	vmul.f32 v4, v5;
	v4 =	vld [tilespmem:s31+$0x3B80]  }
0x395: {  	v5 =	vld [tilespmem:s31+$0x6D80];
	v3 =	vmax.f32 v3, $0.0e+00  }
0x396: {  	v0 =	vadd.f32 v1, v0;
	v1 =	vmul.f32 v3, v6;
	v3 =	vld [tilespmem:s31+$0x3C00]  }
0x397: {  	v6 =	vld [tilespmem:s31+$0x6E00];
	v2 =	vmax.f32 v2, $0.0e+00  }
0x398: {  	v0 =	vadd.f32 v1, v0;
	v1 =	vmul.f32 v2, v7;
	v2 =	vld [tilespmem:s31+$0x3C80]  }
0x399: {  	v7 =	vld [tilespmem:s31+$0x6E80];
	v4 =	vmax.f32 v4, $0.0e+00  }
0x39a: {  	v0 =	vadd.f32 v1, v0;
	v1 =	vmul.f32 v4, v5;
	v4 =	vld [tilespmem:s31+$0x3D00]  }
0x39b: {  	v5 =	vld [tilespmem:s31+$0x6F00];
	v3 =	vmax.f32 v3, $0.0e+00  }
0x39c: {  	v0 =	vadd.f32 v1, v0;
	v1 =	vmul.f32 v3, v6;
	v3 =	vld [tilespmem:s31+$0x3D80]  }
0x39d: {  	v6 =	vld [tilespmem:s31+$0x6F80];
	v2 =	vmax.f32 v2, $0.0e+00  }
0x39e: {  	v0 =	vadd.f32 v1, v0;
	v1 =	vmul.f32 v2, v7;
	v2 =	vld [tilespmem:s31+$0x3E00]  }
0x39f: {  	v7 =	vld [tilespmem:s31+$0x7000];
	v4 =	vmax.f32 v4, $0.0e+00  }
0x3a0: {  	v0 =	vadd.f32 v1, v0;
	v1 =	vmul.f32 v4, v5;
	v4 =	vld [tilespmem:s31+$0x3E80]  }
0x3a1: {  	v5 =	vld [tilespmem:s31+$0x7080];
	v3 =	vmax.f32 v3, $0.0e+00  }
0x3a2: {  	v0 =	vadd.f32 v1, v0;
	v1 =	vmul.f32 v3, v6;
	v3 =	vld [tilespmem:s31+$0x3F00]  }
0x3a3: {  	v6 =	vld [tilespmem:s31+$0x7100];
	v2 =	vmax.f32 v2, $0.0e+00  }
0x3a4: {  	v0 =	vadd.f32 v1, v0;
	v1 =	vmul.f32 v2, v7;
	v2 =	vld [tilespmem:s31+$0x3F80]  }
0x3a5: {  	v7 =	vld [tilespmem:s31+$0x7180];
	v4 =	vmax.f32 v4, $0.0e+00  }
0x3a6: {  	v0 =	vadd.f32 v1, v0;
	v1 =	vmul.f32 v4, v5;
	v4 =	vld [tilespmem:s31+$0x4000]  }
0x3a7: {  	v5 =	vld [tilespmem:s31+$0x7200];
	v3 =	vmax.f32 v3, $0.0e+00  }
0x3a8: {  	v0 =	vadd.f32 v1, v0;
	v1 =	vmul.f32 v3, v6;
	v3 =	vld [tilespmem:s31+$0x4080]  }
0x3a9: {  	v6 =	vld [tilespmem:s31+$0x7280];
	v2 =	vmax.f32 v2, $0.0e+00  }
0x3aa: {  	v0 =	vadd.f32 v1, v0;
	v1 =	vmul.f32 v2, v7;
	v2 =	vld [tilespmem:s31+$0x4100]  }
0x3ab: {  	v7 =	vld [tilespmem:s31+$0x7300];
	v4 =	vmax.f32 v4, $0.0e+00  }
0x3ac: {  	v0 =	vadd.f32 v1, v0;
	v1 =	vmul.f32 v4, v5;
	v4 =	vld [tilespmem:s31+$0x4180]  }
0x3ad: {  	v5 =	vld [tilespmem:s31+$0x7380];
	v3 =	vmax.f32 v3, $0.0e+00  }
0x3ae: {  	v0 =	vadd.f32 v1, v0;
	v1 =	vmul.f32 v3, v6;
	v3 =	vld [tilespmem:s31+$0x4200]  }
0x3af: {  	v6 =	vld [tilespmem:s31+$0x7400];
	v2 =	vmax.f32 v2, $0.0e+00  }
0x3b0: {  	v0 =	vadd.f32 v1, v0;
	v1 =	vmul.f32 v2, v7;
	v2 =	vld [tilespmem:s31+$0x4280]  }
0x3b1: {  	v7 =	vld [tilespmem:s31+$0x7480];
	v4 =	vmax.f32 v4, $0.0e+00  }
0x3b2: {  	v0 =	vadd.f32 v1, v0;
	v1 =	vmul.f32 v4, v5;
	v4 =	vld [tilespmem:s31+$0x4300]  }
0x3b3: {  	v5 =	vld [tilespmem:s31+$0x7500];
	v3 =	vmax.f32 v3, $0.0e+00  }
0x3b4: {  	v0 =	vadd.f32 v1, v0;
	v1 =	vmul.f32 v3, v6;
	v3 =	vld [tilespmem:s31+$0x4380]  }
0x3b5: {  	v6 =	vld [tilespmem:s31+$0x7580];
	v2 =	vmax.f32 v2, $0.0e+00  }
0x3b6: {  	v0 =	vadd.f32 v1, v0;
	v1 =	vmul.f32 v2, v7;
	v2 =	vld [tilespmem:s31+$0x4400]  }
0x3b7: {  	v7 =	vld [tilespmem:s31+$0x7600];
	v4 =	vmax.f32 v4, $0.0e+00  }
0x3b8: {  	v0 =	vadd.f32 v1, v0;
	v1 =	vmul.f32 v4, v5;
	v4 =	vld [tilespmem:s31+$0x4480]  }
0x3b9: {  	v5 =	vld [tilespmem:s31+$0x7680];
	v3 =	vmax.f32 v3, $0.0e+00  }
0x3ba: {  	v0 =	vadd.f32 v1, v0;
	v1 =	vmul.f32 v3, v6;
	v3 =	vld [tilespmem:s31+$0x4500]  }
0x3bb: {  	v6 =	vld [tilespmem:s31+$0x7700];
	v2 =	vmax.f32 v2, $0.0e+00  }
0x3bc: {  	v0 =	vadd.f32 v1, v0;
	v1 =	vmul.f32 v2, v7;
	v2 =	vld [tilespmem:s31+$0x4580]  }
0x3bd: {  	v7 =	vld [tilespmem:s31+$0x7780];
	v4 =	vmax.f32 v4, $0.0e+00  }
0x3be: {  	v0 =	vadd.f32 v1, v0;
	v1 =	vmul.f32 v4, v5;
	v4 =	vld [tilespmem:s31+$0x4600]  }
0x3bf: {  	v5 =	vld [tilespmem:s31+$0x7800];
	v3 =	vmax.f32 v3, $0.0e+00  }
0x3c0: {  	v0 =	vadd.f32 v1, v0;
	v1 =	vmul.f32 v3, v6;
	v3 =	vld [tilespmem:s31+$0x4680]  }
0x3c1: {  	v6 =	vld [tilespmem:s31+$0x7880];
	v2 =	vmax.f32 v2, $0.0e+00  }
0x3c2: {  	v0 =	vadd.f32 v1, v0;
	v1 =	vmul.f32 v2, v7;
	v2 =	vld [tilespmem:s31+$0x4700]  }
0x3c3: {  	v7 =	vld [tilespmem:s31+$0x7900];
	v4 =	vmax.f32 v4, $0.0e+00  }
0x3c4: {  	v0 =	vadd.f32 v1, v0;
	v1 =	vmul.f32 v4, v5;
	v4 =	vld [tilespmem:s31+$0x4780]  }
0x3c5: {  	v5 =	vld [tilespmem:s31+$0x7980];
	v3 =	vmax.f32 v3, $0.0e+00  }
0x3c6: {  	v0 =	vadd.f32 v1, v0;
	v1 =	vmul.f32 v3, v6;
	v3 =	vld [tilespmem:s31+$0x4800]  }
0x3c7: {  	v6 =	vld [tilespmem:s31+$0x7A00];
	v2 =	vmax.f32 v2, $0.0e+00  }
0x3c8: {  	v0 =	vadd.f32 v1, v0;
	v1 =	vmul.f32 v2, v7;
	v2 =	vld [tilespmem:s31+$0x4880]  }
0x3c9: {  	v7 =	vld [tilespmem:s31+$0x7A80];
	v4 =	vmax.f32 v4, $0.0e+00  }
0x3ca: {  	v0 =	vadd.f32 v1, v0;
	v1 =	vmul.f32 v4, v5;
	v4 =	vld [tilespmem:s31+$0x4900]  }
0x3cb: {  	v5 =	vld [tilespmem:s31+$0x7B00];
	v3 =	vmax.f32 v3, $0.0e+00  }
0x3cc: {  	v0 =	vadd.f32 v1, v0;
	v1 =	vmul.f32 v3, v6;
	v3 =	vld [tilespmem:s31+$0x4980]  }
0x3cd: {  	v6 =	vld [tilespmem:s31+$0x7B80];
	v2 =	vmax.f32 v2, $0.0e+00  }
0x3ce: {  	v0 =	vadd.f32 v1, v0;
	v1 =	vmul.f32 v2, v7;
	v2 =	vld [tilespmem:s31+$0x4A00]  }
0x3cf: {  	v7 =	vld [tilespmem:s31+$0x7C00];
	v4 =	vmax.f32 v4, $0.0e+00  }
0x3d0: {  	v0 =	vadd.f32 v1, v0;
	v1 =	vmul.f32 v4, v5;
	v4 =	vld [tilespmem:s31+$0x4A80]  }
0x3d1: {  	v5 =	vld [tilespmem:s31+$0x7C80];
	v3 =	vmax.f32 v3, $0.0e+00  }
0x3d2: {  	v0 =	vadd.f32 v1, v0;
	v1 =	vmul.f32 v3, v6  }
0x3d3: {  	v2 =	vmax.f32 v2, $0.0e+00  }
0x3d4: {  	v0 =	vadd.f32 v1, v0;
	v1 =	vmul.f32 v2, v7  }
0x3d5: {  	v2 =	vmax.f32 v4, $0.0e+00  }
0x3d6: {  	v0 =	vadd.f32 v1, v0;
	v1 =	vmul.f32 v2, v5;
	_ =	sdelay $0x1  }
0x3d7: {  	v0 =	vadd.f32 v1, v0;
	_ =	sdelay $0x1  }
0x3d8: {  	[tilespmem:s31+$0x9700] =	vst v0  }
0x3d9: {  	_ =	swait.ge [sflag:s23], $0x1900  }
0x3da: {  	[sflag:s23] =	ssyncset.done $0x0  }
0x3db: {  	[sflag:s23] =	ssyncadd.s32 $0xFFFFE700  }
0x3dc: {  	_ =	swait.ge [sflag:s24], $0x1900  }
0x3dd: {  	[sflag:s24] =	ssyncset.done $0x0  }
0x3de: {  	s29 =	simm.s32 $0x0;
	[sflag:s24] =	ssyncadd.s32 $0xFFFFE700  }
0x3df: {  	v0 =	vld [tilespmem:s29+$0x4B00]  }
0x3e0: {  	v1 =	vld [tilespmem:s29+$0x7D00]  }
0x3e1: {  	v2 =	vld [tilespmem:s29+$0x4B80]  }
0x3e2: {  	v3 =	vld [tilespmem:s29+$0x7D80]  }
0x3e3: {  	v4 =	vld [tilespmem:s29+$0x4C00]  }
0x3e4: {  	v5 =	vld [tilespmem:s29+$0x7E00];
	v0 =	vmax.f32 v0, $0.0e+00  }
0x3e5: {  	v6 =	vld [tilespmem:s29+$0x4C80];
	v0 =	vmul.f32 v0, v1  }
0x3e6: {  	v2 =	vmax.f32 v2, $0.0e+00;
	v1 =	vld [tilespmem:s29+$0x7E80]  }
0x3e7: {  	v7 =	vld [tilespmem:s29+$0x4D00];
	v2 =	vmul.f32 v2, v3;
	v0 =	vadd.f32 $0.0e+00, v0  }
0x3e8: {  	v4 =	vmax.f32 v4, $0.0e+00;
	v3 =	vld [tilespmem:s29+$0x7F00]  }
0x3e9: {  	v8 =	vld [tilespmem:s29+$0x4D80];
	v0 =	vadd.f32 v2, v0;
	v2 =	vmul.f32 v4, v5  }
0x3ea: {  	v4 =	vld [tilespmem:s29+$0x7F80];
	v5 =	vmax.f32 v6, $0.0e+00  }
0x3eb: {  	v6 =	vld [tilespmem:s29+$0x4E00];
	v1 =	vmul.f32 v5, v1;
	v0 =	vadd.f32 v2, v0  }
0x3ec: {  	v5 =	vmax.f32 v7, $0.0e+00;
	v2 =	vld [tilespmem:s29+$0x8000]  }
0x3ed: {  	v7 =	vld [tilespmem:s29+$0x4E80];
	v0 =	vadd.f32 v1, v0;
	v1 =	vmul.f32 v5, v3  }
0x3ee: {  	v3 =	vld [tilespmem:s29+$0x8080];
	v5 =	vmax.f32 v8, $0.0e+00  }
0x3ef: {  	v8 =	vld [tilespmem:s29+$0x4F00];
	v0 =	vadd.f32 v1, v0;
	v1 =	vmul.f32 v5, v4  }
0x3f0: {  	v4 =	vld [tilespmem:s29+$0x8100];
	v5 =	vmax.f32 v6, $0.0e+00  }
0x3f1: {  	v6 =	vld [tilespmem:s29+$0x4F80];
	v0 =	vadd.f32 v1, v0;
	v1 =	vmul.f32 v5, v2  }
0x3f2: {  	v2 =	vld [tilespmem:s29+$0x8180];
	v5 =	vmax.f32 v7, $0.0e+00  }
0x3f3: {  	v7 =	vld [tilespmem:s29+$0x5000];
	v0 =	vadd.f32 v1, v0;
	v1 =	vmul.f32 v5, v3  }
0x3f4: {  	v3 =	vld [tilespmem:s29+$0x8200];
	v5 =	vmax.f32 v8, $0.0e+00  }
0x3f5: {  	v8 =	vld [tilespmem:s29+$0x5080];
	v0 =	vadd.f32 v1, v0;
	v1 =	vmul.f32 v5, v4  }
0x3f6: {  	v4 =	vld [tilespmem:s29+$0x8280];
	v5 =	vmax.f32 v6, $0.0e+00  }
0x3f7: {  	v6 =	vld [tilespmem:s29+$0x5100];
	v0 =	vadd.f32 v1, v0;
	v1 =	vmul.f32 v5, v2  }
0x3f8: {  	v2 =	vld [tilespmem:s29+$0x8300];
	v5 =	vmax.f32 v7, $0.0e+00  }
0x3f9: {  	v7 =	vld [tilespmem:s29+$0x5180];
	v0 =	vadd.f32 v1, v0;
	v1 =	vmul.f32 v5, v3  }
0x3fa: {  	v3 =	vld [tilespmem:s29+$0x8380];
	v5 =	vmax.f32 v8, $0.0e+00  }
0x3fb: {  	v8 =	vld [tilespmem:s29+$0x5200];
	v0 =	vadd.f32 v1, v0;
	v1 =	vmul.f32 v5, v4  }
0x3fc: {  	v4 =	vld [tilespmem:s29+$0x8400];
	v5 =	vmax.f32 v6, $0.0e+00  }
0x3fd: {  	v6 =	vld [tilespmem:s29+$0x5280];
	v0 =	vadd.f32 v1, v0;
	v1 =	vmul.f32 v5, v2  }
0x3fe: {  	v2 =	vld [tilespmem:s29+$0x8480];
	v5 =	vmax.f32 v7, $0.0e+00  }
0x3ff: {  	v7 =	vld [tilespmem:s29+$0x5300];
	v0 =	vadd.f32 v1, v0;
	v1 =	vmul.f32 v5, v3  }
0x400: {  	v3 =	vld [tilespmem:s29+$0x8500];
	v5 =	vmax.f32 v8, $0.0e+00  }
0x401: {  	v8 =	vld [tilespmem:s29+$0x5380];
	v0 =	vadd.f32 v1, v0;
	v1 =	vmul.f32 v5, v4  }
0x402: {  	v4 =	vld [tilespmem:s29+$0x8580];
	v5 =	vmax.f32 v6, $0.0e+00  }
0x403: {  	v6 =	vld [tilespmem:s29+$0x5400];
	v0 =	vadd.f32 v1, v0;
	v1 =	vmul.f32 v5, v2  }
0x404: {  	v2 =	vld [tilespmem:s29+$0x8600];
	v5 =	vmax.f32 v7, $0.0e+00  }
0x405: {  	v7 =	vld [tilespmem:s29+$0x5480];
	v0 =	vadd.f32 v1, v0;
	v1 =	vmul.f32 v5, v3  }
0x406: {  	v3 =	vld [tilespmem:s29+$0x8680];
	v5 =	vmax.f32 v8, $0.0e+00  }
0x407: {  	v8 =	vld [tilespmem:s29+$0x5500];
	v0 =	vadd.f32 v1, v0;
	v1 =	vmul.f32 v5, v4  }
0x408: {  	v4 =	vld [tilespmem:s29+$0x8700];
	v5 =	vmax.f32 v6, $0.0e+00  }
0x409: {  	v6 =	vld [tilespmem:s29+$0x5580];
	v0 =	vadd.f32 v1, v0;
	v1 =	vmul.f32 v5, v2  }
0x40a: {  	v2 =	vld [tilespmem:s29+$0x8780];
	v5 =	vmax.f32 v7, $0.0e+00  }
0x40b: {  	v7 =	vld [tilespmem:s29+$0x5600];
	v0 =	vadd.f32 v1, v0;
	v1 =	vmul.f32 v5, v3  }
0x40c: {  	v3 =	vld [tilespmem:s29+$0x8800];
	v5 =	vmax.f32 v8, $0.0e+00  }
0x40d: {  	v8 =	vld [tilespmem:s29+$0x5680];
	v0 =	vadd.f32 v1, v0;
	v1 =	vmul.f32 v5, v4  }
0x40e: {  	v4 =	vld [tilespmem:s29+$0x8880];
	v5 =	vmax.f32 v6, $0.0e+00  }
0x40f: {  	v6 =	vld [tilespmem:s29+$0x5700];
	v0 =	vadd.f32 v1, v0;
	v1 =	vmul.f32 v5, v2  }
0x410: {  	v2 =	vld [tilespmem:s29+$0x8900];
	v5 =	vmax.f32 v7, $0.0e+00  }
0x411: {  	v7 =	vld [tilespmem:s29+$0x5780];
	v0 =	vadd.f32 v1, v0;
	v1 =	vmul.f32 v5, v3  }
0x412: {  	v3 =	vld [tilespmem:s29+$0x8980];
	v5 =	vmax.f32 v8, $0.0e+00  }
0x413: {  	v8 =	vld [tilespmem:s29+$0x5800];
	v0 =	vadd.f32 v1, v0;
	v1 =	vmul.f32 v5, v4  }
0x414: {  	v4 =	vld [tilespmem:s29+$0x8A00];
	v5 =	vmax.f32 v6, $0.0e+00  }
0x415: {  	v6 =	vld [tilespmem:s29+$0x5880];
	v0 =	vadd.f32 v1, v0;
	v1 =	vmul.f32 v5, v2  }
0x416: {  	v2 =	vld [tilespmem:s29+$0x8A80];
	v5 =	vmax.f32 v7, $0.0e+00  }
0x417: {  	v7 =	vld [tilespmem:s29+$0x5900];
	v0 =	vadd.f32 v1, v0;
	v1 =	vmul.f32 v5, v3  }
0x418: {  	v3 =	vld [tilespmem:s29+$0x8B00];
	v5 =	vmax.f32 v8, $0.0e+00  }
0x419: {  	v8 =	vld [tilespmem:s29+$0x5980];
	v0 =	vadd.f32 v1, v0;
	v1 =	vmul.f32 v5, v4  }
0x41a: {  	v4 =	vld [tilespmem:s29+$0x8B80];
	v5 =	vmax.f32 v6, $0.0e+00  }
0x41b: {  	v6 =	vld [tilespmem:s29+$0x5A00];
	v0 =	vadd.f32 v1, v0;
	v1 =	vmul.f32 v5, v2  }
0x41c: {  	v2 =	vld [tilespmem:s29+$0x8C00];
	v5 =	vmax.f32 v7, $0.0e+00  }
0x41d: {  	v7 =	vld [tilespmem:s29+$0x5A80];
	v0 =	vadd.f32 v1, v0;
	v1 =	vmul.f32 v5, v3  }
0x41e: {  	v3 =	vld [tilespmem:s29+$0x8C80];
	v5 =	vmax.f32 v8, $0.0e+00  }
0x41f: {  	v8 =	vld [tilespmem:s29+$0x5B00];
	v0 =	vadd.f32 v1, v0;
	v1 =	vmul.f32 v5, v4  }
0x420: {  	v4 =	vld [tilespmem:s29+$0x8D00];
	v5 =	vmax.f32 v6, $0.0e+00  }
0x421: {  	v6 =	vld [tilespmem:s29+$0x5B80];
	v0 =	vadd.f32 v1, v0;
	v1 =	vmul.f32 v5, v2  }
0x422: {  	v2 =	vld [tilespmem:s29+$0x8D80];
	v5 =	vmax.f32 v7, $0.0e+00  }
0x423: {  	v7 =	vld [tilespmem:s29+$0x5C00];
	v0 =	vadd.f32 v1, v0;
	v1 =	vmul.f32 v5, v3  }
0x424: {  	v3 =	vld [tilespmem:s29+$0x8E00];
	v5 =	vmax.f32 v8, $0.0e+00  }
0x425: {  	v8 =	vld [tilespmem:s29+$0x5C80];
	v0 =	vadd.f32 v1, v0;
	v1 =	vmul.f32 v5, v4  }
0x426: {  	v4 =	vld [tilespmem:s29+$0x8E80];
	v5 =	vmax.f32 v6, $0.0e+00  }
0x427: {  	v6 =	vld [tilespmem:s29+$0x5D00];
	v0 =	vadd.f32 v1, v0;
	v1 =	vmul.f32 v5, v2  }
0x428: {  	v2 =	vld [tilespmem:s29+$0x8F00];
	v5 =	vmax.f32 v7, $0.0e+00  }
0x429: {  	v7 =	vld [tilespmem:s29+$0x5D80];
	v0 =	vadd.f32 v1, v0;
	v1 =	vmul.f32 v5, v3  }
0x42a: {  	v3 =	vld [tilespmem:s29+$0x8F80];
	v5 =	vmax.f32 v8, $0.0e+00  }
0x42b: {  	v8 =	vld [tilespmem:s29+$0x5E00];
	v0 =	vadd.f32 v1, v0;
	v1 =	vmul.f32 v5, v4  }
0x42c: {  	v4 =	vld [tilespmem:s29+$0x9000];
	v5 =	vmax.f32 v6, $0.0e+00  }
0x42d: {  	v6 =	vld [tilespmem:s29+$0x5E80];
	v0 =	vadd.f32 v1, v0;
	v1 =	vmul.f32 v5, v2  }
0x42e: {  	v2 =	vld [tilespmem:s29+$0x9080];
	v5 =	vmax.f32 v7, $0.0e+00  }
0x42f: {  	v7 =	vld [tilespmem:s29+$0x5F00];
	v0 =	vadd.f32 v1, v0;
	v1 =	vmul.f32 v5, v3  }
0x430: {  	v3 =	vld [tilespmem:s29+$0x9100];
	v5 =	vmax.f32 v8, $0.0e+00  }
0x431: {  	v8 =	vld [tilespmem:s29+$0x5F80];
	v0 =	vadd.f32 v1, v0;
	v1 =	vmul.f32 v5, v4  }
0x432: {  	v4 =	vld [tilespmem:s29+$0x9180];
	v5 =	vmax.f32 v6, $0.0e+00  }
0x433: {  	v6 =	vld [tilespmem:s29+$0x6000];
	v0 =	vadd.f32 v1, v0;
	v1 =	vmul.f32 v5, v2  }
0x434: {  	v2 =	vld [tilespmem:s29+$0x9200];
	v5 =	vmax.f32 v7, $0.0e+00  }
0x435: {  	v7 =	vld [tilespmem:s29+$0x6080];
	v0 =	vadd.f32 v1, v0;
	v1 =	vmul.f32 v5, v3  }
0x436: {  	v3 =	vld [tilespmem:s29+$0x9280];
	v5 =	vmax.f32 v8, $0.0e+00  }
0x437: {  	v8 =	vld [tilespmem:s29+$0x6100];
	v0 =	vadd.f32 v1, v0;
	v1 =	vmul.f32 v5, v4  }
0x438: {  	v4 =	vld [tilespmem:s29+$0x9300];
	v5 =	vmax.f32 v6, $0.0e+00  }
0x439: {  	v6 =	vld [tilespmem:s29+$0x6180];
	v0 =	vadd.f32 v1, v0;
	v1 =	vmul.f32 v5, v2  }
0x43a: {  	v5 =	vld [tilespmem:s29+$0x9380];
	v2 =	vmax.f32 v7, $0.0e+00  }
0x43b: {  	v7 =	vld [tilespmem:s29+$0x6200];
	v0 =	vadd.f32 v1, v0;
	v1 =	vmul.f32 v2, v3  }
0x43c: {  	v9 =	vld [tilespmem:s29+$0x9400];
	v2 =	vmax.f32 v8, $0.0e+00  }
0x43d: {  	v8 =	vld [tilespmem:s29+$0x6280];
	v3 =	vmul.f32 v2, v4;
	v1 =	vadd.f32 v1, v0  }
0x43e: {  	v4 =	vmax.f32 v6, $0.0e+00;
	v0 =	vld [tilespmem:s29+$0x9480]  }
0x43f: {  	v2 =	vld [tilespmem:s29+$0x6300];
	v4 =	vmul.f32 v4, v5;
	v6 =	vadd.f32 v3, v1  }
0x440: {  	v7 =	vmax.f32 v7, $0.0e+00;
	v1 =	vld [tilespmem:s29+$0x9500]  }
0x441: {  	v3 =	vld [tilespmem:s29+$0x6380];
	v5 =	vadd.f32 v4, v6;
	v6 =	vmul.f32 v7, v9  }
0x442: {  	s30 =	simm.s32 $0x80;
	s31 =	simm.s32 $0x10;
	v7 =	vmax.f32 v8, $0.0e+00;
	v4 =	vld [tilespmem:s29+$0x9580]  }
.LBB2_8:
0x443: {  	p0 =	sne.s32 s30, $0x1C0;
	v8 =	vld [tilespmem:s31+$0x4B00];
	v5 =	vadd.f32 v6, v5;
	v0 =	vmul.f32 v7, v0  }
0x444: {  	v6 =	vld [tilespmem:s31+$0x7D00];
	v2 =	vmax.f32 v2, $0.0e+00  }
0x445: {  	v7 =	vld [tilespmem:s31+$0x4B80];
	v0 =	vadd.f32 v0, v5;
	v1 =	vmul.f32 v2, v1  }
0x446: {  	v2 =	vld [tilespmem:s31+$0x7D80];
	v3 =	vmax.f32 v3, $0.0e+00  }
0x447: {  	v5 =	vld [tilespmem:s31+$0x4C00];
	v0 =	vadd.f32 v1, v0;
	v1 =	vmul.f32 v3, v4  }
0x448: {  	v3 =	vmax.f32 v8, $0.0e+00;
	v4 =	vld [tilespmem:s31+$0x7E00]  }
0x449: {  	v3 =	vmul.f32 v3, v6;
	v6 =	vld [tilespmem:s31+$0x4C80];
	v0 =	vadd.f32 v1, v0  }
0x44a: {  	v1 =	vmax.f32 v7, $0.0e+00;
	v7 =	vld [tilespmem:s31+$0x7E80]  }
0x44b: {  	v3 =	vadd.f32 $0.0e+00, v3;
	v1 =	vmul.f32 v1, v2;
	v2 =	vld [tilespmem:s31+$0x4D00];
	[tilespmem:s29+$0x9780] =	vst v0;
	s29 =	smov.u32 s31  }
0x44c: {  	v0 =	vmax.f32 v5, $0.0e+00;
	v5 =	vld [tilespmem:s29+$0x7F00]  }
0x44d: {  	v1 =	vadd.f32 v1, v3;
	v0 =	vmul.f32 v0, v4;
	v3 =	vld [tilespmem:s29+$0x4D80]  }
0x44e: {  	v4 =	vmax.f32 v6, $0.0e+00;
	v6 =	vld [tilespmem:s29+$0x7F80]  }
0x44f: {  	v0 =	vadd.f32 v0, v1;
	v1 =	vmul.f32 v4, v7;
	v4 =	vld [tilespmem:s29+$0x4E00]  }
0x450: {  	v2 =	vmax.f32 v2, $0.0e+00;
	v7 =	vld [tilespmem:s29+$0x8000]  }
0x451: {  	v0 =	vadd.f32 v1, v0;
	v1 =	vmul.f32 v2, v5;
	v2 =	vld [tilespmem:s29+$0x4E80]  }
0x452: {  	v3 =	vmax.f32 v3, $0.0e+00;
	v5 =	vld [tilespmem:s29+$0x8080]  }
0x453: {  	v0 =	vadd.f32 v1, v0;
	v1 =	vmul.f32 v3, v6;
	v3 =	vld [tilespmem:s29+$0x4F00]  }
0x454: {  	v4 =	vmax.f32 v4, $0.0e+00;
	v6 =	vld [tilespmem:s29+$0x8100]  }
0x455: {  	v0 =	vadd.f32 v1, v0;
	v1 =	vmul.f32 v4, v7;
	v4 =	vld [tilespmem:s29+$0x4F80]  }
0x456: {  	v2 =	vmax.f32 v2, $0.0e+00;
	v7 =	vld [tilespmem:s29+$0x8180]  }
0x457: {  	v0 =	vadd.f32 v1, v0;
	v1 =	vmul.f32 v2, v5;
	v2 =	vld [tilespmem:s29+$0x5000]  }
0x458: {  	v3 =	vmax.f32 v3, $0.0e+00;
	v5 =	vld [tilespmem:s29+$0x8200]  }
0x459: {  	v0 =	vadd.f32 v1, v0;
	v1 =	vmul.f32 v3, v6;
	v3 =	vld [tilespmem:s29+$0x5080]  }
0x45a: {  	v4 =	vmax.f32 v4, $0.0e+00;
	v6 =	vld [tilespmem:s29+$0x8280]  }
0x45b: {  	v0 =	vadd.f32 v1, v0;
	v1 =	vmul.f32 v4, v7;
	v4 =	vld [tilespmem:s29+$0x5100]  }
0x45c: {  	v2 =	vmax.f32 v2, $0.0e+00;
	v7 =	vld [tilespmem:s29+$0x8300]  }
0x45d: {  	v0 =	vadd.f32 v1, v0;
	v1 =	vmul.f32 v2, v5;
	v2 =	vld [tilespmem:s29+$0x5180]  }
0x45e: {  	v3 =	vmax.f32 v3, $0.0e+00;
	v5 =	vld [tilespmem:s29+$0x8380]  }
0x45f: {  	v0 =	vadd.f32 v1, v0;
	v1 =	vmul.f32 v3, v6;
	v3 =	vld [tilespmem:s29+$0x5200]  }
0x460: {  	v4 =	vmax.f32 v4, $0.0e+00;
	v6 =	vld [tilespmem:s29+$0x8400]  }
0x461: {  	v0 =	vadd.f32 v1, v0;
	v1 =	vmul.f32 v4, v7;
	v4 =	vld [tilespmem:s29+$0x5280]  }
0x462: {  	v2 =	vmax.f32 v2, $0.0e+00;
	v7 =	vld [tilespmem:s29+$0x8480]  }
0x463: {  	v0 =	vadd.f32 v1, v0;
	v1 =	vmul.f32 v2, v5;
	v2 =	vld [tilespmem:s29+$0x5300]  }
0x464: {  	v3 =	vmax.f32 v3, $0.0e+00;
	v5 =	vld [tilespmem:s29+$0x8500]  }
0x465: {  	v0 =	vadd.f32 v1, v0;
	v1 =	vmul.f32 v3, v6;
	v3 =	vld [tilespmem:s29+$0x5380]  }
0x466: {  	v4 =	vmax.f32 v4, $0.0e+00;
	v6 =	vld [tilespmem:s29+$0x8580]  }
0x467: {  	v0 =	vadd.f32 v1, v0;
	v1 =	vmul.f32 v4, v7;
	v4 =	vld [tilespmem:s29+$0x5400]  }
0x468: {  	v2 =	vmax.f32 v2, $0.0e+00;
	v7 =	vld [tilespmem:s29+$0x8600]  }
0x469: {  	v0 =	vadd.f32 v1, v0;
	v1 =	vmul.f32 v2, v5;
	v2 =	vld [tilespmem:s29+$0x5480]  }
0x46a: {  	v3 =	vmax.f32 v3, $0.0e+00;
	v5 =	vld [tilespmem:s29+$0x8680]  }
0x46b: {  	v0 =	vadd.f32 v1, v0;
	v1 =	vmul.f32 v3, v6;
	v3 =	vld [tilespmem:s29+$0x5500]  }
0x46c: {  	v4 =	vmax.f32 v4, $0.0e+00;
	v6 =	vld [tilespmem:s29+$0x8700]  }
0x46d: {  	v0 =	vadd.f32 v1, v0;
	v1 =	vmul.f32 v4, v7;
	v4 =	vld [tilespmem:s29+$0x5580]  }
0x46e: {  	v2 =	vmax.f32 v2, $0.0e+00;
	v7 =	vld [tilespmem:s29+$0x8780]  }
0x46f: {  	v0 =	vadd.f32 v1, v0;
	v1 =	vmul.f32 v2, v5;
	v2 =	vld [tilespmem:s29+$0x5600]  }
0x470: {  	v3 =	vmax.f32 v3, $0.0e+00;
	v5 =	vld [tilespmem:s29+$0x8800]  }
0x471: {  	v0 =	vadd.f32 v1, v0;
	v1 =	vmul.f32 v3, v6;
	v3 =	vld [tilespmem:s29+$0x5680]  }
0x472: {  	v4 =	vmax.f32 v4, $0.0e+00;
	v6 =	vld [tilespmem:s29+$0x8880]  }
0x473: {  	v0 =	vadd.f32 v1, v0;
	v1 =	vmul.f32 v4, v7;
	v4 =	vld [tilespmem:s29+$0x5700]  }
0x474: {  	v2 =	vmax.f32 v2, $0.0e+00;
	v7 =	vld [tilespmem:s29+$0x8900]  }
0x475: {  	v0 =	vadd.f32 v1, v0;
	v1 =	vmul.f32 v2, v5;
	v2 =	vld [tilespmem:s29+$0x5780]  }
0x476: {  	v3 =	vmax.f32 v3, $0.0e+00;
	v5 =	vld [tilespmem:s29+$0x8980]  }
0x477: {  	v0 =	vadd.f32 v1, v0;
	v1 =	vmul.f32 v3, v6;
	v3 =	vld [tilespmem:s29+$0x5800]  }
0x478: {  	v4 =	vmax.f32 v4, $0.0e+00;
	v6 =	vld [tilespmem:s29+$0x8A00]  }
0x479: {  	v0 =	vadd.f32 v1, v0;
	v1 =	vmul.f32 v4, v7;
	v4 =	vld [tilespmem:s29+$0x5880]  }
0x47a: {  	v2 =	vmax.f32 v2, $0.0e+00;
	v7 =	vld [tilespmem:s29+$0x8A80]  }
0x47b: {  	v0 =	vadd.f32 v1, v0;
	v1 =	vmul.f32 v2, v5;
	v2 =	vld [tilespmem:s29+$0x5900]  }
0x47c: {  	v3 =	vmax.f32 v3, $0.0e+00;
	v5 =	vld [tilespmem:s29+$0x8B00]  }
0x47d: {  	v0 =	vadd.f32 v1, v0;
	v1 =	vmul.f32 v3, v6;
	v3 =	vld [tilespmem:s29+$0x5980]  }
0x47e: {  	v4 =	vmax.f32 v4, $0.0e+00;
	v6 =	vld [tilespmem:s29+$0x8B80]  }
0x47f: {  	v0 =	vadd.f32 v1, v0;
	v1 =	vmul.f32 v4, v7;
	v4 =	vld [tilespmem:s29+$0x5A00]  }
0x480: {  	v2 =	vmax.f32 v2, $0.0e+00;
	v7 =	vld [tilespmem:s29+$0x8C00]  }
0x481: {  	v0 =	vadd.f32 v1, v0;
	v1 =	vmul.f32 v2, v5;
	v2 =	vld [tilespmem:s29+$0x5A80]  }
0x482: {  	v3 =	vmax.f32 v3, $0.0e+00;
	v5 =	vld [tilespmem:s29+$0x8C80]  }
0x483: {  	v0 =	vadd.f32 v1, v0;
	v1 =	vmul.f32 v3, v6;
	v3 =	vld [tilespmem:s29+$0x5B00]  }
0x484: {  	v4 =	vmax.f32 v4, $0.0e+00;
	v6 =	vld [tilespmem:s29+$0x8D00]  }
0x485: {  	v0 =	vadd.f32 v1, v0;
	v1 =	vmul.f32 v4, v7;
	v4 =	vld [tilespmem:s29+$0x5B80]  }
0x486: {  	v2 =	vmax.f32 v2, $0.0e+00;
	v7 =	vld [tilespmem:s29+$0x8D80]  }
0x487: {  	v0 =	vadd.f32 v1, v0;
	v1 =	vmul.f32 v2, v5;
	v2 =	vld [tilespmem:s29+$0x5C00]  }
0x488: {  	v3 =	vmax.f32 v3, $0.0e+00;
	v5 =	vld [tilespmem:s29+$0x8E00]  }
0x489: {  	v0 =	vadd.f32 v1, v0;
	v1 =	vmul.f32 v3, v6;
	v3 =	vld [tilespmem:s29+$0x5C80]  }
0x48a: {  	v4 =	vmax.f32 v4, $0.0e+00;
	v6 =	vld [tilespmem:s29+$0x8E80]  }
0x48b: {  	v0 =	vadd.f32 v1, v0;
	v1 =	vmul.f32 v4, v7;
	v4 =	vld [tilespmem:s29+$0x5D00]  }
0x48c: {  	v2 =	vmax.f32 v2, $0.0e+00;
	v7 =	vld [tilespmem:s29+$0x8F00]  }
0x48d: {  	v0 =	vadd.f32 v1, v0;
	v1 =	vmul.f32 v2, v5;
	v2 =	vld [tilespmem:s29+$0x5D80]  }
0x48e: {  	v3 =	vmax.f32 v3, $0.0e+00;
	v5 =	vld [tilespmem:s29+$0x8F80]  }
0x48f: {  	v0 =	vadd.f32 v1, v0;
	v1 =	vmul.f32 v3, v6;
	v3 =	vld [tilespmem:s29+$0x5E00]  }
0x490: {  	v4 =	vmax.f32 v4, $0.0e+00;
	v6 =	vld [tilespmem:s29+$0x9000]  }
0x491: {  	v0 =	vadd.f32 v1, v0;
	v1 =	vmul.f32 v4, v7;
	v4 =	vld [tilespmem:s29+$0x5E80]  }
0x492: {  	v2 =	vmax.f32 v2, $0.0e+00;
	v7 =	vld [tilespmem:s29+$0x9080]  }
0x493: {  	v0 =	vadd.f32 v1, v0;
	v1 =	vmul.f32 v2, v5;
	v2 =	vld [tilespmem:s29+$0x5F00]  }
0x494: {  	v3 =	vmax.f32 v3, $0.0e+00;
	v5 =	vld [tilespmem:s29+$0x9100]  }
0x495: {  	v0 =	vadd.f32 v1, v0;
	v1 =	vmul.f32 v3, v6;
	v3 =	vld [tilespmem:s29+$0x5F80]  }
0x496: {  	v4 =	vmax.f32 v4, $0.0e+00;
	v6 =	vld [tilespmem:s29+$0x9180]  }
0x497: {  	v0 =	vadd.f32 v1, v0;
	v1 =	vmul.f32 v4, v7;
	v4 =	vld [tilespmem:s29+$0x6000]  }
0x498: {  	v2 =	vmax.f32 v2, $0.0e+00;
	v7 =	vld [tilespmem:s29+$0x9200]  }
0x499: {  	v0 =	vadd.f32 v1, v0;
	v1 =	vmul.f32 v2, v5;
	v2 =	vld [tilespmem:s29+$0x6080]  }
0x49a: {  	v3 =	vmax.f32 v3, $0.0e+00;
	v5 =	vld [tilespmem:s29+$0x9280]  }
0x49b: {  	v0 =	vadd.f32 v1, v0;
	v1 =	vmul.f32 v3, v6;
	v3 =	vld [tilespmem:s29+$0x6100]  }
0x49c: {  	v4 =	vmax.f32 v4, $0.0e+00;
	v6 =	vld [tilespmem:s29+$0x9300]  }
0x49d: {  	v0 =	vadd.f32 v1, v0;
	v1 =	vmul.f32 v4, v7;
	v4 =	vld [tilespmem:s29+$0x6180]  }
0x49e: {  	v2 =	vmax.f32 v2, $0.0e+00;
	v7 =	vld [tilespmem:s29+$0x9380]  }
0x49f: {  	v0 =	vadd.f32 v1, v0;
	v1 =	vmul.f32 v2, v5;
	v5 =	vld [tilespmem:s29+$0x6200]  }
0x4a0: {  	v2 =	vmax.f32 v3, $0.0e+00;
	v3 =	vld [tilespmem:s29+$0x9400]  }
0x4a1: {  	v1 =	vadd.f32 v1, v0;
	v2 =	vmul.f32 v2, v6;
	v8 =	vld [tilespmem:s29+$0x6280]  }
.Ltmp3:
0x4a2: {  	v4 =	vmax.f32 v4, $0.0e+00;
	v0 =	vld [tilespmem:s29+$0x9480];
	(pc) =	sbr.rel @p0 .LBB2_8-.Ltmp3, $4  }
0x4a3: {  	v6 =	vadd.f32 v2, v1;
	v4 =	vmul.f32 v4, v7;
	v2 =	vld [tilespmem:s29+$0x6300]  }
0x4a4: {  	v7 =	vmax.f32 v5, $0.0e+00;
	v1 =	vld [tilespmem:s29+$0x9500]  }
0x4a5: {  	v5 =	vadd.f32 v4, v6;
	v6 =	vmul.f32 v7, v3;
	v3 =	vld [tilespmem:s29+$0x6380]  }
0x4a6: {  	s31 =	sshra.s32 s30, $0x2;
	s30 =	sadd.s32 $0x40, s30;
	v7 =	vmax.f32 v8, $0.0e+00;
	v4 =	vld [tilespmem:s29+$0x9580]  }
0x4a7: {  	v8 =	vld [tilespmem:s31+$0x4B00];
	v5 =	vadd.f32 v6, v5;
	v0 =	vmul.f32 v7, v0  }
0x4a8: {  	v22 =	vld [tilespmem:s31+$0x7D00];
	v2 =	vmax.f32 v2, $0.0e+00  }
0x4a9: {  	v23 =	vld [tilespmem:s31+$0x4B80];
	v0 =	vadd.f32 v0, v5;
	v1 =	vmul.f32 v2, v1  }
0x4aa: {  	v24 =	vld [tilespmem:s31+$0x7D80];
	v3 =	vmax.f32 v3, $0.0e+00  }
0x4ab: {  	v25 =	vld [tilespmem:s31+$0x4C00];
	v0 =	vadd.f32 v1, v0;
	v26 =	vmul.f32 v3, v4  }
0x4ac: {  	v27 =	vld [tilespmem:s31+$0x7E00];
	v28 =	vmax.f32 v8, $0.0e+00  }
0x4ad: {  	v29 =	vld [tilespmem:s31+$0x4C80];
	v4 =	vmul.f32 v28, v22;
	v0 =	vadd.f32 v26, v0  }
0x4ae: {  	v30 =	vld [tilespmem:s31+$0x7E80];
	v31 =	vmax.f32 v23, $0.0e+00  }
0x4af: {  	v32 =	vld [tilespmem:s31+$0x4D00];
	v2 =	vmul.f32 v31, v24;
	v4 =	vadd.f32 $0.0e+00, v4;
	[tilespmem:s29+$0x9780] =	vst v0  }
0x4b0: {  	v33 =	vmax.f32 v25, $0.0e+00;
	v34 =	vld [tilespmem:s31+$0x7F00]  }
0x4b1: {  	v0 =	vmul.f32 v33, v27;
	v35 =	vld [tilespmem:s31+$0x4D80];
	v2 =	vadd.f32 v2, v4  }
0x4b2: {  	v36 =	vmax.f32 v29, $0.0e+00;
	v37 =	vld [tilespmem:s31+$0x7F80]  }
0x4b3: {  	v1 =	vmul.f32 v36, v30;
	v38 =	vld [tilespmem:s31+$0x4E00];
	v0 =	vadd.f32 v0, v2  }
0x4b4: {  	v39 =	vmax.f32 v32, $0.0e+00;
	v40 =	vld [tilespmem:s31+$0x8000]  }
0x4b5: {  	v42 =	vld [tilespmem:s31+$0x4E80];
	v0 =	vadd.f32 v1, v0;
	v41 =	vmul.f32 v39, v34  }
0x4b6: {  	v43 =	vld [tilespmem:s31+$0x8080];
	v3 =	vmax.f32 v35, $0.0e+00  }
0x4b7: {  	v45 =	vld [tilespmem:s31+$0x4F00];
	v44 =	vmul.f32 v3, v37;
	v0 =	vadd.f32 v41, v0  }
0x4b8: {  	v46 =	vld [tilespmem:s31+$0x8100];
	v2 =	vmax.f32 v38, $0.0e+00  }
0x4b9: {  	v48 =	vld [tilespmem:s31+$0x4F80];
	v47 =	vmul.f32 v2, v40;
	v0 =	vadd.f32 v44, v0  }
0x4ba: {  	v49 =	vld [tilespmem:s31+$0x8180];
	v4 =	vmax.f32 v42, $0.0e+00  }
0x4bb: {  	v51 =	vld [tilespmem:s31+$0x5000];
	v50 =	vmul.f32 v4, v43;
	v0 =	vadd.f32 v47, v0  }
0x4bc: {  	v52 =	vld [tilespmem:s31+$0x8200];
	v3 =	vmax.f32 v45, $0.0e+00  }
0x4bd: {  	v54 =	vld [tilespmem:s31+$0x5080];
	v53 =	vmul.f32 v3, v46;
	v0 =	vadd.f32 v50, v0  }
0x4be: {  	v55 =	vld [tilespmem:s31+$0x8280];
	v2 =	vmax.f32 v48, $0.0e+00  }
0x4bf: {  	v57 =	vld [tilespmem:s31+$0x5100];
	v56 =	vmul.f32 v2, v49;
	v0 =	vadd.f32 v53, v0  }
0x4c0: {  	v58 =	vld [tilespmem:s31+$0x8300];
	v4 =	vmax.f32 v51, $0.0e+00  }
0x4c1: {  	v60 =	vld [tilespmem:s31+$0x5180];
	v59 =	vmul.f32 v4, v52;
	v0 =	vadd.f32 v56, v0  }
0x4c2: {  	v61 =	vld [tilespmem:s31+$0x8380];
	v3 =	vmax.f32 v54, $0.0e+00  }
0x4c3: {  	v63 =	vld [tilespmem:s31+$0x5200];
	v62 =	vmul.f32 v3, v55;
	v0 =	vadd.f32 v59, v0  }
0x4c4: {  	v9 =	vld [tilespmem:s31+$0x8400];
	v2 =	vmax.f32 v57, $0.0e+00  }
0x4c5: {  	v11 =	vld [tilespmem:s31+$0x5280];
	v10 =	vmul.f32 v2, v58;
	v0 =	vadd.f32 v62, v0  }
0x4c6: {  	v12 =	vld [tilespmem:s31+$0x8480];
	v4 =	vmax.f32 v60, $0.0e+00  }
0x4c7: {  	v14 =	vld [tilespmem:s31+$0x5300];
	v13 =	vmul.f32 v4, v61;
	v0 =	vadd.f32 v10, v0  }
0x4c8: {  	v15 =	vld [tilespmem:s31+$0x8500];
	v3 =	vmax.f32 v63, $0.0e+00  }
0x4c9: {  	v17 =	vld [tilespmem:s31+$0x5380];
	v16 =	vmul.f32 v3, v9;
	v0 =	vadd.f32 v13, v0  }
0x4ca: {  	v18 =	vld [tilespmem:s31+$0x8580];
	v2 =	vmax.f32 v11, $0.0e+00  }
0x4cb: {  	v20 =	vld [tilespmem:s31+$0x5400];
	v19 =	vmul.f32 v2, v12;
	v0 =	vadd.f32 v16, v0  }
0x4cc: {  	v21 =	vld [tilespmem:s31+$0x8600];
	v4 =	vmax.f32 v14, $0.0e+00  }
0x4cd: {  	v23 =	vld [tilespmem:s31+$0x5480];
	v22 =	vmul.f32 v4, v15;
	v0 =	vadd.f32 v19, v0  }
0x4ce: {  	v24 =	vld [tilespmem:s31+$0x8680];
	v3 =	vmax.f32 v17, $0.0e+00  }
0x4cf: {  	v26 =	vld [tilespmem:s31+$0x5500];
	v25 =	vmul.f32 v3, v18;
	v0 =	vadd.f32 v22, v0  }
0x4d0: {  	v27 =	vld [tilespmem:s31+$0x8700];
	v2 =	vmax.f32 v20, $0.0e+00  }
0x4d1: {  	v29 =	vld [tilespmem:s31+$0x5580];
	v28 =	vmul.f32 v2, v21;
	v0 =	vadd.f32 v25, v0  }
0x4d2: {  	v30 =	vld [tilespmem:s31+$0x8780];
	v4 =	vmax.f32 v23, $0.0e+00  }
0x4d3: {  	v32 =	vld [tilespmem:s31+$0x5600];
	v31 =	vmul.f32 v4, v24;
	v0 =	vadd.f32 v28, v0  }
0x4d4: {  	v33 =	vld [tilespmem:s31+$0x8800];
	v3 =	vmax.f32 v26, $0.0e+00  }
0x4d5: {  	v35 =	vld [tilespmem:s31+$0x5680];
	v34 =	vmul.f32 v3, v27;
	v0 =	vadd.f32 v31, v0  }
0x4d6: {  	v36 =	vld [tilespmem:s31+$0x8880];
	v2 =	vmax.f32 v29, $0.0e+00  }
0x4d7: {  	v38 =	vld [tilespmem:s31+$0x5700];
	v37 =	vmul.f32 v2, v30;
	v0 =	vadd.f32 v34, v0  }
0x4d8: {  	v39 =	vld [tilespmem:s31+$0x8900];
	v4 =	vmax.f32 v32, $0.0e+00  }
0x4d9: {  	v41 =	vld [tilespmem:s31+$0x5780];
	v40 =	vmul.f32 v4, v33;
	v0 =	vadd.f32 v37, v0  }
0x4da: {  	v42 =	vld [tilespmem:s31+$0x8980];
	v3 =	vmax.f32 v35, $0.0e+00  }
0x4db: {  	v44 =	vld [tilespmem:s31+$0x5800];
	v43 =	vmul.f32 v3, v36;
	v0 =	vadd.f32 v40, v0  }
0x4dc: {  	v45 =	vld [tilespmem:s31+$0x8A00];
	v2 =	vmax.f32 v38, $0.0e+00  }
0x4dd: {  	v47 =	vld [tilespmem:s31+$0x5880];
	v46 =	vmul.f32 v2, v39;
	v0 =	vadd.f32 v43, v0  }
0x4de: {  	v48 =	vld [tilespmem:s31+$0x8A80];
	v4 =	vmax.f32 v41, $0.0e+00  }
0x4df: {  	v49 =	vmul.f32 v4, v42;
	v50 =	vld [tilespmem:s31+$0x5900];
	v0 =	vadd.f32 v46, v0  }
0x4e0: {  	v51 =	vld [tilespmem:s31+$0x8B00];
	v3 =	vmax.f32 v44, $0.0e+00  }
0x4e1: {  	v52 =	vmul.f32 v3, v45;
	v53 =	vld [tilespmem:s31+$0x5980];
	v0 =	vadd.f32 v49, v0  }
0x4e2: {  	v54 =	vld [tilespmem:s31+$0x8B80];
	v2 =	vmax.f32 v47, $0.0e+00  }
0x4e3: {  	v55 =	vmul.f32 v2, v48;
	v56 =	vld [tilespmem:s31+$0x5A00];
	v0 =	vadd.f32 v52, v0  }
0x4e4: {  	v57 =	vld [tilespmem:s31+$0x8C00];
	v4 =	vmax.f32 v50, $0.0e+00  }
0x4e5: {  	v58 =	vmul.f32 v4, v51;
	v59 =	vld [tilespmem:s31+$0x5A80];
	v0 =	vadd.f32 v55, v0  }
0x4e6: {  	v60 =	vld [tilespmem:s31+$0x8C80];
	v3 =	vmax.f32 v53, $0.0e+00  }
0x4e7: {  	v61 =	vmul.f32 v3, v54;
	v62 =	vld [tilespmem:s31+$0x5B00];
	v0 =	vadd.f32 v58, v0  }
0x4e8: {  	v63 =	vld [tilespmem:s31+$0x8D00];
	v2 =	vmax.f32 v56, $0.0e+00  }
0x4e9: {  	v9 =	vmul.f32 v2, v57;
	v10 =	vld [tilespmem:s31+$0x5B80];
	v0 =	vadd.f32 v61, v0  }
0x4ea: {  	v11 =	vld [tilespmem:s31+$0x8D80];
	v4 =	vmax.f32 v59, $0.0e+00  }
0x4eb: {  	v12 =	vmul.f32 v4, v60;
	v13 =	vld [tilespmem:s31+$0x5C00];
	v0 =	vadd.f32 v9, v0  }
0x4ec: {  	v14 =	vld [tilespmem:s31+$0x8E00];
	v3 =	vmax.f32 v62, $0.0e+00  }
0x4ed: {  	v15 =	vmul.f32 v3, v63;
	v16 =	vld [tilespmem:s31+$0x5C80];
	v0 =	vadd.f32 v12, v0  }
0x4ee: {  	v17 =	vld [tilespmem:s31+$0x8E80];
	v2 =	vmax.f32 v10, $0.0e+00  }
0x4ef: {  	v18 =	vmul.f32 v2, v11;
	v19 =	vld [tilespmem:s31+$0x5D00];
	v0 =	vadd.f32 v15, v0  }
0x4f0: {  	v20 =	vld [tilespmem:s31+$0x8F00];
	v4 =	vmax.f32 v13, $0.0e+00  }
0x4f1: {  	v21 =	vmul.f32 v4, v14;
	v22 =	vld [tilespmem:s31+$0x5D80];
	v0 =	vadd.f32 v18, v0  }
0x4f2: {  	v23 =	vld [tilespmem:s31+$0x8F80];
	v3 =	vmax.f32 v16, $0.0e+00  }
0x4f3: {  	v24 =	vmul.f32 v3, v17;
	v25 =	vld [tilespmem:s31+$0x5E00];
	v0 =	vadd.f32 v21, v0  }
0x4f4: {  	v26 =	vld [tilespmem:s31+$0x9000];
	v2 =	vmax.f32 v19, $0.0e+00  }
0x4f5: {  	v27 =	vmul.f32 v2, v20;
	v28 =	vld [tilespmem:s31+$0x5E80];
	v0 =	vadd.f32 v24, v0  }
0x4f6: {  	v29 =	vld [tilespmem:s31+$0x9080];
	v4 =	vmax.f32 v22, $0.0e+00  }
0x4f7: {  	v30 =	vmul.f32 v4, v23;
	v31 =	vld [tilespmem:s31+$0x5F00];
	v0 =	vadd.f32 v27, v0  }
0x4f8: {  	v32 =	vld [tilespmem:s31+$0x9100];
	v3 =	vmax.f32 v25, $0.0e+00  }
0x4f9: {  	v33 =	vmul.f32 v3, v26;
	v34 =	vld [tilespmem:s31+$0x5F80];
	v0 =	vadd.f32 v30, v0  }
0x4fa: {  	v35 =	vld [tilespmem:s31+$0x9180];
	v2 =	vmax.f32 v28, $0.0e+00  }
0x4fb: {  	v36 =	vmul.f32 v2, v29;
	v37 =	vld [tilespmem:s31+$0x6000];
	v0 =	vadd.f32 v33, v0  }
0x4fc: {  	v38 =	vld [tilespmem:s31+$0x9200];
	v4 =	vmax.f32 v31, $0.0e+00  }
0x4fd: {  	v39 =	vmul.f32 v4, v32;
	v40 =	vld [tilespmem:s31+$0x6080];
	v0 =	vadd.f32 v36, v0  }
0x4fe: {  	v41 =	vld [tilespmem:s31+$0x9280];
	v3 =	vmax.f32 v34, $0.0e+00  }
0x4ff: {  	v42 =	vmul.f32 v3, v35;
	v43 =	vld [tilespmem:s31+$0x6100];
	v0 =	vadd.f32 v39, v0  }
0x500: {  	v44 =	vld [tilespmem:s31+$0x9300];
	v2 =	vmax.f32 v37, $0.0e+00  }
0x501: {  	v45 =	vmul.f32 v2, v38;
	v46 =	vld [tilespmem:s31+$0x6180];
	v0 =	vadd.f32 v42, v0  }
0x502: {  	v47 =	vld [tilespmem:s31+$0x9380];
	v4 =	vmax.f32 v40, $0.0e+00  }
0x503: {  	v48 =	vmul.f32 v4, v41;
	v49 =	vld [tilespmem:s31+$0x6200];
	v0 =	vadd.f32 v45, v0  }
0x504: {  	v50 =	vld [tilespmem:s31+$0x9400];
	v3 =	vmax.f32 v43, $0.0e+00  }
0x505: {  	v51 =	vmul.f32 v3, v44;
	v52 =	vld [tilespmem:s31+$0x6280];
	v0 =	vadd.f32 v48, v0  }
0x506: {  	v53 =	vld [tilespmem:s31+$0x9480];
	v2 =	vmax.f32 v46, $0.0e+00  }
0x507: {  	v54 =	vmul.f32 v2, v47;
	v55 =	vld [tilespmem:s31+$0x6300];
	v0 =	vadd.f32 v51, v0  }
0x508: {  	v56 =	vld [tilespmem:s31+$0x9500];
	v4 =	vmax.f32 v49, $0.0e+00  }
0x509: {  	v57 =	vmul.f32 v4, v50;
	v58 =	vld [tilespmem:s31+$0x6380];
	v0 =	vadd.f32 v54, v0  }
0x50a: {  	v59 =	vld [tilespmem:s31+$0x9580];
	v3 =	vmax.f32 v52, $0.0e+00  }
0x50b: {  	v60 =	vmul.f32 v3, v53;
	v0 =	vadd.f32 v57, v0  }
0x50c: {  	v2 =	vmax.f32 v55, $0.0e+00  }
0x50d: {  	v61 =	vmul.f32 v2, v56;
	v0 =	vadd.f32 v60, v0  }
0x50e: {  	v62 =	vmax.f32 v58, $0.0e+00  }
0x50f: {  	v63 =	vmul.f32 v62, v59;
	v0 =	vadd.f32 v61, v0;
	_ =	sdelay $0x1  }
0x510: {  	s28 =	sadd.s32 $0x1, s28;
	v0 =	vadd.f32 v63, v0  }
0x511: {  	p0 =	sne.s32 s28, s13  }
.Ltmp4:
0x512: {  	[tilespmem:s31+$0x9780] =	vst v0;
	(pc) =	sbr.rel @p0 .LBB2_1-.Ltmp4, $4  }
0x513: {  	[hbm4b:s12+s3] =	stream.linear.scatter [tilespmem:s25], [sflag:$0x7], $0x200, $0x38;
	[tilespmem:$0x9800] =	vst v63  }
0x514: {  	_ =	swait.ge [sflag:s26], $0x200  }
0x515: {  	[sflag:s26] =	ssyncset.done $0x0  }
0x516: {  	[sflag:s26] =	ssyncadd.s32 $0xFFFFFE00  }
0x517: {  	_ =	sfence.sel $0x180000  }
0x518: {  	[bflag:$0x0] =	sbarrier.arrive $0xFFFF  }
0x519: {  	p0 =	sne.s32 s0, $0x0;
	_ =	strace $0x90000047  }
0x51a: {  	s0 =	sadd.s32 @!p0 $0x100000, s1;
	[bflag:$0x2] =	sbarrier.arrive $0xFFFF  }
0x51b: {  	[sflag:s0] =	ssyncadd.tile.s32 @!p0 $0x1;
	_ =	shalt  }
.Lfunc_end2:
_tile_overlayer_lowered:
.L_overlay_start_2:
0x51c: {  	(tag) =	ssettag $0x2  }
0x51d: {  	s0 =	rddreg [dreg:$0x0];
	s2 =	stileid.u32  }
0x51e: {  	s1 =	rddreg [dreg:$0x1];
	p0 =	sne.s32 s2, $0x0  }
0x51f: {  	s3 =	rddreg [dreg:$0x2];
	[bflag:$0x3] =	sbarrier.arrive $0xFFFF;
	s2 =	simm.s32 @!p0 $0x1C07  }
0x520: {  	[timem:s3], [sflag:s2] =	dma.local @!p0 [hbm:s0], s1  }
0x521: {  	s0 =	simm.s32 @!p0 $0x7  }
0x522: {  	_ =	swait.ge @!p0 [sflag:s0], s1  }
0x523: {  	s1 =	ssub.s32 @!p0 $0x0, s1;
	[sflag:s0] =	ssyncset.done @!p0 $0x0  }
0x524: {  	[sflag:s0] =	ssyncadd.s32 @!p0 s1  }
0x525: {  	[bflag:$0x3] =	sbarrier.arrive $0xFFFF  }
0x526: {  	_ =	shalt  }

</sc_bundles>
